<compile_context>
chip_gen: v7x
topology: tpu7x:2x2x1
jax: 0.10.2.dev20260603
libtpu: 0.0.44.dev20260713+nightly
codegen_flags: <defaults>
</compile_context>

<pallas_src>
import functools

import numpy as np
import jax
import jax.numpy as jnp
from jax import lax
from jax.experimental import pallas as pl
from jax.experimental.pallas import tpu as pltpu
from jax.experimental.pallas import tpu_sc as plsc

EMBED = 512
HID = 128
BLK = 2048
BETA = 0.25
SQRT_HALF = np.float32(np.sqrt(0.5))


def _erfc(x):
    one = jnp.float32(1.0)
    x2 = x * x
    t = x2 * jnp.float32(7.85386146e-05)
    for c in (-0.000801019371, 0.00518832775, -0.0268538129,
              0.112835854, -0.37612626, 1.12837911):
        t = t + jnp.float32(c)
        if c != 1.12837911:
            t = t * x2
    small = one - x * t
    abs_x = jnp.abs(x)
    q = one / abs_x
    ez = jnp.exp(-x2)
    zq = ez * q
    yy = one / x2
    pP = yy * jnp.float32(0.0232682)
    for c in (-0.138703942, 0.368742466, -0.582473278, 0.621000469,
              -0.494451523, 0.340488, -0.274112701, 0.563825965):
        pP = pP + jnp.float32(c)
        if c != 0.563825965:
            pP = pP * yy
    pR = yy * jnp.float32(-10.477664)
    for c in (12.9772, -7.49551868, 2.92101908, -1.01526523,
              0.42184633, -0.282076746, 0.564189494):
        pR = pR + jnp.float32(c)
        if c != 0.564189494:
            pR = pR * yy
    p = jnp.where(abs_x < 2.0, pP, pR)
    yb = zq * p
    yb = jnp.where(-x2 < jnp.float32(-88.7228394), jnp.float32(0.0), yb)
    yb = jnp.where(x < 0.0, jnp.float32(2.0) - yb, yb)
    return jnp.where(abs_x < 1.0, small, yb)


def _gelu(x):
    return 0.5 * x * _erfc(-x * SQRT_HALF)


def _attn_combine_body(sa_ref, m2_ref, m3_ref, out_ref):
    def norm(x):
        mn = jnp.min(x, axis=-1, keepdims=True)
        mx = jnp.max(x, axis=-1, keepdims=True)
        return (x - mn) / (mx - mn + 1e-08)

    s_im = norm(sa_ref[...])
    s_m2 = norm(m2_ref[...])
    s_m3 = norm(m3_ref[...])
    out_ref[...] = (s_m2 + s_m3) + 2 * s_im


def _mlp_body(x_ref, w1_ref, b1_ref, w2_ref, b2_ref, out_ref):
    x = x_ref[0]
    h = _gelu(jnp.dot(x, w1_ref[...]) + b1_ref[...])
    p = jnp.dot(h, w2_ref[...]) + b2_ref[...]
    out_ref[0] = jax.nn.sigmoid(p)


def _sc_sort(ikey):
    B, N = ikey.shape
    NSEG = N // 16
    NK = N // 2
    mesh = plsc.VectorSubcoreMesh(core_axis_name="c", subcore_axis_name="s")

    @functools.partial(
        pl.kernel,
        out_type=[
            jax.ShapeDtypeStruct((B, N), jnp.int32),
            jax.ShapeDtypeStruct((B, N), jnp.int32),
            jax.ShapeDtypeStruct((B, N), jnp.float32),
        ],
        mesh=mesh,
        scratch_types=[
            pltpu.VMEM((N,), jnp.float32),
            pltpu.VMEM((N,), jnp.int32),
            pltpu.VMEM((N,), jnp.int32),
            pltpu.VMEM((N,), jnp.int32),
            pltpu.VMEM((N,), jnp.int32),
            [pltpu.VMEM((4096,), jnp.int32)] * 2,
            [pltpu.VMEM((4096,), jnp.int32)] * 2,
            pltpu.VMEM((256,), jnp.int32),
        ],
        compiler_params=pltpu.CompilerParams(needs_layout_passes=False),
    )
    def sortk(ikey_hbm, order_hbm, skey_hbm, mask_hbm,
              maskv, ka, kb, va, vb, hists, bases, startb):
        wid = lax.axis_index("s") * 2 + lax.axis_index("c")

        @pl.when(wid < B)
        def _():
            row = wid
            pltpu.sync_copy(ikey_hbm.at[row], ka)
            lane = jnp.arange(16, dtype=jnp.int32)
            lane256 = lane * 256
            quart = NSEG // 4
            ones_i = jnp.ones((16,), jnp.int32)

            @plsc.parallel_loop(0, 256, unroll=4)
            def _zh(i):
                sl = pl.ds(i * 16, 16)
                z = jnp.zeros((16,), jnp.int32)
                hists[0][sl] = z
                hists[1][sl] = z

            for p in range(4):
                kc, vc, kn, vn = (ka, va, kb, vb) if p % 2 == 0 else (kb, vb, ka, va)
                shift = p * 8

                @plsc.parallel_loop(0, 2 * quart, unroll=4)
                def _cnt(g, kc=kc, shift=shift):
                    for j in range(2):
                        gi = lane * NSEG + (j * 2 * quart + g)
                        k = plsc.load_gather(kc, [gi])
                        d = lax.shift_right_logical(k, shift) & 255
                        plsc.addupdate_scatter(hists[j], [lane256 + d], ones_i)

                def b1(c, carry):
                    def acc_l(l, a):
                        sl2 = pl.ds(l * 256 + c * 16, 16)
                        return a + (hists[0][sl2] + hists[1][sl2])

                    tot = lax.fori_loop(0, 16, acc_l, jnp.zeros((16,), jnp.int32))
                    incl = plsc.cumsum(tot)
                    startb[pl.ds(c * 16, 16)] = incl - tot + carry
                    return carry + jnp.sum(tot)

                lax.fori_loop(0, 16, b1, jnp.int32(0))

                def b2(c, _):
                    def bl(l, run):
                        sl2 = pl.ds(l * 256 + c * 16, 16)
                        for j in range(2):
                            bases[j][sl2] = run
                            run = run + hists[j][sl2]
                            hists[j][sl2] = jnp.zeros((16,), jnp.int32)
                        return run

                    lax.fori_loop(0, 16, bl, startb[pl.ds(c * 16, 16)])
                    return 0

                lax.fori_loop(0, 16, b2, 0)

                def perm(g, _, p=p, kc=kc, vc=vc, kn=kn, vn=vn, shift=shift):
                    for j in range(2):
                        gi = lane * NSEG + (j * 2 * quart + g)
                        k = plsc.load_gather(kc, [gi])
                        v = gi if p == 0 else plsc.load_gather(vc, [gi])
                        d = lax.shift_right_logical(k, shift) & 255
                        h = lane256 + d
                        pos = plsc.load_gather(bases[j], [h])
                        plsc.store_scatter(bases[j], [h], pos + ones_i)
                        plsc.store_scatter(kn, [pos], k)
                        plsc.store_scatter(vn, [pos], v)
                    return 0

                lax.fori_loop(0, 2 * quart, perm, 0, unroll=2)

            pltpu.sync_copy(va, order_hbm.at[row])
            pltpu.sync_copy(ka, skey_hbm.at[row])

            def zm(g, _):
                maskv[pl.ds(g * 16, 16)] = jnp.zeros((16,), jnp.float32)
                return 0

            lax.fori_loop(0, N // 16, zm, 0)
            ones_f = jnp.ones((16,), jnp.float32)

            def sm(g, _):
                idxv = va[pl.ds(g * 16, 16)]
                plsc.store_scatter(maskv, [idxv], ones_f)
                return 0

            lax.fori_loop(0, NK // 16, sm, 0)
            pltpu.sync_copy(maskv, mask_hbm.at[row])

    return sortk(ikey)


def _sc_select_gather(tokens_flat, order_flat, B, N):
    BN, C = tokens_flat.shape
    NK = N // 2
    NKW = NK // 4
    CHUNK = 64
    mesh = plsc.VectorSubcoreMesh(core_axis_name="c", subcore_axis_name="s")

    @functools.partial(
        pl.kernel,
        out_type=jax.ShapeDtypeStruct((B * NK, C), jnp.float32),
        mesh=mesh,
        scratch_types=[
            pltpu.VMEM((NKW,), jnp.int32),
            pltpu.VMEM((CHUNK, C), jnp.float32),
            pltpu.VMEM((CHUNK, C), jnp.float32),
            pltpu.SemaphoreType.DMA,
            pltpu.SemaphoreType.DMA,
        ],
    )
    def gk(tok_hbm, ord_hbm, out_hbm, idxv, buf0, buf1, sem0, sem1):
        wid = lax.axis_index("s") * 2 + lax.axis_index("c")
        b = wid // 4
        qq = wid % 4
        src_off = b * N + qq * NKW
        dst_off = b * NK + qq * NKW
        pltpu.sync_copy(ord_hbm.at[pl.ds(src_off, NKW)], idxv)
        badd = b * N

        def addb(i, _):
            sl = pl.ds(i * 16, 16)
            idxv[sl] = idxv[sl] + badd
            return 0

        lax.fori_loop(0, NKW // 16, addb, 0)
        bufs = (buf0, buf1)
        sems = (sem0, sem1)

        def start(c):
            return pltpu.async_copy(
                tok_hbm.at[idxv.at[pl.ds(c * CHUNK, CHUNK)]],
                bufs[c % 2], sems[c % 2])

        nch = NKW // CHUNK
        handles = [start(0), None]
        for c in range(nch):
            if c + 1 < nch:
                handles[(c + 1) % 2] = start(c + 1)
            handles[c % 2].wait()
            pltpu.sync_copy(bufs[c % 2],
                            out_hbm.at[pl.ds(dst_off + c * CHUNK, CHUNK)])

    return gk(tokens_flat, order_flat)


def _extra_body(x_ref, k_ref, m_ref, mxk_ref, extra_ref, acc_ref, z_ref):
    kk = k_ref[0, 0]
    ukey = ~kk
    u = jnp.where(ukey < 0, ukey ^ jnp.int32(-2147483648), ~ukey)
    s = lax.bitcast_convert_type(u, jnp.float32)
    mk = ~mxk_ref[0]
    umx = jnp.where(mk < 0, mk ^ jnp.int32(-2147483648), ~mk)
    mx = lax.bitcast_convert_type(umx, jnp.float32)
    e = jnp.exp(s - mx)
    w = jnp.where(m_ref[0, 0] > 0, jnp.float32(0.0), e)
    blk = w.shape[1]
    seg = jnp.arange(blk, dtype=jnp.int32)[None, :] // (blk // 8)
    w8 = jnp.where(seg == jnp.arange(8, dtype=jnp.int32)[:, None], w, jnp.float32(0.0))
    p8 = jnp.dot(w8, x_ref[0])
    p = jnp.sum(p8, axis=0, keepdims=True)
    zp = jnp.sum(w, axis=1, keepdims=True)
    n = pl.program_id(1)

    @pl.when(n == 0)
    def _():
        acc_ref[...] = jnp.zeros_like(acc_ref)
        z_ref[...] = jnp.zeros_like(z_ref)

    acc = acc_ref[...] + p
    z = z_ref[...] + zp
    acc_ref[...] = acc
    z_ref[...] = z

    @pl.when(n == pl.num_programs(1) - 1)
    def _():
        extra_ref[0] = acc / z


def _keymake_body(sp_ref, ac_ref, out_ref):
    score = jnp.float32(0.5) * sp_ref[...] + jnp.float32(0.25) * ac_ref[...]
    u = lax.bitcast_convert_type(score, jnp.int32)
    m32 = (u >> 31) | jnp.int32(-2147483648)
    out_ref[...] = ~(u ^ m32)


def _keyinv_body(k_ref, out_ref):
    ukey = ~k_ref[...]
    u = jnp.where(ukey < 0, ukey ^ jnp.int32(-2147483648), ~ukey)
    out_ref[...] = lax.bitcast_convert_type(u, jnp.float32)


def kernel(tokens, self_attention, cross_attention_m2, cross_attention_m3, W1, b1, W2, b2):
    B, N, C = tokens.shape
    num_keep = N // 2

    acomb = pl.pallas_call(
        _attn_combine_body,
        out_shape=jax.ShapeDtypeStruct((B, N), jnp.float32),
    )(self_attention, cross_attention_m2, cross_attention_m3)

    s_pred3 = pl.pallas_call(
        _mlp_body,
        grid=(B, N // BLK),
        in_specs=[
            pl.BlockSpec((1, BLK, EMBED), lambda b, n: (b, n, 0)),
            pl.BlockSpec((EMBED, HID), lambda b, n: (0, 0)),
            pl.BlockSpec((1, HID), lambda b, n: (0, 0)),
            pl.BlockSpec((HID, 1), lambda b, n: (0, 0)),
            pl.BlockSpec((1, 1), lambda b, n: (0, 0)),
        ],
        out_specs=pl.BlockSpec((1, BLK, 1), lambda b, n: (b, n, 0)),
        out_shape=jax.ShapeDtypeStruct((B, N, 1), jnp.float32),
    )(tokens, W1, b1.reshape(1, HID), W2, b2.reshape(1, 1))

    ikey = pl.pallas_call(
        _keymake_body,
        out_shape=jax.ShapeDtypeStruct((B, N), jnp.int32),
    )(s_pred3.reshape(B, N), acomb)
    order, skeys, score_mask = _sc_sort(ikey)
    keep_policy = order[:, :num_keep]

    select_flat = _sc_select_gather(tokens.reshape(B * N, C), order.reshape(B * N), B, N)
    select_tokens = select_flat.reshape(B, num_keep, C)

    extra = pl.pallas_call(
        _extra_body,
        grid=(B, N // BLK),
        in_specs=[
            pl.BlockSpec((1, BLK, EMBED), lambda b, n: (b, n, 0)),
            pl.BlockSpec((1, 1, 1, BLK), lambda b, n: (b, n, 0, 0)),
            pl.BlockSpec((1, 1, 1, BLK), lambda b, n: (b, n, 0, 0)),
            pl.BlockSpec((1, 1, 1), lambda b, n: (b, 0, 0)),
        ],
        out_specs=pl.BlockSpec((1, 1, EMBED), lambda b, n: (b, 0, 0)),
        out_shape=jax.ShapeDtypeStruct((B, 1, EMBED), jnp.float32),
        scratch_shapes=[
            pltpu.VMEM((1, EMBED), jnp.float32),
            pltpu.VMEM((1, 1), jnp.float32),
        ],
    )(tokens, ikey.reshape(B, N // BLK, 1, BLK), score_mask.reshape(B, N // BLK, 1, BLK),
      skeys[:, num_keep:num_keep + 1].reshape(B, 1, 1))
    extra_token = extra

    selected_mask = jnp.ones((B, num_keep), jnp.float32)
    return (select_tokens, extra_token, score_mask, selected_mask, keep_policy)

# --- scband reference (transcript-rebuilt; emitter-appended) ---
"""Pipeline reference for scband-token-sparse-25374666785592 (READ-ONLY COPY).

The authoritative reference and input builder live on the scoring server;
editing this copy changes nothing except your own understanding.
"""

import math
import jax, jax.numpy as jnp
import numpy as np

EMBED_DIM = 512
SPARSE_RATIO = 0.5
BETA = 0.25


def _normalize(s):
    s_min = jnp.min(s, axis=-1, keepdims=True)
    s_max = jnp.max(s, axis=-1, keepdims=True)
    return (s - s_min) / (s_max - s_min + 1e-08)


def setup_inputs(seed: int = 0) -> dict:
    key = jax.random.key(seed)
    ks = jax.random.split(key, 6)
    B, N, C = 8, 8192, EMBED_DIM
    H = C // 4
    tokens = jax.random.normal(ks[0], (B, N, C), dtype=jnp.float32)
    self_attention = jax.random.uniform(ks[1], (B, N), dtype=jnp.float32)
    cross_attention_m2 = jax.random.uniform(ks[2], (B, N), dtype=jnp.float32)
    cross_attention_m3 = jax.random.uniform(ks[3], (B, N), dtype=jnp.float32)
    W1 = jax.random.normal(ks[4], (C, H), dtype=jnp.float32) * 0.02
    b1 = jnp.zeros((H,), dtype=jnp.float32)
    W2 = jax.random.normal(ks[5], (H, 1), dtype=jnp.float32) * 0.02
    b2 = jnp.zeros((1,), dtype=jnp.float32)
    return {"tokens": tokens, "self_attention": self_attention,
            "cross_attention_m2": cross_attention_m2,
            "cross_attention_m3": cross_attention_m3,
            "W1": W1, "b1": b1, "W2": W2, "b2": b2}


def reference(tokens, self_attention, cross_attention_m2, cross_attention_m3, W1, b1, W2, b2):
    B, N, C = tokens.shape
    # score predictor MLP: Linear -> GELU -> Linear -> Sigmoid
    h = jax.nn.gelu(tokens @ W1 + b1, approximate=False)
    s_pred = jax.nn.sigmoid(h @ W2 + b2)[..., 0]  # (B, N)
    s_im = _normalize(self_attention)
    s_m2 = _normalize(cross_attention_m2)
    s_m3 = _normalize(cross_attention_m3)
    score = (1 - 2 * BETA) * s_pred + BETA * (s_m2 + s_m3 + 2 * s_im)
    num_keep = max(1, math.ceil(N * SPARSE_RATIO))
    order = jnp.argsort(-score, axis=1)  # descending sort indices
    score_sorted = jnp.take_along_axis(score, order, axis=1)
    keep_policy = order[:, :num_keep]
    batch_idx = jnp.arange(B)[:, None]
    score_mask = jnp.zeros((B, N), dtype=score.dtype).at[batch_idx, keep_policy].set(1.0)
    select_tokens = jnp.take_along_axis(tokens, keep_policy[:, :, None], axis=1)
    non_keep_policy = order[:, num_keep:]
    non_tokens = jnp.take_along_axis(tokens, non_keep_policy[:, :, None], axis=1)
    non_keep_score = jax.nn.softmax(score_sorted[:, num_keep:], axis=1)[:, :, None]
    extra_token = jnp.sum(non_tokens * non_keep_score, axis=1, keepdims=True)
    selected_mask = jnp.take_along_axis(score_mask, keep_policy, axis=1)
    return (select_tokens, extra_token, score_mask, selected_mask, keep_policy)

if __name__ == "__main__":
    import jax
    _d = setup_inputs()
    print(jax.jit(kernel)(*tuple(_d.values())))

</pallas_src>

<mosaic_0001>
#map = affine_map<(d0, d1) -> (0, 0)>
#map1 = affine_map<(d0, d1) -> (0)>
module attributes {stable_mosaic.version = 14 : i64} {
  func.func @gk(%arg0: i32, %arg1: i32, %arg2: memref<65536x512xf32, #tpu.memory_space<hbm>>, %arg3: memref<65536xi32, #tpu.memory_space<hbm>>, %arg4: memref<32768x512xf32, #tpu.memory_space<hbm>>, %arg5: memref<1024xi32, #tpu.memory_space<vmem>>, %arg6: memref<64x512xf32, #tpu.memory_space<vmem>>, %arg7: memref<64x512xf32, #tpu.memory_space<vmem>>, %arg8: memref<!tpu.dma_semaphore, #tpu.memory_space<semaphore_mem>>, %arg9: memref<!tpu.dma_semaphore, #tpu.memory_space<semaphore_mem>>) attributes {dimension_semantics = [#tpu.dimension_semantics<core_parallel>, #tpu.dimension_semantics<subcore_parallel>], iteration_bounds = array<i64: 2, 16>, scalar_prefetch = 0 : i64, scratch_operands = 5 : i64, tpu.core_type = #tpu.core_type<sc_vector_subcore>, window_params = [{transform_indices = #map}, {transform_indices = #map1}, {transform_indices = #map}]} {
    %mul3A = arith.constant 2 : i32
    %mul3A_0 = arith.muli %arg1, %mul3A : i32
    %add3A = arith.addi %mul3A_0, %arg0 : i32
    %jit3A = arith.constant 4 : i32
    %div3A = arith.divsi %add3A, %jit3A : i32
    %sign3A = arith.constant 0 : i32
    %sign3A_1 = arith.cmpi sgt, %add3A, %sign3A : i32
    %sign3A_2 = arith.extui %sign3A_1 : i1 to i32
    %sign3A_3 = arith.constant 0 : i32
    %sign3A_4 = arith.cmpi slt, %add3A, %sign3A_3 : i32
    %sign3A_5 = arith.extui %sign3A_4 : i1 to i32
    %sign3A_6 = arith.subi %sign3A_2, %sign3A_5 : i32
    %sign3A_7 = arith.constant 0 : i32
    %sign3A_8 = arith.cmpi sgt, %jit3A, %sign3A_7 : i32
    %sign3A_9 = arith.extui %sign3A_8 : i1 to i32
    %sign3A_10 = arith.constant 0 : i32
    %sign3A_11 = arith.cmpi slt, %jit3A, %sign3A_10 : i32
    %sign3A_12 = arith.extui %sign3A_11 : i1 to i32
    %sign3A_13 = arith.subi %sign3A_9, %sign3A_12 : i32
    %ne3A = arith.cmpi ne, %sign3A_6, %sign3A_13 : i32
    %rem3A = arith.remsi %add3A, %jit3A : i32
    %ne3A_14 = arith.constant 0 : i32
    %ne3A_15 = arith.cmpi ne, %rem3A, %ne3A_14 : i32
    %and3A = arith.andi %ne3A, %ne3A_15 : i1
    %sub3A = arith.constant 1 : i32
    %sub3A_16 = arith.subi %div3A, %sub3A : i32
    %select_n3A = arith.select %and3A, %sub3A_16, %div3A : i32
    %jit3A_17 = arith.constant 4 : i32
    %eq3A = arith.constant 0 : i32
    %eq3A_18 = arith.cmpi eq, %jit3A_17, %eq3A : i32
    %jit3A_19 = arith.constant 1 : i32
    %select_n3A_20 = arith.select %eq3A_18, %jit3A_19, %jit3A_17 : i32
    %rem3A_21 = arith.remsi %add3A, %select_n3A_20 : i32
    %ne3A_22 = arith.constant 0 : i32
    %ne3A_23 = arith.cmpi ne, %rem3A_21, %ne3A_22 : i32
    %lt3A = arith.constant 0 : i32
    %lt3A_24 = arith.cmpi slt, %rem3A_21, %lt3A : i32
    %lt3A_25 = arith.constant 0 : i32
    %lt3A_26 = arith.cmpi slt, %select_n3A_20, %lt3A_25 : i32
    %ne3A_27 = arith.xori %lt3A_24, %lt3A_26 : i1
    %and3A_28 = arith.andi %ne3A_27, %ne3A_23 : i1
    %add3A_29 = arith.addi %rem3A_21, %select_n3A_20 : i32
    %select_n3A_30 = arith.select %and3A_28, %add3A_29, %rem3A_21 : i32
    %mul3A_31 = arith.constant 8192 : i32
    %mul3A_32 = arith.muli %select_n3A, %mul3A_31 : i32
    %mul3A_33 = arith.constant 1024 : i32
    %mul3A_34 = arith.muli %select_n3A_30, %mul3A_33 : i32
    %add3A_35 = arith.addi %mul3A_32, %mul3A_34 : i32
    %mul3A_36 = arith.constant 4096 : i32
    %mul3A_37 = arith.muli %select_n3A, %mul3A_36 : i32
    %mul3A_38 = arith.constant 1024 : i32
    %mul3A_39 = arith.muli %select_n3A_30, %mul3A_38 : i32
    %add3A_40 = arith.addi %mul3A_37, %mul3A_39 : i32
    "tpu.region"() ({
      %run_scoped3A = tpu.sem_alloc : memref<!tpu.dma_semaphore, #tpu.memory_space<semaphore_mem>>
      %dma_start3A_239 = tpu.memref_slice %arg3[%add3A_35] : memref<65536xi32, #tpu.memory_space<hbm>> -> memref<1024xi32, #tpu.memory_space<hbm>>
      %dma_start3A_240 = tpu.memref_slice %arg3[%add3A_35] : memref<65536xi32, #tpu.memory_space<hbm>> -> memref<1024xi32, #tpu.memory_space<hbm>>
      tpu.enqueue_dma source(%dma_start3A_240 : memref<1024xi32, #tpu.memory_space<hbm>>) target(%arg5 : memref<1024xi32, #tpu.memory_space<vmem>>) target_semaphore(%run_scoped3A : memref<!tpu.dma_semaphore, #tpu.memory_space<semaphore_mem>>)
      %dma_wait3A_241 = tpu.memref_slice %arg3[%add3A_35] : memref<65536xi32, #tpu.memory_space<hbm>> -> memref<1024xi32, #tpu.memory_space<hbm>>
      %dma_wait3A_242 = tpu.memref_slice %arg3[%add3A_35] : memref<65536xi32, #tpu.memory_space<hbm>> -> memref<1024xi32, #tpu.memory_space<hbm>>
      tpu.wait_dma2 semaphore(%run_scoped3A : memref<!tpu.dma_semaphore, #tpu.memory_space<semaphore_mem>>) src(%dma_wait3A_242 : memref<1024xi32, #tpu.memory_space<hbm>>) dst(%arg5 : memref<1024xi32, #tpu.memory_space<vmem>>)
      tpu.yield
    }) : () -> ()
    %mul3A_41 = arith.constant 8192 : i32
    %mul3A_42 = arith.muli %select_n3A, %mul3A_41 : i32
    %scan3A = arith.constant 0 : i32
    %scan3A_43 = arith.constant 0 : i32
    %scan3A_44 = arith.constant 64 : i32
    %scan3A_45 = arith.addi %scan3A_43, %scan3A_44 : i32
    %scan3A_46 = arith.constant 1 : i32
    %scan3A_47 = scf.for %scan3A_239 = %scan3A_43 to %scan3A_45 step %scan3A_46 iter_args(%scan3A_240 = %scan3A) -> (i32)  : i32 {
      %mul3A_241 = arith.constant 16 : i32
      %mul3A_242 = arith.muli %scan3A_239, %mul3A_241 : i32
      %get3A = arith.index_cast %mul3A_242 : i32 to index
      %get3A_243 = tpu.vector_load %arg5[%get3A] {strides = array<i32>} : memref<1024xi32, #tpu.memory_space<vmem>>, vector<16xi32>,
      %get3A_244 = vector.shape_cast %get3A_243 : vector<16xi32> to vector<16xi32>
      %add3A_245 = vector.broadcast %mul3A_42 : i32 to vector<16xi32>
      %add3A_246 = arith.addi %get3A_244, %add3A_245 : vector<16xi32>
      %swap3A = arith.index_cast %mul3A_242 : i32 to index
      %swap3A_247 = tpu.vector_load %arg5[%swap3A] {strides = array<i32>} : memref<1024xi32, #tpu.memory_space<vmem>>, vector<16xi32>,
      %swap3A_248 = vector.shape_cast %swap3A_247 : vector<16xi32> to vector<16xi32>
      %swap3A_249 = vector.shape_cast %add3A_246 : vector<16xi32> to vector<16xi32>
      tpu.vector_store %arg5[%swap3A], %swap3A_249 {strides = array<i32>} : memref<1024xi32, #tpu.memory_space<vmem>>, vector<16xi32>,
      %scan3A_250 = arith.constant 0 : i32
      scf.yield %scan3A_250 : i32
    }
    %scan3A_48 = arith.constant 64 : i32
    %dma_start3A = arith.constant 0 : i32
    %dma_start3A_49 = tpu.memref_slice %arg5[%dma_start3A] : memref<1024xi32, #tpu.memory_space<vmem>> -> memref<64xi32, #tpu.memory_space<vmem>>
    %dma_start3A_50 = arith.constant 0 : i32
    %dma_start3A_51 = arith.constant 0 : i32
    %dma_start3A_52 = tpu.memref_slice %arg2[%dma_start3A_50, %dma_start3A_51] : memref<65536x512xf32, #tpu.memory_space<hbm>> -> memref<65536x512xf32, #tpu.memory_space<hbm>>
    tpu.enqueue_indirect_dma source(%dma_start3A_52 : memref<65536x512xf32, #tpu.memory_space<hbm>>) target(%arg6 : memref<64x512xf32, #tpu.memory_space<vmem>>) offsets(%dma_start3A_49 : memref<64xi32, #tpu.memory_space<vmem>>) semaphore(%arg8 : memref<!tpu.dma_semaphore, #tpu.memory_space<semaphore_mem>>)
    %dma_start3A_53 = arith.constant 64 : i32
    %dma_start3A_54 = tpu.memref_slice %arg5[%dma_start3A_53] : memref<1024xi32, #tpu.memory_space<vmem>> -> memref<64xi32, #tpu.memory_space<vmem>>
    %dma_start3A_55 = arith.constant 0 : i32
    %dma_start3A_56 = arith.constant 0 : i32
    %dma_start3A_57 = tpu.memref_slice %arg2[%dma_start3A_55, %dma_start3A_56] : memref<65536x512xf32, #tpu.memory_space<hbm>> -> memref<65536x512xf32, #tpu.memory_space<hbm>>
    tpu.enqueue_indirect_dma source(%dma_start3A_57 : memref<65536x512xf32, #tpu.memory_space<hbm>>) target(%arg7 : memref<64x512xf32, #tpu.memory_space<vmem>>) offsets(%dma_start3A_54 : memref<64xi32, #tpu.memory_space<vmem>>) semaphore(%arg9 : memref<!tpu.dma_semaphore, #tpu.memory_space<semaphore_mem>>)
    %dma_wait3A = arith.constant 0 : i32
    %dma_wait3A_58 = tpu.memref_slice %arg5[%dma_wait3A] : memref<1024xi32, #tpu.memory_space<vmem>> -> memref<64xi32, #tpu.memory_space<vmem>>
    %dma_wait3A_59 = arith.constant 0 : i32
    %dma_wait3A_60 = arith.constant 0 : i32
    %dma_wait3A_61 = tpu.memref_slice %arg2[%dma_wait3A_59, %dma_wait3A_60] : memref<65536x512xf32, #tpu.memory_space<hbm>> -> memref<65536x512xf32, #tpu.memory_space<hbm>>
    tpu.wait_indirect_dma semaphore(%arg8 : memref<!tpu.dma_semaphore, #tpu.memory_space<semaphore_mem>>) src(%dma_wait3A_61 : memref<65536x512xf32, #tpu.memory_space<hbm>>) dst(%arg6 : memref<64x512xf32, #tpu.memory_space<vmem>>)
    %add3A_62 = arith.constant 0 : i32
    %add3A_63 = arith.addi %add3A_40, %add3A_62 : i32
    "tpu.region"() ({
      %run_scoped3A = tpu.sem_alloc : memref<!tpu.dma_semaphore, #tpu.memory_space<semaphore_mem>>
      %dma_start3A_239 = arith.constant 0 : i32
      %dma_start3A_240 = tpu.memref_slice %arg4[%add3A_63, %dma_start3A_239] : memref<32768x512xf32, #tpu.memory_space<hbm>> -> memref<64x512xf32, #tpu.memory_space<hbm>>
      %dma_start3A_241 = arith.constant 0 : i32
      %dma_start3A_242 = tpu.memref_slice %arg4[%add3A_63, %dma_start3A_241] : memref<32768x512xf32, #tpu.memory_space<hbm>> -> memref<64x512xf32, #tpu.memory_space<hbm>>
      tpu.enqueue_dma source(%arg6 : memref<64x512xf32, #tpu.memory_space<vmem>>) target(%dma_start3A_242 : memref<64x512xf32, #tpu.memory_space<hbm>>) target_semaphore(%run_scoped3A : memref<!tpu.dma_semaphore, #tpu.memory_space<semaphore_mem>>)
      %dma_wait3A_243 = arith.constant 0 : i32
      %dma_wait3A_244 = tpu.memref_slice %arg4[%add3A_63, %dma_wait3A_243] : memref<32768x512xf32, #tpu.memory_space<hbm>> -> memref<64x512xf32, #tpu.memory_space<hbm>>
      %dma_wait3A_245 = arith.constant 0 : i32
      %dma_wait3A_246 = tpu.memref_slice %arg4[%add3A_63, %dma_wait3A_245] : memref<32768x512xf32, #tpu.memory_space<hbm>> -> memref<64x512xf32, #tpu.memory_space<hbm>>
      tpu.wait_dma2 semaphore(%run_scoped3A : memref<!tpu.dma_semaphore, #tpu.memory_space<semaphore_mem>>) src(%arg6 : memref<64x512xf32, #tpu.memory_space<vmem>>) dst(%dma_wait3A_246 : memref<64x512xf32, #tpu.memory_space<hbm>>)
      tpu.yield
    }) : () -> ()
    %dma_start3A_64 = arith.constant 128 : i32
    %dma_start3A_65 = tpu.memref_slice %arg5[%dma_start3A_64] : memref<1024xi32, #tpu.memory_space<vmem>> -> memref<64xi32, #tpu.memory_space<vmem>>
    %dma_start3A_66 = arith.constant 0 : i32
    %dma_start3A_67 = arith.constant 0 : i32
    %dma_start3A_68 = tpu.memref_slice %arg2[%dma_start3A_66, %dma_start3A_67] : memref<65536x512xf32, #tpu.memory_space<hbm>> -> memref<65536x512xf32, #tpu.memory_space<hbm>>
    tpu.enqueue_indirect_dma source(%dma_start3A_68 : memref<65536x512xf32, #tpu.memory_space<hbm>>) target(%arg6 : memref<64x512xf32, #tpu.memory_space<vmem>>) offsets(%dma_start3A_65 : memref<64xi32, #tpu.memory_space<vmem>>) semaphore(%arg8 : memref<!tpu.dma_semaphore, #tpu.memory_space<semaphore_mem>>)
    %dma_wait3A_69 = arith.constant 64 : i32
    %dma_wait3A_70 = tpu.memref_slice %arg5[%dma_wait3A_69] : memref<1024xi32, #tpu.memory_space<vmem>> -> memref<64xi32, #tpu.memory_space<vmem>>
    %dma_wait3A_71 = arith.constant 0 : i32
    %dma_wait3A_72 = arith.constant 0 : i32
    %dma_wait3A_73 = tpu.memref_slice %arg2[%dma_wait3A_71, %dma_wait3A_72] : memref<65536x512xf32, #tpu.memory_space<hbm>> -> memref<65536x512xf32, #tpu.memory_space<hbm>>
    tpu.wait_indirect_dma semaphore(%arg9 : memref<!tpu.dma_semaphore, #tpu.memory_space<semaphore_mem>>) src(%dma_wait3A_73 : memref<65536x512xf32, #tpu.memory_space<hbm>>) dst(%arg7 : memref<64x512xf32, #tpu.memory_space<vmem>>)
    %add3A_74 = arith.constant 64 : i32
    %add3A_75 = arith.addi %add3A_40, %add3A_74 : i32
    "tpu.region"() ({
      %run_scoped3A = tpu.sem_alloc : memref<!tpu.dma_semaphore, #tpu.memory_space<semaphore_mem>>
      %dma_start3A_239 = arith.constant 0 : i32
      %dma_start3A_240 = tpu.memref_slice %arg4[%add3A_75, %dma_start3A_239] : memref<32768x512xf32, #tpu.memory_space<hbm>> -> memref<64x512xf32, #tpu.memory_space<hbm>>
      %dma_start3A_241 = arith.constant 0 : i32
      %dma_start3A_242 = tpu.memref_slice %arg4[%add3A_75, %dma_start3A_241] : memref<32768x512xf32, #tpu.memory_space<hbm>> -> memref<64x512xf32, #tpu.memory_space<hbm>>
      tpu.enqueue_dma source(%arg7 : memref<64x512xf32, #tpu.memory_space<vmem>>) target(%dma_start3A_242 : memref<64x512xf32, #tpu.memory_space<hbm>>) target_semaphore(%run_scoped3A : memref<!tpu.dma_semaphore, #tpu.memory_space<semaphore_mem>>)
      %dma_wait3A_243 = arith.constant 0 : i32
      %dma_wait3A_244 = tpu.memref_slice %arg4[%add3A_75, %dma_wait3A_243] : memref<32768x512xf32, #tpu.memory_space<hbm>> -> memref<64x512xf32, #tpu.memory_space<hbm>>
      %dma_wait3A_245 = arith.constant 0 : i32
      %dma_wait3A_246 = tpu.memref_slice %arg4[%add3A_75, %dma_wait3A_245] : memref<32768x512xf32, #tpu.memory_space<hbm>> -> memref<64x512xf32, #tpu.memory_space<hbm>>
      tpu.wait_dma2 semaphore(%run_scoped3A : memref<!tpu.dma_semaphore, #tpu.memory_space<semaphore_mem>>) src(%arg7 : memref<64x512xf32, #tpu.memory_space<vmem>>) dst(%dma_wait3A_246 : memref<64x512xf32, #tpu.memory_space<hbm>>)
      tpu.yield
    }) : () -> ()
    %dma_start3A_76 = arith.constant 192 : i32
    %dma_start3A_77 = tpu.memref_slice %arg5[%dma_start3A_76] : memref<1024xi32, #tpu.memory_space<vmem>> -> memref<64xi32, #tpu.memory_space<vmem>>
    %dma_start3A_78 = arith.constant 0 : i32
    %dma_start3A_79 = arith.constant 0 : i32
    %dma_start3A_80 = tpu.memref_slice %arg2[%dma_start3A_78, %dma_start3A_79] : memref<65536x512xf32, #tpu.memory_space<hbm>> -> memref<65536x512xf32, #tpu.memory_space<hbm>>
    tpu.enqueue_indirect_dma source(%dma_start3A_80 : memref<65536x512xf32, #tpu.memory_space<hbm>>) target(%arg7 : memref<64x512xf32, #tpu.memory_space<vmem>>) offsets(%dma_start3A_77 : memref<64xi32, #tpu.memory_space<vmem>>) semaphore(%arg9 : memref<!tpu.dma_semaphore, #tpu.memory_space<semaphore_mem>>)
    %dma_wait3A_81 = arith.constant 128 : i32
    %dma_wait3A_82 = tpu.memref_slice %arg5[%dma_wait3A_81] : memref<1024xi32, #tpu.memory_space<vmem>> -> memref<64xi32, #tpu.memory_space<vmem>>
    %dma_wait3A_83 = arith.constant 0 : i32
    %dma_wait3A_84 = arith.constant 0 : i32
    %dma_wait3A_85 = tpu.memref_slice %arg2[%dma_wait3A_83, %dma_wait3A_84] : memref<65536x512xf32, #tpu.memory_space<hbm>> -> memref<65536x512xf32, #tpu.memory_space<hbm>>
    tpu.wait_indirect_dma semaphore(%arg8 : memref<!tpu.dma_semaphore, #tpu.memory_space<semaphore_mem>>) src(%dma_wait3A_85 : memref<65536x512xf32, #tpu.memory_space<hbm>>) dst(%arg6 : memref<64x512xf32, #tpu.memory_space<vmem>>)
    %add3A_86 = arith.constant 128 : i32
    %add3A_87 = arith.addi %add3A_40, %add3A_86 : i32
    "tpu.region"() ({
      %run_scoped3A = tpu.sem_alloc : memref<!tpu.dma_semaphore, #tpu.memory_space<semaphore_mem>>
      %dma_start3A_239 = arith.constant 0 : i32
      %dma_start3A_240 = tpu.memref_slice %arg4[%add3A_87, %dma_start3A_239] : memref<32768x512xf32, #tpu.memory_space<hbm>> -> memref<64x512xf32, #tpu.memory_space<hbm>>
      %dma_start3A_241 = arith.constant 0 : i32
      %dma_start3A_242 = tpu.memref_slice %arg4[%add3A_87, %dma_start3A_241] : memref<32768x512xf32, #tpu.memory_space<hbm>> -> memref<64x512xf32, #tpu.memory_space<hbm>>
      tpu.enqueue_dma source(%arg6 : memref<64x512xf32, #tpu.memory_space<vmem>>) target(%dma_start3A_242 : memref<64x512xf32, #tpu.memory_space<hbm>>) target_semaphore(%run_scoped3A : memref<!tpu.dma_semaphore, #tpu.memory_space<semaphore_mem>>)
      %dma_wait3A_243 = arith.constant 0 : i32
      %dma_wait3A_244 = tpu.memref_slice %arg4[%add3A_87, %dma_wait3A_243] : memref<32768x512xf32, #tpu.memory_space<hbm>> -> memref<64x512xf32, #tpu.memory_space<hbm>>
      %dma_wait3A_245 = arith.constant 0 : i32
      %dma_wait3A_246 = tpu.memref_slice %arg4[%add3A_87, %dma_wait3A_245] : memref<32768x512xf32, #tpu.memory_space<hbm>> -> memref<64x512xf32, #tpu.memory_space<hbm>>
      tpu.wait_dma2 semaphore(%run_scoped3A : memref<!tpu.dma_semaphore, #tpu.memory_space<semaphore_mem>>) src(%arg6 : memref<64x512xf32, #tpu.memory_space<vmem>>) dst(%dma_wait3A_246 : memref<64x512xf32, #tpu.memory_space<hbm>>)
      tpu.yield
    }) : () -> ()
    %dma_start3A_88 = arith.constant 256 : i32
    %dma_start3A_89 = tpu.memref_slice %arg5[%dma_start3A_88] : memref<1024xi32, #tpu.memory_space<vmem>> -> memref<64xi32, #tpu.memory_space<vmem>>
    %dma_start3A_90 = arith.constant 0 : i32
    %dma_start3A_91 = arith.constant 0 : i32
    %dma_start3A_92 = tpu.memref_slice %arg2[%dma_start3A_90, %dma_start3A_91] : memref<65536x512xf32, #tpu.memory_space<hbm>> -> memref<65536x512xf32, #tpu.memory_space<hbm>>
    tpu.enqueue_indirect_dma source(%dma_start3A_92 : memref<65536x512xf32, #tpu.memory_space<hbm>>) target(%arg6 : memref<64x512xf32, #tpu.memory_space<vmem>>) offsets(%dma_start3A_89 : memref<64xi32, #tpu.memory_space<vmem>>) semaphore(%arg8 : memref<!tpu.dma_semaphore, #tpu.memory_space<semaphore_mem>>)
    %dma_wait3A_93 = arith.constant 192 : i32
    %dma_wait3A_94 = tpu.memref_slice %arg5[%dma_wait3A_93] : memref<1024xi32, #tpu.memory_space<vmem>> -> memref<64xi32, #tpu.memory_space<vmem>>
    %dma_wait3A_95 = arith.constant 0 : i32
    %dma_wait3A_96 = arith.constant 0 : i32
    %dma_wait3A_97 = tpu.memref_slice %arg2[%dma_wait3A_95, %dma_wait3A_96] : memref<65536x512xf32, #tpu.memory_space<hbm>> -> memref<65536x512xf32, #tpu.memory_space<hbm>>
    tpu.wait_indirect_dma semaphore(%arg9 : memref<!tpu.dma_semaphore, #tpu.memory_space<semaphore_mem>>) src(%dma_wait3A_97 : memref<65536x512xf32, #tpu.memory_space<hbm>>) dst(%arg7 : memref<64x512xf32, #tpu.memory_space<vmem>>)
    %add3A_98 = arith.constant 192 : i32
    %add3A_99 = arith.addi %add3A_40, %add3A_98 : i32
    "tpu.region"() ({
      %run_scoped3A = tpu.sem_alloc : memref<!tpu.dma_semaphore, #tpu.memory_space<semaphore_mem>>
      %dma_start3A_239 = arith.constant 0 : i32
      %dma_start3A_240 = tpu.memref_slice %arg4[%add3A_99, %dma_start3A_239] : memref<32768x512xf32, #tpu.memory_space<hbm>> -> memref<64x512xf32, #tpu.memory_space<hbm>>
      %dma_start3A_241 = arith.constant 0 : i32
      %dma_start3A_242 = tpu.memref_slice %arg4[%add3A_99, %dma_start3A_241] : memref<32768x512xf32, #tpu.memory_space<hbm>> -> memref<64x512xf32, #tpu.memory_space<hbm>>
      tpu.enqueue_dma source(%arg7 : memref<64x512xf32, #tpu.memory_space<vmem>>) target(%dma_start3A_242 : memref<64x512xf32, #tpu.memory_space<hbm>>) target_semaphore(%run_scoped3A : memref<!tpu.dma_semaphore, #tpu.memory_space<semaphore_mem>>)
      %dma_wait3A_243 = arith.constant 0 : i32
      %dma_wait3A_244 = tpu.memref_slice %arg4[%add3A_99, %dma_wait3A_243] : memref<32768x512xf32, #tpu.memory_space<hbm>> -> memref<64x512xf32, #tpu.memory_space<hbm>>
      %dma_wait3A_245 = arith.constant 0 : i32
      %dma_wait3A_246 = tpu.memref_slice %arg4[%add3A_99, %dma_wait3A_245] : memref<32768x512xf32, #tpu.memory_space<hbm>> -> memref<64x512xf32, #tpu.memory_space<hbm>>
      tpu.wait_dma2 semaphore(%run_scoped3A : memref<!tpu.dma_semaphore, #tpu.memory_space<semaphore_mem>>) src(%arg7 : memref<64x512xf32, #tpu.memory_space<vmem>>) dst(%dma_wait3A_246 : memref<64x512xf32, #tpu.memory_space<hbm>>)
      tpu.yield
    }) : () -> ()
    %dma_start3A_100 = arith.constant 320 : i32
    %dma_start3A_101 = tpu.memref_slice %arg5[%dma_start3A_100] : memref<1024xi32, #tpu.memory_space<vmem>> -> memref<64xi32, #tpu.memory_space<vmem>>
    %dma_start3A_102 = arith.constant 0 : i32
    %dma_start3A_103 = arith.constant 0 : i32
    %dma_start3A_104 = tpu.memref_slice %arg2[%dma_start3A_102, %dma_start3A_103] : memref<65536x512xf32, #tpu.memory_space<hbm>> -> memref<65536x512xf32, #tpu.memory_space<hbm>>
    tpu.enqueue_indirect_dma source(%dma_start3A_104 : memref<65536x512xf32, #tpu.memory_space<hbm>>) target(%arg7 : memref<64x512xf32, #tpu.memory_space<vmem>>) offsets(%dma_start3A_101 : memref<64xi32, #tpu.memory_space<vmem>>) semaphore(%arg9 : memref<!tpu.dma_semaphore, #tpu.memory_space<semaphore_mem>>)
    %dma_wait3A_105 = arith.constant 256 : i32
    %dma_wait3A_106 = tpu.memref_slice %arg5[%dma_wait3A_105] : memref<1024xi32, #tpu.memory_space<vmem>> -> memref<64xi32, #tpu.memory_space<vmem>>
    %dma_wait3A_107 = arith.constant 0 : i32
    %dma_wait3A_108 = arith.constant 0 : i32
    %dma_wait3A_109 = tpu.memref_slice %arg2[%dma_wait3A_107, %dma_wait3A_108] : memref<65536x512xf32, #tpu.memory_space<hbm>> -> memref<65536x512xf32, #tpu.memory_space<hbm>>
    tpu.wait_indirect_dma semaphore(%arg8 : memref<!tpu.dma_semaphore, #tpu.memory_space<semaphore_mem>>) src(%dma_wait3A_109 : memref<65536x512xf32, #tpu.memory_space<hbm>>) dst(%arg6 : memref<64x512xf32, #tpu.memory_space<vmem>>)
    %add3A_110 = arith.constant 256 : i32
    %add3A_111 = arith.addi %add3A_40, %add3A_110 : i32
    "tpu.region"() ({
      %run_scoped3A = tpu.sem_alloc : memref<!tpu.dma_semaphore, #tpu.memory_space<semaphore_mem>>
      %dma_start3A_239 = arith.constant 0 : i32
      %dma_start3A_240 = tpu.memref_slice %arg4[%add3A_111, %dma_start3A_239] : memref<32768x512xf32, #tpu.memory_space<hbm>> -> memref<64x512xf32, #tpu.memory_space<hbm>>
      %dma_start3A_241 = arith.constant 0 : i32
      %dma_start3A_242 = tpu.memref_slice %arg4[%add3A_111, %dma_start3A_241] : memref<32768x512xf32, #tpu.memory_space<hbm>> -> memref<64x512xf32, #tpu.memory_space<hbm>>
      tpu.enqueue_dma source(%arg6 : memref<64x512xf32, #tpu.memory_space<vmem>>) target(%dma_start3A_242 : memref<64x512xf32, #tpu.memory_space<hbm>>) target_semaphore(%run_scoped3A : memref<!tpu.dma_semaphore, #tpu.memory_space<semaphore_mem>>)
      %dma_wait3A_243 = arith.constant 0 : i32
      %dma_wait3A_244 = tpu.memref_slice %arg4[%add3A_111, %dma_wait3A_243] : memref<32768x512xf32, #tpu.memory_space<hbm>> -> memref<64x512xf32, #tpu.memory_space<hbm>>
      %dma_wait3A_245 = arith.constant 0 : i32
      %dma_wait3A_246 = tpu.memref_slice %arg4[%add3A_111, %dma_wait3A_245] : memref<32768x512xf32, #tpu.memory_space<hbm>> -> memref<64x512xf32, #tpu.memory_space<hbm>>
      tpu.wait_dma2 semaphore(%run_scoped3A : memref<!tpu.dma_semaphore, #tpu.memory_space<semaphore_mem>>) src(%arg6 : memref<64x512xf32, #tpu.memory_space<vmem>>) dst(%dma_wait3A_246 : memref<64x512xf32, #tpu.memory_space<hbm>>)
      tpu.yield
    }) : () -> ()
    %dma_start3A_112 = arith.constant 384 : i32
    %dma_start3A_113 = tpu.memref_slice %arg5[%dma_start3A_112] : memref<1024xi32, #tpu.memory_space<vmem>> -> memref<64xi32, #tpu.memory_space<vmem>>
    %dma_start3A_114 = arith.constant 0 : i32
    %dma_start3A_115 = arith.constant 0 : i32
    %dma_start3A_116 = tpu.memref_slice %arg2[%dma_start3A_114, %dma_start3A_115] : memref<65536x512xf32, #tpu.memory_space<hbm>> -> memref<65536x512xf32, #tpu.memory_space<hbm>>
    tpu.enqueue_indirect_dma source(%dma_start3A_116 : memref<65536x512xf32, #tpu.memory_space<hbm>>) target(%arg6 : memref<64x512xf32, #tpu.memory_space<vmem>>) offsets(%dma_start3A_113 : memref<64xi32, #tpu.memory_space<vmem>>) semaphore(%arg8 : memref<!tpu.dma_semaphore, #tpu.memory_space<semaphore_mem>>)
    %dma_wait3A_117 = arith.constant 320 : i32
    %dma_wait3A_118 = tpu.memref_slice %arg5[%dma_wait3A_117] : memref<1024xi32, #tpu.memory_space<vmem>> -> memref<64xi32, #tpu.memory_space<vmem>>
    %dma_wait3A_119 = arith.constant 0 : i32
    %dma_wait3A_120 = arith.constant 0 : i32
    %dma_wait3A_121 = tpu.memref_slice %arg2[%dma_wait3A_119, %dma_wait3A_120] : memref<65536x512xf32, #tpu.memory_space<hbm>> -> memref<65536x512xf32, #tpu.memory_space<hbm>>
    tpu.wait_indirect_dma semaphore(%arg9 : memref<!tpu.dma_semaphore, #tpu.memory_space<semaphore_mem>>) src(%dma_wait3A_121 : memref<65536x512xf32, #tpu.memory_space<hbm>>) dst(%arg7 : memref<64x512xf32, #tpu.memory_space<vmem>>)
    %add3A_122 = arith.constant 320 : i32
    %add3A_123 = arith.addi %add3A_40, %add3A_122 : i32
    "tpu.region"() ({
      %run_scoped3A = tpu.sem_alloc : memref<!tpu.dma_semaphore, #tpu.memory_space<semaphore_mem>>
      %dma_start3A_239 = arith.constant 0 : i32
      %dma_start3A_240 = tpu.memref_slice %arg4[%add3A_123, %dma_start3A_239] : memref<32768x512xf32, #tpu.memory_space<hbm>> -> memref<64x512xf32, #tpu.memory_space<hbm>>
      %dma_start3A_241 = arith.constant 0 : i32
      %dma_start3A_242 = tpu.memref_slice %arg4[%add3A_123, %dma_start3A_241] : memref<32768x512xf32, #tpu.memory_space<hbm>> -> memref<64x512xf32, #tpu.memory_space<hbm>>
      tpu.enqueue_dma source(%arg7 : memref<64x512xf32, #tpu.memory_space<vmem>>) target(%dma_start3A_242 : memref<64x512xf32, #tpu.memory_space<hbm>>) target_semaphore(%run_scoped3A : memref<!tpu.dma_semaphore, #tpu.memory_space<semaphore_mem>>)
      %dma_wait3A_243 = arith.constant 0 : i32
      %dma_wait3A_244 = tpu.memref_slice %arg4[%add3A_123, %dma_wait3A_243] : memref<32768x512xf32, #tpu.memory_space<hbm>> -> memref<64x512xf32, #tpu.memory_space<hbm>>
      %dma_wait3A_245 = arith.constant 0 : i32
      %dma_wait3A_246 = tpu.memref_slice %arg4[%add3A_123, %dma_wait3A_245] : memref<32768x512xf32, #tpu.memory_space<hbm>> -> memref<64x512xf32, #tpu.memory_space<hbm>>
      tpu.wait_dma2 semaphore(%run_scoped3A : memref<!tpu.dma_semaphore, #tpu.memory_space<semaphore_mem>>) src(%arg7 : memref<64x512xf32, #tpu.memory_space<vmem>>) dst(%dma_wait3A_246 : memref<64x512xf32, #tpu.memory_space<hbm>>)
      tpu.yield
    }) : () -> ()
    %dma_start3A_124 = arith.constant 448 : i32
    %dma_start3A_125 = tpu.memref_slice %arg5[%dma_start3A_124] : memref<1024xi32, #tpu.memory_space<vmem>> -> memref<64xi32, #tpu.memory_space<vmem>>
    %dma_start3A_126 = arith.constant 0 : i32
    %dma_start3A_127 = arith.constant 0 : i32
    %dma_start3A_128 = tpu.memref_slice %arg2[%dma_start3A_126, %dma_start3A_127] : memref<65536x512xf32, #tpu.memory_space<hbm>> -> memref<65536x512xf32, #tpu.memory_space<hbm>>
    tpu.enqueue_indirect_dma source(%dma_start3A_128 : memref<65536x512xf32, #tpu.memory_space<hbm>>) target(%arg7 : memref<64x512xf32, #tpu.memory_space<vmem>>) offsets(%dma_start3A_125 : memref<64xi32, #tpu.memory_space<vmem>>) semaphore(%arg9 : memref<!tpu.dma_semaphore, #tpu.memory_space<semaphore_mem>>)
    %dma_wait3A_129 = arith.constant 384 : i32
    %dma_wait3A_130 = tpu.memref_slice %arg5[%dma_wait3A_129] : memref<1024xi32, #tpu.memory_space<vmem>> -> memref<64xi32, #tpu.memory_space<vmem>>
    %dma_wait3A_131 = arith.constant 0 : i32
    %dma_wait3A_132 = arith.constant 0 : i32
    %dma_wait3A_133 = tpu.memref_slice %arg2[%dma_wait3A_131, %dma_wait3A_132] : memref<65536x512xf32, #tpu.memory_space<hbm>> -> memref<65536x512xf32, #tpu.memory_space<hbm>>
    tpu.wait_indirect_dma semaphore(%arg8 : memref<!tpu.dma_semaphore, #tpu.memory_space<semaphore_mem>>) src(%dma_wait3A_133 : memref<65536x512xf32, #tpu.memory_space<hbm>>) dst(%arg6 : memref<64x512xf32, #tpu.memory_space<vmem>>)
    %add3A_134 = arith.constant 384 : i32
    %add3A_135 = arith.addi %add3A_40, %add3A_134 : i32
    "tpu.region"() ({
      %run_scoped3A = tpu.sem_alloc : memref<!tpu.dma_semaphore, #tpu.memory_space<semaphore_mem>>
      %dma_start3A_239 = arith.constant 0 : i32
      %dma_start3A_240 = tpu.memref_slice %arg4[%add3A_135, %dma_start3A_239] : memref<32768x512xf32, #tpu.memory_space<hbm>> -> memref<64x512xf32, #tpu.memory_space<hbm>>
      %dma_start3A_241 = arith.constant 0 : i32
      %dma_start3A_242 = tpu.memref_slice %arg4[%add3A_135, %dma_start3A_241] : memref<32768x512xf32, #tpu.memory_space<hbm>> -> memref<64x512xf32, #tpu.memory_space<hbm>>
      tpu.enqueue_dma source(%arg6 : memref<64x512xf32, #tpu.memory_space<vmem>>) target(%dma_start3A_242 : memref<64x512xf32, #tpu.memory_space<hbm>>) target_semaphore(%run_scoped3A : memref<!tpu.dma_semaphore, #tpu.memory_space<semaphore_mem>>)
      %dma_wait3A_243 = arith.constant 0 : i32
      %dma_wait3A_244 = tpu.memref_slice %arg4[%add3A_135, %dma_wait3A_243] : memref<32768x512xf32, #tpu.memory_space<hbm>> -> memref<64x512xf32, #tpu.memory_space<hbm>>
      %dma_wait3A_245 = arith.constant 0 : i32
      %dma_wait3A_246 = tpu.memref_slice %arg4[%add3A_135, %dma_wait3A_245] : memref<32768x512xf32, #tpu.memory_space<hbm>> -> memref<64x512xf32, #tpu.memory_space<hbm>>
      tpu.wait_dma2 semaphore(%run_scoped3A : memref<!tpu.dma_semaphore, #tpu.memory_space<semaphore_mem>>) src(%arg6 : memref<64x512xf32, #tpu.memory_space<vmem>>) dst(%dma_wait3A_246 : memref<64x512xf32, #tpu.memory_space<hbm>>)
      tpu.yield
    }) : () -> ()
    %dma_start3A_136 = arith.constant 512 : i32
    %dma_start3A_137 = tpu.memref_slice %arg5[%dma_start3A_136] : memref<1024xi32, #tpu.memory_space<vmem>> -> memref<64xi32, #tpu.memory_space<vmem>>
    %dma_start3A_138 = arith.constant 0 : i32
    %dma_start3A_139 = arith.constant 0 : i32
    %dma_start3A_140 = tpu.memref_slice %arg2[%dma_start3A_138, %dma_start3A_139] : memref<65536x512xf32, #tpu.memory_space<hbm>> -> memref<65536x512xf32, #tpu.memory_space<hbm>>
    tpu.enqueue_indirect_dma source(%dma_start3A_140 : memref<65536x512xf32, #tpu.memory_space<hbm>>) target(%arg6 : memref<64x512xf32, #tpu.memory_space<vmem>>) offsets(%dma_start3A_137 : memref<64xi32, #tpu.memory_space<vmem>>) semaphore(%arg8 : memref<!tpu.dma_semaphore, #tpu.memory_space<semaphore_mem>>)
    %dma_wait3A_141 = arith.constant 448 : i32
    %dma_wait3A_142 = tpu.memref_slice %arg5[%dma_wait3A_141] : memref<1024xi32, #tpu.memory_space<vmem>> -> memref<64xi32, #tpu.memory_space<vmem>>
    %dma_wait3A_143 = arith.constant 0 : i32
    %dma_wait3A_144 = arith.constant 0 : i32
    %dma_wait3A_145 = tpu.memref_slice %arg2[%dma_wait3A_143, %dma_wait3A_144] : memref<65536x512xf32, #tpu.memory_space<hbm>> -> memref<65536x512xf32, #tpu.memory_space<hbm>>
    tpu.wait_indirect_dma semaphore(%arg9 : memref<!tpu.dma_semaphore, #tpu.memory_space<semaphore_mem>>) src(%dma_wait3A_145 : memref<65536x512xf32, #tpu.memory_space<hbm>>) dst(%arg7 : memref<64x512xf32, #tpu.memory_space<vmem>>)
    %add3A_146 = arith.constant 448 : i32
    %add3A_147 = arith.addi %add3A_40, %add3A_146 : i32
    "tpu.region"() ({
      %run_scoped3A = tpu.sem_alloc : memref<!tpu.dma_semaphore, #tpu.memory_space<semaphore_mem>>
      %dma_start3A_239 = arith.constant 0 : i32
      %dma_start3A_240 = tpu.memref_slice %arg4[%add3A_147, %dma_start3A_239] : memref<32768x512xf32, #tpu.memory_space<hbm>> -> memref<64x512xf32, #tpu.memory_space<hbm>>
      %dma_start3A_241 = arith.constant 0 : i32
      %dma_start3A_242 = tpu.memref_slice %arg4[%add3A_147, %dma_start3A_241] : memref<32768x512xf32, #tpu.memory_space<hbm>> -> memref<64x512xf32, #tpu.memory_space<hbm>>
      tpu.enqueue_dma source(%arg7 : memref<64x512xf32, #tpu.memory_space<vmem>>) target(%dma_start3A_242 : memref<64x512xf32, #tpu.memory_space<hbm>>) target_semaphore(%run_scoped3A : memref<!tpu.dma_semaphore, #tpu.memory_space<semaphore_mem>>)
      %dma_wait3A_243 = arith.constant 0 : i32
      %dma_wait3A_244 = tpu.memref_slice %arg4[%add3A_147, %dma_wait3A_243] : memref<32768x512xf32, #tpu.memory_space<hbm>> -> memref<64x512xf32, #tpu.memory_space<hbm>>
      %dma_wait3A_245 = arith.constant 0 : i32
      %dma_wait3A_246 = tpu.memref_slice %arg4[%add3A_147, %dma_wait3A_245] : memref<32768x512xf32, #tpu.memory_space<hbm>> -> memref<64x512xf32, #tpu.memory_space<hbm>>
      tpu.wait_dma2 semaphore(%run_scoped3A : memref<!tpu.dma_semaphore, #tpu.memory_space<semaphore_mem>>) src(%arg7 : memref<64x512xf32, #tpu.memory_space<vmem>>) dst(%dma_wait3A_246 : memref<64x512xf32, #tpu.memory_space<hbm>>)
      tpu.yield
    }) : () -> ()
    %dma_start3A_148 = arith.constant 576 : i32
    %dma_start3A_149 = tpu.memref_slice %arg5[%dma_start3A_148] : memref<1024xi32, #tpu.memory_space<vmem>> -> memref<64xi32, #tpu.memory_space<vmem>>
    %dma_start3A_150 = arith.constant 0 : i32
    %dma_start3A_151 = arith.constant 0 : i32
    %dma_start3A_152 = tpu.memref_slice %arg2[%dma_start3A_150, %dma_start3A_151] : memref<65536x512xf32, #tpu.memory_space<hbm>> -> memref<65536x512xf32, #tpu.memory_space<hbm>>
    tpu.enqueue_indirect_dma source(%dma_start3A_152 : memref<65536x512xf32, #tpu.memory_space<hbm>>) target(%arg7 : memref<64x512xf32, #tpu.memory_space<vmem>>) offsets(%dma_start3A_149 : memref<64xi32, #tpu.memory_space<vmem>>) semaphore(%arg9 : memref<!tpu.dma_semaphore, #tpu.memory_space<semaphore_mem>>)
    %dma_wait3A_153 = arith.constant 512 : i32
    %dma_wait3A_154 = tpu.memref_slice %arg5[%dma_wait3A_153] : memref<1024xi32, #tpu.memory_space<vmem>> -> memref<64xi32, #tpu.memory_space<vmem>>
    %dma_wait3A_155 = arith.constant 0 : i32
    %dma_wait3A_156 = arith.constant 0 : i32
    %dma_wait3A_157 = tpu.memref_slice %arg2[%dma_wait3A_155, %dma_wait3A_156] : memref<65536x512xf32, #tpu.memory_space<hbm>> -> memref<65536x512xf32, #tpu.memory_space<hbm>>
    tpu.wait_indirect_dma semaphore(%arg8 : memref<!tpu.dma_semaphore, #tpu.memory_space<semaphore_mem>>) src(%dma_wait3A_157 : memref<65536x512xf32, #tpu.memory_space<hbm>>) dst(%arg6 : memref<64x512xf32, #tpu.memory_space<vmem>>)
    %add3A_158 = arith.constant 512 : i32
    %add3A_159 = arith.addi %add3A_40, %add3A_158 : i32
    "tpu.region"() ({
      %run_scoped3A = tpu.sem_alloc : memref<!tpu.dma_semaphore, #tpu.memory_space<semaphore_mem>>
      %dma_start3A_239 = arith.constant 0 : i32
      %dma_start3A_240 = tpu.memref_slice %arg4[%add3A_159, %dma_start3A_239] : memref<32768x512xf32, #tpu.memory_space<hbm>> -> memref<64x512xf32, #tpu.memory_space<hbm>>
      %dma_start3A_241 = arith.constant 0 : i32
      %dma_start3A_242 = tpu.memref_slice %arg4[%add3A_159, %dma_start3A_241] : memref<32768x512xf32, #tpu.memory_space<hbm>> -> memref<64x512xf32, #tpu.memory_space<hbm>>
      tpu.enqueue_dma source(%arg6 : memref<64x512xf32, #tpu.memory_space<vmem>>) target(%dma_start3A_242 : memref<64x512xf32, #tpu.memory_space<hbm>>) target_semaphore(%run_scoped3A : memref<!tpu.dma_semaphore, #tpu.memory_space<semaphore_mem>>)
      %dma_wait3A_243 = arith.constant 0 : i32
      %dma_wait3A_244 = tpu.memref_slice %arg4[%add3A_159, %dma_wait3A_243] : memref<32768x512xf32, #tpu.memory_space<hbm>> -> memref<64x512xf32, #tpu.memory_space<hbm>>
      %dma_wait3A_245 = arith.constant 0 : i32
      %dma_wait3A_246 = tpu.memref_slice %arg4[%add3A_159, %dma_wait3A_245] : memref<32768x512xf32, #tpu.memory_space<hbm>> -> memref<64x512xf32, #tpu.memory_space<hbm>>
      tpu.wait_dma2 semaphore(%run_scoped3A : memref<!tpu.dma_semaphore, #tpu.memory_space<semaphore_mem>>) src(%arg6 : memref<64x512xf32, #tpu.memory_space<vmem>>) dst(%dma_wait3A_246 : memref<64x512xf32, #tpu.memory_space<hbm>>)
      tpu.yield
    }) : () -> ()
    %dma_start3A_160 = arith.constant 640 : i32
    %dma_start3A_161 = tpu.memref_slice %arg5[%dma_start3A_160] : memref<1024xi32, #tpu.memory_space<vmem>> -> memref<64xi32, #tpu.memory_space<vmem>>
    %dma_start3A_162 = arith.constant 0 : i32
    %dma_start3A_163 = arith.constant 0 : i32
    %dma_start3A_164 = tpu.memref_slice %arg2[%dma_start3A_162, %dma_start3A_163] : memref<65536x512xf32, #tpu.memory_space<hbm>> -> memref<65536x512xf32, #tpu.memory_space<hbm>>
    tpu.enqueue_indirect_dma source(%dma_start3A_164 : memref<65536x512xf32, #tpu.memory_space<hbm>>) target(%arg6 : memref<64x512xf32, #tpu.memory_space<vmem>>) offsets(%dma_start3A_161 : memref<64xi32, #tpu.memory_space<vmem>>) semaphore(%arg8 : memref<!tpu.dma_semaphore, #tpu.memory_space<semaphore_mem>>)
    %dma_wait3A_165 = arith.constant 576 : i32
    %dma_wait3A_166 = tpu.memref_slice %arg5[%dma_wait3A_165] : memref<1024xi32, #tpu.memory_space<vmem>> -> memref<64xi32, #tpu.memory_space<vmem>>
    %dma_wait3A_167 = arith.constant 0 : i32
    %dma_wait3A_168 = arith.constant 0 : i32
    %dma_wait3A_169 = tpu.memref_slice %arg2[%dma_wait3A_167, %dma_wait3A_168] : memref<65536x512xf32, #tpu.memory_space<hbm>> -> memref<65536x512xf32, #tpu.memory_space<hbm>>
    tpu.wait_indirect_dma semaphore(%arg9 : memref<!tpu.dma_semaphore, #tpu.memory_space<semaphore_mem>>) src(%dma_wait3A_169 : memref<65536x512xf32, #tpu.memory_space<hbm>>) dst(%arg7 : memref<64x512xf32, #tpu.memory_space<vmem>>)
    %add3A_170 = arith.constant 576 : i32
    %add3A_171 = arith.addi %add3A_40, %add3A_170 : i32
    "tpu.region"() ({
      %run_scoped3A = tpu.sem_alloc : memref<!tpu.dma_semaphore, #tpu.memory_space<semaphore_mem>>
      %dma_start3A_239 = arith.constant 0 : i32
      %dma_start3A_240 = tpu.memref_slice %arg4[%add3A_171, %dma_start3A_239] : memref<32768x512xf32, #tpu.memory_space<hbm>> -> memref<64x512xf32, #tpu.memory_space<hbm>>
      %dma_start3A_241 = arith.constant 0 : i32
      %dma_start3A_242 = tpu.memref_slice %arg4[%add3A_171, %dma_start3A_241] : memref<32768x512xf32, #tpu.memory_space<hbm>> -> memref<64x512xf32, #tpu.memory_space<hbm>>
      tpu.enqueue_dma source(%arg7 : memref<64x512xf32, #tpu.memory_space<vmem>>) target(%dma_start3A_242 : memref<64x512xf32, #tpu.memory_space<hbm>>) target_semaphore(%run_scoped3A : memref<!tpu.dma_semaphore, #tpu.memory_space<semaphore_mem>>)
      %dma_wait3A_243 = arith.constant 0 : i32
      %dma_wait3A_244 = tpu.memref_slice %arg4[%add3A_171, %dma_wait3A_243] : memref<32768x512xf32, #tpu.memory_space<hbm>> -> memref<64x512xf32, #tpu.memory_space<hbm>>
      %dma_wait3A_245 = arith.constant 0 : i32
      %dma_wait3A_246 = tpu.memref_slice %arg4[%add3A_171, %dma_wait3A_245] : memref<32768x512xf32, #tpu.memory_space<hbm>> -> memref<64x512xf32, #tpu.memory_space<hbm>>
      tpu.wait_dma2 semaphore(%run_scoped3A : memref<!tpu.dma_semaphore, #tpu.memory_space<semaphore_mem>>) src(%arg7 : memref<64x512xf32, #tpu.memory_space<vmem>>) dst(%dma_wait3A_246 : memref<64x512xf32, #tpu.memory_space<hbm>>)
      tpu.yield
    }) : () -> ()
    %dma_start3A_172 = arith.constant 704 : i32
    %dma_start3A_173 = tpu.memref_slice %arg5[%dma_start3A_172] : memref<1024xi32, #tpu.memory_space<vmem>> -> memref<64xi32, #tpu.memory_space<vmem>>
    %dma_start3A_174 = arith.constant 0 : i32
    %dma_start3A_175 = arith.constant 0 : i32
    %dma_start3A_176 = tpu.memref_slice %arg2[%dma_start3A_174, %dma_start3A_175] : memref<65536x512xf32, #tpu.memory_space<hbm>> -> memref<65536x512xf32, #tpu.memory_space<hbm>>
    tpu.enqueue_indirect_dma source(%dma_start3A_176 : memref<65536x512xf32, #tpu.memory_space<hbm>>) target(%arg7 : memref<64x512xf32, #tpu.memory_space<vmem>>) offsets(%dma_start3A_173 : memref<64xi32, #tpu.memory_space<vmem>>) semaphore(%arg9 : memref<!tpu.dma_semaphore, #tpu.memory_space<semaphore_mem>>)
    %dma_wait3A_177 = arith.constant 640 : i32
    %dma_wait3A_178 = tpu.memref_slice %arg5[%dma_wait3A_177] : memref<1024xi32, #tpu.memory_space<vmem>> -> memref<64xi32, #tpu.memory_space<vmem>>
    %dma_wait3A_179 = arith.constant 0 : i32
    %dma_wait3A_180 = arith.constant 0 : i32
    %dma_wait3A_181 = tpu.memref_slice %arg2[%dma_wait3A_179, %dma_wait3A_180] : memref<65536x512xf32, #tpu.memory_space<hbm>> -> memref<65536x512xf32, #tpu.memory_space<hbm>>
    tpu.wait_indirect_dma semaphore(%arg8 : memref<!tpu.dma_semaphore, #tpu.memory_space<semaphore_mem>>) src(%dma_wait3A_181 : memref<65536x512xf32, #tpu.memory_space<hbm>>) dst(%arg6 : memref<64x512xf32, #tpu.memory_space<vmem>>)
    %add3A_182 = arith.constant 640 : i32
    %add3A_183 = arith.addi %add3A_40, %add3A_182 : i32
    "tpu.region"() ({
      %run_scoped3A = tpu.sem_alloc : memref<!tpu.dma_semaphore, #tpu.memory_space<semaphore_mem>>
      %dma_start3A_239 = arith.constant 0 : i32
      %dma_start3A_240 = tpu.memref_slice %arg4[%add3A_183, %dma_start3A_239] : memref<32768x512xf32, #tpu.memory_space<hbm>> -> memref<64x512xf32, #tpu.memory_space<hbm>>
      %dma_start3A_241 = arith.constant 0 : i32
      %dma_start3A_242 = tpu.memref_slice %arg4[%add3A_183, %dma_start3A_241] : memref<32768x512xf32, #tpu.memory_space<hbm>> -> memref<64x512xf32, #tpu.memory_space<hbm>>
      tpu.enqueue_dma source(%arg6 : memref<64x512xf32, #tpu.memory_space<vmem>>) target(%dma_start3A_242 : memref<64x512xf32, #tpu.memory_space<hbm>>) target_semaphore(%run_scoped3A : memref<!tpu.dma_semaphore, #tpu.memory_space<semaphore_mem>>)
      %dma_wait3A_243 = arith.constant 0 : i32
      %dma_wait3A_244 = tpu.memref_slice %arg4[%add3A_183, %dma_wait3A_243] : memref<32768x512xf32, #tpu.memory_space<hbm>> -> memref<64x512xf32, #tpu.memory_space<hbm>>
      %dma_wait3A_245 = arith.constant 0 : i32
      %dma_wait3A_246 = tpu.memref_slice %arg4[%add3A_183, %dma_wait3A_245] : memref<32768x512xf32, #tpu.memory_space<hbm>> -> memref<64x512xf32, #tpu.memory_space<hbm>>
      tpu.wait_dma2 semaphore(%run_scoped3A : memref<!tpu.dma_semaphore, #tpu.memory_space<semaphore_mem>>) src(%arg6 : memref<64x512xf32, #tpu.memory_space<vmem>>) dst(%dma_wait3A_246 : memref<64x512xf32, #tpu.memory_space<hbm>>)
      tpu.yield
    }) : () -> ()
    %dma_start3A_184 = arith.constant 768 : i32
    %dma_start3A_185 = tpu.memref_slice %arg5[%dma_start3A_184] : memref<1024xi32, #tpu.memory_space<vmem>> -> memref<64xi32, #tpu.memory_space<vmem>>
    %dma_start3A_186 = arith.constant 0 : i32
    %dma_start3A_187 = arith.constant 0 : i32
    %dma_start3A_188 = tpu.memref_slice %arg2[%dma_start3A_186, %dma_start3A_187] : memref<65536x512xf32, #tpu.memory_space<hbm>> -> memref<65536x512xf32, #tpu.memory_space<hbm>>
    tpu.enqueue_indirect_dma source(%dma_start3A_188 : memref<65536x512xf32, #tpu.memory_space<hbm>>) target(%arg6 : memref<64x512xf32, #tpu.memory_space<vmem>>) offsets(%dma_start3A_185 : memref<64xi32, #tpu.memory_space<vmem>>) semaphore(%arg8 : memref<!tpu.dma_semaphore, #tpu.memory_space<semaphore_mem>>)
    %dma_wait3A_189 = arith.constant 704 : i32
    %dma_wait3A_190 = tpu.memref_slice %arg5[%dma_wait3A_189] : memref<1024xi32, #tpu.memory_space<vmem>> -> memref<64xi32, #tpu.memory_space<vmem>>
    %dma_wait3A_191 = arith.constant 0 : i32
    %dma_wait3A_192 = arith.constant 0 : i32
    %dma_wait3A_193 = tpu.memref_slice %arg2[%dma_wait3A_191, %dma_wait3A_192] : memref<65536x512xf32, #tpu.memory_space<hbm>> -> memref<65536x512xf32, #tpu.memory_space<hbm>>
    tpu.wait_indirect_dma semaphore(%arg9 : memref<!tpu.dma_semaphore, #tpu.memory_space<semaphore_mem>>) src(%dma_wait3A_193 : memref<65536x512xf32, #tpu.memory_space<hbm>>) dst(%arg7 : memref<64x512xf32, #tpu.memory_space<vmem>>)
    %add3A_194 = arith.constant 704 : i32
    %add3A_195 = arith.addi %add3A_40, %add3A_194 : i32
    "tpu.region"() ({
      %run_scoped3A = tpu.sem_alloc : memref<!tpu.dma_semaphore, #tpu.memory_space<semaphore_mem>>
      %dma_start3A_239 = arith.constant 0 : i32
      %dma_start3A_240 = tpu.memref_slice %arg4[%add3A_195, %dma_start3A_239] : memref<32768x512xf32, #tpu.memory_space<hbm>> -> memref<64x512xf32, #tpu.memory_space<hbm>>
      %dma_start3A_241 = arith.constant 0 : i32
      %dma_start3A_242 = tpu.memref_slice %arg4[%add3A_195, %dma_start3A_241] : memref<32768x512xf32, #tpu.memory_space<hbm>> -> memref<64x512xf32, #tpu.memory_space<hbm>>
      tpu.enqueue_dma source(%arg7 : memref<64x512xf32, #tpu.memory_space<vmem>>) target(%dma_start3A_242 : memref<64x512xf32, #tpu.memory_space<hbm>>) target_semaphore(%run_scoped3A : memref<!tpu.dma_semaphore, #tpu.memory_space<semaphore_mem>>)
      %dma_wait3A_243 = arith.constant 0 : i32
      %dma_wait3A_244 = tpu.memref_slice %arg4[%add3A_195, %dma_wait3A_243] : memref<32768x512xf32, #tpu.memory_space<hbm>> -> memref<64x512xf32, #tpu.memory_space<hbm>>
      %dma_wait3A_245 = arith.constant 0 : i32
      %dma_wait3A_246 = tpu.memref_slice %arg4[%add3A_195, %dma_wait3A_245] : memref<32768x512xf32, #tpu.memory_space<hbm>> -> memref<64x512xf32, #tpu.memory_space<hbm>>
      tpu.wait_dma2 semaphore(%run_scoped3A : memref<!tpu.dma_semaphore, #tpu.memory_space<semaphore_mem>>) src(%arg7 : memref<64x512xf32, #tpu.memory_space<vmem>>) dst(%dma_wait3A_246 : memref<64x512xf32, #tpu.memory_space<hbm>>)
      tpu.yield
    }) : () -> ()
    %dma_start3A_196 = arith.constant 832 : i32
    %dma_start3A_197 = tpu.memref_slice %arg5[%dma_start3A_196] : memref<1024xi32, #tpu.memory_space<vmem>> -> memref<64xi32, #tpu.memory_space<vmem>>
    %dma_start3A_198 = arith.constant 0 : i32
    %dma_start3A_199 = arith.constant 0 : i32
    %dma_start3A_200 = tpu.memref_slice %arg2[%dma_start3A_198, %dma_start3A_199] : memref<65536x512xf32, #tpu.memory_space<hbm>> -> memref<65536x512xf32, #tpu.memory_space<hbm>>
    tpu.enqueue_indirect_dma source(%dma_start3A_200 : memref<65536x512xf32, #tpu.memory_space<hbm>>) target(%arg7 : memref<64x512xf32, #tpu.memory_space<vmem>>) offsets(%dma_start3A_197 : memref<64xi32, #tpu.memory_space<vmem>>) semaphore(%arg9 : memref<!tpu.dma_semaphore, #tpu.memory_space<semaphore_mem>>)
    %dma_wait3A_201 = arith.constant 768 : i32
    %dma_wait3A_202 = tpu.memref_slice %arg5[%dma_wait3A_201] : memref<1024xi32, #tpu.memory_space<vmem>> -> memref<64xi32, #tpu.memory_space<vmem>>
    %dma_wait3A_203 = arith.constant 0 : i32
    %dma_wait3A_204 = arith.constant 0 : i32
    %dma_wait3A_205 = tpu.memref_slice %arg2[%dma_wait3A_203, %dma_wait3A_204] : memref<65536x512xf32, #tpu.memory_space<hbm>> -> memref<65536x512xf32, #tpu.memory_space<hbm>>
    tpu.wait_indirect_dma semaphore(%arg8 : memref<!tpu.dma_semaphore, #tpu.memory_space<semaphore_mem>>) src(%dma_wait3A_205 : memref<65536x512xf32, #tpu.memory_space<hbm>>) dst(%arg6 : memref<64x512xf32, #tpu.memory_space<vmem>>)
    %add3A_206 = arith.constant 768 : i32
    %add3A_207 = arith.addi %add3A_40, %add3A_206 : i32
    "tpu.region"() ({
      %run_scoped3A = tpu.sem_alloc : memref<!tpu.dma_semaphore, #tpu.memory_space<semaphore_mem>>
      %dma_start3A_239 = arith.constant 0 : i32
      %dma_start3A_240 = tpu.memref_slice %arg4[%add3A_207, %dma_start3A_239] : memref<32768x512xf32, #tpu.memory_space<hbm>> -> memref<64x512xf32, #tpu.memory_space<hbm>>
      %dma_start3A_241 = arith.constant 0 : i32
      %dma_start3A_242 = tpu.memref_slice %arg4[%add3A_207, %dma_start3A_241] : memref<32768x512xf32, #tpu.memory_space<hbm>> -> memref<64x512xf32, #tpu.memory_space<hbm>>
      tpu.enqueue_dma source(%arg6 : memref<64x512xf32, #tpu.memory_space<vmem>>) target(%dma_start3A_242 : memref<64x512xf32, #tpu.memory_space<hbm>>) target_semaphore(%run_scoped3A : memref<!tpu.dma_semaphore, #tpu.memory_space<semaphore_mem>>)
      %dma_wait3A_243 = arith.constant 0 : i32
      %dma_wait3A_244 = tpu.memref_slice %arg4[%add3A_207, %dma_wait3A_243] : memref<32768x512xf32, #tpu.memory_space<hbm>> -> memref<64x512xf32, #tpu.memory_space<hbm>>
      %dma_wait3A_245 = arith.constant 0 : i32
      %dma_wait3A_246 = tpu.memref_slice %arg4[%add3A_207, %dma_wait3A_245] : memref<32768x512xf32, #tpu.memory_space<hbm>> -> memref<64x512xf32, #tpu.memory_space<hbm>>
      tpu.wait_dma2 semaphore(%run_scoped3A : memref<!tpu.dma_semaphore, #tpu.memory_space<semaphore_mem>>) src(%arg6 : memref<64x512xf32, #tpu.memory_space<vmem>>) dst(%dma_wait3A_246 : memref<64x512xf32, #tpu.memory_space<hbm>>)
      tpu.yield
    }) : () -> ()
    %dma_start3A_208 = arith.constant 896 : i32
    %dma_start3A_209 = tpu.memref_slice %arg5[%dma_start3A_208] : memref<1024xi32, #tpu.memory_space<vmem>> -> memref<64xi32, #tpu.memory_space<vmem>>
    %dma_start3A_210 = arith.constant 0 : i32
    %dma_start3A_211 = arith.constant 0 : i32
    %dma_start3A_212 = tpu.memref_slice %arg2[%dma_start3A_210, %dma_start3A_211] : memref<65536x512xf32, #tpu.memory_space<hbm>> -> memref<65536x512xf32, #tpu.memory_space<hbm>>
    tpu.enqueue_indirect_dma source(%dma_start3A_212 : memref<65536x512xf32, #tpu.memory_space<hbm>>) target(%arg6 : memref<64x512xf32, #tpu.memory_space<vmem>>) offsets(%dma_start3A_209 : memref<64xi32, #tpu.memory_space<vmem>>) semaphore(%arg8 : memref<!tpu.dma_semaphore, #tpu.memory_space<semaphore_mem>>)
    %dma_wait3A_213 = arith.constant 832 : i32
    %dma_wait3A_214 = tpu.memref_slice %arg5[%dma_wait3A_213] : memref<1024xi32, #tpu.memory_space<vmem>> -> memref<64xi32, #tpu.memory_space<vmem>>
    %dma_wait3A_215 = arith.constant 0 : i32
    %dma_wait3A_216 = arith.constant 0 : i32
    %dma_wait3A_217 = tpu.memref_slice %arg2[%dma_wait3A_215, %dma_wait3A_216] : memref<65536x512xf32, #tpu.memory_space<hbm>> -> memref<65536x512xf32, #tpu.memory_space<hbm>>
    tpu.wait_indirect_dma semaphore(%arg9 : memref<!tpu.dma_semaphore, #tpu.memory_space<semaphore_mem>>) src(%dma_wait3A_217 : memref<65536x512xf32, #tpu.memory_space<hbm>>) dst(%arg7 : memref<64x512xf32, #tpu.memory_space<vmem>>)
    %add3A_218 = arith.constant 832 : i32
    %add3A_219 = arith.addi %add3A_40, %add3A_218 : i32
    "tpu.region"() ({
      %run_scoped3A = tpu.sem_alloc : memref<!tpu.dma_semaphore, #tpu.memory_space<semaphore_mem>>
      %dma_start3A_239 = arith.constant 0 : i32
      %dma_start3A_240 = tpu.memref_slice %arg4[%add3A_219, %dma_start3A_239] : memref<32768x512xf32, #tpu.memory_space<hbm>> -> memref<64x512xf32, #tpu.memory_space<hbm>>
      %dma_start3A_241 = arith.constant 0 : i32
      %dma_start3A_242 = tpu.memref_slice %arg4[%add3A_219, %dma_start3A_241] : memref<32768x512xf32, #tpu.memory_space<hbm>> -> memref<64x512xf32, #tpu.memory_space<hbm>>
      tpu.enqueue_dma source(%arg7 : memref<64x512xf32, #tpu.memory_space<vmem>>) target(%dma_start3A_242 : memref<64x512xf32, #tpu.memory_space<hbm>>) target_semaphore(%run_scoped3A : memref<!tpu.dma_semaphore, #tpu.memory_space<semaphore_mem>>)
      %dma_wait3A_243 = arith.constant 0 : i32
      %dma_wait3A_244 = tpu.memref_slice %arg4[%add3A_219, %dma_wait3A_243] : memref<32768x512xf32, #tpu.memory_space<hbm>> -> memref<64x512xf32, #tpu.memory_space<hbm>>
      %dma_wait3A_245 = arith.constant 0 : i32
      %dma_wait3A_246 = tpu.memref_slice %arg4[%add3A_219, %dma_wait3A_245] : memref<32768x512xf32, #tpu.memory_space<hbm>> -> memref<64x512xf32, #tpu.memory_space<hbm>>
      tpu.wait_dma2 semaphore(%run_scoped3A : memref<!tpu.dma_semaphore, #tpu.memory_space<semaphore_mem>>) src(%arg7 : memref<64x512xf32, #tpu.memory_space<vmem>>) dst(%dma_wait3A_246 : memref<64x512xf32, #tpu.memory_space<hbm>>)
      tpu.yield
    }) : () -> ()
    %dma_start3A_220 = arith.constant 960 : i32
    %dma_start3A_221 = tpu.memref_slice %arg5[%dma_start3A_220] : memref<1024xi32, #tpu.memory_space<vmem>> -> memref<64xi32, #tpu.memory_space<vmem>>
    %dma_start3A_222 = arith.constant 0 : i32
    %dma_start3A_223 = arith.constant 0 : i32
    %dma_start3A_224 = tpu.memref_slice %arg2[%dma_start3A_222, %dma_start3A_223] : memref<65536x512xf32, #tpu.memory_space<hbm>> -> memref<65536x512xf32, #tpu.memory_space<hbm>>
    tpu.enqueue_indirect_dma source(%dma_start3A_224 : memref<65536x512xf32, #tpu.memory_space<hbm>>) target(%arg7 : memref<64x512xf32, #tpu.memory_space<vmem>>) offsets(%dma_start3A_221 : memref<64xi32, #tpu.memory_space<vmem>>) semaphore(%arg9 : memref<!tpu.dma_semaphore, #tpu.memory_space<semaphore_mem>>)
    %dma_wait3A_225 = arith.constant 896 : i32
    %dma_wait3A_226 = tpu.memref_slice %arg5[%dma_wait3A_225] : memref<1024xi32, #tpu.memory_space<vmem>> -> memref<64xi32, #tpu.memory_space<vmem>>
    %dma_wait3A_227 = arith.constant 0 : i32
    %dma_wait3A_228 = arith.constant 0 : i32
    %dma_wait3A_229 = tpu.memref_slice %arg2[%dma_wait3A_227, %dma_wait3A_228] : memref<65536x512xf32, #tpu.memory_space<hbm>> -> memref<65536x512xf32, #tpu.memory_space<hbm>>
    tpu.wait_indirect_dma semaphore(%arg8 : memref<!tpu.dma_semaphore, #tpu.memory_space<semaphore_mem>>) src(%dma_wait3A_229 : memref<65536x512xf32, #tpu.memory_space<hbm>>) dst(%arg6 : memref<64x512xf32, #tpu.memory_space<vmem>>)
    %add3A_230 = arith.constant 896 : i32
    %add3A_231 = arith.addi %add3A_40, %add3A_230 : i32
    "tpu.region"() ({
      %run_scoped3A = tpu.sem_alloc : memref<!tpu.dma_semaphore, #tpu.memory_space<semaphore_mem>>
      %dma_start3A_239 = arith.constant 0 : i32
      %dma_start3A_240 = tpu.memref_slice %arg4[%add3A_231, %dma_start3A_239] : memref<32768x512xf32, #tpu.memory_space<hbm>> -> memref<64x512xf32, #tpu.memory_space<hbm>>
      %dma_start3A_241 = arith.constant 0 : i32
      %dma_start3A_242 = tpu.memref_slice %arg4[%add3A_231, %dma_start3A_241] : memref<32768x512xf32, #tpu.memory_space<hbm>> -> memref<64x512xf32, #tpu.memory_space<hbm>>
      tpu.enqueue_dma source(%arg6 : memref<64x512xf32, #tpu.memory_space<vmem>>) target(%dma_start3A_242 : memref<64x512xf32, #tpu.memory_space<hbm>>) target_semaphore(%run_scoped3A : memref<!tpu.dma_semaphore, #tpu.memory_space<semaphore_mem>>)
      %dma_wait3A_243 = arith.constant 0 : i32
      %dma_wait3A_244 = tpu.memref_slice %arg4[%add3A_231, %dma_wait3A_243] : memref<32768x512xf32, #tpu.memory_space<hbm>> -> memref<64x512xf32, #tpu.memory_space<hbm>>
      %dma_wait3A_245 = arith.constant 0 : i32
      %dma_wait3A_246 = tpu.memref_slice %arg4[%add3A_231, %dma_wait3A_245] : memref<32768x512xf32, #tpu.memory_space<hbm>> -> memref<64x512xf32, #tpu.memory_space<hbm>>
      tpu.wait_dma2 semaphore(%run_scoped3A : memref<!tpu.dma_semaphore, #tpu.memory_space<semaphore_mem>>) src(%arg6 : memref<64x512xf32, #tpu.memory_space<vmem>>) dst(%dma_wait3A_246 : memref<64x512xf32, #tpu.memory_space<hbm>>)
      tpu.yield
    }) : () -> ()
    %dma_wait3A_232 = arith.constant 960 : i32
    %dma_wait3A_233 = tpu.memref_slice %arg5[%dma_wait3A_232] : memref<1024xi32, #tpu.memory_space<vmem>> -> memref<64xi32, #tpu.memory_space<vmem>>
    %dma_wait3A_234 = arith.constant 0 : i32
    %dma_wait3A_235 = arith.constant 0 : i32
    %dma_wait3A_236 = tpu.memref_slice %arg2[%dma_wait3A_234, %dma_wait3A_235] : memref<65536x512xf32, #tpu.memory_space<hbm>> -> memref<65536x512xf32, #tpu.memory_space<hbm>>
    tpu.wait_indirect_dma semaphore(%arg9 : memref<!tpu.dma_semaphore, #tpu.memory_space<semaphore_mem>>) src(%dma_wait3A_236 : memref<65536x512xf32, #tpu.memory_space<hbm>>) dst(%arg7 : memref<64x512xf32, #tpu.memory_space<vmem>>)
    %add3A_237 = arith.constant 960 : i32
    %add3A_238 = arith.addi %add3A_40, %add3A_237 : i32
    "tpu.region"() ({
      %run_scoped3A = tpu.sem_alloc : memref<!tpu.dma_semaphore, #tpu.memory_space<semaphore_mem>>
      %dma_start3A_239 = arith.constant 0 : i32
      %dma_start3A_240 = tpu.memref_slice %arg4[%add3A_238, %dma_start3A_239] : memref<32768x512xf32, #tpu.memory_space<hbm>> -> memref<64x512xf32, #tpu.memory_space<hbm>>
      %dma_start3A_241 = arith.constant 0 : i32
      %dma_start3A_242 = tpu.memref_slice %arg4[%add3A_238, %dma_start3A_241] : memref<32768x512xf32, #tpu.memory_space<hbm>> -> memref<64x512xf32, #tpu.memory_space<hbm>>
      tpu.enqueue_dma source(%arg7 : memref<64x512xf32, #tpu.memory_space<vmem>>) target(%dma_start3A_242 : memref<64x512xf32, #tpu.memory_space<hbm>>) target_semaphore(%run_scoped3A : memref<!tpu.dma_semaphore, #tpu.memory_space<semaphore_mem>>)
      %dma_wait3A_243 = arith.constant 0 : i32
      %dma_wait3A_244 = tpu.memref_slice %arg4[%add3A_238, %dma_wait3A_243] : memref<32768x512xf32, #tpu.memory_space<hbm>> -> memref<64x512xf32, #tpu.memory_space<hbm>>
      %dma_wait3A_245 = arith.constant 0 : i32
      %dma_wait3A_246 = tpu.memref_slice %arg4[%add3A_238, %dma_wait3A_245] : memref<32768x512xf32, #tpu.memory_space<hbm>> -> memref<64x512xf32, #tpu.memory_space<hbm>>
      tpu.wait_dma2 semaphore(%run_scoped3A : memref<!tpu.dma_semaphore, #tpu.memory_space<semaphore_mem>>) src(%arg7 : memref<64x512xf32, #tpu.memory_space<vmem>>) dst(%dma_wait3A_246 : memref<64x512xf32, #tpu.memory_space<hbm>>)
      tpu.yield
    }) : () -> ()
    return
  }
}

#map = affine_map<(d0, d1) -> (0, 0)>
module attributes {stable_mosaic.version = 14 : i64} {
  func.func @sortk(%arg0: i32, %arg1: i32, %arg2: memref<8x8192xi32, #tpu.memory_space<hbm>>, %arg3: memref<8x8192xi32, #tpu.memory_space<hbm>>, %arg4: memref<8x8192xi32, #tpu.memory_space<hbm>>, %arg5: memref<8x8192xf32, #tpu.memory_space<hbm>>, %arg6: memref<8192xf32, #tpu.memory_space<vmem>>, %arg7: memref<8192xi32, #tpu.memory_space<vmem>>, %arg8: memref<8192xi32, #tpu.memory_space<vmem>>, %arg9: memref<8192xi32, #tpu.memory_space<vmem>>, %arg10: memref<8192xi32, #tpu.memory_space<vmem>>, %arg11: memref<4096xi32, #tpu.memory_space<vmem>>, %arg12: memref<4096xi32, #tpu.memory_space<vmem>>, %arg13: memref<4096xi32, #tpu.memory_space<vmem>>, %arg14: memref<4096xi32, #tpu.memory_space<vmem>>, %arg15: memref<256xi32, #tpu.memory_space<vmem>>) attributes {dimension_semantics = [#tpu.dimension_semantics<core_parallel>, #tpu.dimension_semantics<subcore_parallel>], iteration_bounds = array<i64: 2, 16>, scalar_prefetch = 0 : i64, scratch_operands = 10 : i64, tpu.core_type = #tpu.core_type<sc_vector_subcore>, window_params = [{transform_indices = #map}, {transform_indices = #map}, {transform_indices = #map}, {transform_indices = #map}]} {
    %mul3A = arith.constant 2 : i32
    %mul3A_0 = arith.muli %arg1, %mul3A : i32
    %add3A = arith.addi %mul3A_0, %arg0 : i32
    %lt3A = arith.constant 8 : i32
    %lt3A_1 = arith.cmpi slt, %add3A, %lt3A : i32
    %convert_element_type3A = arith.extui %lt3A_1 : i1 to i32
    %cond3A = arith.constant 0 : i32
    %cond3A_2 = arith.cmpi ne, %convert_element_type3A, %cond3A : i32
    scf.if %cond3A_2 {
      "tpu.region"() ({
        %run_scoped3A = tpu.sem_alloc : memref<!tpu.dma_semaphore, #tpu.memory_space<semaphore_mem>>
        %dma_start3A = arith.constant 0 : i32
        %dma_start3A_120 = tpu.memref_slice %arg2[%add3A, %dma_start3A] : memref<8x8192xi32, #tpu.memory_space<hbm>> -> memref<1x8192xi32, #tpu.memory_space<hbm>>
        %dma_start3A_121 = tpu.memref_squeeze %dma_start3A_120 : memref<1x8192xi32, #tpu.memory_space<hbm>> -> memref<8192xi32, #tpu.memory_space<hbm>>
        %dma_start3A_122 = arith.constant 0 : i32
        %dma_start3A_123 = tpu.memref_slice %arg2[%add3A, %dma_start3A_122] : memref<8x8192xi32, #tpu.memory_space<hbm>> -> memref<1x8192xi32, #tpu.memory_space<hbm>>
        %dma_start3A_124 = tpu.memref_squeeze %dma_start3A_123 : memref<1x8192xi32, #tpu.memory_space<hbm>> -> memref<8192xi32, #tpu.memory_space<hbm>>
        tpu.enqueue_dma source(%dma_start3A_124 : memref<8192xi32, #tpu.memory_space<hbm>>) target(%arg7 : memref<8192xi32, #tpu.memory_space<vmem>>) target_semaphore(%run_scoped3A : memref<!tpu.dma_semaphore, #tpu.memory_space<semaphore_mem>>)
        %dma_wait3A = arith.constant 0 : i32
        %dma_wait3A_125 = tpu.memref_slice %arg2[%add3A, %dma_wait3A] : memref<8x8192xi32, #tpu.memory_space<hbm>> -> memref<1x8192xi32, #tpu.memory_space<hbm>>
        %dma_wait3A_126 = tpu.memref_squeeze %dma_wait3A_125 : memref<1x8192xi32, #tpu.memory_space<hbm>> -> memref<8192xi32, #tpu.memory_space<hbm>>
        %dma_wait3A_127 = arith.constant 0 : i32
        %dma_wait3A_128 = tpu.memref_slice %arg2[%add3A, %dma_wait3A_127] : memref<8x8192xi32, #tpu.memory_space<hbm>> -> memref<1x8192xi32, #tpu.memory_space<hbm>>
        %dma_wait3A_129 = tpu.memref_squeeze %dma_wait3A_128 : memref<1x8192xi32, #tpu.memory_space<hbm>> -> memref<8192xi32, #tpu.memory_space<hbm>>
        tpu.wait_dma2 semaphore(%run_scoped3A : memref<!tpu.dma_semaphore, #tpu.memory_space<semaphore_mem>>) src(%dma_wait3A_129 : memref<8192xi32, #tpu.memory_space<hbm>>) dst(%arg7 : memref<8192xi32, #tpu.memory_space<vmem>>)
        tpu.yield
      }) : () -> ()
      %iota3A = tpu.iota {dimensions = array<i32: 0>} : vector<16xi32>
      %mul3A_3 = arith.constant 256 : i32
      %mul3A_4 = vector.broadcast %mul3A_3 : i32 to vector<16xi32>
      %mul3A_5 = arith.muli %iota3A, %mul3A_4 : vector<16xi32>
      %broadcast_in_dim3A = arith.constant 1 : i32
      %broadcast_in_dim3A_6 = vector.broadcast %broadcast_in_dim3A : i32 to vector<16xi32>
      %parallel_loop3A = arith.constant 0 : i32
      %parallel_loop3A_7 = arith.constant 256 : i32
      %parallel_loop3A_8 = arith.constant 1 : i32
      scf.for %parallel_loop3A_120 = %parallel_loop3A to %parallel_loop3A_7 step %parallel_loop3A_8  : i32 {
        %parallel_loop3A_121 = arith.constant 16 : i32
        %parallel_loop3A_122 = arith.muli %parallel_loop3A_120, %parallel_loop3A_121 : i32
        %parallel_loop3A_123 = arith.constant 0 : i32
        %parallel_loop3A_124 = vector.broadcast %parallel_loop3A_123 : i32 to vector<16xi32>
        %parallel_loop3A_125 = arith.index_cast %parallel_loop3A_122 : i32 to index
        %parallel_loop3A_126 = tpu.vector_load %arg11[%parallel_loop3A_125] {strides = array<i32>} : memref<4096xi32, #tpu.memory_space<vmem>>, vector<16xi32>,
        tpu.vector_store %arg11[%parallel_loop3A_125], %parallel_loop3A_124 {strides = array<i32>} : memref<4096xi32, #tpu.memory_space<vmem>>, vector<16xi32>,
        %parallel_loop3A_127 = arith.index_cast %parallel_loop3A_122 : i32 to index
        %parallel_loop3A_128 = tpu.vector_load %arg12[%parallel_loop3A_127] {strides = array<i32>} : memref<4096xi32, #tpu.memory_space<vmem>>, vector<16xi32>,
        tpu.vector_store %arg12[%parallel_loop3A_127], %parallel_loop3A_124 {strides = array<i32>} : memref<4096xi32, #tpu.memory_space<vmem>>, vector<16xi32>,
      } {sc.loop_unroll_factor = 4 : i64, sc.parallel_access}
      %parallel_loop3A_9 = arith.constant 0 : i32
      %parallel_loop3A_10 = arith.constant 256 : i32
      %parallel_loop3A_11 = arith.constant 1 : i32
      scf.for %parallel_loop3A_120 = %parallel_loop3A_9 to %parallel_loop3A_10 step %parallel_loop3A_11  : i32 {
        %parallel_loop3A_121 = arith.constant 512 : i32
        %parallel_loop3A_122 = vector.broadcast %parallel_loop3A_121 : i32 to vector<16xi32>
        %parallel_loop3A_123 = arith.muli %iota3A, %parallel_loop3A_122 : vector<16xi32>
        %parallel_loop3A_124 = arith.constant 0 : i32
        %parallel_loop3A_125 = arith.addi %parallel_loop3A_124, %parallel_loop3A_120 : i32
        %parallel_loop3A_126 = vector.broadcast %parallel_loop3A_125 : i32 to vector<16xi32>
        %parallel_loop3A_127 = arith.addi %parallel_loop3A_123, %parallel_loop3A_126 : vector<16xi32>
        %parallel_loop3A_128 = tpu.vector_load_idx %arg7[%parallel_loop3A_127] : memref<8192xi32, #tpu.memory_space<vmem>>[vector<16xi32>], vector<16xi32>,
        %parallel_loop3A_129 = arith.constant 0 : i32
        %parallel_loop3A_130 = vector.broadcast %parallel_loop3A_129 : i32 to vector<16xi32>
        %parallel_loop3A_131 = arith.shrui %parallel_loop3A_128, %parallel_loop3A_130 : vector<16xi32>
        %parallel_loop3A_132 = arith.constant 255 : i32
        %parallel_loop3A_133 = vector.broadcast %parallel_loop3A_132 : i32 to vector<16xi32>
        %parallel_loop3A_134 = arith.andi %parallel_loop3A_131, %parallel_loop3A_133 : vector<16xi32>
        %parallel_loop3A_135 = arith.addi %mul3A_5, %parallel_loop3A_134 : vector<16xi32>
        tpu.vector_store_idx %arg11[%parallel_loop3A_135], %broadcast_in_dim3A_6 {add = true} : memref<4096xi32, #tpu.memory_space<vmem>>[vector<16xi32>], vector<16xi32>,
        %parallel_loop3A_136 = arith.constant 512 : i32
        %parallel_loop3A_137 = vector.broadcast %parallel_loop3A_136 : i32 to vector<16xi32>
        %parallel_loop3A_138 = arith.muli %iota3A, %parallel_loop3A_137 : vector<16xi32>
        %parallel_loop3A_139 = arith.constant 256 : i32
        %parallel_loop3A_140 = arith.addi %parallel_loop3A_139, %parallel_loop3A_120 : i32
        %parallel_loop3A_141 = vector.broadcast %parallel_loop3A_140 : i32 to vector<16xi32>
        %parallel_loop3A_142 = arith.addi %parallel_loop3A_138, %parallel_loop3A_141 : vector<16xi32>
        %parallel_loop3A_143 = tpu.vector_load_idx %arg7[%parallel_loop3A_142] : memref<8192xi32, #tpu.memory_space<vmem>>[vector<16xi32>], vector<16xi32>,
        %parallel_loop3A_144 = arith.constant 0 : i32
        %parallel_loop3A_145 = vector.broadcast %parallel_loop3A_144 : i32 to vector<16xi32>
        %parallel_loop3A_146 = arith.shrui %parallel_loop3A_143, %parallel_loop3A_145 : vector<16xi32>
        %parallel_loop3A_147 = arith.constant 255 : i32
        %parallel_loop3A_148 = vector.broadcast %parallel_loop3A_147 : i32 to vector<16xi32>
        %parallel_loop3A_149 = arith.andi %parallel_loop3A_146, %parallel_loop3A_148 : vector<16xi32>
        %parallel_loop3A_150 = arith.addi %mul3A_5, %parallel_loop3A_149 : vector<16xi32>
        tpu.vector_store_idx %arg12[%parallel_loop3A_150], %broadcast_in_dim3A_6 {add = true} : memref<4096xi32, #tpu.memory_space<vmem>>[vector<16xi32>], vector<16xi32>,
      } {sc.loop_unroll_factor = 4 : i64, sc.parallel_access}
      %scan3A = arith.constant 0 : i32
      %scan3A_12 = arith.constant 0 : i32
      %scan3A_13 = arith.constant 16 : i32
      %scan3A_14 = arith.addi %scan3A_12, %scan3A_13 : i32
      %scan3A_15 = arith.constant 1 : i32
      %scan3A_16 = scf.for %scan3A_120 = %scan3A_12 to %scan3A_14 step %scan3A_15 iter_args(%scan3A_121 = %scan3A) -> (i32)  : i32 {
        %broadcast_in_dim3A_122 = arith.constant 0 : i32
        %broadcast_in_dim3A_123 = vector.broadcast %broadcast_in_dim3A_122 : i32 to vector<16xi32>
        %scan3A_124 = arith.constant 0 : i32
        %scan3A_125 = arith.constant 16 : i32
        %scan3A_126 = arith.addi %scan3A_124, %scan3A_125 : i32
        %scan3A_127 = arith.constant 1 : i32
        %scan3A_128 = scf.for %scan3A_141 = %scan3A_124 to %scan3A_126 step %scan3A_127 iter_args(%scan3A_142 = %broadcast_in_dim3A_123) -> (vector<16xi32>)  : i32 {
          %mul3A_143 = arith.constant 256 : i32
          %mul3A_144 = arith.muli %scan3A_141, %mul3A_143 : i32
          %mul3A_145 = arith.constant 16 : i32
          %mul3A_146 = arith.muli %scan3A_120, %mul3A_145 : i32
          %add3A_147 = arith.addi %mul3A_144, %mul3A_146 : i32
          %get3A = arith.index_cast %add3A_147 : i32 to index
          %get3A_148 = tpu.vector_load %arg11[%get3A] {strides = array<i32>} : memref<4096xi32, #tpu.memory_space<vmem>>, vector<16xi32>,
          %get3A_149 = arith.index_cast %add3A_147 : i32 to index
          %get3A_150 = tpu.vector_load %arg12[%get3A_149] {strides = array<i32>} : memref<4096xi32, #tpu.memory_space<vmem>>, vector<16xi32>,
          %add3A_151 = arith.addi %get3A_148, %get3A_150 : vector<16xi32>
          %add3A_152 = arith.addi %scan3A_142, %add3A_151 : vector<16xi32>
          scf.yield %add3A_152 : vector<16xi32>
        }
        %scan3A_129 = arith.constant 16 : i32
        %broadcast_in_dim3A_130 = arith.constant true
        %broadcast_in_dim3A_131 = vector.broadcast %broadcast_in_dim3A_130 : i1 to vector<16xi1>
        %masked_cumsum3A = tpu.scan <sum>, %scan3A_128 masked %broadcast_in_dim3A_131 : vector<16xi32>, vector<16xi1> -> vector<16xi32>
        %sub3A = arith.subi %masked_cumsum3A, %scan3A_128 : vector<16xi32>
        %add3A_132 = vector.broadcast %scan3A_121 : i32 to vector<16xi32>
        %add3A_133 = arith.addi %sub3A, %add3A_132 : vector<16xi32>
        %mul3A_134 = arith.constant 16 : i32
        %mul3A_135 = arith.muli %scan3A_120, %mul3A_134 : i32
        %swap3A = arith.index_cast %mul3A_135 : i32 to index
        %swap3A_136 = tpu.vector_load %arg15[%swap3A] {strides = array<i32>} : memref<256xi32, #tpu.memory_space<vmem>>, vector<16xi32>,
        tpu.vector_store %arg15[%swap3A], %add3A_133 {strides = array<i32>} : memref<256xi32, #tpu.memory_space<vmem>>, vector<16xi32>,
        %reduce_sum3A = arith.constant true
        %reduce_sum3A_137 = vector.broadcast %reduce_sum3A : i1 to vector<16xi1>
        %reduce_sum3A_138 = tpu.scan <sum>, %scan3A_128 masked %reduce_sum3A_137 : vector<16xi32>, vector<16xi1> -> vector<16xi32>
        %reduce_sum3A_139 = vector.extract %reduce_sum3A_138[15] : i32 from vector<16xi32>
        %add3A_140 = arith.addi %scan3A_121, %reduce_sum3A_139 : i32
        scf.yield %add3A_140 : i32
      }
      %scan3A_17 = arith.constant 16 : i32
      %scan3A_18 = arith.constant 0 : i32
      %scan3A_19 = arith.constant 0 : i32
      %scan3A_20 = arith.constant 16 : i32
      %scan3A_21 = arith.addi %scan3A_19, %scan3A_20 : i32
      %scan3A_22 = arith.constant 1 : i32
      %scan3A_23 = scf.for %scan3A_120 = %scan3A_19 to %scan3A_21 step %scan3A_22 iter_args(%scan3A_121 = %scan3A_18) -> (i32)  : i32 {
        %mul3A_122 = arith.constant 16 : i32
        %mul3A_123 = arith.muli %scan3A_120, %mul3A_122 : i32
        %get3A = arith.index_cast %mul3A_123 : i32 to index
        %get3A_124 = tpu.vector_load %arg15[%get3A] {strides = array<i32>} : memref<256xi32, #tpu.memory_space<vmem>>, vector<16xi32>,
        %scan3A_125 = arith.constant 0 : i32
        %scan3A_126 = arith.constant 16 : i32
        %scan3A_127 = arith.addi %scan3A_125, %scan3A_126 : i32
        %scan3A_128 = arith.constant 1 : i32
        %scan3A_129 = scf.for %scan3A_132 = %scan3A_125 to %scan3A_127 step %scan3A_128 iter_args(%scan3A_133 = %get3A_124) -> (vector<16xi32>)  : i32 {
          %mul3A_134 = arith.constant 256 : i32
          %mul3A_135 = arith.muli %scan3A_132, %mul3A_134 : i32
          %mul3A_136 = arith.constant 16 : i32
          %mul3A_137 = arith.muli %scan3A_120, %mul3A_136 : i32
          %add3A_138 = arith.addi %mul3A_135, %mul3A_137 : i32
          %swap3A = arith.index_cast %add3A_138 : i32 to index
          %swap3A_139 = tpu.vector_load %arg13[%swap3A] {strides = array<i32>} : memref<4096xi32, #tpu.memory_space<vmem>>, vector<16xi32>,
          tpu.vector_store %arg13[%swap3A], %scan3A_133 {strides = array<i32>} : memref<4096xi32, #tpu.memory_space<vmem>>, vector<16xi32>,
          %get3A_140 = arith.index_cast %add3A_138 : i32 to index
          %get3A_141 = tpu.vector_load %arg11[%get3A_140] {strides = array<i32>} : memref<4096xi32, #tpu.memory_space<vmem>>, vector<16xi32>,
          %add3A_142 = arith.addi %scan3A_133, %get3A_141 : vector<16xi32>
          %broadcast_in_dim3A_143 = arith.constant 0 : i32
          %broadcast_in_dim3A_144 = vector.broadcast %broadcast_in_dim3A_143 : i32 to vector<16xi32>
          %swap3A_145 = arith.index_cast %add3A_138 : i32 to index
          %swap3A_146 = tpu.vector_load %arg11[%swap3A_145] {strides = array<i32>} : memref<4096xi32, #tpu.memory_space<vmem>>, vector<16xi32>,
          tpu.vector_store %arg11[%swap3A_145], %broadcast_in_dim3A_144 {strides = array<i32>} : memref<4096xi32, #tpu.memory_space<vmem>>, vector<16xi32>,
          %swap3A_147 = arith.index_cast %add3A_138 : i32 to index
          %swap3A_148 = tpu.vector_load %arg14[%swap3A_147] {strides = array<i32>} : memref<4096xi32, #tpu.memory_space<vmem>>, vector<16xi32>,
          tpu.vector_store %arg14[%swap3A_147], %add3A_142 {strides = array<i32>} : memref<4096xi32, #tpu.memory_space<vmem>>, vector<16xi32>,
          %get3A_149 = arith.index_cast %add3A_138 : i32 to index
          %get3A_150 = tpu.vector_load %arg12[%get3A_149] {strides = array<i32>} : memref<4096xi32, #tpu.memory_space<vmem>>, vector<16xi32>,
          %add3A_151 = arith.addi %add3A_142, %get3A_150 : vector<16xi32>
          %broadcast_in_dim3A_152 = arith.constant 0 : i32
          %broadcast_in_dim3A_153 = vector.broadcast %broadcast_in_dim3A_152 : i32 to vector<16xi32>
          %swap3A_154 = arith.index_cast %add3A_138 : i32 to index
          %swap3A_155 = tpu.vector_load %arg12[%swap3A_154] {strides = array<i32>} : memref<4096xi32, #tpu.memory_space<vmem>>, vector<16xi32>,
          tpu.vector_store %arg12[%swap3A_154], %broadcast_in_dim3A_153 {strides = array<i32>} : memref<4096xi32, #tpu.memory_space<vmem>>, vector<16xi32>,
          scf.yield %add3A_151 : vector<16xi32>
        }
        %scan3A_130 = arith.constant 16 : i32
        %scan3A_131 = arith.constant 0 : i32
        scf.yield %scan3A_131 : i32
      }
      %scan3A_24 = arith.constant 16 : i32
      %scan3A_25 = arith.constant 0 : i32
      %scan3A_26 = arith.constant 0 : i32
      %scan3A_27 = arith.constant 256 : i32
      %scan3A_28 = arith.addi %scan3A_26, %scan3A_27 : i32
      %scan3A_29 = arith.constant 2 : i32
      %scan3A_30 = scf.for %scan3A_120 = %scan3A_26 to %scan3A_28 step %scan3A_29 iter_args(%scan3A_121 = %scan3A_25) -> (i32)  : i32 {
        %mul3A_122 = arith.constant 512 : i32
        %mul3A_123 = vector.broadcast %mul3A_122 : i32 to vector<16xi32>
        %mul3A_124 = arith.muli %iota3A, %mul3A_123 : vector<16xi32>
        %add3A_125 = arith.constant 0 : i32
        %add3A_126 = arith.addi %add3A_125, %scan3A_120 : i32
        %add3A_127 = vector.broadcast %add3A_126 : i32 to vector<16xi32>
        %add3A_128 = arith.addi %mul3A_124, %add3A_127 : vector<16xi32>
        %gather3A = tpu.vector_load_idx %arg7[%add3A_128] : memref<8192xi32, #tpu.memory_space<vmem>>[vector<16xi32>], vector<16xi32>,
        %shift_right_logical3A = arith.constant 0 : i32
        %shift_right_logical3A_129 = vector.broadcast %shift_right_logical3A : i32 to vector<16xi32>
        %shift_right_logical3A_130 = arith.shrui %gather3A, %shift_right_logical3A_129 : vector<16xi32>
        %and3A = arith.constant 255 : i32
        %and3A_131 = vector.broadcast %and3A : i32 to vector<16xi32>
        %and3A_132 = arith.andi %shift_right_logical3A_130, %and3A_131 : vector<16xi32>
        %add3A_133 = arith.addi %mul3A_5, %and3A_132 : vector<16xi32>
        %gather3A_134 = tpu.vector_load_idx %arg13[%add3A_133] : memref<4096xi32, #tpu.memory_space<vmem>>[vector<16xi32>], vector<16xi32>,
        %add3A_135 = arith.addi %gather3A_134, %broadcast_in_dim3A_6 : vector<16xi32>
        tpu.vector_store_idx %arg13[%add3A_133], %add3A_135 : memref<4096xi32, #tpu.memory_space<vmem>>[vector<16xi32>], vector<16xi32>,
        tpu.vector_store_idx %arg8[%gather3A_134], %gather3A : memref<8192xi32, #tpu.memory_space<vmem>>[vector<16xi32>], vector<16xi32>,
        tpu.vector_store_idx %arg10[%gather3A_134], %add3A_128 : memref<8192xi32, #tpu.memory_space<vmem>>[vector<16xi32>], vector<16xi32>,
        %mul3A_136 = arith.constant 512 : i32
        %mul3A_137 = vector.broadcast %mul3A_136 : i32 to vector<16xi32>
        %mul3A_138 = arith.muli %iota3A, %mul3A_137 : vector<16xi32>
        %add3A_139 = arith.constant 256 : i32
        %add3A_140 = arith.addi %add3A_139, %scan3A_120 : i32
        %add3A_141 = vector.broadcast %add3A_140 : i32 to vector<16xi32>
        %add3A_142 = arith.addi %mul3A_138, %add3A_141 : vector<16xi32>
        %gather3A_143 = tpu.vector_load_idx %arg7[%add3A_142] : memref<8192xi32, #tpu.memory_space<vmem>>[vector<16xi32>], vector<16xi32>,
        %shift_right_logical3A_144 = arith.constant 0 : i32
        %shift_right_logical3A_145 = vector.broadcast %shift_right_logical3A_144 : i32 to vector<16xi32>
        %shift_right_logical3A_146 = arith.shrui %gather3A_143, %shift_right_logical3A_145 : vector<16xi32>
        %and3A_147 = arith.constant 255 : i32
        %and3A_148 = vector.broadcast %and3A_147 : i32 to vector<16xi32>
        %and3A_149 = arith.andi %shift_right_logical3A_146, %and3A_148 : vector<16xi32>
        %add3A_150 = arith.addi %mul3A_5, %and3A_149 : vector<16xi32>
        %gather3A_151 = tpu.vector_load_idx %arg14[%add3A_150] : memref<4096xi32, #tpu.memory_space<vmem>>[vector<16xi32>], vector<16xi32>,
        %add3A_152 = arith.addi %gather3A_151, %broadcast_in_dim3A_6 : vector<16xi32>
        tpu.vector_store_idx %arg14[%add3A_150], %add3A_152 : memref<4096xi32, #tpu.memory_space<vmem>>[vector<16xi32>], vector<16xi32>,
        tpu.vector_store_idx %arg8[%gather3A_151], %gather3A_143 : memref<8192xi32, #tpu.memory_space<vmem>>[vector<16xi32>], vector<16xi32>,
        tpu.vector_store_idx %arg10[%gather3A_151], %add3A_142 : memref<8192xi32, #tpu.memory_space<vmem>>[vector<16xi32>], vector<16xi32>,
        %scan3A_153 = arith.constant 0 : i32
        %scan3A_154 = arith.constant 1 : i32
        %scan3A_155 = arith.addi %scan3A_120, %scan3A_154 : i32
        %mul3A_156 = arith.constant 512 : i32
        %mul3A_157 = vector.broadcast %mul3A_156 : i32 to vector<16xi32>
        %mul3A_158 = arith.muli %iota3A, %mul3A_157 : vector<16xi32>
        %add3A_159 = arith.constant 0 : i32
        %add3A_160 = arith.addi %add3A_159, %scan3A_155 : i32
        %add3A_161 = vector.broadcast %add3A_160 : i32 to vector<16xi32>
        %add3A_162 = arith.addi %mul3A_158, %add3A_161 : vector<16xi32>
        %gather3A_163 = tpu.vector_load_idx %arg7[%add3A_162] : memref<8192xi32, #tpu.memory_space<vmem>>[vector<16xi32>], vector<16xi32>,
        %shift_right_logical3A_164 = arith.constant 0 : i32
        %shift_right_logical3A_165 = vector.broadcast %shift_right_logical3A_164 : i32 to vector<16xi32>
        %shift_right_logical3A_166 = arith.shrui %gather3A_163, %shift_right_logical3A_165 : vector<16xi32>
        %and3A_167 = arith.constant 255 : i32
        %and3A_168 = vector.broadcast %and3A_167 : i32 to vector<16xi32>
        %and3A_169 = arith.andi %shift_right_logical3A_166, %and3A_168 : vector<16xi32>
        %add3A_170 = arith.addi %mul3A_5, %and3A_169 : vector<16xi32>
        %gather3A_171 = tpu.vector_load_idx %arg13[%add3A_170] : memref<4096xi32, #tpu.memory_space<vmem>>[vector<16xi32>], vector<16xi32>,
        %add3A_172 = arith.addi %gather3A_171, %broadcast_in_dim3A_6 : vector<16xi32>
        tpu.vector_store_idx %arg13[%add3A_170], %add3A_172 : memref<4096xi32, #tpu.memory_space<vmem>>[vector<16xi32>], vector<16xi32>,
        tpu.vector_store_idx %arg8[%gather3A_171], %gather3A_163 : memref<8192xi32, #tpu.memory_space<vmem>>[vector<16xi32>], vector<16xi32>,
        tpu.vector_store_idx %arg10[%gather3A_171], %add3A_162 : memref<8192xi32, #tpu.memory_space<vmem>>[vector<16xi32>], vector<16xi32>,
        %mul3A_173 = arith.constant 512 : i32
        %mul3A_174 = vector.broadcast %mul3A_173 : i32 to vector<16xi32>
        %mul3A_175 = arith.muli %iota3A, %mul3A_174 : vector<16xi32>
        %add3A_176 = arith.constant 256 : i32
        %add3A_177 = arith.addi %add3A_176, %scan3A_155 : i32
        %add3A_178 = vector.broadcast %add3A_177 : i32 to vector<16xi32>
        %add3A_179 = arith.addi %mul3A_175, %add3A_178 : vector<16xi32>
        %gather3A_180 = tpu.vector_load_idx %arg7[%add3A_179] : memref<8192xi32, #tpu.memory_space<vmem>>[vector<16xi32>], vector<16xi32>,
        %shift_right_logical3A_181 = arith.constant 0 : i32
        %shift_right_logical3A_182 = vector.broadcast %shift_right_logical3A_181 : i32 to vector<16xi32>
        %shift_right_logical3A_183 = arith.shrui %gather3A_180, %shift_right_logical3A_182 : vector<16xi32>
        %and3A_184 = arith.constant 255 : i32
        %and3A_185 = vector.broadcast %and3A_184 : i32 to vector<16xi32>
        %and3A_186 = arith.andi %shift_right_logical3A_183, %and3A_185 : vector<16xi32>
        %add3A_187 = arith.addi %mul3A_5, %and3A_186 : vector<16xi32>
        %gather3A_188 = tpu.vector_load_idx %arg14[%add3A_187] : memref<4096xi32, #tpu.memory_space<vmem>>[vector<16xi32>], vector<16xi32>,
        %add3A_189 = arith.addi %gather3A_188, %broadcast_in_dim3A_6 : vector<16xi32>
        tpu.vector_store_idx %arg14[%add3A_187], %add3A_189 : memref<4096xi32, #tpu.memory_space<vmem>>[vector<16xi32>], vector<16xi32>,
        tpu.vector_store_idx %arg8[%gather3A_188], %gather3A_180 : memref<8192xi32, #tpu.memory_space<vmem>>[vector<16xi32>], vector<16xi32>,
        tpu.vector_store_idx %arg10[%gather3A_188], %add3A_179 : memref<8192xi32, #tpu.memory_space<vmem>>[vector<16xi32>], vector<16xi32>,
        %scan3A_190 = arith.constant 0 : i32
        scf.yield %scan3A_190 : i32
      }
      %scan3A_31 = arith.constant 256 : i32
      %parallel_loop3A_32 = arith.constant 0 : i32
      %parallel_loop3A_33 = arith.constant 256 : i32
      %parallel_loop3A_34 = arith.constant 1 : i32
      scf.for %parallel_loop3A_120 = %parallel_loop3A_32 to %parallel_loop3A_33 step %parallel_loop3A_34  : i32 {
        %parallel_loop3A_121 = arith.constant 512 : i32
        %parallel_loop3A_122 = vector.broadcast %parallel_loop3A_121 : i32 to vector<16xi32>
        %parallel_loop3A_123 = arith.muli %iota3A, %parallel_loop3A_122 : vector<16xi32>
        %parallel_loop3A_124 = arith.constant 0 : i32
        %parallel_loop3A_125 = arith.addi %parallel_loop3A_124, %parallel_loop3A_120 : i32
        %parallel_loop3A_126 = vector.broadcast %parallel_loop3A_125 : i32 to vector<16xi32>
        %parallel_loop3A_127 = arith.addi %parallel_loop3A_123, %parallel_loop3A_126 : vector<16xi32>
        %parallel_loop3A_128 = tpu.vector_load_idx %arg8[%parallel_loop3A_127] : memref<8192xi32, #tpu.memory_space<vmem>>[vector<16xi32>], vector<16xi32>,
        %parallel_loop3A_129 = arith.constant 8 : i32
        %parallel_loop3A_130 = vector.broadcast %parallel_loop3A_129 : i32 to vector<16xi32>
        %parallel_loop3A_131 = arith.shrui %parallel_loop3A_128, %parallel_loop3A_130 : vector<16xi32>
        %parallel_loop3A_132 = arith.constant 255 : i32
        %parallel_loop3A_133 = vector.broadcast %parallel_loop3A_132 : i32 to vector<16xi32>
        %parallel_loop3A_134 = arith.andi %parallel_loop3A_131, %parallel_loop3A_133 : vector<16xi32>
        %parallel_loop3A_135 = arith.addi %mul3A_5, %parallel_loop3A_134 : vector<16xi32>
        tpu.vector_store_idx %arg11[%parallel_loop3A_135], %broadcast_in_dim3A_6 {add = true} : memref<4096xi32, #tpu.memory_space<vmem>>[vector<16xi32>], vector<16xi32>,
        %parallel_loop3A_136 = arith.constant 512 : i32
        %parallel_loop3A_137 = vector.broadcast %parallel_loop3A_136 : i32 to vector<16xi32>
        %parallel_loop3A_138 = arith.muli %iota3A, %parallel_loop3A_137 : vector<16xi32>
        %parallel_loop3A_139 = arith.constant 256 : i32
        %parallel_loop3A_140 = arith.addi %parallel_loop3A_139, %parallel_loop3A_120 : i32
        %parallel_loop3A_141 = vector.broadcast %parallel_loop3A_140 : i32 to vector<16xi32>
        %parallel_loop3A_142 = arith.addi %parallel_loop3A_138, %parallel_loop3A_141 : vector<16xi32>
        %parallel_loop3A_143 = tpu.vector_load_idx %arg8[%parallel_loop3A_142] : memref<8192xi32, #tpu.memory_space<vmem>>[vector<16xi32>], vector<16xi32>,
        %parallel_loop3A_144 = arith.constant 8 : i32
        %parallel_loop3A_145 = vector.broadcast %parallel_loop3A_144 : i32 to vector<16xi32>
        %parallel_loop3A_146 = arith.shrui %parallel_loop3A_143, %parallel_loop3A_145 : vector<16xi32>
        %parallel_loop3A_147 = arith.constant 255 : i32
        %parallel_loop3A_148 = vector.broadcast %parallel_loop3A_147 : i32 to vector<16xi32>
        %parallel_loop3A_149 = arith.andi %parallel_loop3A_146, %parallel_loop3A_148 : vector<16xi32>
        %parallel_loop3A_150 = arith.addi %mul3A_5, %parallel_loop3A_149 : vector<16xi32>
        tpu.vector_store_idx %arg12[%parallel_loop3A_150], %broadcast_in_dim3A_6 {add = true} : memref<4096xi32, #tpu.memory_space<vmem>>[vector<16xi32>], vector<16xi32>,
      } {sc.loop_unroll_factor = 4 : i64, sc.parallel_access}
      %scan3A_35 = arith.constant 0 : i32
      %scan3A_36 = arith.constant 0 : i32
      %scan3A_37 = arith.constant 16 : i32
      %scan3A_38 = arith.addi %scan3A_36, %scan3A_37 : i32
      %scan3A_39 = arith.constant 1 : i32
      %scan3A_40 = scf.for %scan3A_120 = %scan3A_36 to %scan3A_38 step %scan3A_39 iter_args(%scan3A_121 = %scan3A_35) -> (i32)  : i32 {
        %broadcast_in_dim3A_122 = arith.constant 0 : i32
        %broadcast_in_dim3A_123 = vector.broadcast %broadcast_in_dim3A_122 : i32 to vector<16xi32>
        %scan3A_124 = arith.constant 0 : i32
        %scan3A_125 = arith.constant 16 : i32
        %scan3A_126 = arith.addi %scan3A_124, %scan3A_125 : i32
        %scan3A_127 = arith.constant 1 : i32
        %scan3A_128 = scf.for %scan3A_141 = %scan3A_124 to %scan3A_126 step %scan3A_127 iter_args(%scan3A_142 = %broadcast_in_dim3A_123) -> (vector<16xi32>)  : i32 {
          %mul3A_143 = arith.constant 256 : i32
          %mul3A_144 = arith.muli %scan3A_141, %mul3A_143 : i32
          %mul3A_145 = arith.constant 16 : i32
          %mul3A_146 = arith.muli %scan3A_120, %mul3A_145 : i32
          %add3A_147 = arith.addi %mul3A_144, %mul3A_146 : i32
          %get3A = arith.index_cast %add3A_147 : i32 to index
          %get3A_148 = tpu.vector_load %arg11[%get3A] {strides = array<i32>} : memref<4096xi32, #tpu.memory_space<vmem>>, vector<16xi32>,
          %get3A_149 = arith.index_cast %add3A_147 : i32 to index
          %get3A_150 = tpu.vector_load %arg12[%get3A_149] {strides = array<i32>} : memref<4096xi32, #tpu.memory_space<vmem>>, vector<16xi32>,
          %add3A_151 = arith.addi %get3A_148, %get3A_150 : vector<16xi32>
          %add3A_152 = arith.addi %scan3A_142, %add3A_151 : vector<16xi32>
          scf.yield %add3A_152 : vector<16xi32>
        }
        %scan3A_129 = arith.constant 16 : i32
        %broadcast_in_dim3A_130 = arith.constant true
        %broadcast_in_dim3A_131 = vector.broadcast %broadcast_in_dim3A_130 : i1 to vector<16xi1>
        %masked_cumsum3A = tpu.scan <sum>, %scan3A_128 masked %broadcast_in_dim3A_131 : vector<16xi32>, vector<16xi1> -> vector<16xi32>
        %sub3A = arith.subi %masked_cumsum3A, %scan3A_128 : vector<16xi32>
        %add3A_132 = vector.broadcast %scan3A_121 : i32 to vector<16xi32>
        %add3A_133 = arith.addi %sub3A, %add3A_132 : vector<16xi32>
        %mul3A_134 = arith.constant 16 : i32
        %mul3A_135 = arith.muli %scan3A_120, %mul3A_134 : i32
        %swap3A = arith.index_cast %mul3A_135 : i32 to index
        %swap3A_136 = tpu.vector_load %arg15[%swap3A] {strides = array<i32>} : memref<256xi32, #tpu.memory_space<vmem>>, vector<16xi32>,
        tpu.vector_store %arg15[%swap3A], %add3A_133 {strides = array<i32>} : memref<256xi32, #tpu.memory_space<vmem>>, vector<16xi32>,
        %reduce_sum3A = arith.constant true
        %reduce_sum3A_137 = vector.broadcast %reduce_sum3A : i1 to vector<16xi1>
        %reduce_sum3A_138 = tpu.scan <sum>, %scan3A_128 masked %reduce_sum3A_137 : vector<16xi32>, vector<16xi1> -> vector<16xi32>
        %reduce_sum3A_139 = vector.extract %reduce_sum3A_138[15] : i32 from vector<16xi32>
        %add3A_140 = arith.addi %scan3A_121, %reduce_sum3A_139 : i32
        scf.yield %add3A_140 : i32
      }
      %scan3A_41 = arith.constant 16 : i32
      %scan3A_42 = arith.constant 0 : i32
      %scan3A_43 = arith.constant 0 : i32
      %scan3A_44 = arith.constant 16 : i32
      %scan3A_45 = arith.addi %scan3A_43, %scan3A_44 : i32
      %scan3A_46 = arith.constant 1 : i32
      %scan3A_47 = scf.for %scan3A_120 = %scan3A_43 to %scan3A_45 step %scan3A_46 iter_args(%scan3A_121 = %scan3A_42) -> (i32)  : i32 {
        %mul3A_122 = arith.constant 16 : i32
        %mul3A_123 = arith.muli %scan3A_120, %mul3A_122 : i32
        %get3A = arith.index_cast %mul3A_123 : i32 to index
        %get3A_124 = tpu.vector_load %arg15[%get3A] {strides = array<i32>} : memref<256xi32, #tpu.memory_space<vmem>>, vector<16xi32>,
        %scan3A_125 = arith.constant 0 : i32
        %scan3A_126 = arith.constant 16 : i32
        %scan3A_127 = arith.addi %scan3A_125, %scan3A_126 : i32
        %scan3A_128 = arith.constant 1 : i32
        %scan3A_129 = scf.for %scan3A_132 = %scan3A_125 to %scan3A_127 step %scan3A_128 iter_args(%scan3A_133 = %get3A_124) -> (vector<16xi32>)  : i32 {
          %mul3A_134 = arith.constant 256 : i32
          %mul3A_135 = arith.muli %scan3A_132, %mul3A_134 : i32
          %mul3A_136 = arith.constant 16 : i32
          %mul3A_137 = arith.muli %scan3A_120, %mul3A_136 : i32
          %add3A_138 = arith.addi %mul3A_135, %mul3A_137 : i32
          %swap3A = arith.index_cast %add3A_138 : i32 to index
          %swap3A_139 = tpu.vector_load %arg13[%swap3A] {strides = array<i32>} : memref<4096xi32, #tpu.memory_space<vmem>>, vector<16xi32>,
          tpu.vector_store %arg13[%swap3A], %scan3A_133 {strides = array<i32>} : memref<4096xi32, #tpu.memory_space<vmem>>, vector<16xi32>,
          %get3A_140 = arith.index_cast %add3A_138 : i32 to index
          %get3A_141 = tpu.vector_load %arg11[%get3A_140] {strides = array<i32>} : memref<4096xi32, #tpu.memory_space<vmem>>, vector<16xi32>,
          %add3A_142 = arith.addi %scan3A_133, %get3A_141 : vector<16xi32>
          %broadcast_in_dim3A_143 = arith.constant 0 : i32
          %broadcast_in_dim3A_144 = vector.broadcast %broadcast_in_dim3A_143 : i32 to vector<16xi32>
          %swap3A_145 = arith.index_cast %add3A_138 : i32 to index
          %swap3A_146 = tpu.vector_load %arg11[%swap3A_145] {strides = array<i32>} : memref<4096xi32, #tpu.memory_space<vmem>>, vector<16xi32>,
          tpu.vector_store %arg11[%swap3A_145], %broadcast_in_dim3A_144 {strides = array<i32>} : memref<4096xi32, #tpu.memory_space<vmem>>, vector<16xi32>,
          %swap3A_147 = arith.index_cast %add3A_138 : i32 to index
          %swap3A_148 = tpu.vector_load %arg14[%swap3A_147] {strides = array<i32>} : memref<4096xi32, #tpu.memory_space<vmem>>, vector<16xi32>,
          tpu.vector_store %arg14[%swap3A_147], %add3A_142 {strides = array<i32>} : memref<4096xi32, #tpu.memory_space<vmem>>, vector<16xi32>,
          %get3A_149 = arith.index_cast %add3A_138 : i32 to index
          %get3A_150 = tpu.vector_load %arg12[%get3A_149] {strides = array<i32>} : memref<4096xi32, #tpu.memory_space<vmem>>, vector<16xi32>,
          %add3A_151 = arith.addi %add3A_142, %get3A_150 : vector<16xi32>
          %broadcast_in_dim3A_152 = arith.constant 0 : i32
          %broadcast_in_dim3A_153 = vector.broadcast %broadcast_in_dim3A_152 : i32 to vector<16xi32>
          %swap3A_154 = arith.index_cast %add3A_138 : i32 to index
          %swap3A_155 = tpu.vector_load %arg12[%swap3A_154] {strides = array<i32>} : memref<4096xi32, #tpu.memory_space<vmem>>, vector<16xi32>,
          tpu.vector_store %arg12[%swap3A_154], %broadcast_in_dim3A_153 {strides = array<i32>} : memref<4096xi32, #tpu.memory_space<vmem>>, vector<16xi32>,
          scf.yield %add3A_151 : vector<16xi32>
        }
        %scan3A_130 = arith.constant 16 : i32
        %scan3A_131 = arith.constant 0 : i32
        scf.yield %scan3A_131 : i32
      }
      %scan3A_48 = arith.constant 16 : i32
      %scan3A_49 = arith.constant 0 : i32
      %scan3A_50 = arith.constant 0 : i32
      %scan3A_51 = arith.constant 256 : i32
      %scan3A_52 = arith.addi %scan3A_50, %scan3A_51 : i32
      %scan3A_53 = arith.constant 2 : i32
      %scan3A_54 = scf.for %scan3A_120 = %scan3A_50 to %scan3A_52 step %scan3A_53 iter_args(%scan3A_121 = %scan3A_49) -> (i32)  : i32 {
        %mul3A_122 = arith.constant 512 : i32
        %mul3A_123 = vector.broadcast %mul3A_122 : i32 to vector<16xi32>
        %mul3A_124 = arith.muli %iota3A, %mul3A_123 : vector<16xi32>
        %add3A_125 = arith.constant 0 : i32
        %add3A_126 = arith.addi %add3A_125, %scan3A_120 : i32
        %add3A_127 = vector.broadcast %add3A_126 : i32 to vector<16xi32>
        %add3A_128 = arith.addi %mul3A_124, %add3A_127 : vector<16xi32>
        %gather3A = tpu.vector_load_idx %arg8[%add3A_128] : memref<8192xi32, #tpu.memory_space<vmem>>[vector<16xi32>], vector<16xi32>,
        %gather3A_129 = tpu.vector_load_idx %arg10[%add3A_128] : memref<8192xi32, #tpu.memory_space<vmem>>[vector<16xi32>], vector<16xi32>,
        %shift_right_logical3A = arith.constant 8 : i32
        %shift_right_logical3A_130 = vector.broadcast %shift_right_logical3A : i32 to vector<16xi32>
        %shift_right_logical3A_131 = arith.shrui %gather3A, %shift_right_logical3A_130 : vector<16xi32>
        %and3A = arith.constant 255 : i32
        %and3A_132 = vector.broadcast %and3A : i32 to vector<16xi32>
        %and3A_133 = arith.andi %shift_right_logical3A_131, %and3A_132 : vector<16xi32>
        %add3A_134 = arith.addi %mul3A_5, %and3A_133 : vector<16xi32>
        %gather3A_135 = tpu.vector_load_idx %arg13[%add3A_134] : memref<4096xi32, #tpu.memory_space<vmem>>[vector<16xi32>], vector<16xi32>,
        %add3A_136 = arith.addi %gather3A_135, %broadcast_in_dim3A_6 : vector<16xi32>
        tpu.vector_store_idx %arg13[%add3A_134], %add3A_136 : memref<4096xi32, #tpu.memory_space<vmem>>[vector<16xi32>], vector<16xi32>,
        tpu.vector_store_idx %arg7[%gather3A_135], %gather3A : memref<8192xi32, #tpu.memory_space<vmem>>[vector<16xi32>], vector<16xi32>,
        tpu.vector_store_idx %arg9[%gather3A_135], %gather3A_129 : memref<8192xi32, #tpu.memory_space<vmem>>[vector<16xi32>], vector<16xi32>,
        %mul3A_137 = arith.constant 512 : i32
        %mul3A_138 = vector.broadcast %mul3A_137 : i32 to vector<16xi32>
        %mul3A_139 = arith.muli %iota3A, %mul3A_138 : vector<16xi32>
        %add3A_140 = arith.constant 256 : i32
        %add3A_141 = arith.addi %add3A_140, %scan3A_120 : i32
        %add3A_142 = vector.broadcast %add3A_141 : i32 to vector<16xi32>
        %add3A_143 = arith.addi %mul3A_139, %add3A_142 : vector<16xi32>
        %gather3A_144 = tpu.vector_load_idx %arg8[%add3A_143] : memref<8192xi32, #tpu.memory_space<vmem>>[vector<16xi32>], vector<16xi32>,
        %gather3A_145 = tpu.vector_load_idx %arg10[%add3A_143] : memref<8192xi32, #tpu.memory_space<vmem>>[vector<16xi32>], vector<16xi32>,
        %shift_right_logical3A_146 = arith.constant 8 : i32
        %shift_right_logical3A_147 = vector.broadcast %shift_right_logical3A_146 : i32 to vector<16xi32>
        %shift_right_logical3A_148 = arith.shrui %gather3A_144, %shift_right_logical3A_147 : vector<16xi32>
        %and3A_149 = arith.constant 255 : i32
        %and3A_150 = vector.broadcast %and3A_149 : i32 to vector<16xi32>
        %and3A_151 = arith.andi %shift_right_logical3A_148, %and3A_150 : vector<16xi32>
        %add3A_152 = arith.addi %mul3A_5, %and3A_151 : vector<16xi32>
        %gather3A_153 = tpu.vector_load_idx %arg14[%add3A_152] : memref<4096xi32, #tpu.memory_space<vmem>>[vector<16xi32>], vector<16xi32>,
        %add3A_154 = arith.addi %gather3A_153, %broadcast_in_dim3A_6 : vector<16xi32>
        tpu.vector_store_idx %arg14[%add3A_152], %add3A_154 : memref<4096xi32, #tpu.memory_space<vmem>>[vector<16xi32>], vector<16xi32>,
        tpu.vector_store_idx %arg7[%gather3A_153], %gather3A_144 : memref<8192xi32, #tpu.memory_space<vmem>>[vector<16xi32>], vector<16xi32>,
        tpu.vector_store_idx %arg9[%gather3A_153], %gather3A_145 : memref<8192xi32, #tpu.memory_space<vmem>>[vector<16xi32>], vector<16xi32>,
        %scan3A_155 = arith.constant 0 : i32
        %scan3A_156 = arith.constant 1 : i32
        %scan3A_157 = arith.addi %scan3A_120, %scan3A_156 : i32
        %mul3A_158 = arith.constant 512 : i32
        %mul3A_159 = vector.broadcast %mul3A_158 : i32 to vector<16xi32>
        %mul3A_160 = arith.muli %iota3A, %mul3A_159 : vector<16xi32>
        %add3A_161 = arith.constant 0 : i32
        %add3A_162 = arith.addi %add3A_161, %scan3A_157 : i32
        %add3A_163 = vector.broadcast %add3A_162 : i32 to vector<16xi32>
        %add3A_164 = arith.addi %mul3A_160, %add3A_163 : vector<16xi32>
        %gather3A_165 = tpu.vector_load_idx %arg8[%add3A_164] : memref<8192xi32, #tpu.memory_space<vmem>>[vector<16xi32>], vector<16xi32>,
        %gather3A_166 = tpu.vector_load_idx %arg10[%add3A_164] : memref<8192xi32, #tpu.memory_space<vmem>>[vector<16xi32>], vector<16xi32>,
        %shift_right_logical3A_167 = arith.constant 8 : i32
        %shift_right_logical3A_168 = vector.broadcast %shift_right_logical3A_167 : i32 to vector<16xi32>
        %shift_right_logical3A_169 = arith.shrui %gather3A_165, %shift_right_logical3A_168 : vector<16xi32>
        %and3A_170 = arith.constant 255 : i32
        %and3A_171 = vector.broadcast %and3A_170 : i32 to vector<16xi32>
        %and3A_172 = arith.andi %shift_right_logical3A_169, %and3A_171 : vector<16xi32>
        %add3A_173 = arith.addi %mul3A_5, %and3A_172 : vector<16xi32>
        %gather3A_174 = tpu.vector_load_idx %arg13[%add3A_173] : memref<4096xi32, #tpu.memory_space<vmem>>[vector<16xi32>], vector<16xi32>,
        %add3A_175 = arith.addi %gather3A_174, %broadcast_in_dim3A_6 : vector<16xi32>
        tpu.vector_store_idx %arg13[%add3A_173], %add3A_175 : memref<4096xi32, #tpu.memory_space<vmem>>[vector<16xi32>], vector<16xi32>,
        tpu.vector_store_idx %arg7[%gather3A_174], %gather3A_165 : memref<8192xi32, #tpu.memory_space<vmem>>[vector<16xi32>], vector<16xi32>,
        tpu.vector_store_idx %arg9[%gather3A_174], %gather3A_166 : memref<8192xi32, #tpu.memory_space<vmem>>[vector<16xi32>], vector<16xi32>,
        %mul3A_176 = arith.constant 512 : i32
        %mul3A_177 = vector.broadcast %mul3A_176 : i32 to vector<16xi32>
        %mul3A_178 = arith.muli %iota3A, %mul3A_177 : vector<16xi32>
        %add3A_179 = arith.constant 256 : i32
        %add3A_180 = arith.addi %add3A_179, %scan3A_157 : i32
        %add3A_181 = vector.broadcast %add3A_180 : i32 to vector<16xi32>
        %add3A_182 = arith.addi %mul3A_178, %add3A_181 : vector<16xi32>
        %gather3A_183 = tpu.vector_load_idx %arg8[%add3A_182] : memref<8192xi32, #tpu.memory_space<vmem>>[vector<16xi32>], vector<16xi32>,
        %gather3A_184 = tpu.vector_load_idx %arg10[%add3A_182] : memref<8192xi32, #tpu.memory_space<vmem>>[vector<16xi32>], vector<16xi32>,
        %shift_right_logical3A_185 = arith.constant 8 : i32
        %shift_right_logical3A_186 = vector.broadcast %shift_right_logical3A_185 : i32 to vector<16xi32>
        %shift_right_logical3A_187 = arith.shrui %gather3A_183, %shift_right_logical3A_186 : vector<16xi32>
        %and3A_188 = arith.constant 255 : i32
        %and3A_189 = vector.broadcast %and3A_188 : i32 to vector<16xi32>
        %and3A_190 = arith.andi %shift_right_logical3A_187, %and3A_189 : vector<16xi32>
        %add3A_191 = arith.addi %mul3A_5, %and3A_190 : vector<16xi32>
        %gather3A_192 = tpu.vector_load_idx %arg14[%add3A_191] : memref<4096xi32, #tpu.memory_space<vmem>>[vector<16xi32>], vector<16xi32>,
        %add3A_193 = arith.addi %gather3A_192, %broadcast_in_dim3A_6 : vector<16xi32>
        tpu.vector_store_idx %arg14[%add3A_191], %add3A_193 : memref<4096xi32, #tpu.memory_space<vmem>>[vector<16xi32>], vector<16xi32>,
        tpu.vector_store_idx %arg7[%gather3A_192], %gather3A_183 : memref<8192xi32, #tpu.memory_space<vmem>>[vector<16xi32>], vector<16xi32>,
        tpu.vector_store_idx %arg9[%gather3A_192], %gather3A_184 : memref<8192xi32, #tpu.memory_space<vmem>>[vector<16xi32>], vector<16xi32>,
        %scan3A_194 = arith.constant 0 : i32
        scf.yield %scan3A_194 : i32
      }
      %scan3A_55 = arith.constant 256 : i32
      %parallel_loop3A_56 = arith.constant 0 : i32
      %parallel_loop3A_57 = arith.constant 256 : i32
      %parallel_loop3A_58 = arith.constant 1 : i32
      scf.for %parallel_loop3A_120 = %parallel_loop3A_56 to %parallel_loop3A_57 step %parallel_loop3A_58  : i32 {
        %parallel_loop3A_121 = arith.constant 512 : i32
        %parallel_loop3A_122 = vector.broadcast %parallel_loop3A_121 : i32 to vector<16xi32>
        %parallel_loop3A_123 = arith.muli %iota3A, %parallel_loop3A_122 : vector<16xi32>
        %parallel_loop3A_124 = arith.constant 0 : i32
        %parallel_loop3A_125 = arith.addi %parallel_loop3A_124, %parallel_loop3A_120 : i32
        %parallel_loop3A_126 = vector.broadcast %parallel_loop3A_125 : i32 to vector<16xi32>
        %parallel_loop3A_127 = arith.addi %parallel_loop3A_123, %parallel_loop3A_126 : vector<16xi32>
        %parallel_loop3A_128 = tpu.vector_load_idx %arg7[%parallel_loop3A_127] : memref<8192xi32, #tpu.memory_space<vmem>>[vector<16xi32>], vector<16xi32>,
        %parallel_loop3A_129 = arith.constant 16 : i32
        %parallel_loop3A_130 = vector.broadcast %parallel_loop3A_129 : i32 to vector<16xi32>
        %parallel_loop3A_131 = arith.shrui %parallel_loop3A_128, %parallel_loop3A_130 : vector<16xi32>
        %parallel_loop3A_132 = arith.constant 255 : i32
        %parallel_loop3A_133 = vector.broadcast %parallel_loop3A_132 : i32 to vector<16xi32>
        %parallel_loop3A_134 = arith.andi %parallel_loop3A_131, %parallel_loop3A_133 : vector<16xi32>
        %parallel_loop3A_135 = arith.addi %mul3A_5, %parallel_loop3A_134 : vector<16xi32>
        tpu.vector_store_idx %arg11[%parallel_loop3A_135], %broadcast_in_dim3A_6 {add = true} : memref<4096xi32, #tpu.memory_space<vmem>>[vector<16xi32>], vector<16xi32>,
        %parallel_loop3A_136 = arith.constant 512 : i32
        %parallel_loop3A_137 = vector.broadcast %parallel_loop3A_136 : i32 to vector<16xi32>
        %parallel_loop3A_138 = arith.muli %iota3A, %parallel_loop3A_137 : vector<16xi32>
        %parallel_loop3A_139 = arith.constant 256 : i32
        %parallel_loop3A_140 = arith.addi %parallel_loop3A_139, %parallel_loop3A_120 : i32
        %parallel_loop3A_141 = vector.broadcast %parallel_loop3A_140 : i32 to vector<16xi32>
        %parallel_loop3A_142 = arith.addi %parallel_loop3A_138, %parallel_loop3A_141 : vector<16xi32>
        %parallel_loop3A_143 = tpu.vector_load_idx %arg7[%parallel_loop3A_142] : memref<8192xi32, #tpu.memory_space<vmem>>[vector<16xi32>], vector<16xi32>,
        %parallel_loop3A_144 = arith.constant 16 : i32
        %parallel_loop3A_145 = vector.broadcast %parallel_loop3A_144 : i32 to vector<16xi32>
        %parallel_loop3A_146 = arith.shrui %parallel_loop3A_143, %parallel_loop3A_145 : vector<16xi32>
        %parallel_loop3A_147 = arith.constant 255 : i32
        %parallel_loop3A_148 = vector.broadcast %parallel_loop3A_147 : i32 to vector<16xi32>
        %parallel_loop3A_149 = arith.andi %parallel_loop3A_146, %parallel_loop3A_148 : vector<16xi32>
        %parallel_loop3A_150 = arith.addi %mul3A_5, %parallel_loop3A_149 : vector<16xi32>
        tpu.vector_store_idx %arg12[%parallel_loop3A_150], %broadcast_in_dim3A_6 {add = true} : memref<4096xi32, #tpu.memory_space<vmem>>[vector<16xi32>], vector<16xi32>,
      } {sc.loop_unroll_factor = 4 : i64, sc.parallel_access}
      %scan3A_59 = arith.constant 0 : i32
      %scan3A_60 = arith.constant 0 : i32
      %scan3A_61 = arith.constant 16 : i32
      %scan3A_62 = arith.addi %scan3A_60, %scan3A_61 : i32
      %scan3A_63 = arith.constant 1 : i32
      %scan3A_64 = scf.for %scan3A_120 = %scan3A_60 to %scan3A_62 step %scan3A_63 iter_args(%scan3A_121 = %scan3A_59) -> (i32)  : i32 {
        %broadcast_in_dim3A_122 = arith.constant 0 : i32
        %broadcast_in_dim3A_123 = vector.broadcast %broadcast_in_dim3A_122 : i32 to vector<16xi32>
        %scan3A_124 = arith.constant 0 : i32
        %scan3A_125 = arith.constant 16 : i32
        %scan3A_126 = arith.addi %scan3A_124, %scan3A_125 : i32
        %scan3A_127 = arith.constant 1 : i32
        %scan3A_128 = scf.for %scan3A_141 = %scan3A_124 to %scan3A_126 step %scan3A_127 iter_args(%scan3A_142 = %broadcast_in_dim3A_123) -> (vector<16xi32>)  : i32 {
          %mul3A_143 = arith.constant 256 : i32
          %mul3A_144 = arith.muli %scan3A_141, %mul3A_143 : i32
          %mul3A_145 = arith.constant 16 : i32
          %mul3A_146 = arith.muli %scan3A_120, %mul3A_145 : i32
          %add3A_147 = arith.addi %mul3A_144, %mul3A_146 : i32
          %get3A = arith.index_cast %add3A_147 : i32 to index
          %get3A_148 = tpu.vector_load %arg11[%get3A] {strides = array<i32>} : memref<4096xi32, #tpu.memory_space<vmem>>, vector<16xi32>,
          %get3A_149 = arith.index_cast %add3A_147 : i32 to index
          %get3A_150 = tpu.vector_load %arg12[%get3A_149] {strides = array<i32>} : memref<4096xi32, #tpu.memory_space<vmem>>, vector<16xi32>,
          %add3A_151 = arith.addi %get3A_148, %get3A_150 : vector<16xi32>
          %add3A_152 = arith.addi %scan3A_142, %add3A_151 : vector<16xi32>
          scf.yield %add3A_152 : vector<16xi32>
        }
        %scan3A_129 = arith.constant 16 : i32
        %broadcast_in_dim3A_130 = arith.constant true
        %broadcast_in_dim3A_131 = vector.broadcast %broadcast_in_dim3A_130 : i1 to vector<16xi1>
        %masked_cumsum3A = tpu.scan <sum>, %scan3A_128 masked %broadcast_in_dim3A_131 : vector<16xi32>, vector<16xi1> -> vector<16xi32>
        %sub3A = arith.subi %masked_cumsum3A, %scan3A_128 : vector<16xi32>
        %add3A_132 = vector.broadcast %scan3A_121 : i32 to vector<16xi32>
        %add3A_133 = arith.addi %sub3A, %add3A_132 : vector<16xi32>
        %mul3A_134 = arith.constant 16 : i32
        %mul3A_135 = arith.muli %scan3A_120, %mul3A_134 : i32
        %swap3A = arith.index_cast %mul3A_135 : i32 to index
        %swap3A_136 = tpu.vector_load %arg15[%swap3A] {strides = array<i32>} : memref<256xi32, #tpu.memory_space<vmem>>, vector<16xi32>,
        tpu.vector_store %arg15[%swap3A], %add3A_133 {strides = array<i32>} : memref<256xi32, #tpu.memory_space<vmem>>, vector<16xi32>,
        %reduce_sum3A = arith.constant true
        %reduce_sum3A_137 = vector.broadcast %reduce_sum3A : i1 to vector<16xi1>
        %reduce_sum3A_138 = tpu.scan <sum>, %scan3A_128 masked %reduce_sum3A_137 : vector<16xi32>, vector<16xi1> -> vector<16xi32>
        %reduce_sum3A_139 = vector.extract %reduce_sum3A_138[15] : i32 from vector<16xi32>
        %add3A_140 = arith.addi %scan3A_121, %reduce_sum3A_139 : i32
        scf.yield %add3A_140 : i32
      }
      %scan3A_65 = arith.constant 16 : i32
      %scan3A_66 = arith.constant 0 : i32
      %scan3A_67 = arith.constant 0 : i32
      %scan3A_68 = arith.constant 16 : i32
      %scan3A_69 = arith.addi %scan3A_67, %scan3A_68 : i32
      %scan3A_70 = arith.constant 1 : i32
      %scan3A_71 = scf.for %scan3A_120 = %scan3A_67 to %scan3A_69 step %scan3A_70 iter_args(%scan3A_121 = %scan3A_66) -> (i32)  : i32 {
        %mul3A_122 = arith.constant 16 : i32
        %mul3A_123 = arith.muli %scan3A_120, %mul3A_122 : i32
        %get3A = arith.index_cast %mul3A_123 : i32 to index
        %get3A_124 = tpu.vector_load %arg15[%get3A] {strides = array<i32>} : memref<256xi32, #tpu.memory_space<vmem>>, vector<16xi32>,
        %scan3A_125 = arith.constant 0 : i32
        %scan3A_126 = arith.constant 16 : i32
        %scan3A_127 = arith.addi %scan3A_125, %scan3A_126 : i32
        %scan3A_128 = arith.constant 1 : i32
        %scan3A_129 = scf.for %scan3A_132 = %scan3A_125 to %scan3A_127 step %scan3A_128 iter_args(%scan3A_133 = %get3A_124) -> (vector<16xi32>)  : i32 {
          %mul3A_134 = arith.constant 256 : i32
          %mul3A_135 = arith.muli %scan3A_132, %mul3A_134 : i32
          %mul3A_136 = arith.constant 16 : i32
          %mul3A_137 = arith.muli %scan3A_120, %mul3A_136 : i32
          %add3A_138 = arith.addi %mul3A_135, %mul3A_137 : i32
          %swap3A = arith.index_cast %add3A_138 : i32 to index
          %swap3A_139 = tpu.vector_load %arg13[%swap3A] {strides = array<i32>} : memref<4096xi32, #tpu.memory_space<vmem>>, vector<16xi32>,
          tpu.vector_store %arg13[%swap3A], %scan3A_133 {strides = array<i32>} : memref<4096xi32, #tpu.memory_space<vmem>>, vector<16xi32>,
          %get3A_140 = arith.index_cast %add3A_138 : i32 to index
          %get3A_141 = tpu.vector_load %arg11[%get3A_140] {strides = array<i32>} : memref<4096xi32, #tpu.memory_space<vmem>>, vector<16xi32>,
          %add3A_142 = arith.addi %scan3A_133, %get3A_141 : vector<16xi32>
          %broadcast_in_dim3A_143 = arith.constant 0 : i32
          %broadcast_in_dim3A_144 = vector.broadcast %broadcast_in_dim3A_143 : i32 to vector<16xi32>
          %swap3A_145 = arith.index_cast %add3A_138 : i32 to index
          %swap3A_146 = tpu.vector_load %arg11[%swap3A_145] {strides = array<i32>} : memref<4096xi32, #tpu.memory_space<vmem>>, vector<16xi32>,
          tpu.vector_store %arg11[%swap3A_145], %broadcast_in_dim3A_144 {strides = array<i32>} : memref<4096xi32, #tpu.memory_space<vmem>>, vector<16xi32>,
          %swap3A_147 = arith.index_cast %add3A_138 : i32 to index
          %swap3A_148 = tpu.vector_load %arg14[%swap3A_147] {strides = array<i32>} : memref<4096xi32, #tpu.memory_space<vmem>>, vector<16xi32>,
          tpu.vector_store %arg14[%swap3A_147], %add3A_142 {strides = array<i32>} : memref<4096xi32, #tpu.memory_space<vmem>>, vector<16xi32>,
          %get3A_149 = arith.index_cast %add3A_138 : i32 to index
          %get3A_150 = tpu.vector_load %arg12[%get3A_149] {strides = array<i32>} : memref<4096xi32, #tpu.memory_space<vmem>>, vector<16xi32>,
          %add3A_151 = arith.addi %add3A_142, %get3A_150 : vector<16xi32>
          %broadcast_in_dim3A_152 = arith.constant 0 : i32
          %broadcast_in_dim3A_153 = vector.broadcast %broadcast_in_dim3A_152 : i32 to vector<16xi32>
          %swap3A_154 = arith.index_cast %add3A_138 : i32 to index
          %swap3A_155 = tpu.vector_load %arg12[%swap3A_154] {strides = array<i32>} : memref<4096xi32, #tpu.memory_space<vmem>>, vector<16xi32>,
          tpu.vector_store %arg12[%swap3A_154], %broadcast_in_dim3A_153 {strides = array<i32>} : memref<4096xi32, #tpu.memory_space<vmem>>, vector<16xi32>,
          scf.yield %add3A_151 : vector<16xi32>
        }
        %scan3A_130 = arith.constant 16 : i32
        %scan3A_131 = arith.constant 0 : i32
        scf.yield %scan3A_131 : i32
      }
      %scan3A_72 = arith.constant 16 : i32
      %scan3A_73 = arith.constant 0 : i32
      %scan3A_74 = arith.constant 0 : i32
      %scan3A_75 = arith.constant 256 : i32
      %scan3A_76 = arith.addi %scan3A_74, %scan3A_75 : i32
      %scan3A_77 = arith.constant 2 : i32
      %scan3A_78 = scf.for %scan3A_120 = %scan3A_74 to %scan3A_76 step %scan3A_77 iter_args(%scan3A_121 = %scan3A_73) -> (i32)  : i32 {
        %mul3A_122 = arith.constant 512 : i32
        %mul3A_123 = vector.broadcast %mul3A_122 : i32 to vector<16xi32>
        %mul3A_124 = arith.muli %iota3A, %mul3A_123 : vector<16xi32>
        %add3A_125 = arith.constant 0 : i32
        %add3A_126 = arith.addi %add3A_125, %scan3A_120 : i32
        %add3A_127 = vector.broadcast %add3A_126 : i32 to vector<16xi32>
        %add3A_128 = arith.addi %mul3A_124, %add3A_127 : vector<16xi32>
        %gather3A = tpu.vector_load_idx %arg7[%add3A_128] : memref<8192xi32, #tpu.memory_space<vmem>>[vector<16xi32>], vector<16xi32>,
        %gather3A_129 = tpu.vector_load_idx %arg9[%add3A_128] : memref<8192xi32, #tpu.memory_space<vmem>>[vector<16xi32>], vector<16xi32>,
        %shift_right_logical3A = arith.constant 16 : i32
        %shift_right_logical3A_130 = vector.broadcast %shift_right_logical3A : i32 to vector<16xi32>
        %shift_right_logical3A_131 = arith.shrui %gather3A, %shift_right_logical3A_130 : vector<16xi32>
        %and3A = arith.constant 255 : i32
        %and3A_132 = vector.broadcast %and3A : i32 to vector<16xi32>
        %and3A_133 = arith.andi %shift_right_logical3A_131, %and3A_132 : vector<16xi32>
        %add3A_134 = arith.addi %mul3A_5, %and3A_133 : vector<16xi32>
        %gather3A_135 = tpu.vector_load_idx %arg13[%add3A_134] : memref<4096xi32, #tpu.memory_space<vmem>>[vector<16xi32>], vector<16xi32>,
        %add3A_136 = arith.addi %gather3A_135, %broadcast_in_dim3A_6 : vector<16xi32>
        tpu.vector_store_idx %arg13[%add3A_134], %add3A_136 : memref<4096xi32, #tpu.memory_space<vmem>>[vector<16xi32>], vector<16xi32>,
        tpu.vector_store_idx %arg8[%gather3A_135], %gather3A : memref<8192xi32, #tpu.memory_space<vmem>>[vector<16xi32>], vector<16xi32>,
        tpu.vector_store_idx %arg10[%gather3A_135], %gather3A_129 : memref<8192xi32, #tpu.memory_space<vmem>>[vector<16xi32>], vector<16xi32>,
        %mul3A_137 = arith.constant 512 : i32
        %mul3A_138 = vector.broadcast %mul3A_137 : i32 to vector<16xi32>
        %mul3A_139 = arith.muli %iota3A, %mul3A_138 : vector<16xi32>
        %add3A_140 = arith.constant 256 : i32
        %add3A_141 = arith.addi %add3A_140, %scan3A_120 : i32
        %add3A_142 = vector.broadcast %add3A_141 : i32 to vector<16xi32>
        %add3A_143 = arith.addi %mul3A_139, %add3A_142 : vector<16xi32>
        %gather3A_144 = tpu.vector_load_idx %arg7[%add3A_143] : memref<8192xi32, #tpu.memory_space<vmem>>[vector<16xi32>], vector<16xi32>,
        %gather3A_145 = tpu.vector_load_idx %arg9[%add3A_143] : memref<8192xi32, #tpu.memory_space<vmem>>[vector<16xi32>], vector<16xi32>,
        %shift_right_logical3A_146 = arith.constant 16 : i32
        %shift_right_logical3A_147 = vector.broadcast %shift_right_logical3A_146 : i32 to vector<16xi32>
        %shift_right_logical3A_148 = arith.shrui %gather3A_144, %shift_right_logical3A_147 : vector<16xi32>
        %and3A_149 = arith.constant 255 : i32
        %and3A_150 = vector.broadcast %and3A_149 : i32 to vector<16xi32>
        %and3A_151 = arith.andi %shift_right_logical3A_148, %and3A_150 : vector<16xi32>
        %add3A_152 = arith.addi %mul3A_5, %and3A_151 : vector<16xi32>
        %gather3A_153 = tpu.vector_load_idx %arg14[%add3A_152] : memref<4096xi32, #tpu.memory_space<vmem>>[vector<16xi32>], vector<16xi32>,
        %add3A_154 = arith.addi %gather3A_153, %broadcast_in_dim3A_6 : vector<16xi32>
        tpu.vector_store_idx %arg14[%add3A_152], %add3A_154 : memref<4096xi32, #tpu.memory_space<vmem>>[vector<16xi32>], vector<16xi32>,
        tpu.vector_store_idx %arg8[%gather3A_153], %gather3A_144 : memref<8192xi32, #tpu.memory_space<vmem>>[vector<16xi32>], vector<16xi32>,
        tpu.vector_store_idx %arg10[%gather3A_153], %gather3A_145 : memref<8192xi32, #tpu.memory_space<vmem>>[vector<16xi32>], vector<16xi32>,
        %scan3A_155 = arith.constant 0 : i32
        %scan3A_156 = arith.constant 1 : i32
        %scan3A_157 = arith.addi %scan3A_120, %scan3A_156 : i32
        %mul3A_158 = arith.constant 512 : i32
        %mul3A_159 = vector.broadcast %mul3A_158 : i32 to vector<16xi32>
        %mul3A_160 = arith.muli %iota3A, %mul3A_159 : vector<16xi32>
        %add3A_161 = arith.constant 0 : i32
        %add3A_162 = arith.addi %add3A_161, %scan3A_157 : i32
        %add3A_163 = vector.broadcast %add3A_162 : i32 to vector<16xi32>
        %add3A_164 = arith.addi %mul3A_160, %add3A_163 : vector<16xi32>
        %gather3A_165 = tpu.vector_load_idx %arg7[%add3A_164] : memref<8192xi32, #tpu.memory_space<vmem>>[vector<16xi32>], vector<16xi32>,
        %gather3A_166 = tpu.vector_load_idx %arg9[%add3A_164] : memref<8192xi32, #tpu.memory_space<vmem>>[vector<16xi32>], vector<16xi32>,
        %shift_right_logical3A_167 = arith.constant 16 : i32
        %shift_right_logical3A_168 = vector.broadcast %shift_right_logical3A_167 : i32 to vector<16xi32>
        %shift_right_logical3A_169 = arith.shrui %gather3A_165, %shift_right_logical3A_168 : vector<16xi32>
        %and3A_170 = arith.constant 255 : i32
        %and3A_171 = vector.broadcast %and3A_170 : i32 to vector<16xi32>
        %and3A_172 = arith.andi %shift_right_logical3A_169, %and3A_171 : vector<16xi32>
        %add3A_173 = arith.addi %mul3A_5, %and3A_172 : vector<16xi32>
        %gather3A_174 = tpu.vector_load_idx %arg13[%add3A_173] : memref<4096xi32, #tpu.memory_space<vmem>>[vector<16xi32>], vector<16xi32>,
        %add3A_175 = arith.addi %gather3A_174, %broadcast_in_dim3A_6 : vector<16xi32>
        tpu.vector_store_idx %arg13[%add3A_173], %add3A_175 : memref<4096xi32, #tpu.memory_space<vmem>>[vector<16xi32>], vector<16xi32>,
        tpu.vector_store_idx %arg8[%gather3A_174], %gather3A_165 : memref<8192xi32, #tpu.memory_space<vmem>>[vector<16xi32>], vector<16xi32>,
        tpu.vector_store_idx %arg10[%gather3A_174], %gather3A_166 : memref<8192xi32, #tpu.memory_space<vmem>>[vector<16xi32>], vector<16xi32>,
        %mul3A_176 = arith.constant 512 : i32
        %mul3A_177 = vector.broadcast %mul3A_176 : i32 to vector<16xi32>
        %mul3A_178 = arith.muli %iota3A, %mul3A_177 : vector<16xi32>
        %add3A_179 = arith.constant 256 : i32
        %add3A_180 = arith.addi %add3A_179, %scan3A_157 : i32
        %add3A_181 = vector.broadcast %add3A_180 : i32 to vector<16xi32>
        %add3A_182 = arith.addi %mul3A_178, %add3A_181 : vector<16xi32>
        %gather3A_183 = tpu.vector_load_idx %arg7[%add3A_182] : memref<8192xi32, #tpu.memory_space<vmem>>[vector<16xi32>], vector<16xi32>,
        %gather3A_184 = tpu.vector_load_idx %arg9[%add3A_182] : memref<8192xi32, #tpu.memory_space<vmem>>[vector<16xi32>], vector<16xi32>,
        %shift_right_logical3A_185 = arith.constant 16 : i32
        %shift_right_logical3A_186 = vector.broadcast %shift_right_logical3A_185 : i32 to vector<16xi32>
        %shift_right_logical3A_187 = arith.shrui %gather3A_183, %shift_right_logical3A_186 : vector<16xi32>
        %and3A_188 = arith.constant 255 : i32
        %and3A_189 = vector.broadcast %and3A_188 : i32 to vector<16xi32>
        %and3A_190 = arith.andi %shift_right_logical3A_187, %and3A_189 : vector<16xi32>
        %add3A_191 = arith.addi %mul3A_5, %and3A_190 : vector<16xi32>
        %gather3A_192 = tpu.vector_load_idx %arg14[%add3A_191] : memref<4096xi32, #tpu.memory_space<vmem>>[vector<16xi32>], vector<16xi32>,
        %add3A_193 = arith.addi %gather3A_192, %broadcast_in_dim3A_6 : vector<16xi32>
        tpu.vector_store_idx %arg14[%add3A_191], %add3A_193 : memref<4096xi32, #tpu.memory_space<vmem>>[vector<16xi32>], vector<16xi32>,
        tpu.vector_store_idx %arg8[%gather3A_192], %gather3A_183 : memref<8192xi32, #tpu.memory_space<vmem>>[vector<16xi32>], vector<16xi32>,
        tpu.vector_store_idx %arg10[%gather3A_192], %gather3A_184 : memref<8192xi32, #tpu.memory_space<vmem>>[vector<16xi32>], vector<16xi32>,
        %scan3A_194 = arith.constant 0 : i32
        scf.yield %scan3A_194 : i32
      }
      %scan3A_79 = arith.constant 256 : i32
      %parallel_loop3A_80 = arith.constant 0 : i32
      %parallel_loop3A_81 = arith.constant 256 : i32
      %parallel_loop3A_82 = arith.constant 1 : i32
      scf.for %parallel_loop3A_120 = %parallel_loop3A_80 to %parallel_loop3A_81 step %parallel_loop3A_82  : i32 {
        %parallel_loop3A_121 = arith.constant 512 : i32
        %parallel_loop3A_122 = vector.broadcast %parallel_loop3A_121 : i32 to vector<16xi32>
        %parallel_loop3A_123 = arith.muli %iota3A, %parallel_loop3A_122 : vector<16xi32>
        %parallel_loop3A_124 = arith.constant 0 : i32
        %parallel_loop3A_125 = arith.addi %parallel_loop3A_124, %parallel_loop3A_120 : i32
        %parallel_loop3A_126 = vector.broadcast %parallel_loop3A_125 : i32 to vector<16xi32>
        %parallel_loop3A_127 = arith.addi %parallel_loop3A_123, %parallel_loop3A_126 : vector<16xi32>
        %parallel_loop3A_128 = tpu.vector_load_idx %arg8[%parallel_loop3A_127] : memref<8192xi32, #tpu.memory_space<vmem>>[vector<16xi32>], vector<16xi32>,
        %parallel_loop3A_129 = arith.constant 24 : i32
        %parallel_loop3A_130 = vector.broadcast %parallel_loop3A_129 : i32 to vector<16xi32>
        %parallel_loop3A_131 = arith.shrui %parallel_loop3A_128, %parallel_loop3A_130 : vector<16xi32>
        %parallel_loop3A_132 = arith.constant 255 : i32
        %parallel_loop3A_133 = vector.broadcast %parallel_loop3A_132 : i32 to vector<16xi32>
        %parallel_loop3A_134 = arith.andi %parallel_loop3A_131, %parallel_loop3A_133 : vector<16xi32>
        %parallel_loop3A_135 = arith.addi %mul3A_5, %parallel_loop3A_134 : vector<16xi32>
        tpu.vector_store_idx %arg11[%parallel_loop3A_135], %broadcast_in_dim3A_6 {add = true} : memref<4096xi32, #tpu.memory_space<vmem>>[vector<16xi32>], vector<16xi32>,
        %parallel_loop3A_136 = arith.constant 512 : i32
        %parallel_loop3A_137 = vector.broadcast %parallel_loop3A_136 : i32 to vector<16xi32>
        %parallel_loop3A_138 = arith.muli %iota3A, %parallel_loop3A_137 : vector<16xi32>
        %parallel_loop3A_139 = arith.constant 256 : i32
        %parallel_loop3A_140 = arith.addi %parallel_loop3A_139, %parallel_loop3A_120 : i32
        %parallel_loop3A_141 = vector.broadcast %parallel_loop3A_140 : i32 to vector<16xi32>
        %parallel_loop3A_142 = arith.addi %parallel_loop3A_138, %parallel_loop3A_141 : vector<16xi32>
        %parallel_loop3A_143 = tpu.vector_load_idx %arg8[%parallel_loop3A_142] : memref<8192xi32, #tpu.memory_space<vmem>>[vector<16xi32>], vector<16xi32>,
        %parallel_loop3A_144 = arith.constant 24 : i32
        %parallel_loop3A_145 = vector.broadcast %parallel_loop3A_144 : i32 to vector<16xi32>
        %parallel_loop3A_146 = arith.shrui %parallel_loop3A_143, %parallel_loop3A_145 : vector<16xi32>
        %parallel_loop3A_147 = arith.constant 255 : i32
        %parallel_loop3A_148 = vector.broadcast %parallel_loop3A_147 : i32 to vector<16xi32>
        %parallel_loop3A_149 = arith.andi %parallel_loop3A_146, %parallel_loop3A_148 : vector<16xi32>
        %parallel_loop3A_150 = arith.addi %mul3A_5, %parallel_loop3A_149 : vector<16xi32>
        tpu.vector_store_idx %arg12[%parallel_loop3A_150], %broadcast_in_dim3A_6 {add = true} : memref<4096xi32, #tpu.memory_space<vmem>>[vector<16xi32>], vector<16xi32>,
      } {sc.loop_unroll_factor = 4 : i64, sc.parallel_access}
      %scan3A_83 = arith.constant 0 : i32
      %scan3A_84 = arith.constant 0 : i32
      %scan3A_85 = arith.constant 16 : i32
      %scan3A_86 = arith.addi %scan3A_84, %scan3A_85 : i32
      %scan3A_87 = arith.constant 1 : i32
      %scan3A_88 = scf.for %scan3A_120 = %scan3A_84 to %scan3A_86 step %scan3A_87 iter_args(%scan3A_121 = %scan3A_83) -> (i32)  : i32 {
        %broadcast_in_dim3A_122 = arith.constant 0 : i32
        %broadcast_in_dim3A_123 = vector.broadcast %broadcast_in_dim3A_122 : i32 to vector<16xi32>
        %scan3A_124 = arith.constant 0 : i32
        %scan3A_125 = arith.constant 16 : i32
        %scan3A_126 = arith.addi %scan3A_124, %scan3A_125 : i32
        %scan3A_127 = arith.constant 1 : i32
        %scan3A_128 = scf.for %scan3A_141 = %scan3A_124 to %scan3A_126 step %scan3A_127 iter_args(%scan3A_142 = %broadcast_in_dim3A_123) -> (vector<16xi32>)  : i32 {
          %mul3A_143 = arith.constant 256 : i32
          %mul3A_144 = arith.muli %scan3A_141, %mul3A_143 : i32
          %mul3A_145 = arith.constant 16 : i32
          %mul3A_146 = arith.muli %scan3A_120, %mul3A_145 : i32
          %add3A_147 = arith.addi %mul3A_144, %mul3A_146 : i32
          %get3A = arith.index_cast %add3A_147 : i32 to index
          %get3A_148 = tpu.vector_load %arg11[%get3A] {strides = array<i32>} : memref<4096xi32, #tpu.memory_space<vmem>>, vector<16xi32>,
          %get3A_149 = arith.index_cast %add3A_147 : i32 to index
          %get3A_150 = tpu.vector_load %arg12[%get3A_149] {strides = array<i32>} : memref<4096xi32, #tpu.memory_space<vmem>>, vector<16xi32>,
          %add3A_151 = arith.addi %get3A_148, %get3A_150 : vector<16xi32>
          %add3A_152 = arith.addi %scan3A_142, %add3A_151 : vector<16xi32>
          scf.yield %add3A_152 : vector<16xi32>
        }
        %scan3A_129 = arith.constant 16 : i32
        %broadcast_in_dim3A_130 = arith.constant true
        %broadcast_in_dim3A_131 = vector.broadcast %broadcast_in_dim3A_130 : i1 to vector<16xi1>
        %masked_cumsum3A = tpu.scan <sum>, %scan3A_128 masked %broadcast_in_dim3A_131 : vector<16xi32>, vector<16xi1> -> vector<16xi32>
        %sub3A = arith.subi %masked_cumsum3A, %scan3A_128 : vector<16xi32>
        %add3A_132 = vector.broadcast %scan3A_121 : i32 to vector<16xi32>
        %add3A_133 = arith.addi %sub3A, %add3A_132 : vector<16xi32>
        %mul3A_134 = arith.constant 16 : i32
        %mul3A_135 = arith.muli %scan3A_120, %mul3A_134 : i32
        %swap3A = arith.index_cast %mul3A_135 : i32 to index
        %swap3A_136 = tpu.vector_load %arg15[%swap3A] {strides = array<i32>} : memref<256xi32, #tpu.memory_space<vmem>>, vector<16xi32>,
        tpu.vector_store %arg15[%swap3A], %add3A_133 {strides = array<i32>} : memref<256xi32, #tpu.memory_space<vmem>>, vector<16xi32>,
        %reduce_sum3A = arith.constant true
        %reduce_sum3A_137 = vector.broadcast %reduce_sum3A : i1 to vector<16xi1>
        %reduce_sum3A_138 = tpu.scan <sum>, %scan3A_128 masked %reduce_sum3A_137 : vector<16xi32>, vector<16xi1> -> vector<16xi32>
        %reduce_sum3A_139 = vector.extract %reduce_sum3A_138[15] : i32 from vector<16xi32>
        %add3A_140 = arith.addi %scan3A_121, %reduce_sum3A_139 : i32
        scf.yield %add3A_140 : i32
      }
      %scan3A_89 = arith.constant 16 : i32
      %scan3A_90 = arith.constant 0 : i32
      %scan3A_91 = arith.constant 0 : i32
      %scan3A_92 = arith.constant 16 : i32
      %scan3A_93 = arith.addi %scan3A_91, %scan3A_92 : i32
      %scan3A_94 = arith.constant 1 : i32
      %scan3A_95 = scf.for %scan3A_120 = %scan3A_91 to %scan3A_93 step %scan3A_94 iter_args(%scan3A_121 = %scan3A_90) -> (i32)  : i32 {
        %mul3A_122 = arith.constant 16 : i32
        %mul3A_123 = arith.muli %scan3A_120, %mul3A_122 : i32
        %get3A = arith.index_cast %mul3A_123 : i32 to index
        %get3A_124 = tpu.vector_load %arg15[%get3A] {strides = array<i32>} : memref<256xi32, #tpu.memory_space<vmem>>, vector<16xi32>,
        %scan3A_125 = arith.constant 0 : i32
        %scan3A_126 = arith.constant 16 : i32
        %scan3A_127 = arith.addi %scan3A_125, %scan3A_126 : i32
        %scan3A_128 = arith.constant 1 : i32
        %scan3A_129 = scf.for %scan3A_132 = %scan3A_125 to %scan3A_127 step %scan3A_128 iter_args(%scan3A_133 = %get3A_124) -> (vector<16xi32>)  : i32 {
          %mul3A_134 = arith.constant 256 : i32
          %mul3A_135 = arith.muli %scan3A_132, %mul3A_134 : i32
          %mul3A_136 = arith.constant 16 : i32
          %mul3A_137 = arith.muli %scan3A_120, %mul3A_136 : i32
          %add3A_138 = arith.addi %mul3A_135, %mul3A_137 : i32
          %swap3A = arith.index_cast %add3A_138 : i32 to index
          %swap3A_139 = tpu.vector_load %arg13[%swap3A] {strides = array<i32>} : memref<4096xi32, #tpu.memory_space<vmem>>, vector<16xi32>,
          tpu.vector_store %arg13[%swap3A], %scan3A_133 {strides = array<i32>} : memref<4096xi32, #tpu.memory_space<vmem>>, vector<16xi32>,
          %get3A_140 = arith.index_cast %add3A_138 : i32 to index
          %get3A_141 = tpu.vector_load %arg11[%get3A_140] {strides = array<i32>} : memref<4096xi32, #tpu.memory_space<vmem>>, vector<16xi32>,
          %add3A_142 = arith.addi %scan3A_133, %get3A_141 : vector<16xi32>
          %broadcast_in_dim3A_143 = arith.constant 0 : i32
          %broadcast_in_dim3A_144 = vector.broadcast %broadcast_in_dim3A_143 : i32 to vector<16xi32>
          %swap3A_145 = arith.index_cast %add3A_138 : i32 to index
          %swap3A_146 = tpu.vector_load %arg11[%swap3A_145] {strides = array<i32>} : memref<4096xi32, #tpu.memory_space<vmem>>, vector<16xi32>,
          tpu.vector_store %arg11[%swap3A_145], %broadcast_in_dim3A_144 {strides = array<i32>} : memref<4096xi32, #tpu.memory_space<vmem>>, vector<16xi32>,
          %swap3A_147 = arith.index_cast %add3A_138 : i32 to index
          %swap3A_148 = tpu.vector_load %arg14[%swap3A_147] {strides = array<i32>} : memref<4096xi32, #tpu.memory_space<vmem>>, vector<16xi32>,
          tpu.vector_store %arg14[%swap3A_147], %add3A_142 {strides = array<i32>} : memref<4096xi32, #tpu.memory_space<vmem>>, vector<16xi32>,
          %get3A_149 = arith.index_cast %add3A_138 : i32 to index
          %get3A_150 = tpu.vector_load %arg12[%get3A_149] {strides = array<i32>} : memref<4096xi32, #tpu.memory_space<vmem>>, vector<16xi32>,
          %add3A_151 = arith.addi %add3A_142, %get3A_150 : vector<16xi32>
          %broadcast_in_dim3A_152 = arith.constant 0 : i32
          %broadcast_in_dim3A_153 = vector.broadcast %broadcast_in_dim3A_152 : i32 to vector<16xi32>
          %swap3A_154 = arith.index_cast %add3A_138 : i32 to index
          %swap3A_155 = tpu.vector_load %arg12[%swap3A_154] {strides = array<i32>} : memref<4096xi32, #tpu.memory_space<vmem>>, vector<16xi32>,
          tpu.vector_store %arg12[%swap3A_154], %broadcast_in_dim3A_153 {strides = array<i32>} : memref<4096xi32, #tpu.memory_space<vmem>>, vector<16xi32>,
          scf.yield %add3A_151 : vector<16xi32>
        }
        %scan3A_130 = arith.constant 16 : i32
        %scan3A_131 = arith.constant 0 : i32
        scf.yield %scan3A_131 : i32
      }
      %scan3A_96 = arith.constant 16 : i32
      %scan3A_97 = arith.constant 0 : i32
      %scan3A_98 = arith.constant 0 : i32
      %scan3A_99 = arith.constant 256 : i32
      %scan3A_100 = arith.addi %scan3A_98, %scan3A_99 : i32
      %scan3A_101 = arith.constant 2 : i32
      %scan3A_102 = scf.for %scan3A_120 = %scan3A_98 to %scan3A_100 step %scan3A_101 iter_args(%scan3A_121 = %scan3A_97) -> (i32)  : i32 {
        %mul3A_122 = arith.constant 512 : i32
        %mul3A_123 = vector.broadcast %mul3A_122 : i32 to vector<16xi32>
        %mul3A_124 = arith.muli %iota3A, %mul3A_123 : vector<16xi32>
        %add3A_125 = arith.constant 0 : i32
        %add3A_126 = arith.addi %add3A_125, %scan3A_120 : i32
        %add3A_127 = vector.broadcast %add3A_126 : i32 to vector<16xi32>
        %add3A_128 = arith.addi %mul3A_124, %add3A_127 : vector<16xi32>
        %gather3A = tpu.vector_load_idx %arg8[%add3A_128] : memref<8192xi32, #tpu.memory_space<vmem>>[vector<16xi32>], vector<16xi32>,
        %gather3A_129 = tpu.vector_load_idx %arg10[%add3A_128] : memref<8192xi32, #tpu.memory_space<vmem>>[vector<16xi32>], vector<16xi32>,
        %shift_right_logical3A = arith.constant 24 : i32
        %shift_right_logical3A_130 = vector.broadcast %shift_right_logical3A : i32 to vector<16xi32>
        %shift_right_logical3A_131 = arith.shrui %gather3A, %shift_right_logical3A_130 : vector<16xi32>
        %and3A = arith.constant 255 : i32
        %and3A_132 = vector.broadcast %and3A : i32 to vector<16xi32>
        %and3A_133 = arith.andi %shift_right_logical3A_131, %and3A_132 : vector<16xi32>
        %add3A_134 = arith.addi %mul3A_5, %and3A_133 : vector<16xi32>
        %gather3A_135 = tpu.vector_load_idx %arg13[%add3A_134] : memref<4096xi32, #tpu.memory_space<vmem>>[vector<16xi32>], vector<16xi32>,
        %add3A_136 = arith.addi %gather3A_135, %broadcast_in_dim3A_6 : vector<16xi32>
        tpu.vector_store_idx %arg13[%add3A_134], %add3A_136 : memref<4096xi32, #tpu.memory_space<vmem>>[vector<16xi32>], vector<16xi32>,
        tpu.vector_store_idx %arg7[%gather3A_135], %gather3A : memref<8192xi32, #tpu.memory_space<vmem>>[vector<16xi32>], vector<16xi32>,
        tpu.vector_store_idx %arg9[%gather3A_135], %gather3A_129 : memref<8192xi32, #tpu.memory_space<vmem>>[vector<16xi32>], vector<16xi32>,
        %mul3A_137 = arith.constant 512 : i32
        %mul3A_138 = vector.broadcast %mul3A_137 : i32 to vector<16xi32>
        %mul3A_139 = arith.muli %iota3A, %mul3A_138 : vector<16xi32>
        %add3A_140 = arith.constant 256 : i32
        %add3A_141 = arith.addi %add3A_140, %scan3A_120 : i32
        %add3A_142 = vector.broadcast %add3A_141 : i32 to vector<16xi32>
        %add3A_143 = arith.addi %mul3A_139, %add3A_142 : vector<16xi32>
        %gather3A_144 = tpu.vector_load_idx %arg8[%add3A_143] : memref<8192xi32, #tpu.memory_space<vmem>>[vector<16xi32>], vector<16xi32>,
        %gather3A_145 = tpu.vector_load_idx %arg10[%add3A_143] : memref<8192xi32, #tpu.memory_space<vmem>>[vector<16xi32>], vector<16xi32>,
        %shift_right_logical3A_146 = arith.constant 24 : i32
        %shift_right_logical3A_147 = vector.broadcast %shift_right_logical3A_146 : i32 to vector<16xi32>
        %shift_right_logical3A_148 = arith.shrui %gather3A_144, %shift_right_logical3A_147 : vector<16xi32>
        %and3A_149 = arith.constant 255 : i32
        %and3A_150 = vector.broadcast %and3A_149 : i32 to vector<16xi32>
        %and3A_151 = arith.andi %shift_right_logical3A_148, %and3A_150 : vector<16xi32>
        %add3A_152 = arith.addi %mul3A_5, %and3A_151 : vector<16xi32>
        %gather3A_153 = tpu.vector_load_idx %arg14[%add3A_152] : memref<4096xi32, #tpu.memory_space<vmem>>[vector<16xi32>], vector<16xi32>,
        %add3A_154 = arith.addi %gather3A_153, %broadcast_in_dim3A_6 : vector<16xi32>
        tpu.vector_store_idx %arg14[%add3A_152], %add3A_154 : memref<4096xi32, #tpu.memory_space<vmem>>[vector<16xi32>], vector<16xi32>,
        tpu.vector_store_idx %arg7[%gather3A_153], %gather3A_144 : memref<8192xi32, #tpu.memory_space<vmem>>[vector<16xi32>], vector<16xi32>,
        tpu.vector_store_idx %arg9[%gather3A_153], %gather3A_145 : memref<8192xi32, #tpu.memory_space<vmem>>[vector<16xi32>], vector<16xi32>,
        %scan3A_155 = arith.constant 0 : i32
        %scan3A_156 = arith.constant 1 : i32
        %scan3A_157 = arith.addi %scan3A_120, %scan3A_156 : i32
        %mul3A_158 = arith.constant 512 : i32
        %mul3A_159 = vector.broadcast %mul3A_158 : i32 to vector<16xi32>
        %mul3A_160 = arith.muli %iota3A, %mul3A_159 : vector<16xi32>
        %add3A_161 = arith.constant 0 : i32
        %add3A_162 = arith.addi %add3A_161, %scan3A_157 : i32
        %add3A_163 = vector.broadcast %add3A_162 : i32 to vector<16xi32>
        %add3A_164 = arith.addi %mul3A_160, %add3A_163 : vector<16xi32>
        %gather3A_165 = tpu.vector_load_idx %arg8[%add3A_164] : memref<8192xi32, #tpu.memory_space<vmem>>[vector<16xi32>], vector<16xi32>,
        %gather3A_166 = tpu.vector_load_idx %arg10[%add3A_164] : memref<8192xi32, #tpu.memory_space<vmem>>[vector<16xi32>], vector<16xi32>,
        %shift_right_logical3A_167 = arith.constant 24 : i32
        %shift_right_logical3A_168 = vector.broadcast %shift_right_logical3A_167 : i32 to vector<16xi32>
        %shift_right_logical3A_169 = arith.shrui %gather3A_165, %shift_right_logical3A_168 : vector<16xi32>
        %and3A_170 = arith.constant 255 : i32
        %and3A_171 = vector.broadcast %and3A_170 : i32 to vector<16xi32>
        %and3A_172 = arith.andi %shift_right_logical3A_169, %and3A_171 : vector<16xi32>
        %add3A_173 = arith.addi %mul3A_5, %and3A_172 : vector<16xi32>
        %gather3A_174 = tpu.vector_load_idx %arg13[%add3A_173] : memref<4096xi32, #tpu.memory_space<vmem>>[vector<16xi32>], vector<16xi32>,
        %add3A_175 = arith.addi %gather3A_174, %broadcast_in_dim3A_6 : vector<16xi32>
        tpu.vector_store_idx %arg13[%add3A_173], %add3A_175 : memref<4096xi32, #tpu.memory_space<vmem>>[vector<16xi32>], vector<16xi32>,
        tpu.vector_store_idx %arg7[%gather3A_174], %gather3A_165 : memref<8192xi32, #tpu.memory_space<vmem>>[vector<16xi32>], vector<16xi32>,
        tpu.vector_store_idx %arg9[%gather3A_174], %gather3A_166 : memref<8192xi32, #tpu.memory_space<vmem>>[vector<16xi32>], vector<16xi32>,
        %mul3A_176 = arith.constant 512 : i32
        %mul3A_177 = vector.broadcast %mul3A_176 : i32 to vector<16xi32>
        %mul3A_178 = arith.muli %iota3A, %mul3A_177 : vector<16xi32>
        %add3A_179 = arith.constant 256 : i32
        %add3A_180 = arith.addi %add3A_179, %scan3A_157 : i32
        %add3A_181 = vector.broadcast %add3A_180 : i32 to vector<16xi32>
        %add3A_182 = arith.addi %mul3A_178, %add3A_181 : vector<16xi32>
        %gather3A_183 = tpu.vector_load_idx %arg8[%add3A_182] : memref<8192xi32, #tpu.memory_space<vmem>>[vector<16xi32>], vector<16xi32>,
        %gather3A_184 = tpu.vector_load_idx %arg10[%add3A_182] : memref<8192xi32, #tpu.memory_space<vmem>>[vector<16xi32>], vector<16xi32>,
        %shift_right_logical3A_185 = arith.constant 24 : i32
        %shift_right_logical3A_186 = vector.broadcast %shift_right_logical3A_185 : i32 to vector<16xi32>
        %shift_right_logical3A_187 = arith.shrui %gather3A_183, %shift_right_logical3A_186 : vector<16xi32>
        %and3A_188 = arith.constant 255 : i32
        %and3A_189 = vector.broadcast %and3A_188 : i32 to vector<16xi32>
        %and3A_190 = arith.andi %shift_right_logical3A_187, %and3A_189 : vector<16xi32>
        %add3A_191 = arith.addi %mul3A_5, %and3A_190 : vector<16xi32>
        %gather3A_192 = tpu.vector_load_idx %arg14[%add3A_191] : memref<4096xi32, #tpu.memory_space<vmem>>[vector<16xi32>], vector<16xi32>,
        %add3A_193 = arith.addi %gather3A_192, %broadcast_in_dim3A_6 : vector<16xi32>
        tpu.vector_store_idx %arg14[%add3A_191], %add3A_193 : memref<4096xi32, #tpu.memory_space<vmem>>[vector<16xi32>], vector<16xi32>,
        tpu.vector_store_idx %arg7[%gather3A_192], %gather3A_183 : memref<8192xi32, #tpu.memory_space<vmem>>[vector<16xi32>], vector<16xi32>,
        tpu.vector_store_idx %arg9[%gather3A_192], %gather3A_184 : memref<8192xi32, #tpu.memory_space<vmem>>[vector<16xi32>], vector<16xi32>,
        %scan3A_194 = arith.constant 0 : i32
        scf.yield %scan3A_194 : i32
      }
      %scan3A_103 = arith.constant 256 : i32
      "tpu.region"() ({
        %run_scoped3A = tpu.sem_alloc : memref<!tpu.dma_semaphore, #tpu.memory_space<semaphore_mem>>
        %dma_start3A = arith.constant 0 : i32
        %dma_start3A_120 = tpu.memref_slice %arg3[%add3A, %dma_start3A] : memref<8x8192xi32, #tpu.memory_space<hbm>> -> memref<1x8192xi32, #tpu.memory_space<hbm>>
        %dma_start3A_121 = tpu.memref_squeeze %dma_start3A_120 : memref<1x8192xi32, #tpu.memory_space<hbm>> -> memref<8192xi32, #tpu.memory_space<hbm>>
        %dma_start3A_122 = arith.constant 0 : i32
        %dma_start3A_123 = tpu.memref_slice %arg3[%add3A, %dma_start3A_122] : memref<8x8192xi32, #tpu.memory_space<hbm>> -> memref<1x8192xi32, #tpu.memory_space<hbm>>
        %dma_start3A_124 = tpu.memref_squeeze %dma_start3A_123 : memref<1x8192xi32, #tpu.memory_space<hbm>> -> memref<8192xi32, #tpu.memory_space<hbm>>
        tpu.enqueue_dma source(%arg9 : memref<8192xi32, #tpu.memory_space<vmem>>) target(%dma_start3A_124 : memref<8192xi32, #tpu.memory_space<hbm>>) target_semaphore(%run_scoped3A : memref<!tpu.dma_semaphore, #tpu.memory_space<semaphore_mem>>)
        %dma_wait3A = arith.constant 0 : i32
        %dma_wait3A_125 = tpu.memref_slice %arg3[%add3A, %dma_wait3A] : memref<8x8192xi32, #tpu.memory_space<hbm>> -> memref<1x8192xi32, #tpu.memory_space<hbm>>
        %dma_wait3A_126 = tpu.memref_squeeze %dma_wait3A_125 : memref<1x8192xi32, #tpu.memory_space<hbm>> -> memref<8192xi32, #tpu.memory_space<hbm>>
        %dma_wait3A_127 = arith.constant 0 : i32
        %dma_wait3A_128 = tpu.memref_slice %arg3[%add3A, %dma_wait3A_127] : memref<8x8192xi32, #tpu.memory_space<hbm>> -> memref<1x8192xi32, #tpu.memory_space<hbm>>
        %dma_wait3A_129 = tpu.memref_squeeze %dma_wait3A_128 : memref<1x8192xi32, #tpu.memory_space<hbm>> -> memref<8192xi32, #tpu.memory_space<hbm>>
        tpu.wait_dma2 semaphore(%run_scoped3A : memref<!tpu.dma_semaphore, #tpu.memory_space<semaphore_mem>>) src(%arg9 : memref<8192xi32, #tpu.memory_space<vmem>>) dst(%dma_wait3A_129 : memref<8192xi32, #tpu.memory_space<hbm>>)
        tpu.yield
      }) : () -> ()
      "tpu.region"() ({
        %run_scoped3A = tpu.sem_alloc : memref<!tpu.dma_semaphore, #tpu.memory_space<semaphore_mem>>
        %dma_start3A = arith.constant 0 : i32
        %dma_start3A_120 = tpu.memref_slice %arg4[%add3A, %dma_start3A] : memref<8x8192xi32, #tpu.memory_space<hbm>> -> memref<1x8192xi32, #tpu.memory_space<hbm>>
        %dma_start3A_121 = tpu.memref_squeeze %dma_start3A_120 : memref<1x8192xi32, #tpu.memory_space<hbm>> -> memref<8192xi32, #tpu.memory_space<hbm>>
        %dma_start3A_122 = arith.constant 0 : i32
        %dma_start3A_123 = tpu.memref_slice %arg4[%add3A, %dma_start3A_122] : memref<8x8192xi32, #tpu.memory_space<hbm>> -> memref<1x8192xi32, #tpu.memory_space<hbm>>
        %dma_start3A_124 = tpu.memref_squeeze %dma_start3A_123 : memref<1x8192xi32, #tpu.memory_space<hbm>> -> memref<8192xi32, #tpu.memory_space<hbm>>
        tpu.enqueue_dma source(%arg7 : memref<8192xi32, #tpu.memory_space<vmem>>) target(%dma_start3A_124 : memref<8192xi32, #tpu.memory_space<hbm>>) target_semaphore(%run_scoped3A : memref<!tpu.dma_semaphore, #tpu.memory_space<semaphore_mem>>)
        %dma_wait3A = arith.constant 0 : i32
        %dma_wait3A_125 = tpu.memref_slice %arg4[%add3A, %dma_wait3A] : memref<8x8192xi32, #tpu.memory_space<hbm>> -> memref<1x8192xi32, #tpu.memory_space<hbm>>
        %dma_wait3A_126 = tpu.memref_squeeze %dma_wait3A_125 : memref<1x8192xi32, #tpu.memory_space<hbm>> -> memref<8192xi32, #tpu.memory_space<hbm>>
        %dma_wait3A_127 = arith.constant 0 : i32
        %dma_wait3A_128 = tpu.memref_slice %arg4[%add3A, %dma_wait3A_127] : memref<8x8192xi32, #tpu.memory_space<hbm>> -> memref<1x8192xi32, #tpu.memory_space<hbm>>
        %dma_wait3A_129 = tpu.memref_squeeze %dma_wait3A_128 : memref<1x8192xi32, #tpu.memory_space<hbm>> -> memref<8192xi32, #tpu.memory_space<hbm>>
        tpu.wait_dma2 semaphore(%run_scoped3A : memref<!tpu.dma_semaphore, #tpu.memory_space<semaphore_mem>>) src(%arg7 : memref<8192xi32, #tpu.memory_space<vmem>>) dst(%dma_wait3A_129 : memref<8192xi32, #tpu.memory_space<hbm>>)
        tpu.yield
      }) : () -> ()
      %scan3A_104 = arith.constant 0 : i32
      %scan3A_105 = arith.constant 0 : i32
      %scan3A_106 = arith.constant 512 : i32
      %scan3A_107 = arith.addi %scan3A_105, %scan3A_106 : i32
      %scan3A_108 = arith.constant 1 : i32
      %scan3A_109 = scf.for %scan3A_120 = %scan3A_105 to %scan3A_107 step %scan3A_108 iter_args(%scan3A_121 = %scan3A_104) -> (i32)  : i32 {
        %broadcast_in_dim3A_122 = arith.constant 0.000000e+00 : f32
        %broadcast_in_dim3A_123 = vector.broadcast %broadcast_in_dim3A_122 : f32 to vector<16xf32>
        %mul3A_124 = arith.constant 16 : i32
        %mul3A_125 = arith.muli %scan3A_120, %mul3A_124 : i32
        %swap3A = arith.index_cast %mul3A_125 : i32 to index
        %swap3A_126 = tpu.vector_load %arg6[%swap3A] {strides = array<i32>} : memref<8192xf32, #tpu.memory_space<vmem>>, vector<16xf32>,
        tpu.vector_store %arg6[%swap3A], %broadcast_in_dim3A_123 {strides = array<i32>} : memref<8192xf32, #tpu.memory_space<vmem>>, vector<16xf32>,
        %scan3A_127 = arith.constant 0 : i32
        scf.yield %scan3A_127 : i32
      }
      %scan3A_110 = arith.constant 512 : i32
      %broadcast_in_dim3A_111 = arith.constant 1.000000e+00 : f32
      %broadcast_in_dim3A_112 = vector.broadcast %broadcast_in_dim3A_111 : f32 to vector<16xf32>
      %scan3A_113 = arith.constant 0 : i32
      %scan3A_114 = arith.constant 0 : i32
      %scan3A_115 = arith.constant 256 : i32
      %scan3A_116 = arith.addi %scan3A_114, %scan3A_115 : i32
      %scan3A_117 = arith.constant 1 : i32
      %scan3A_118 = scf.for %scan3A_120 = %scan3A_114 to %scan3A_116 step %scan3A_117 iter_args(%scan3A_121 = %scan3A_113) -> (i32)  : i32 {
        %mul3A_122 = arith.constant 16 : i32
        %mul3A_123 = arith.muli %scan3A_120, %mul3A_122 : i32
        %get3A = arith.index_cast %mul3A_123 : i32 to index
        %get3A_124 = tpu.vector_load %arg9[%get3A] {strides = array<i32>} : memref<8192xi32, #tpu.memory_space<vmem>>, vector<16xi32>,
        tpu.vector_store_idx %arg6[%get3A_124], %broadcast_in_dim3A_112 : memref<8192xf32, #tpu.memory_space<vmem>>[vector<16xi32>], vector<16xf32>,
        %scan3A_125 = arith.constant 0 : i32
        scf.yield %scan3A_125 : i32
      }
      %scan3A_119 = arith.constant 256 : i32
      "tpu.region"() ({
        %run_scoped3A = tpu.sem_alloc : memref<!tpu.dma_semaphore, #tpu.memory_space<semaphore_mem>>
        %dma_start3A = arith.constant 0 : i32
        %dma_start3A_120 = tpu.memref_slice %arg5[%add3A, %dma_start3A] : memref<8x8192xf32, #tpu.memory_space<hbm>> -> memref<1x8192xf32, #tpu.memory_space<hbm>>
        %dma_start3A_121 = tpu.memref_squeeze %dma_start3A_120 : memref<1x8192xf32, #tpu.memory_space<hbm>> -> memref<8192xf32, #tpu.memory_space<hbm>>
        %dma_start3A_122 = arith.constant 0 : i32
        %dma_start3A_123 = tpu.memref_slice %arg5[%add3A, %dma_start3A_122] : memref<8x8192xf32, #tpu.memory_space<hbm>> -> memref<1x8192xf32, #tpu.memory_space<hbm>>
        %dma_start3A_124 = tpu.memref_squeeze %dma_start3A_123 : memref<1x8192xf32, #tpu.memory_space<hbm>> -> memref<8192xf32, #tpu.memory_space<hbm>>
        tpu.enqueue_dma source(%arg6 : memref<8192xf32, #tpu.memory_space<vmem>>) target(%dma_start3A_124 : memref<8192xf32, #tpu.memory_space<hbm>>) target_semaphore(%run_scoped3A : memref<!tpu.dma_semaphore, #tpu.memory_space<semaphore_mem>>)
        %dma_wait3A = arith.constant 0 : i32
        %dma_wait3A_125 = tpu.memref_slice %arg5[%add3A, %dma_wait3A] : memref<8x8192xf32, #tpu.memory_space<hbm>> -> memref<1x8192xf32, #tpu.memory_space<hbm>>
        %dma_wait3A_126 = tpu.memref_squeeze %dma_wait3A_125 : memref<1x8192xf32, #tpu.memory_space<hbm>> -> memref<8192xf32, #tpu.memory_space<hbm>>
        %dma_wait3A_127 = arith.constant 0 : i32
        %dma_wait3A_128 = tpu.memref_slice %arg5[%add3A, %dma_wait3A_127] : memref<8x8192xf32, #tpu.memory_space<hbm>> -> memref<1x8192xf32, #tpu.memory_space<hbm>>
        %dma_wait3A_129 = tpu.memref_squeeze %dma_wait3A_128 : memref<1x8192xf32, #tpu.memory_space<hbm>> -> memref<8192xf32, #tpu.memory_space<hbm>>
        tpu.wait_dma2 semaphore(%run_scoped3A : memref<!tpu.dma_semaphore, #tpu.memory_space<semaphore_mem>>) src(%arg6 : memref<8192xf32, #tpu.memory_space<vmem>>) dst(%dma_wait3A_129 : memref<8192xf32, #tpu.memory_space<hbm>>)
        tpu.yield
      }) : () -> ()
    } else {
    }
    return
  }
}

module attributes {stable_mosaic.version = 14 : i64} {
  func.func @_attn_combine_body(%arg0: memref<8x8192xf32, #tpu.memory_space<vmem>>, %arg1: memref<8x8192xf32, #tpu.memory_space<vmem>>, %arg2: memref<8x8192xf32, #tpu.memory_space<vmem>>, %arg3: memref<8x8192xf32, #tpu.memory_space<vmem>>) attributes {dimension_semantics = [], scalar_prefetch = 0 : i64, scratch_operands = 0 : i64, tpu.core_type = #tpu.core_type<tc>} {
    %get3A = arith.constant 0 : index
    %get3A_0 = arith.constant 0 : index
    %get3A_1 = vector.load %arg0[%get3A, %get3A_0] : memref<8x8192xf32, #tpu.memory_space<vmem>>, vector<8x8192xf32>
    %reduce_min3A = arith.constant dense<0x7F800000> : vector<8xf32>
    %reduce_min3A_2 = vector.multi_reduction <minimumf>, %get3A_1, %reduce_min3A [1] : vector<8x8192xf32> to vector<8xf32>
    %broadcast_in_dim3A = vector.shape_cast %reduce_min3A_2 : vector<8xf32> to vector<8x1xf32>
    %reduce_max3A = arith.constant dense<0xFF800000> : vector<8xf32>
    %reduce_max3A_3 = vector.multi_reduction <maximumf>, %get3A_1, %reduce_max3A [1] : vector<8x8192xf32> to vector<8xf32>
    %broadcast_in_dim3A_4 = vector.shape_cast %reduce_max3A_3 : vector<8xf32> to vector<8x1xf32>
    %sub3A = vector.broadcast %broadcast_in_dim3A : vector<8x1xf32> to vector<8x8192xf32>
    %sub3A_5 = arith.subf %get3A_1, %sub3A : vector<8x8192xf32>
    %sub3A_6 = arith.subf %broadcast_in_dim3A_4, %broadcast_in_dim3A : vector<8x1xf32>
    %add3A = arith.constant 9.99999993E-9 : f32
    %add3A_7 = vector.broadcast %add3A : f32 to vector<8x1xf32>
    %add3A_8 = arith.addf %sub3A_6, %add3A_7 : vector<8x1xf32>
    %div3A = vector.broadcast %add3A_8 : vector<8x1xf32> to vector<8x8192xf32>
    %div3A_9 = arith.divf %sub3A_5, %div3A : vector<8x8192xf32>
    %get3A_10 = arith.constant 0 : index
    %get3A_11 = arith.constant 0 : index
    %get3A_12 = vector.load %arg1[%get3A_10, %get3A_11] : memref<8x8192xf32, #tpu.memory_space<vmem>>, vector<8x8192xf32>
    %reduce_min3A_13 = arith.constant dense<0x7F800000> : vector<8xf32>
    %reduce_min3A_14 = vector.multi_reduction <minimumf>, %get3A_12, %reduce_min3A_13 [1] : vector<8x8192xf32> to vector<8xf32>
    %broadcast_in_dim3A_15 = vector.shape_cast %reduce_min3A_14 : vector<8xf32> to vector<8x1xf32>
    %reduce_max3A_16 = arith.constant dense<0xFF800000> : vector<8xf32>
    %reduce_max3A_17 = vector.multi_reduction <maximumf>, %get3A_12, %reduce_max3A_16 [1] : vector<8x8192xf32> to vector<8xf32>
    %broadcast_in_dim3A_18 = vector.shape_cast %reduce_max3A_17 : vector<8xf32> to vector<8x1xf32>
    %sub3A_19 = vector.broadcast %broadcast_in_dim3A_15 : vector<8x1xf32> to vector<8x8192xf32>
    %sub3A_20 = arith.subf %get3A_12, %sub3A_19 : vector<8x8192xf32>
    %sub3A_21 = arith.subf %broadcast_in_dim3A_18, %broadcast_in_dim3A_15 : vector<8x1xf32>
    %add3A_22 = arith.constant 9.99999993E-9 : f32
    %add3A_23 = vector.broadcast %add3A_22 : f32 to vector<8x1xf32>
    %add3A_24 = arith.addf %sub3A_21, %add3A_23 : vector<8x1xf32>
    %div3A_25 = vector.broadcast %add3A_24 : vector<8x1xf32> to vector<8x8192xf32>
    %div3A_26 = arith.divf %sub3A_20, %div3A_25 : vector<8x8192xf32>
    %get3A_27 = arith.constant 0 : index
    %get3A_28 = arith.constant 0 : index
    %get3A_29 = vector.load %arg2[%get3A_27, %get3A_28] : memref<8x8192xf32, #tpu.memory_space<vmem>>, vector<8x8192xf32>
    %reduce_min3A_30 = arith.constant dense<0x7F800000> : vector<8xf32>
    %reduce_min3A_31 = vector.multi_reduction <minimumf>, %get3A_29, %reduce_min3A_30 [1] : vector<8x8192xf32> to vector<8xf32>
    %broadcast_in_dim3A_32 = vector.shape_cast %reduce_min3A_31 : vector<8xf32> to vector<8x1xf32>
    %reduce_max3A_33 = arith.constant dense<0xFF800000> : vector<8xf32>
    %reduce_max3A_34 = vector.multi_reduction <maximumf>, %get3A_29, %reduce_max3A_33 [1] : vector<8x8192xf32> to vector<8xf32>
    %broadcast_in_dim3A_35 = vector.shape_cast %reduce_max3A_34 : vector<8xf32> to vector<8x1xf32>
    %sub3A_36 = vector.broadcast %broadcast_in_dim3A_32 : vector<8x1xf32> to vector<8x8192xf32>
    %sub3A_37 = arith.subf %get3A_29, %sub3A_36 : vector<8x8192xf32>
    %sub3A_38 = arith.subf %broadcast_in_dim3A_35, %broadcast_in_dim3A_32 : vector<8x1xf32>
    %add3A_39 = arith.constant 9.99999993E-9 : f32
    %add3A_40 = vector.broadcast %add3A_39 : f32 to vector<8x1xf32>
    %add3A_41 = arith.addf %sub3A_38, %add3A_40 : vector<8x1xf32>
    %div3A_42 = vector.broadcast %add3A_41 : vector<8x1xf32> to vector<8x8192xf32>
    %div3A_43 = arith.divf %sub3A_37, %div3A_42 : vector<8x8192xf32>
    %add3A_44 = arith.addf %div3A_26, %div3A_43 : vector<8x8192xf32>
    %mul3A = arith.constant 2.000000e+00 : f32
    %mul3A_45 = vector.broadcast %mul3A : f32 to vector<8x8192xf32>
    %mul3A_46 = arith.mulf %mul3A_45, %div3A_9 : vector<8x8192xf32>
    %add3A_47 = arith.addf %add3A_44, %mul3A_46 : vector<8x8192xf32>
    %swap3A = arith.constant 0 : index
    %swap3A_48 = arith.constant 0 : index
    %swap3A_49 = vector.load %arg3[%swap3A, %swap3A_48] : memref<8x8192xf32, #tpu.memory_space<vmem>>, vector<8x8192xf32>
    tpu.vector_store %arg3[%swap3A, %swap3A_48], %add3A_47 {strides = array<i32>} : memref<8x8192xf32, #tpu.memory_space<vmem>>, vector<8x8192xf32>,
    return
  }
}

module attributes {stable_mosaic.version = 14 : i64} {
  func.func @_mlp_body(%arg0: i32, %arg1: i32, %arg2: memref<1x2048x512xf32, #tpu.memory_space<vmem>>, %arg3: memref<512x128xf32, #tpu.memory_space<vmem>>, %arg4: memref<1x128xf32, #tpu.memory_space<vmem>>, %arg5: memref<128x1xf32, #tpu.memory_space<vmem>>, %arg6: memref<1x1xf32, #tpu.memory_space<vmem>>, %arg7: memref<1x2048x1xf32, #tpu.memory_space<vmem>>) attributes {dimension_semantics = [#tpu.dimension_semantics<arbitrary>, #tpu.dimension_semantics<arbitrary>], iteration_bounds = array<i64: 8, 4>, scalar_prefetch = 0 : i64, scratch_operands = 0 : i64, tpu.core_type = #tpu.core_type<tc>, window_params = [{transform_indices = @transform_0, window_bounds = array<i64: 1, 2048, 512>}, {pipeline_mode = #tpu.pipeline_mode<synchronous>, transform_indices = @transform_1, window_bounds = array<i64: 512, 128>}, {pipeline_mode = #tpu.pipeline_mode<synchronous>, transform_indices = @transform_2, window_bounds = array<i64: 1, 128>}, {pipeline_mode = #tpu.pipeline_mode<synchronous>, transform_indices = @transform_3, window_bounds = array<i64: 128, 1>}, {pipeline_mode = #tpu.pipeline_mode<synchronous>, transform_indices = @transform_4, window_bounds = array<i64: 1, 1>}, {transform_indices = @transform_5, window_bounds = array<i64: 1, 2048, 1>}]} {
    %get3A = arith.constant 0 : index
    %get3A_0 = arith.constant 0 : index
    %get3A_1 = arith.constant 0 : index
    %get3A_2 = vector.load %arg2[%get3A, %get3A_0, %get3A_1] : memref<1x2048x512xf32, #tpu.memory_space<vmem>>, vector<1x2048x512xf32>
    %get3A_3 = vector.shape_cast %get3A_2 : vector<1x2048x512xf32> to vector<2048x512xf32>
    %get3A_4 = arith.constant 0 : index
    %get3A_5 = arith.constant 0 : index
    %get3A_6 = vector.load %arg3[%get3A_4, %get3A_5] : memref<512x128xf32, #tpu.memory_space<vmem>>, vector<512x128xf32>
    %dot_general3A = arith.constant dense<0.000000e+00> : vector<2048x128xf32>
    %dot_general3A_7 = tpu.matmul %get3A_3, %get3A_6, %dot_general3A {dimension_numbers = #tpu.dot_dimension_numbers<[1], [0], [0], [1], [0, 0, 1, 1], [], []>, transpose_lhs_hint = false} : vector<2048x512xf32>, vector<512x128xf32>, vector<2048x128xf32> -> vector<2048x128xf32>
    %get3A_8 = arith.constant 0 : index
    %get3A_9 = arith.constant 0 : index
    %get3A_10 = vector.load %arg4[%get3A_8, %get3A_9] : memref<1x128xf32, #tpu.memory_space<vmem>>, vector<1x128xf32>
    %add3A = vector.broadcast %get3A_10 : vector<1x128xf32> to vector<2048x128xf32>
    %add3A_11 = arith.addf %dot_general3A_7, %add3A : vector<2048x128xf32>
    %mul3A = arith.constant 5.000000e-01 : f32
    %mul3A_12 = vector.broadcast %mul3A : f32 to vector<2048x128xf32>
    %mul3A_13 = arith.mulf %mul3A_12, %add3A_11 : vector<2048x128xf32>
    %neg3A = arith.constant 0.000000e+00 : f32
    %neg3A_14 = vector.broadcast %neg3A : f32 to vector<2048x128xf32>
    %neg3A_15 = arith.subf %neg3A_14, %add3A_11 : vector<2048x128xf32>
    %mul3A_16 = arith.constant 0.707106769 : f32
    %mul3A_17 = vector.broadcast %mul3A_16 : f32 to vector<2048x128xf32>
    %mul3A_18 = arith.mulf %neg3A_15, %mul3A_17 : vector<2048x128xf32>
    %mul3A_19 = arith.mulf %mul3A_18, %mul3A_18 : vector<2048x128xf32>
    %mul3A_20 = arith.constant 7.85386146E-5 : f32
    %mul3A_21 = vector.broadcast %mul3A_20 : f32 to vector<2048x128xf32>
    %mul3A_22 = arith.mulf %mul3A_19, %mul3A_21 : vector<2048x128xf32>
    %add3A_23 = arith.constant -8.0101937E-4 : f32
    %add3A_24 = vector.broadcast %add3A_23 : f32 to vector<2048x128xf32>
    %add3A_25 = arith.addf %mul3A_22, %add3A_24 : vector<2048x128xf32>
    %mul3A_26 = arith.mulf %add3A_25, %mul3A_19 : vector<2048x128xf32>
    %add3A_27 = arith.constant 0.00518832775 : f32
    %add3A_28 = vector.broadcast %add3A_27 : f32 to vector<2048x128xf32>
    %add3A_29 = arith.addf %mul3A_26, %add3A_28 : vector<2048x128xf32>
    %mul3A_30 = arith.mulf %add3A_29, %mul3A_19 : vector<2048x128xf32>
    %add3A_31 = arith.constant -0.0268538129 : f32
    %add3A_32 = vector.broadcast %add3A_31 : f32 to vector<2048x128xf32>
    %add3A_33 = arith.addf %mul3A_30, %add3A_32 : vector<2048x128xf32>
    %mul3A_34 = arith.mulf %add3A_33, %mul3A_19 : vector<2048x128xf32>
    %add3A_35 = arith.constant 0.112835854 : f32
    %add3A_36 = vector.broadcast %add3A_35 : f32 to vector<2048x128xf32>
    %add3A_37 = arith.addf %mul3A_34, %add3A_36 : vector<2048x128xf32>
    %mul3A_38 = arith.mulf %add3A_37, %mul3A_19 : vector<2048x128xf32>
    %add3A_39 = arith.constant -0.37612626 : f32
    %add3A_40 = vector.broadcast %add3A_39 : f32 to vector<2048x128xf32>
    %add3A_41 = arith.addf %mul3A_38, %add3A_40 : vector<2048x128xf32>
    %mul3A_42 = arith.mulf %add3A_41, %mul3A_19 : vector<2048x128xf32>
    %add3A_43 = arith.constant 1.12837911 : f32
    %add3A_44 = vector.broadcast %add3A_43 : f32 to vector<2048x128xf32>
    %add3A_45 = arith.addf %mul3A_42, %add3A_44 : vector<2048x128xf32>
    %mul3A_46 = arith.mulf %mul3A_18, %add3A_45 : vector<2048x128xf32>
    %sub3A = arith.constant 1.000000e+00 : f32
    %sub3A_47 = vector.broadcast %sub3A : f32 to vector<2048x128xf32>
    %sub3A_48 = arith.subf %sub3A_47, %mul3A_46 : vector<2048x128xf32>
    %abs3A = math.absf %mul3A_18 : vector<2048x128xf32>
    %div3A = arith.constant 1.000000e+00 : f32
    %div3A_49 = vector.broadcast %div3A : f32 to vector<2048x128xf32>
    %div3A_50 = arith.divf %div3A_49, %abs3A : vector<2048x128xf32>
    %neg3A_51 = arith.constant 0.000000e+00 : f32
    %neg3A_52 = vector.broadcast %neg3A_51 : f32 to vector<2048x128xf32>
    %neg3A_53 = arith.subf %neg3A_52, %mul3A_19 : vector<2048x128xf32>
    %exp3A = math.exp %neg3A_53 : vector<2048x128xf32>
    %mul3A_54 = arith.mulf %exp3A, %div3A_50 : vector<2048x128xf32>
    %div3A_55 = arith.constant 1.000000e+00 : f32
    %div3A_56 = vector.broadcast %div3A_55 : f32 to vector<2048x128xf32>
    %div3A_57 = arith.divf %div3A_56, %mul3A_19 : vector<2048x128xf32>
    %mul3A_58 = arith.constant 2.326820e-02 : f32
    %mul3A_59 = vector.broadcast %mul3A_58 : f32 to vector<2048x128xf32>
    %mul3A_60 = arith.mulf %div3A_57, %mul3A_59 : vector<2048x128xf32>
    %add3A_61 = arith.constant -0.138703942 : f32
    %add3A_62 = vector.broadcast %add3A_61 : f32 to vector<2048x128xf32>
    %add3A_63 = arith.addf %mul3A_60, %add3A_62 : vector<2048x128xf32>
    %mul3A_64 = arith.mulf %add3A_63, %div3A_57 : vector<2048x128xf32>
    %add3A_65 = arith.constant 0.368742466 : f32
    %add3A_66 = vector.broadcast %add3A_65 : f32 to vector<2048x128xf32>
    %add3A_67 = arith.addf %mul3A_64, %add3A_66 : vector<2048x128xf32>
    %mul3A_68 = arith.mulf %add3A_67, %div3A_57 : vector<2048x128xf32>
    %add3A_69 = arith.constant -0.582473278 : f32
    %add3A_70 = vector.broadcast %add3A_69 : f32 to vector<2048x128xf32>
    %add3A_71 = arith.addf %mul3A_68, %add3A_70 : vector<2048x128xf32>
    %mul3A_72 = arith.mulf %add3A_71, %div3A_57 : vector<2048x128xf32>
    %add3A_73 = arith.constant 0.621000468 : f32
    %add3A_74 = vector.broadcast %add3A_73 : f32 to vector<2048x128xf32>
    %add3A_75 = arith.addf %mul3A_72, %add3A_74 : vector<2048x128xf32>
    %mul3A_76 = arith.mulf %add3A_75, %div3A_57 : vector<2048x128xf32>
    %add3A_77 = arith.constant -0.494451523 : f32
    %add3A_78 = vector.broadcast %add3A_77 : f32 to vector<2048x128xf32>
    %add3A_79 = arith.addf %mul3A_76, %add3A_78 : vector<2048x128xf32>
    %mul3A_80 = arith.mulf %add3A_79, %div3A_57 : vector<2048x128xf32>
    %add3A_81 = arith.constant 3.404880e-01 : f32
    %add3A_82 = vector.broadcast %add3A_81 : f32 to vector<2048x128xf32>
    %add3A_83 = arith.addf %mul3A_80, %add3A_82 : vector<2048x128xf32>
    %mul3A_84 = arith.mulf %add3A_83, %div3A_57 : vector<2048x128xf32>
    %add3A_85 = arith.constant -0.274112701 : f32
    %add3A_86 = vector.broadcast %add3A_85 : f32 to vector<2048x128xf32>
    %add3A_87 = arith.addf %mul3A_84, %add3A_86 : vector<2048x128xf32>
    %mul3A_88 = arith.mulf %add3A_87, %div3A_57 : vector<2048x128xf32>
    %add3A_89 = arith.constant 0.563825965 : f32
    %add3A_90 = vector.broadcast %add3A_89 : f32 to vector<2048x128xf32>
    %add3A_91 = arith.addf %mul3A_88, %add3A_90 : vector<2048x128xf32>
    %mul3A_92 = arith.constant -10.477664 : f32
    %mul3A_93 = vector.broadcast %mul3A_92 : f32 to vector<2048x128xf32>
    %mul3A_94 = arith.mulf %div3A_57, %mul3A_93 : vector<2048x128xf32>
    %add3A_95 = arith.constant 1.297720e+01 : f32
    %add3A_96 = vector.broadcast %add3A_95 : f32 to vector<2048x128xf32>
    %add3A_97 = arith.addf %mul3A_94, %add3A_96 : vector<2048x128xf32>
    %mul3A_98 = arith.mulf %add3A_97, %div3A_57 : vector<2048x128xf32>
    %add3A_99 = arith.constant -7.49551868 : f32
    %add3A_100 = vector.broadcast %add3A_99 : f32 to vector<2048x128xf32>
    %add3A_101 = arith.addf %mul3A_98, %add3A_100 : vector<2048x128xf32>
    %mul3A_102 = arith.mulf %add3A_101, %div3A_57 : vector<2048x128xf32>
    %add3A_103 = arith.constant 2.92101908 : f32
    %add3A_104 = vector.broadcast %add3A_103 : f32 to vector<2048x128xf32>
    %add3A_105 = arith.addf %mul3A_102, %add3A_104 : vector<2048x128xf32>
    %mul3A_106 = arith.mulf %add3A_105, %div3A_57 : vector<2048x128xf32>
    %add3A_107 = arith.constant -1.01526523 : f32
    %add3A_108 = vector.broadcast %add3A_107 : f32 to vector<2048x128xf32>
    %add3A_109 = arith.addf %mul3A_106, %add3A_108 : vector<2048x128xf32>
    %mul3A_110 = arith.mulf %add3A_109, %div3A_57 : vector<2048x128xf32>
    %add3A_111 = arith.constant 0.42184633 : f32
    %add3A_112 = vector.broadcast %add3A_111 : f32 to vector<2048x128xf32>
    %add3A_113 = arith.addf %mul3A_110, %add3A_112 : vector<2048x128xf32>
    %mul3A_114 = arith.mulf %add3A_113, %div3A_57 : vector<2048x128xf32>
    %add3A_115 = arith.constant -0.282076746 : f32
    %add3A_116 = vector.broadcast %add3A_115 : f32 to vector<2048x128xf32>
    %add3A_117 = arith.addf %mul3A_114, %add3A_116 : vector<2048x128xf32>
    %mul3A_118 = arith.mulf %add3A_117, %div3A_57 : vector<2048x128xf32>
    %add3A_119 = arith.constant 0.564189494 : f32
    %add3A_120 = vector.broadcast %add3A_119 : f32 to vector<2048x128xf32>
    %add3A_121 = arith.addf %mul3A_118, %add3A_120 : vector<2048x128xf32>
    %lt3A = arith.constant 2.000000e+00 : f32
    %lt3A_122 = vector.broadcast %lt3A : f32 to vector<2048x128xf32>
    %lt3A_123 = arith.cmpf olt, %abs3A, %lt3A_122 : vector<2048x128xf32>
    %select_n3A = arith.select %lt3A_123, %add3A_91, %add3A_121 : vector<2048x128xi1>, vector<2048x128xf32>
    %mul3A_124 = arith.mulf %mul3A_54, %select_n3A : vector<2048x128xf32>
    %neg3A_125 = arith.constant 0.000000e+00 : f32
    %neg3A_126 = vector.broadcast %neg3A_125 : f32 to vector<2048x128xf32>
    %neg3A_127 = arith.subf %neg3A_126, %mul3A_19 : vector<2048x128xf32>
    %lt3A_128 = arith.constant -88.7228394 : f32
    %lt3A_129 = vector.broadcast %lt3A_128 : f32 to vector<2048x128xf32>
    %lt3A_130 = arith.cmpf olt, %neg3A_127, %lt3A_129 : vector<2048x128xf32>
    %jit3A = arith.constant 0.000000e+00 : f32
    %broadcast_in_dim3A = vector.broadcast %jit3A : f32 to vector<2048x128xf32>
    %select_n3A_131 = arith.select %lt3A_130, %broadcast_in_dim3A, %mul3A_124 : vector<2048x128xi1>, vector<2048x128xf32>
    %lt3A_132 = arith.constant 0.000000e+00 : f32
    %lt3A_133 = vector.broadcast %lt3A_132 : f32 to vector<2048x128xf32>
    %lt3A_134 = arith.cmpf olt, %mul3A_18, %lt3A_133 : vector<2048x128xf32>
    %sub3A_135 = arith.constant 2.000000e+00 : f32
    %sub3A_136 = vector.broadcast %sub3A_135 : f32 to vector<2048x128xf32>
    %sub3A_137 = arith.subf %sub3A_136, %select_n3A_131 : vector<2048x128xf32>
    %select_n3A_138 = arith.select %lt3A_134, %sub3A_137, %select_n3A_131 : vector<2048x128xi1>, vector<2048x128xf32>
    %lt3A_139 = arith.constant 1.000000e+00 : f32
    %lt3A_140 = vector.broadcast %lt3A_139 : f32 to vector<2048x128xf32>
    %lt3A_141 = arith.cmpf olt, %abs3A, %lt3A_140 : vector<2048x128xf32>
    %select_n3A_142 = arith.select %lt3A_141, %sub3A_48, %select_n3A_138 : vector<2048x128xi1>, vector<2048x128xf32>
    %mul3A_143 = arith.mulf %mul3A_13, %select_n3A_142 : vector<2048x128xf32>
    %get3A_144 = arith.constant 0 : index
    %get3A_145 = arith.constant 0 : index
    %get3A_146 = vector.load %arg5[%get3A_144, %get3A_145] : memref<128x1xf32, #tpu.memory_space<vmem>>, vector<128x1xf32>
    %dot_general3A_147 = arith.constant dense<0.000000e+00> : vector<2048x1xf32>
    %dot_general3A_148 = tpu.matmul %mul3A_143, %get3A_146, %dot_general3A_147 {dimension_numbers = #tpu.dot_dimension_numbers<[1], [0], [0], [1], [0, 0, 1, 1], [], []>, transpose_lhs_hint = false} : vector<2048x128xf32>, vector<128x1xf32>, vector<2048x1xf32> -> vector<2048x1xf32>
    %get3A_149 = arith.constant 0 : index
    %get3A_150 = arith.constant 0 : index
    %get3A_151 = vector.load %arg6[%get3A_149, %get3A_150] : memref<1x1xf32, #tpu.memory_space<vmem>>, vector<1x1xf32>
    %add3A_152 = vector.broadcast %get3A_151 : vector<1x1xf32> to vector<2048x1xf32>
    %add3A_153 = arith.addf %dot_general3A_148, %add3A_152 : vector<2048x1xf32>
    %logistic3A = arith.negf %add3A_153 : vector<2048x1xf32>
    %logistic3A_154 = math.exp %logistic3A : vector<2048x1xf32>
    %logistic3A_155 = arith.constant 1.000000e+00 : f32
    %logistic3A_156 = vector.broadcast %logistic3A_155 : f32 to vector<2048x1xf32>
    %logistic3A_157 = arith.addf %logistic3A_156, %logistic3A_154 : vector<2048x1xf32>
    %logistic3A_158 = arith.divf %logistic3A_156, %logistic3A_157 : vector<2048x1xf32>
    %swap3A = arith.constant 0 : index
    %swap3A_159 = arith.constant 0 : index
    %swap3A_160 = arith.constant 0 : index
    %swap3A_161 = vector.load %arg7[%swap3A, %swap3A_159, %swap3A_160] : memref<1x2048x1xf32, #tpu.memory_space<vmem>>, vector<1x2048x1xf32>
    %swap3A_162 = vector.shape_cast %swap3A_161 : vector<1x2048x1xf32> to vector<2048x1xf32>
    %swap3A_163 = vector.shape_cast %logistic3A_158 : vector<2048x1xf32> to vector<1x2048x1xf32>
    tpu.vector_store %arg7[%swap3A, %swap3A_159, %swap3A_160], %swap3A_163 {strides = array<i32>} : memref<1x2048x1xf32, #tpu.memory_space<vmem>>, vector<1x2048x1xf32>,
    return
  }
  func.func @transform_0(%arg0: i32, %arg1: i32) -> (i32, i32, i32) {
    %c0_i32 = arith.constant 0 : i32
    %c0_i32_0 = arith.constant 0 : i32
    return %arg0, %arg1, %c0_i32 : i32, i32, i32
  }
  func.func @transform_1(%arg0: i32, %arg1: i32) -> (i32, i32) {
    %c0_i32 = arith.constant 0 : i32
    %c0_i32_0 = arith.constant 0 : i32
    %c0_i32_1 = arith.constant 0 : i32
    return %c0_i32, %c0_i32_0 : i32, i32
  }
  func.func @transform_2(%arg0: i32, %arg1: i32) -> (i32, i32) {
    %c0_i32 = arith.constant 0 : i32
    %c0_i32_0 = arith.constant 0 : i32
    %c0_i32_1 = arith.constant 0 : i32
    return %c0_i32, %c0_i32_0 : i32, i32
  }
  func.func @transform_3(%arg0: i32, %arg1: i32) -> (i32, i32) {
    %c0_i32 = arith.constant 0 : i32
    %c0_i32_0 = arith.constant 0 : i32
    %c0_i32_1 = arith.constant 0 : i32
    return %c0_i32, %c0_i32_0 : i32, i32
  }
  func.func @transform_4(%arg0: i32, %arg1: i32) -> (i32, i32) {
    %c0_i32 = arith.constant 0 : i32
    %c0_i32_0 = arith.constant 0 : i32
    %c0_i32_1 = arith.constant 0 : i32
    return %c0_i32, %c0_i32_0 : i32, i32
  }
  func.func @transform_5(%arg0: i32, %arg1: i32) -> (i32, i32, i32) {
    %c0_i32 = arith.constant 0 : i32
    %c0_i32_0 = arith.constant 0 : i32
    return %arg0, %arg1, %c0_i32 : i32, i32, i32
  }
}

module attributes {stable_mosaic.version = 14 : i64} {
  func.func @_keymake_body(%arg0: memref<8x8192xf32, #tpu.memory_space<vmem>>, %arg1: memref<8x8192xf32, #tpu.memory_space<vmem>>, %arg2: memref<8x8192xi32, #tpu.memory_space<vmem>>) attributes {dimension_semantics = [], scalar_prefetch = 0 : i64, scratch_operands = 0 : i64, tpu.core_type = #tpu.core_type<tc>} {
    %get3A = arith.constant 0 : index
    %get3A_0 = arith.constant 0 : index
    %get3A_1 = vector.load %arg0[%get3A, %get3A_0] : memref<8x8192xf32, #tpu.memory_space<vmem>>, vector<8x8192xf32>
    %mul3A = arith.constant 5.000000e-01 : f32
    %mul3A_2 = vector.broadcast %mul3A : f32 to vector<8x8192xf32>
    %mul3A_3 = arith.mulf %mul3A_2, %get3A_1 : vector<8x8192xf32>
    %get3A_4 = arith.constant 0 : index
    %get3A_5 = arith.constant 0 : index
    %get3A_6 = vector.load %arg1[%get3A_4, %get3A_5] : memref<8x8192xf32, #tpu.memory_space<vmem>>, vector<8x8192xf32>
    %mul3A_7 = arith.constant 2.500000e-01 : f32
    %mul3A_8 = vector.broadcast %mul3A_7 : f32 to vector<8x8192xf32>
    %mul3A_9 = arith.mulf %mul3A_8, %get3A_6 : vector<8x8192xf32>
    %add3A = arith.addf %mul3A_3, %mul3A_9 : vector<8x8192xf32>
    %bitcast_convert_type3A = tpu.bitcast %add3A : vector<8x8192xf32> -> vector<8x8192xi32>
    %shift_right_arithmetic3A = arith.constant 31 : i32
    %shift_right_arithmetic3A_10 = vector.broadcast %shift_right_arithmetic3A : i32 to vector<8x8192xi32>
    %shift_right_arithmetic3A_11 = arith.shrsi %bitcast_convert_type3A, %shift_right_arithmetic3A_10 : vector<8x8192xi32>
    %or3A = arith.constant -2147483648 : i32
    %or3A_12 = vector.broadcast %or3A : i32 to vector<8x8192xi32>
    %or3A_13 = arith.ori %shift_right_arithmetic3A_11, %or3A_12 : vector<8x8192xi32>
    %xor3A = arith.xori %bitcast_convert_type3A, %or3A_13 : vector<8x8192xi32>
    %not3A = arith.constant dense<-1> : vector<8x8192xi32>
    %not3A_14 = arith.xori %xor3A, %not3A : vector<8x8192xi32>
    %swap3A = arith.constant 0 : index
    %swap3A_15 = arith.constant 0 : index
    %swap3A_16 = vector.load %arg2[%swap3A, %swap3A_15] : memref<8x8192xi32, #tpu.memory_space<vmem>>, vector<8x8192xi32>
    tpu.vector_store %arg2[%swap3A, %swap3A_15], %not3A_14 {strides = array<i32>} : memref<8x8192xi32, #tpu.memory_space<vmem>>, vector<8x8192xi32>,
    return
  }
}

module attributes {stable_mosaic.version = 14 : i64} {
  func.func @_extra_body(%arg0: i32, %arg1: i32, %arg2: memref<1x2048x512xf32, #tpu.memory_space<vmem>>, %arg3: memref<1x1x1x2048xi32, #tpu.memory_space<vmem>>, %arg4: memref<1x1x1x2048xf32, #tpu.memory_space<vmem>>, %arg5: memref<1x1x1xi32, #tpu.memory_space<vmem>>, %arg6: memref<1x1x512xf32, #tpu.memory_space<vmem>>, %arg7: memref<1x512xf32, #tpu.memory_space<vmem>>, %arg8: memref<1x1xf32, #tpu.memory_space<vmem>>) attributes {dimension_semantics = [#tpu.dimension_semantics<arbitrary>, #tpu.dimension_semantics<arbitrary>], iteration_bounds = array<i64: 8, 4>, scalar_prefetch = 0 : i64, scratch_operands = 2 : i64, tpu.core_type = #tpu.core_type<tc>, window_params = [{transform_indices = @transform_0, window_bounds = array<i64: 1, 2048, 512>}, {transform_indices = @transform_1, window_bounds = array<i64: 1, 1, 1, 2048>}, {transform_indices = @transform_2, window_bounds = array<i64: 1, 1, 1, 2048>}, {transform_indices = @transform_3, window_bounds = array<i64: 1, 1, 1>}, {transform_indices = @transform_4, window_bounds = array<i64: 1, 1, 512>}]} {
    %get3A = arith.constant 0 : index
    %get3A_0 = arith.constant 0 : index
    %get3A_1 = arith.constant 0 : index
    %get3A_2 = arith.constant 0 : index
    %get3A_3 = vector.load %arg3[%get3A, %get3A_0, %get3A_1, %get3A_2] : memref<1x1x1x2048xi32, #tpu.memory_space<vmem>>, vector<1x1x1x2048xi32>
    %get3A_4 = vector.shape_cast %get3A_3 : vector<1x1x1x2048xi32> to vector<1x2048xi32>
    %not3A = arith.constant dense<-1> : vector<1x2048xi32>
    %not3A_5 = arith.xori %get3A_4, %not3A : vector<1x2048xi32>
    %lt3A = arith.constant 0 : i32
    %lt3A_6 = vector.broadcast %lt3A : i32 to vector<1x2048xi32>
    %lt3A_7 = arith.cmpi slt, %not3A_5, %lt3A_6 : vector<1x2048xi32>
    %xor3A = arith.constant -2147483648 : i32
    %xor3A_8 = vector.broadcast %xor3A : i32 to vector<1x2048xi32>
    %xor3A_9 = arith.xori %not3A_5, %xor3A_8 : vector<1x2048xi32>
    %not3A_10 = arith.constant dense<-1> : vector<1x2048xi32>
    %not3A_11 = arith.xori %not3A_5, %not3A_10 : vector<1x2048xi32>
    %select_n3A = arith.select %lt3A_7, %xor3A_9, %not3A_11 : vector<1x2048xi1>, vector<1x2048xi32>
    %bitcast_convert_type3A = tpu.bitcast %select_n3A : vector<1x2048xi32> -> vector<1x2048xf32>
    %get3A_12 = arith.constant 0 : index
    %get3A_13 = arith.constant 0 : index
    %get3A_14 = arith.constant 0 : index
    %get3A_15 = vector.load %arg5[%get3A_12, %get3A_13, %get3A_14] : memref<1x1x1xi32, #tpu.memory_space<vmem>>, vector<1x1x1xi32>
    %get3A_16 = vector.shape_cast %get3A_15 : vector<1x1x1xi32> to vector<1x1xi32>
    %not3A_17 = arith.constant dense<-1> : vector<1x1xi32>
    %not3A_18 = arith.xori %get3A_16, %not3A_17 : vector<1x1xi32>
    %lt3A_19 = arith.constant 0 : i32
    %lt3A_20 = vector.broadcast %lt3A_19 : i32 to vector<1x1xi32>
    %lt3A_21 = arith.cmpi slt, %not3A_18, %lt3A_20 : vector<1x1xi32>
    %xor3A_22 = arith.constant -2147483648 : i32
    %xor3A_23 = vector.broadcast %xor3A_22 : i32 to vector<1x1xi32>
    %xor3A_24 = arith.xori %not3A_18, %xor3A_23 : vector<1x1xi32>
    %not3A_25 = arith.constant dense<-1> : vector<1x1xi32>
    %not3A_26 = arith.xori %not3A_18, %not3A_25 : vector<1x1xi32>
    %select_n3A_27 = arith.select %lt3A_21, %xor3A_24, %not3A_26 : vector<1x1xi1>, vector<1x1xi32>
    %bitcast_convert_type3A_28 = tpu.bitcast %select_n3A_27 : vector<1x1xi32> -> vector<1x1xf32>
    %sub3A = vector.broadcast %bitcast_convert_type3A_28 : vector<1x1xf32> to vector<1x2048xf32>
    %sub3A_29 = arith.subf %bitcast_convert_type3A, %sub3A : vector<1x2048xf32>
    %exp3A = math.exp %sub3A_29 : vector<1x2048xf32>
    %get3A_30 = arith.constant 0 : index
    %get3A_31 = arith.constant 0 : index
    %get3A_32 = arith.constant 0 : index
    %get3A_33 = arith.constant 0 : index
    %get3A_34 = vector.load %arg4[%get3A_30, %get3A_31, %get3A_32, %get3A_33] : memref<1x1x1x2048xf32, #tpu.memory_space<vmem>>, vector<1x1x1x2048xf32>
    %get3A_35 = vector.shape_cast %get3A_34 : vector<1x1x1x2048xf32> to vector<1x2048xf32>
    %gt3A = arith.constant 0.000000e+00 : f32
    %gt3A_36 = vector.broadcast %gt3A : f32 to vector<1x2048xf32>
    %gt3A_37 = arith.cmpf ogt, %get3A_35, %gt3A_36 : vector<1x2048xf32>
    %jit3A = arith.constant 0.000000e+00 : f32
    %broadcast_in_dim3A = vector.broadcast %jit3A : f32 to vector<1x2048xf32>
    %select_n3A_38 = arith.select %gt3A_37, %broadcast_in_dim3A, %exp3A : vector<1x2048xi1>, vector<1x2048xf32>
    %iota3A = tpu.iota {dimensions = array<i32: 1>} : vector<1x2048xi32>
    %iota3A_39 = vector.shape_cast %iota3A : vector<1x2048xi32> to vector<2048xi32>
    %broadcast_in_dim3A_40 = vector.shape_cast %iota3A_39 : vector<2048xi32> to vector<1x2048xi32>
    %jit3A_41 = arith.constant 256 : i32
    %div3A = vector.broadcast %jit3A_41 : i32 to vector<1x2048xi32>
    %div3A_42 = arith.divsi %broadcast_in_dim3A_40, %div3A : vector<1x2048xi32>
    %sign3A = arith.constant 0 : i32
    %sign3A_43 = vector.broadcast %sign3A : i32 to vector<1x2048xi32>
    %sign3A_44 = arith.cmpi sgt, %broadcast_in_dim3A_40, %sign3A_43 : vector<1x2048xi32>
    %sign3A_45 = arith.extui %sign3A_44 : vector<1x2048xi1> to vector<1x2048xi32>
    %sign3A_46 = arith.constant 0 : i32
    %sign3A_47 = vector.broadcast %sign3A_46 : i32 to vector<1x2048xi32>
    %sign3A_48 = arith.cmpi slt, %broadcast_in_dim3A_40, %sign3A_47 : vector<1x2048xi32>
    %sign3A_49 = arith.extui %sign3A_48 : vector<1x2048xi1> to vector<1x2048xi32>
    %sign3A_50 = arith.subi %sign3A_45, %sign3A_49 : vector<1x2048xi32>
    %sign3A_51 = arith.constant 0 : i32
    %sign3A_52 = arith.cmpi sgt, %jit3A_41, %sign3A_51 : i32
    %sign3A_53 = arith.extui %sign3A_52 : i1 to i32
    %sign3A_54 = arith.constant 0 : i32
    %sign3A_55 = arith.cmpi slt, %jit3A_41, %sign3A_54 : i32
    %sign3A_56 = arith.extui %sign3A_55 : i1 to i32
    %sign3A_57 = arith.subi %sign3A_53, %sign3A_56 : i32
    %ne3A = vector.broadcast %sign3A_57 : i32 to vector<1x2048xi32>
    %ne3A_58 = arith.cmpi ne, %sign3A_50, %ne3A : vector<1x2048xi32>
    %rem3A = vector.broadcast %jit3A_41 : i32 to vector<1x2048xi32>
    %rem3A_59 = arith.remsi %broadcast_in_dim3A_40, %rem3A : vector<1x2048xi32>
    %ne3A_60 = arith.constant 0 : i32
    %ne3A_61 = vector.broadcast %ne3A_60 : i32 to vector<1x2048xi32>
    %ne3A_62 = arith.cmpi ne, %rem3A_59, %ne3A_61 : vector<1x2048xi32>
    %and3A = arith.andi %ne3A_58, %ne3A_62 : vector<1x2048xi1>
    %sub3A_63 = arith.constant 1 : i32
    %sub3A_64 = vector.broadcast %sub3A_63 : i32 to vector<1x2048xi32>
    %sub3A_65 = arith.subi %div3A_42, %sub3A_64 : vector<1x2048xi32>
    %select_n3A_66 = arith.select %and3A, %sub3A_65, %div3A_42 : vector<1x2048xi1>, vector<1x2048xi32>
    %iota3A_67 = tpu.iota {dimensions = array<i32: 1>} : vector<1x8xi32>
    %iota3A_68 = vector.shape_cast %iota3A_67 : vector<1x8xi32> to vector<8xi32>
    %broadcast_in_dim3A_69 = vector.shape_cast %iota3A_68 : vector<8xi32> to vector<8x1xi32>
    %eq3A = vector.broadcast %select_n3A_66 : vector<1x2048xi32> to vector<8x2048xi32>
    %eq3A_70 = vector.broadcast %broadcast_in_dim3A_69 : vector<8x1xi32> to vector<8x2048xi32>
    %eq3A_71 = arith.cmpi eq, %eq3A, %eq3A_70 : vector<8x2048xi32>
    %jit3A_72 = arith.constant 0.000000e+00 : f32
    %broadcast_in_dim3A_73 = vector.shape_cast %select_n3A_38 : vector<1x2048xf32> to vector<1x2048xf32>
    %broadcast_in_dim3A_74 = vector.broadcast %broadcast_in_dim3A_73 : vector<1x2048xf32> to vector<8x2048xf32>
    %broadcast_in_dim3A_75 = vector.broadcast %jit3A_72 : f32 to vector<8x2048xf32>
    %select_n3A_76 = arith.select %eq3A_71, %broadcast_in_dim3A_74, %broadcast_in_dim3A_75 : vector<8x2048xi1>, vector<8x2048xf32>
    %get3A_77 = arith.constant 0 : index
    %get3A_78 = arith.constant 0 : index
    %get3A_79 = arith.constant 0 : index
    %get3A_80 = vector.load %arg2[%get3A_77, %get3A_78, %get3A_79] : memref<1x2048x512xf32, #tpu.memory_space<vmem>>, vector<1x2048x512xf32>
    %get3A_81 = vector.shape_cast %get3A_80 : vector<1x2048x512xf32> to vector<2048x512xf32>
    %dot_general3A = arith.constant dense<0.000000e+00> : vector<8x512xf32>
    %dot_general3A_82 = tpu.matmul %select_n3A_76, %get3A_81, %dot_general3A {dimension_numbers = #tpu.dot_dimension_numbers<[1], [0], [0], [1], [0, 0, 1, 1], [], []>, transpose_lhs_hint = false} : vector<8x2048xf32>, vector<2048x512xf32>, vector<8x512xf32> -> vector<8x512xf32>
    %reduce_sum3A = arith.constant dense<0.000000e+00> : vector<512xf32>
    %reduce_sum3A_83 = vector.multi_reduction <add>, %dot_general3A_82, %reduce_sum3A [0] : vector<8x512xf32> to vector<512xf32>
    %broadcast_in_dim3A_84 = vector.shape_cast %reduce_sum3A_83 : vector<512xf32> to vector<1x512xf32>
    %reduce_sum3A_85 = arith.constant dense<0.000000e+00> : vector<1xf32>
    %reduce_sum3A_86 = vector.multi_reduction <add>, %select_n3A_38, %reduce_sum3A_85 [1] : vector<1x2048xf32> to vector<1xf32>
    %broadcast_in_dim3A_87 = vector.shape_cast %reduce_sum3A_86 : vector<1xf32> to vector<1x1xf32>
    %eq3A_88 = arith.constant 0 : i32
    %eq3A_89 = arith.cmpi eq, %arg1, %eq3A_88 : i32
    %convert_element_type3A = arith.extui %eq3A_89 : i1 to i32
    %cond3A = arith.constant 0 : i32
    %cond3A_90 = arith.cmpi ne, %convert_element_type3A, %cond3A : i32
    scf.if %cond3A_90 {
      %broadcast_in_dim3A_108 = arith.constant 0.000000e+00 : f32
      %broadcast_in_dim3A_109 = vector.broadcast %broadcast_in_dim3A_108 : f32 to vector<1x512xf32>
      %swap3A_110 = arith.constant 0 : index
      %swap3A_111 = arith.constant 0 : index
      %swap3A_112 = vector.load %arg7[%swap3A_110, %swap3A_111] : memref<1x512xf32, #tpu.memory_space<vmem>>, vector<1x512xf32>
      tpu.vector_store %arg7[%swap3A_110, %swap3A_111], %broadcast_in_dim3A_109 {strides = array<i32>} : memref<1x512xf32, #tpu.memory_space<vmem>>, vector<1x512xf32>,
      %broadcast_in_dim3A_113 = arith.constant 0.000000e+00 : f32
      %broadcast_in_dim3A_114 = vector.broadcast %broadcast_in_dim3A_113 : f32 to vector<1x1xf32>
      %swap3A_115 = arith.constant 0 : index
      %swap3A_116 = arith.constant 0 : index
      %swap3A_117 = vector.load %arg8[%swap3A_115, %swap3A_116] : memref<1x1xf32, #tpu.memory_space<vmem>>, vector<1x1xf32>
      tpu.vector_store %arg8[%swap3A_115, %swap3A_116], %broadcast_in_dim3A_114 {strides = array<i32>} : memref<1x1xf32, #tpu.memory_space<vmem>>, vector<1x1xf32>,
    } else {
    }
    %get3A_91 = arith.constant 0 : index
    %get3A_92 = arith.constant 0 : index
    %get3A_93 = vector.load %arg7[%get3A_91, %get3A_92] : memref<1x512xf32, #tpu.memory_space<vmem>>, vector<1x512xf32>
    %add3A = arith.addf %get3A_93, %broadcast_in_dim3A_84 : vector<1x512xf32>
    %get3A_94 = arith.constant 0 : index
    %get3A_95 = arith.constant 0 : index
    %get3A_96 = vector.load %arg8[%get3A_94, %get3A_95] : memref<1x1xf32, #tpu.memory_space<vmem>>, vector<1x1xf32>
    %add3A_97 = arith.addf %get3A_96, %broadcast_in_dim3A_87 : vector<1x1xf32>
    %swap3A = arith.constant 0 : index
    %swap3A_98 = arith.constant 0 : index
    %swap3A_99 = vector.load %arg7[%swap3A, %swap3A_98] : memref<1x512xf32, #tpu.memory_space<vmem>>, vector<1x512xf32>
    tpu.vector_store %arg7[%swap3A, %swap3A_98], %add3A {strides = array<i32>} : memref<1x512xf32, #tpu.memory_space<vmem>>, vector<1x512xf32>,
    %swap3A_100 = arith.constant 0 : index
    %swap3A_101 = arith.constant 0 : index
    %swap3A_102 = vector.load %arg8[%swap3A_100, %swap3A_101] : memref<1x1xf32, #tpu.memory_space<vmem>>, vector<1x1xf32>
    tpu.vector_store %arg8[%swap3A_100, %swap3A_101], %add3A_97 {strides = array<i32>} : memref<1x1xf32, #tpu.memory_space<vmem>>, vector<1x1xf32>,
    %eq3A_103 = arith.constant 3 : i32
    %eq3A_104 = arith.cmpi eq, %arg1, %eq3A_103 : i32
    %convert_element_type3A_105 = arith.extui %eq3A_104 : i1 to i32
    %cond3A_106 = arith.constant 0 : i32
    %cond3A_107 = arith.cmpi ne, %convert_element_type3A_105, %cond3A_106 : i32
    scf.if %cond3A_107 {
      %div3A_108 = vector.broadcast %add3A_97 : vector<1x1xf32> to vector<1x512xf32>
      %div3A_109 = arith.divf %add3A, %div3A_108 : vector<1x512xf32>
      %swap3A_110 = arith.constant 0 : index
      %swap3A_111 = arith.constant 0 : index
      %swap3A_112 = arith.constant 0 : index
      %swap3A_113 = vector.load %arg6[%swap3A_110, %swap3A_111, %swap3A_112] : memref<1x1x512xf32, #tpu.memory_space<vmem>>, vector<1x1x512xf32>
      %swap3A_114 = vector.shape_cast %swap3A_113 : vector<1x1x512xf32> to vector<1x512xf32>
      %swap3A_115 = vector.shape_cast %div3A_109 : vector<1x512xf32> to vector<1x1x512xf32>
      tpu.vector_store %arg6[%swap3A_110, %swap3A_111, %swap3A_112], %swap3A_115 {strides = array<i32>} : memref<1x1x512xf32, #tpu.memory_space<vmem>>, vector<1x1x512xf32>,
    } else {
    }
    return
  }
  func.func @transform_0(%arg0: i32, %arg1: i32) -> (i32, i32, i32) {
    %c0_i32 = arith.constant 0 : i32
    %c0_i32_0 = arith.constant 0 : i32
    return %arg0, %arg1, %c0_i32 : i32, i32, i32
  }
  func.func @transform_1(%arg0: i32, %arg1: i32) -> (i32, i32, i32, i32) {
    %c0_i32 = arith.constant 0 : i32
    %c0_i32_0 = arith.constant 0 : i32
    %c0_i32_1 = arith.constant 0 : i32
    return %arg0, %arg1, %c0_i32, %c0_i32_0 : i32, i32, i32, i32
  }
  func.func @transform_2(%arg0: i32, %arg1: i32) -> (i32, i32, i32, i32) {
    %c0_i32 = arith.constant 0 : i32
    %c0_i32_0 = arith.constant 0 : i32
    %c0_i32_1 = arith.constant 0 : i32
    return %arg0, %arg1, %c0_i32, %c0_i32_0 : i32, i32, i32, i32
  }
  func.func @transform_3(%arg0: i32, %arg1: i32) -> (i32, i32, i32) {
    %c0_i32 = arith.constant 0 : i32
    %c0_i32_0 = arith.constant 0 : i32
    %c0_i32_1 = arith.constant 0 : i32
    return %arg0, %c0_i32, %c0_i32_0 : i32, i32, i32
  }
  func.func @transform_4(%arg0: i32, %arg1: i32) -> (i32, i32, i32) {
    %c0_i32 = arith.constant 0 : i32
    %c0_i32_0 = arith.constant 0 : i32
    %c0_i32_1 = arith.constant 0 : i32
    return %arg0, %c0_i32, %c0_i32_0 : i32, i32, i32
  }
}

</mosaic_0001>

<sc_bundles>
// kernel: kernel.11.cloned.1.call-start
scs
__scs_entry_jumppad:
0x0: {  	(pc) =	sbr.rel $0x88, $3  }
0x1: {  	(tag) =	ssettag $0x0;
	lr =	simm.s32 $0x1  }
0x2: {  	[smem:$0x3F99] =	sst lr;
	_ =	strace $0xD0000000  }
0x3: {  	_ = 	snop  }
0x4: {  	_ = 	snop  }
0x5: {  	_ = 	snop  }
0x6: {  	_ = 	snop  }
0x7: {  	_ = 	snop  }
__scs_overlays_trampoline_lowered:
0x8: {  	[smem:$0x3FA8] =	sst s0  }
0x9: {  	[smem:$0x3FA9] =	sst s1  }
0xa: {  	[smem:$0x3FAA] =	sst s2  }
0xb: {  	[smem:$0x3FAB] =	sst s3  }
0xc: {  	[smem:$0x3FAC] =	sst s4  }
0xd: {  	[smem:$0x3FAD] =	sst s5  }
0xe: {  	[smem:$0x3FAE] =	sst s6  }
0xf: {  	[smem:$0x3FAF] =	sst s7  }
0x10: {  	[smem:$0x3FB0] =	sst s8  }
0x11: {  	[smem:$0x3FB1] =	sst s9;
	s0 =	simm.s32 @!p0 $0x0  }
0x12: {  	s1 =	sld [smem:$0x3F97];
	s0 =	simm.s32 @p0 $0x1  }
0x13: {  	[smem:$0x3FB2] =	sst s0;
	s0 =	simm.s32 @!p1 $0x0  }
0x14: {  	s2 =	sld [smem:$0x3F96];
	s0 =	simm.s32 @p1 $0x1  }
0x15: {  	[smem:$0x3FB3] =	sst s0;
	s0 =	simm.s32 @!p2 $0x0  }
0x16: {  	s3 =	sld [smem:$0x3FDB];
	s0 =	simm.s32 @p2 $0x1  }
0x17: {  	s4 =	simm.s32 $0x1BF5;
	[smem:$0x3FB5] =	sst s0  }
0x18: {  	s0 =	sld [smem:$0x3F98];
	_ =	swait.ge [sflag:s4], $0x0  }
0x19: {  	s7 =	sld [smem:$0x3F99]  }
0x1a: {  	s8 =	sadd.s32 $0xFFFFE003, lr  }
0x1b: {  	s9 =	sadd.s32 $0xFFFFFEF7, lr;
	s5 =	simm.s32 $0xFFFFFFFF;
	p2 =	slt.u32 s8, $0xFFFFF086  }
0x1c: {  	p1 =	slt.u32 s9, $0xF7A;
	s5 =	simm.s32 @!p2 $0x0  }
0x1d: {  	s5 =	simm.s32 @p1 $0x1;
	p0 =	seq.s32 s7, s2  }
0x1e: {  	s7 =	smul.u32 @!p0 $0xF7A, s2;
	p2 =	seq.s32 @!p0 s5, $0x0  }
0x1f: {  	s9 =	smul.u32 $0xF7A, s1;
	s8 =	simm.s32 @!p0 $0x1BF5;
	p2 =	por !p2, p0  }
0x20: {  	[sflag:s8] =	ssyncset.s32 @!p0 $0xFFFFF086;
	s6 =	sadd.s32 @!p0 s3, s7;
	s7 =	simm.s32 @!p0 $0x108  }
0x21: {  	s3 =	sadd.s32 s3, s9;
	s6 =	sadd.s32 @!p0 $0x88, s6;
	s7 =	simm.s32 @p2 $0x1082  }
0x22: {  	[simem:s7], [sflag:s8] =	dma.local @!p0 [hbm:s6], $0xF7A  }
0x23: {  	s9 =	sor.u32 $0xD0000000, s2;
	s6 =	simm.s32 $0x108;
	_ =	swait.ge @!p0 [sflag:s8], $0x0  }
0x24: {  	s3 =	sadd.s32 $0x88, s3;
	s6 =	simm.s32 @!p1 $0x1082;
	[sflag:s4] =	ssyncset.s32 $0xFFFFF086  }
0x25: {  	[simem:s6], [sflag:s4] =	dma.local [hbm:s3], $0xF7A  }
0x26: {  	[smem:$0x3F99] =	sst s1;
	(tag) =	ssettag s2;
	_ =	strace s9  }
0x27: {  	s1 =	sld [smem:$0x3FA9]  }
0x28: {  	s2 =	sld [smem:$0x3FAA]  }
0x29: {  	s4 =	sld [smem:$0x3FAC]  }
0x2a: {  	p0 =	seq.s32 s5, $0x0;
	s5 =	sld [smem:$0x3FAD]  }
0x2b: {  	s6 =	sld [smem:$0x3FAE]  }
0x2c: {  	s7 =	sld [smem:$0x3FAF]  }
0x2d: {  	s3 =	simm.s32 $0x108;
	s8 =	sld [smem:$0x3FB0]  }
0x2e: {  	s3 =	simm.s32 @!p0 $0x1082;
	s9 =	sld [smem:$0x3FB1]  }
0x2f: {  	lr =	sadd.s32 s0, s3;
	s0 =	sld [smem:$0x3FA8]  }
0x30: {  	s3 =	sld [smem:$0x3FAB]  }
0x31: {  	[smem:$0x3FB4] =	sst s10  }
0x32: {  	s10 =	sld [smem:$0x3FB2];
	_ =	sdelay $0x3  }
0x33: {  	p0 =	seq.s32 s10, $0x1;
	s10 =	sld [smem:$0x3FB4];
	_ =	sdelay $0x3  }
0x34: {  	[smem:$0x3FB4] =	sst s10  }
0x35: {  	s10 =	sld [smem:$0x3FB3];
	_ =	sdelay $0x3  }
0x36: {  	p1 =	seq.s32 s10, $0x1;
	s10 =	sld [smem:$0x3FB4];
	_ =	sdelay $0x3  }
0x37: {  	[smem:$0x3FB4] =	sst s10  }
0x38: {  	s10 =	sld [smem:$0x3FB5]  }
0x39: {  	_ = 	snop;
	(pc) =	sbr.ind lr, $3  }
0x3a: {  	_ = 	snop  }
0x3b: {  	_ = 	snop  }
0x3c: {  	p2 =	seq.s32 s10, $0x1;
	s10 =	sld [smem:$0x3FB4]  }
0x3d: {  	_ =	shalt  }
0x3e: {  	_ =	shalt  }
0x3f: {  	_ =	shalt  }
0x40: {  	_ =	shalt  }
0x41: {  	_ =	shalt  }
0x42: {  	_ =	shalt  }
0x43: {  	_ =	shalt  }
0x44: {  	_ =	shalt  }
0x45: {  	_ =	shalt  }
0x46: {  	_ =	shalt  }
0x47: {  	_ =	shalt  }
0x48: {  	_ =	shalt  }
0x49: {  	_ =	shalt  }
0x4a: {  	_ =	shalt  }
0x4b: {  	_ =	shalt  }
0x4c: {  	_ =	shalt  }
0x4d: {  	_ =	shalt  }
0x4e: {  	_ =	shalt  }
0x4f: {  	_ =	shalt  }
0x50: {  	_ =	shalt  }
0x51: {  	_ =	shalt  }
0x52: {  	_ =	shalt  }
0x53: {  	_ =	shalt  }
0x54: {  	_ =	shalt  }
0x55: {  	_ =	shalt  }
0x56: {  	_ =	shalt  }
0x57: {  	_ =	shalt  }
0x58: {  	_ =	shalt  }
0x59: {  	_ =	shalt  }
0x5a: {  	_ =	shalt  }
0x5b: {  	_ =	shalt  }
0x5c: {  	_ =	shalt  }
0x5d: {  	_ =	shalt  }
0x5e: {  	_ =	shalt  }
0x5f: {  	_ =	shalt  }
0x60: {  	_ =	shalt  }
0x61: {  	_ =	shalt  }
0x62: {  	_ =	shalt  }
0x63: {  	_ =	shalt  }
0x64: {  	_ =	shalt  }
0x65: {  	_ =	shalt  }
0x66: {  	_ =	shalt  }
0x67: {  	_ =	shalt  }
0x68: {  	_ =	shalt  }
0x69: {  	_ =	shalt  }
0x6a: {  	_ =	shalt  }
0x6b: {  	_ =	shalt  }
0x6c: {  	_ =	shalt  }
0x6d: {  	_ =	shalt  }
0x6e: {  	_ =	shalt  }
0x6f: {  	_ =	shalt  }
0x70: {  	_ =	shalt  }
0x71: {  	_ =	shalt  }
0x72: {  	_ =	shalt  }
0x73: {  	_ =	shalt  }
0x74: {  	_ =	shalt  }
0x75: {  	_ =	shalt  }
0x76: {  	_ =	shalt  }
0x77: {  	_ =	shalt  }
0x78: {  	_ =	shalt  }
0x79: {  	_ =	shalt  }
0x7a: {  	_ =	shalt  }
0x7b: {  	_ =	shalt  }
0x7c: {  	_ =	shalt  }
0x7d: {  	_ =	shalt  }
0x7e: {  	_ =	shalt  }
0x7f: {  	_ =	shalt  }
0x80: {  	_ =	shalt  }
0x81: {  	_ =	shalt  }
0x82: {  	_ =	shalt  }
0x83: {  	_ =	shalt  }
0x84: {  	_ =	shalt  }
0x85: {  	_ =	shalt  }
0x86: {  	_ =	shalt  }
0x87: {  	_ =	shalt  }
.Lfunc_end0:
.L_simem_size_0:
called_computation.1_lowered:
.L_overlay_start_0:
0x88: {  	s2 =	sld [smem:$0x3FD9]  }
0x89: {  	s3 =	sld [smem:$0x3FFE];
	_ =	sdelay $0x1  }
0x8a: {  	s1 =	srdreg.scid  }
0x8b: {  	s0 =	sand.u32 $0x1, s1  }
0x8c: {  	s14 =	sshll.u32 s0, $0xA;
	s2 =	sadd.s32 s3, s2  }
0x8d: {  	s2 =	sadd.s32 s2, s14  }
0x8e: {  	[smem:$0x3FC0] =	sst s2  }
0x8f: {  	_ = 	snop  }
0x90: {  	s2 =	sld [smem:$0x3FD0];
	_ =	sdelay $0x2  }
0x91: {  	s4 =	simm.s32 $0xA;
	s5 =	simm.s32 $0x10;
	s15 =	sld [smem:$0x3FC9]  }
0x92: {  	[smem:s5], [sflag:s4] =	dma.local [hbm:s2], $0x1  }
0x93: {  	_ =	swait.eq [sflag:s4], $0x1  }
0x94: {  	[sflag:s4] =	ssyncset.done $0x0  }
0x95: {  	[sflag:s4] =	ssyncadd.s32 $0xFFFFFFFF  }
0x96: {  	s16 =	sld [smem:$0x10];
	(tm) =	ssettm $0x1  }
0x97: {  	s17 =	sld [smem:$0x3FFB];
	_ =	sdelay $0x3  }
0x98: {  	_ =	strace s17  }
0x99: {  	s4 =	sld [smem:$0x3FFC];
	_ =	sdelay $0x3  }
0x9a: {  	_ =	strace s4  }
0x9b: {  	s4 =	sld [smem:$0x3FFD];
	_ =	sdelay $0x3  }
0x9c: {  	_ =	strace s4  }
0x9d: {  	_ =	strace $0x8FFFFFFF  }
0x9e: {  	s18 =	sld [smem:$0x3FDB];
	_ =	sdelay $0x1  }
0x9f: {  	s19 =	simm.s32 $_scs_section_size  }
0xa0: {  	s6 =	simm.s32 $_size__tile_overlayer_lowered;
	s7 =	simm.s32 $_tile_overlayer_lowered  }
0xa1: {  	s22 =	simm.s32 $0x1BFF;
	s21 =	sshll.u32 s7, $0x1;
	s4 =	sadd.s32 s19, s18  }
0xa2: {  	s8 =	simm.s32 $0x0;
	s20 =	sshll.u32 s6, $0x1;
	s6 =	sadd.s32 s21, s4  }
0xa3: {  	[timem:s8], [sflag:s22] =	dma.local [hbm:s6], s20  }
0xa4: {  	_ =	swait.ge [sflag:s22], s20  }
0xa5: {  	s5 =	ssub.s32 $0x0, s20;
	[sflag:s22] =	ssyncset.done $0x0  }
0xa6: {  	[sflag:s22] =	ssyncadd.s32 s5;
	_ =	sdelay $0x1  }
0xa7: {  	s23 =	simm.s32 $0x1B8B  }
0xa8: {  	_ =	swait.ge [sflag:s23], $0x1  }
0xa9: {  	[sflag:s23] =	ssyncset.done $0x0  }
0xaa: {  	s25 =	simm.s32 $0x1B8E;
	s24 =	sld [smem:$0x3FFE];
	[sflag:s23] =	ssyncadd.s32 $0xFFFFFFFF  }
0xab: {  	s26 =	simm.s32 $execute0_lowered;
	[smem:$0x3FD2] =	sst s25  }
0xac: {  	s6 =	sshll.u32 s26, $0x1;
	_ =	strace $0x80000049;
	[dreg:$0x1] =	wrdreg $0xFFFFFFFF  }
0xad: {  	s28 =	simm.s32 $_size_execute0_lowered;
	s4 =	sadd.s32 s4, s6;
	[dreg:$0x0] =	wrdreg $0x0  }
0xae: {  	s6 =	sshll.u32 s28, $0x1;
	[dreg:$0x2] =	wrdreg s4  }
0xaf: {  	[dreg:$0x3] =	wrdreg s6  }
0xb0: {  	[dreg:$0x4] =	wrdreg $0xC0  }
0xb1: {  	_ =	task [dreg:s8], $0x5FFFF  }
0xb2: {  	[dreg:$0x1] =	wrdreg $0xFFFFFFFF  }
0xb3: {  	[dreg:$0x0] =	wrdreg $0x60  }
0xb4: {  	[dreg:$0x2] =	wrdreg s15  }
0xb5: {  	[dreg:$0x3] =	wrdreg s24  }
0xb6: {  	[dreg:$0x4] =	wrdreg s16  }
0xb7: {  	[dreg:$0x5] =	wrdreg $0x9  }
0xb8: {  	_ =	task.clear_ibuf [dreg:s8], $0x6FFFF;
	_ =	strace $0x90000049  }
0xb9: {  	s29 =	simm.s32 $0x9;
	_ =	strace $0x8000004B  }
0xba: {  	_ =	swait.ge [sflag:s29], $0x1  }
0xbb: {  	[sflag:s29] =	ssyncadd.s32 $0xFFFFFFFF  }
0xbc: {  	_ =	strace $0x9000004B  }
0xbd: {  	_ =	sfence  }
0xbe: {  	s30 =	sld [smem:$0x0];
	_ =	sdelay $0x2  }
0xbf: {  	s31 =	sshll.u32 s1, $0xD;
	s1 =	sshrl.u32 s1, $0x2  }
0xc0: {  	s3 =	sand.u32 $0x4000, s31;
	s1 =	sadd.s32 s1, s30  }
0xc1: {  	s0 =	sor.u32 s3, s0;
	s1 =	sshll.u32 s1, $0x11  }
0xc2: {  	s0 =	sor.u32 s1, s0  }
0xc3: {  	s0 =	sadd.s32 $0x8F2B, s0  }
0xc4: {  	[sflag:s0] =	ssyncadd.remote.s32 $0x1  }
0xc5: {  	_ =	sfence.sel $0xFFFF  }
0xc6: {  	[dreg:$0x0] =	wrdreg $0xFFFFFFFF;
	(pc) =	sbr.abs _section_cstart, $3  }
0xc7: {  	[dreg:$0x1] =	wrdreg $0xFFFFFFFF  }
0xc8: {  	_ =	task.clear_ibuf [dreg:s8], $0x2FFFF;
	_ =	strace $0x9FFFFFFF  }
0xc9: {  	(tm) =	ssettm $0x7FFFFFFF  }
tec
execute0_lowered:
.L_overlay_start_1:
0x0: {  	(tag) =	ssettag $0x1  }
0x1: {  	s2 =	rddreg [dreg:$0x0]  }
0x2: {  	s0 =	rddreg [dreg:$0x1];
	s6 =	stileid.u32  }
0x3: {  	s1 =	rddreg [dreg:$0x2];
	s3 =	srdreg.scid;
	s4 =	sshll.u32 s6, $0x1  }
0x4: {  	s5 =	sand.u32 $0x1, s3;
	s6 =	sshrl.u32 s6, $0x1;
	s4 =	sand.u32 $0x2, s4  }
0x5: {  	s7 =	sshll.u32 s6, $0xD;
	s6 =	sshll.u32 s6, $0x12;
	s4 =	sor.u32 s5, s4  }
0x6: {  	s5 =	ssub.s32 $0x2, s5;
	s8 =	sshll.u32 s4, $0xA;
	s4 =	sshll.u32 s4, $0x10  }
0x7: {  	s3 =	simm.s32 $0x0;
	s9 =	sshrl.u32 s5, $0x1;
	s4 =	sor.u32 s6, s4  }
0x8: {  	[smem:$0x7FF] =	sst s3;
	s5 =	ssub.s32 s5, s9;
	s1 =	sadd.s32 s1, s4  }
0x9: {  	_ =	strace $0x8000004A;
	s30 =	smax.u32 s5, $0x1;
	[dreg:$0x4] =	wrdreg s1  }
0xa: {  	s13 =	sadd.s32 $0x1000, s1;
	[dreg:$0x15] =	wrdreg s30  }
0xb: {  	s14 =	sadd.s32 $0x2000, s1;
	[dreg:$0x6] =	wrdreg s13  }
0xc: {  	s15 =	sadd.s32 $0x3000, s1;
	[dreg:$0x7] =	wrdreg s14  }
0xd: {  	s16 =	sadd.s32 $0x4000, s1;
	[dreg:$0x8] =	wrdreg s15  }
0xe: {  	s17 =	sadd.s32 $0x5000, s1;
	[dreg:$0x9] =	wrdreg s16  }
0xf: {  	s18 =	sadd.s32 $0x6000, s1;
	[dreg:$0xa] =	wrdreg s17  }
0x10: {  	s19 =	sadd.s32 $0x7000, s1;
	[dreg:$0xb] =	wrdreg s18  }
0x11: {  	s20 =	sadd.s32 $0x8000, s1;
	[dreg:$0xc] =	wrdreg s19  }
0x12: {  	s31 =	simm.s32 $0x1;
	s21 =	sadd.s32 $0x9000, s1;
	[dreg:$0xd] =	wrdreg s20  }
0x13: {  	s29 =	simm.s32 $0x0;
	s22 =	sadd.s32 $0xA000, s1;
	[dreg:$0xe] =	wrdreg s21  }
0x14: {  	s8 =	sor.u32 s7, s8;
	s23 =	sadd.s32 $0xB000, s1;
	[dreg:$0xf] =	wrdreg s22  }
0x15: {  	s6 =	sadd.s32 $0x100, s2;
	s24 =	sadd.s32 $0xC000, s1;
	[dreg:$0x10] =	wrdreg s23  }
0x16: {  	s8 =	sshrl.u32 s8, $0x3;
	s25 =	sadd.s32 $0xD000, s1;
	[dreg:$0x11] =	wrdreg s24  }
0x17: {  	s0 =	sadd.s32 s8, s0;
	s26 =	sadd.s32 $0xE000, s1;
	[dreg:$0x12] =	wrdreg s25  }
0x18: {  	v3 =	vlaneseq.u32;
	s28 =	sadd.s32 $0xF000, s1;
	s1 =	simm.s32 $0x2;
	[dreg:$0x13] =	wrdreg s26  }
0x19: {  	vm0 =	vmmov $0xffff;
	v1 =	vand.u32 $0x7, v3;
	v2 =	vshrl.u32 v3, $0x3;
	s0 =	sadd.s32 $0x7A00, s0;
	[dreg:$0x14] =	wrdreg s28;
	s23 =	simm.s32 $0x3  }
0x1a: {  	v3 =	vor.u32 $0x8, v3;
	v2 =	vmul.u32 $0x8, v2;
	v0 =	vmov s7;
	s24 =	simm.s32 $0x400;
	s13 =	simm.s32 $0x8400;
	[dreg:$0x5] =	wrdreg s0  }
.LBB2_1:
0x1b: {  	s5 =	rddreg [dreg:$0x5]  }
0x1c: {  	[tilespmem:s3], [sflag:$0x3] =	stream.linear.gather [hbm4b:s5+s3], $0x400, $0x38;
	[tilespmem:$0x10400] =	vst v63  }
0x1d: {  	_ =	swait.ge [sflag:s23], $0x400  }
0x1e: {  	[sflag:s23] =	ssyncset.done $0x0  }
0x1f: {  	s7 =	simm.s32 $0x40;
	s5 =	simm.s32 $0x0;
	[sflag:s23] =	ssyncadd.s32 $0xFFFFFC00  }
.LBB2_2:
0x20: {  	p0 =	sne.s32 s7, $0xFC0;
	v4 =	vld [tilespmem:s5+$0x0];
	_ =	sdelay $0x1  }
.Ltmp0:
0x21: {  	(pc) =	sbr.rel @p0 .LBB2_2-.Ltmp0, $3  }
0x22: {  	_ =	sdelay $0x1  }
0x23: {  	v4 =	vadd.s32 v0, v4  }
0x24: {  	[tilespmem:s5+$0x0] =	vst v4;
	s5 =	sshra.s32 s7, $0x2;
	s7 =	sadd.s32 $0x40, s7  }
0x25: {  	v4 =	vld [tilespmem:s5+$0x0];
	_ =	sdelay $0x4  }
0x26: {  	v4 =	vadd.s32 v0, v4  }
0x27: {  	[tilespmem:s5+$0x0] =	vst v4  }
0x28: {  	v4 =	vld [tilespmem:$0x0];
	_ =	sdelay $0x4  }
0x29: {  	v5 =	vshll.u32 v4, $0x2  }
0x2a: {  	v4 =	vand.u32 $0x7, v4;
	v5 =	vand.u32 $0xFFFFFFE0, v5  }
0x2b: {  	v4 =	vor.u32 v4, v5  }
0x2c: {  	v5 =	vperm.xlane v4, v1;
	_ =	sdelay $0x1  }
0x2d: {  	v5 =	vadd.s32 v2, v5;
	_ =	sdelay $0x1  }
0x2e: {  	v4 =	vperm.xlane v4, v3;
	_ =	sdelay $0x1  }
0x2f: {  	v4 =	vadd.s32 v2, v4  }
0x30: {  	[tilespmem:s24], [sflag:$0x1] =	stream.indirect_vreg.gather [hbm4b:s2+s3], $0x80, v5, vm0, $0xb8;
	[tilespmem:$0x10400] =	vst v63  }
0x31: {  	s0 =	simm.s32 $0xC00  }
0x32: {  	[tilespmem:s0], [sflag:$0x1] =	stream.indirect_vreg.gather [hbm4b:s6+s3], $0x80, v5, vm0, $0xb8;
	[tilespmem:$0x10400] =	vst v63  }
0x33: {  	s14 =	simm.s32 $0x1400  }
0x34: {  	[tilespmem:s14], [sflag:$0x1] =	stream.indirect_vreg.gather [hbm4b:s2+s3], $0x80, v4, vm0, $0xb8;
	[tilespmem:$0x10400] =	vst v63  }
0x35: {  	s15 =	simm.s32 $0x1C00  }
0x36: {  	[tilespmem:s15], [sflag:$0x1] =	stream.indirect_vreg.gather [hbm4b:s6+s3], $0x80, v4, vm0, $0xb8;
	[tilespmem:$0x10400] =	vst v63  }
0x37: {  	v4 =	vld [tilespmem:$0x10];
	_ =	sdelay $0x4  }
0x38: {  	v5 =	vshll.u32 v4, $0x2  }
0x39: {  	v4 =	vand.u32 $0x7, v4;
	v5 =	vand.u32 $0xFFFFFFE0, v5  }
0x3a: {  	v4 =	vor.u32 v4, v5  }
0x3b: {  	v5 =	vperm.xlane v4, v1;
	_ =	sdelay $0x1  }
0x3c: {  	v5 =	vadd.s32 v2, v5;
	_ =	sdelay $0x1  }
0x3d: {  	v4 =	vperm.xlane v4, v3;
	_ =	sdelay $0x1  }
0x3e: {  	s16 =	simm.s32 $0x2400;
	v4 =	vadd.s32 v2, v4  }
0x3f: {  	[tilespmem:s16], [sflag:$0x1] =	stream.indirect_vreg.gather [hbm4b:s2+s3], $0x80, v5, vm0, $0xb8;
	[tilespmem:$0x10400] =	vst v63  }
0x40: {  	s17 =	simm.s32 $0x2C00  }
0x41: {  	[tilespmem:s17], [sflag:$0x1] =	stream.indirect_vreg.gather [hbm4b:s6+s3], $0x80, v5, vm0, $0xb8;
	[tilespmem:$0x10400] =	vst v63  }
0x42: {  	s18 =	simm.s32 $0x3400  }
0x43: {  	[tilespmem:s18], [sflag:$0x1] =	stream.indirect_vreg.gather [hbm4b:s2+s3], $0x80, v4, vm0, $0xb8;
	[tilespmem:$0x10400] =	vst v63  }
0x44: {  	s20 =	simm.s32 $0x3C00  }
0x45: {  	[tilespmem:s20], [sflag:$0x1] =	stream.indirect_vreg.gather [hbm4b:s6+s3], $0x80, v4, vm0, $0xb8;
	[tilespmem:$0x10400] =	vst v63  }
0x46: {  	v4 =	vld [tilespmem:$0x20];
	_ =	sdelay $0x4  }
0x47: {  	v5 =	vshll.u32 v4, $0x2  }
0x48: {  	v4 =	vand.u32 $0x7, v4;
	v5 =	vand.u32 $0xFFFFFFE0, v5  }
0x49: {  	v4 =	vor.u32 v4, v5  }
0x4a: {  	v5 =	vperm.xlane v4, v1;
	_ =	sdelay $0x1  }
0x4b: {  	v5 =	vadd.s32 v2, v5;
	_ =	sdelay $0x1  }
0x4c: {  	v4 =	vperm.xlane v4, v3;
	_ =	sdelay $0x1  }
0x4d: {  	s21 =	simm.s32 $0x4400;
	v4 =	vadd.s32 v2, v4  }
0x4e: {  	[tilespmem:s21], [sflag:$0x1] =	stream.indirect_vreg.gather [hbm4b:s2+s3], $0x80, v5, vm0, $0xb8;
	[tilespmem:$0x10400] =	vst v63  }
0x4f: {  	s22 =	simm.s32 $0x4C00  }
0x50: {  	[tilespmem:s22], [sflag:$0x1] =	stream.indirect_vreg.gather [hbm4b:s6+s3], $0x80, v5, vm0, $0xb8;
	[tilespmem:$0x10400] =	vst v63  }
0x51: {  	s25 =	simm.s32 $0x5400  }
0x52: {  	[tilespmem:s25], [sflag:$0x1] =	stream.indirect_vreg.gather [hbm4b:s2+s3], $0x80, v4, vm0, $0xb8;
	[tilespmem:$0x10400] =	vst v63  }
0x53: {  	s26 =	simm.s32 $0x5C00  }
0x54: {  	[tilespmem:s26], [sflag:$0x1] =	stream.indirect_vreg.gather [hbm4b:s6+s3], $0x80, v4, vm0, $0xb8;
	[tilespmem:$0x10400] =	vst v63  }
0x55: {  	v4 =	vld [tilespmem:$0x30];
	_ =	sdelay $0x4  }
0x56: {  	v5 =	vshll.u32 v4, $0x2  }
0x57: {  	v4 =	vand.u32 $0x7, v4;
	v5 =	vand.u32 $0xFFFFFFE0, v5  }
0x58: {  	v4 =	vor.u32 v4, v5  }
0x59: {  	v5 =	vperm.xlane v4, v1;
	_ =	sdelay $0x1  }
0x5a: {  	v5 =	vadd.s32 v2, v5;
	_ =	sdelay $0x1  }
0x5b: {  	v4 =	vperm.xlane v4, v3;
	_ =	sdelay $0x1  }
0x5c: {  	s30 =	simm.s32 $0x6400;
	v4 =	vadd.s32 v2, v4  }
0x5d: {  	[tilespmem:s30], [sflag:$0x1] =	stream.indirect_vreg.gather [hbm4b:s2+s3], $0x80, v5, vm0, $0xb8;
	[tilespmem:$0x10400] =	vst v63  }
0x5e: {  	s4 =	simm.s32 $0x6C00  }
0x5f: {  	[tilespmem:s4], [sflag:$0x1] =	stream.indirect_vreg.gather [hbm4b:s6+s3], $0x80, v5, vm0, $0xb8;
	[tilespmem:$0x10400] =	vst v63  }
0x60: {  	s5 =	simm.s32 $0x7400  }
0x61: {  	[tilespmem:s5], [sflag:$0x1] =	stream.indirect_vreg.gather [hbm4b:s2+s3], $0x80, v4, vm0, $0xb8;
	[tilespmem:$0x10400] =	vst v63  }
0x62: {  	s7 =	simm.s32 $0x7C00  }
0x63: {  	[tilespmem:s7], [sflag:$0x1] =	stream.indirect_vreg.gather [hbm4b:s6+s3], $0x80, v4, vm0, $0xb8;
	[tilespmem:$0x10400] =	vst v63  }
0x64: {  	v4 =	vld [tilespmem:$0x40];
	_ =	sdelay $0x4  }
0x65: {  	v5 =	vshll.u32 v4, $0x2  }
0x66: {  	v4 =	vand.u32 $0x7, v4;
	v5 =	vand.u32 $0xFFFFFFE0, v5  }
0x67: {  	v4 =	vor.u32 v4, v5  }
0x68: {  	v5 =	vperm.xlane v4, v1;
	_ =	sdelay $0x1  }
0x69: {  	v5 =	vadd.s32 v2, v5;
	_ =	sdelay $0x1  }
0x6a: {  	v4 =	vperm.xlane v4, v3;
	_ =	sdelay $0x1  }
0x6b: {  	v4 =	vadd.s32 v2, v4  }
0x6c: {  	[tilespmem:s13], [sflag:$0x2] =	stream.indirect_vreg.gather [hbm4b:s2+s3], $0x80, v5, vm0, $0xb8;
	[tilespmem:$0x10400] =	vst v63  }
0x6d: {  	s4 =	simm.s32 $0x8C00  }
0x6e: {  	[tilespmem:s4], [sflag:$0x2] =	stream.indirect_vreg.gather [hbm4b:s6+s3], $0x80, v5, vm0, $0xb8;
	[tilespmem:$0x10400] =	vst v63  }
0x6f: {  	s14 =	simm.s32 $0x9400  }
0x70: {  	[tilespmem:s14], [sflag:$0x2] =	stream.indirect_vreg.gather [hbm4b:s2+s3], $0x80, v4, vm0, $0xb8;
	[tilespmem:$0x10400] =	vst v63  }
0x71: {  	s15 =	simm.s32 $0x9C00  }
0x72: {  	[tilespmem:s15], [sflag:$0x2] =	stream.indirect_vreg.gather [hbm4b:s6+s3], $0x80, v4, vm0, $0xb8;
	[tilespmem:$0x10400] =	vst v63  }
0x73: {  	v4 =	vld [tilespmem:$0x50];
	_ =	sdelay $0x4  }
0x74: {  	v5 =	vshll.u32 v4, $0x2  }
0x75: {  	v4 =	vand.u32 $0x7, v4;
	v5 =	vand.u32 $0xFFFFFFE0, v5  }
0x76: {  	v4 =	vor.u32 v4, v5  }
0x77: {  	v5 =	vperm.xlane v4, v1;
	_ =	sdelay $0x1  }
0x78: {  	v5 =	vadd.s32 v2, v5;
	_ =	sdelay $0x1  }
0x79: {  	v4 =	vperm.xlane v4, v3;
	_ =	sdelay $0x1  }
0x7a: {  	s16 =	simm.s32 $0xA400;
	v4 =	vadd.s32 v2, v4  }
0x7b: {  	[tilespmem:s16], [sflag:$0x2] =	stream.indirect_vreg.gather [hbm4b:s2+s3], $0x80, v5, vm0, $0xb8;
	[tilespmem:$0x10400] =	vst v63  }
0x7c: {  	s17 =	simm.s32 $0xAC00  }
0x7d: {  	[tilespmem:s17], [sflag:$0x2] =	stream.indirect_vreg.gather [hbm4b:s6+s3], $0x80, v5, vm0, $0xb8;
	[tilespmem:$0x10400] =	vst v63  }
0x7e: {  	s18 =	simm.s32 $0xB400  }
0x7f: {  	[tilespmem:s18], [sflag:$0x2] =	stream.indirect_vreg.gather [hbm4b:s2+s3], $0x80, v4, vm0, $0xb8;
	[tilespmem:$0x10400] =	vst v63  }
0x80: {  	s20 =	simm.s32 $0xBC00  }
0x81: {  	[tilespmem:s20], [sflag:$0x2] =	stream.indirect_vreg.gather [hbm4b:s6+s3], $0x80, v4, vm0, $0xb8;
	[tilespmem:$0x10400] =	vst v63  }
0x82: {  	v4 =	vld [tilespmem:$0x60];
	_ =	sdelay $0x4  }
0x83: {  	v5 =	vshll.u32 v4, $0x2  }
0x84: {  	v4 =	vand.u32 $0x7, v4;
	v5 =	vand.u32 $0xFFFFFFE0, v5  }
0x85: {  	v4 =	vor.u32 v4, v5  }
0x86: {  	v5 =	vperm.xlane v4, v1;
	_ =	sdelay $0x1  }
0x87: {  	v5 =	vadd.s32 v2, v5;
	_ =	sdelay $0x1  }
0x88: {  	v4 =	vperm.xlane v4, v3;
	_ =	sdelay $0x1  }
0x89: {  	s21 =	simm.s32 $0xC400;
	v4 =	vadd.s32 v2, v4  }
0x8a: {  	[tilespmem:s21], [sflag:$0x2] =	stream.indirect_vreg.gather [hbm4b:s2+s3], $0x80, v5, vm0, $0xb8;
	[tilespmem:$0x10400] =	vst v63  }
0x8b: {  	s22 =	simm.s32 $0xCC00  }
0x8c: {  	[tilespmem:s22], [sflag:$0x2] =	stream.indirect_vreg.gather [hbm4b:s6+s3], $0x80, v5, vm0, $0xb8;
	[tilespmem:$0x10400] =	vst v63  }
0x8d: {  	s25 =	simm.s32 $0xD400  }
0x8e: {  	[tilespmem:s25], [sflag:$0x2] =	stream.indirect_vreg.gather [hbm4b:s2+s3], $0x80, v4, vm0, $0xb8;
	[tilespmem:$0x10400] =	vst v63  }
0x8f: {  	s30 =	simm.s32 $0xDC00  }
0x90: {  	[tilespmem:s30], [sflag:$0x2] =	stream.indirect_vreg.gather [hbm4b:s6+s3], $0x80, v4, vm0, $0xb8;
	[tilespmem:$0x10400] =	vst v63  }
0x91: {  	v4 =	vld [tilespmem:$0x70];
	_ =	sdelay $0x4  }
0x92: {  	v5 =	vshll.u32 v4, $0x2  }
0x93: {  	v4 =	vand.u32 $0x7, v4;
	v5 =	vand.u32 $0xFFFFFFE0, v5  }
0x94: {  	v4 =	vor.u32 v4, v5  }
0x95: {  	v5 =	vperm.xlane v4, v1;
	_ =	sdelay $0x1  }
0x96: {  	v5 =	vadd.s32 v2, v5;
	_ =	sdelay $0x1  }
0x97: {  	v4 =	vperm.xlane v4, v3;
	_ =	sdelay $0x1  }
0x98: {  	s4 =	simm.s32 $0xE400;
	v4 =	vadd.s32 v2, v4  }
0x99: {  	[tilespmem:s4], [sflag:$0x2] =	stream.indirect_vreg.gather [hbm4b:s2+s3], $0x80, v5, vm0, $0xb8;
	[tilespmem:$0x10400] =	vst v63  }
0x9a: {  	s16 =	simm.s32 $0xEC00  }
0x9b: {  	[tilespmem:s16], [sflag:$0x2] =	stream.indirect_vreg.gather [hbm4b:s6+s3], $0x80, v5, vm0, $0xb8;
	[tilespmem:$0x10400] =	vst v63  }
0x9c: {  	s20 =	simm.s32 $0xF400  }
0x9d: {  	[tilespmem:s20], [sflag:$0x2] =	stream.indirect_vreg.gather [hbm4b:s2+s3], $0x80, v4, vm0, $0xb8;
	[tilespmem:$0x10400] =	vst v63  }
0x9e: {  	s30 =	simm.s32 $0xFC00  }
0x9f: {  	[tilespmem:s30], [sflag:$0x2] =	stream.indirect_vreg.gather [hbm4b:s6+s3], $0x80, v4, vm0, $0xb8;
	[tilespmem:$0x10400] =	vst v63  }
0xa0: {  	_ =	swait.ge [sflag:s31], $0x8000  }
0xa1: {  	[sflag:s31] =	ssyncset.done $0x0  }
0xa2: {  	s4 =	rddreg [dreg:$0x4];
	[sflag:s31] =	ssyncadd.s32 $0xFFFF8000  }
0xa3: {  	[hbm4b:s4+s3] =	stream.linear.scatter [tilespmem:s24], [sflag:$0x3], $0x8000, $0x38;
	[tilespmem:$0x10400] =	vst v63  }
0xa4: {  	_ =	swait.ge [sflag:s23], $0x8000  }
0xa5: {  	[sflag:s23] =	ssyncset.done $0x0  }
0xa6: {  	[sflag:s23] =	ssyncadd.s32 $0xFFFF8000  }
0xa7: {  	v4 =	vld [tilespmem:$0x80];
	_ =	sdelay $0x4  }
0xa8: {  	v5 =	vshll.u32 v4, $0x2  }
0xa9: {  	v4 =	vand.u32 $0x7, v4;
	v5 =	vand.u32 $0xFFFFFFE0, v5  }
0xaa: {  	v4 =	vor.u32 v4, v5  }
0xab: {  	v5 =	vperm.xlane v4, v1;
	_ =	sdelay $0x1  }
0xac: {  	v5 =	vadd.s32 v2, v5;
	_ =	sdelay $0x1  }
0xad: {  	v4 =	vperm.xlane v4, v3;
	_ =	sdelay $0x1  }
0xae: {  	v4 =	vadd.s32 v2, v4  }
0xaf: {  	[tilespmem:s24], [sflag:$0x1] =	stream.indirect_vreg.gather [hbm4b:s2+s3], $0x80, v5, vm0, $0xb8;
	[tilespmem:$0x10400] =	vst v63  }
0xb0: {  	s9 =	simm.s32 $0xC00  }
0xb1: {  	[tilespmem:s9], [sflag:$0x1] =	stream.indirect_vreg.gather [hbm4b:s6+s3], $0x80, v5, vm0, $0xb8;
	[tilespmem:$0x10400] =	vst v63  }
0xb2: {  	s10 =	simm.s32 $0x1400  }
0xb3: {  	[tilespmem:s10], [sflag:$0x1] =	stream.indirect_vreg.gather [hbm4b:s2+s3], $0x80, v4, vm0, $0xb8;
	[tilespmem:$0x10400] =	vst v63  }
0xb4: {  	s28 =	simm.s32 $0x1C00  }
0xb5: {  	[tilespmem:s28], [sflag:$0x1] =	stream.indirect_vreg.gather [hbm4b:s6+s3], $0x80, v4, vm0, $0xb8;
	[tilespmem:$0x10400] =	vst v63  }
0xb6: {  	v4 =	vld [tilespmem:$0x90];
	_ =	sdelay $0x4  }
0xb7: {  	v5 =	vshll.u32 v4, $0x2  }
0xb8: {  	v4 =	vand.u32 $0x7, v4;
	v5 =	vand.u32 $0xFFFFFFE0, v5  }
0xb9: {  	v4 =	vor.u32 v4, v5  }
0xba: {  	v5 =	vperm.xlane v4, v1;
	_ =	sdelay $0x1  }
0xbb: {  	v5 =	vadd.s32 v2, v5;
	_ =	sdelay $0x1  }
0xbc: {  	v4 =	vperm.xlane v4, v3;
	_ =	sdelay $0x1  }
0xbd: {  	s11 =	simm.s32 $0x2400;
	v4 =	vadd.s32 v2, v4  }
0xbe: {  	[tilespmem:s11], [sflag:$0x1] =	stream.indirect_vreg.gather [hbm4b:s2+s3], $0x80, v5, vm0, $0xb8;
	[tilespmem:$0x10400] =	vst v63  }
0xbf: {  	s19 =	simm.s32 $0x2C00  }
0xc0: {  	[tilespmem:s19], [sflag:$0x1] =	stream.indirect_vreg.gather [hbm4b:s6+s3], $0x80, v5, vm0, $0xb8;
	[tilespmem:$0x10400] =	vst v63  }
0xc1: {  	s8 =	simm.s32 $0x3400  }
0xc2: {  	[tilespmem:s8], [sflag:$0x1] =	stream.indirect_vreg.gather [hbm4b:s2+s3], $0x80, v4, vm0, $0xb8;
	[tilespmem:$0x10400] =	vst v63  }
0xc3: {  	s12 =	simm.s32 $0x3C00  }
0xc4: {  	[tilespmem:s12], [sflag:$0x1] =	stream.indirect_vreg.gather [hbm4b:s6+s3], $0x80, v4, vm0, $0xb8;
	[tilespmem:$0x10400] =	vst v63  }
0xc5: {  	v4 =	vld [tilespmem:$0xA0];
	_ =	sdelay $0x4  }
0xc6: {  	v5 =	vshll.u32 v4, $0x2  }
0xc7: {  	v4 =	vand.u32 $0x7, v4;
	v5 =	vand.u32 $0xFFFFFFE0, v5  }
0xc8: {  	v4 =	vor.u32 v4, v5  }
0xc9: {  	v5 =	vperm.xlane v4, v1;
	_ =	sdelay $0x1  }
0xca: {  	v5 =	vadd.s32 v2, v5;
	_ =	sdelay $0x1  }
0xcb: {  	v4 =	vperm.xlane v4, v3;
	_ =	sdelay $0x1  }
0xcc: {  	s9 =	simm.s32 $0x4400;
	v4 =	vadd.s32 v2, v4  }
0xcd: {  	[tilespmem:s9], [sflag:$0x1] =	stream.indirect_vreg.gather [hbm4b:s2+s3], $0x80, v5, vm0, $0xb8;
	[tilespmem:$0x10400] =	vst v63  }
0xce: {  	s10 =	simm.s32 $0x4C00  }
0xcf: {  	[tilespmem:s10], [sflag:$0x1] =	stream.indirect_vreg.gather [hbm4b:s6+s3], $0x80, v5, vm0, $0xb8;
	[tilespmem:$0x10400] =	vst v63  }
0xd0: {  	s11 =	simm.s32 $0x5400  }
0xd1: {  	[tilespmem:s11], [sflag:$0x1] =	stream.indirect_vreg.gather [hbm4b:s2+s3], $0x80, v4, vm0, $0xb8;
	[tilespmem:$0x10400] =	vst v63  }
0xd2: {  	s26 =	simm.s32 $0x5C00  }
0xd3: {  	[tilespmem:s26], [sflag:$0x1] =	stream.indirect_vreg.gather [hbm4b:s6+s3], $0x80, v4, vm0, $0xb8;
	[tilespmem:$0x10400] =	vst v63  }
0xd4: {  	v4 =	vld [tilespmem:$0xB0];
	_ =	sdelay $0x4  }
0xd5: {  	v5 =	vshll.u32 v4, $0x2  }
0xd6: {  	v4 =	vand.u32 $0x7, v4;
	v5 =	vand.u32 $0xFFFFFFE0, v5  }
0xd7: {  	v4 =	vor.u32 v4, v5  }
0xd8: {  	v5 =	vperm.xlane v4, v1;
	_ =	sdelay $0x1  }
0xd9: {  	v5 =	vadd.s32 v2, v5;
	_ =	sdelay $0x1  }
0xda: {  	v4 =	vperm.xlane v4, v3;
	_ =	sdelay $0x1  }
0xdb: {  	s12 =	simm.s32 $0x6400;
	v4 =	vadd.s32 v2, v4  }
0xdc: {  	[tilespmem:s12], [sflag:$0x1] =	stream.indirect_vreg.gather [hbm4b:s2+s3], $0x80, v5, vm0, $0xb8;
	[tilespmem:$0x10400] =	vst v63  }
0xdd: {  	s26 =	simm.s32 $0x6C00  }
0xde: {  	[tilespmem:s26], [sflag:$0x1] =	stream.indirect_vreg.gather [hbm4b:s6+s3], $0x80, v5, vm0, $0xb8;
	[tilespmem:$0x10400] =	vst v63  }
0xdf: {  	s28 =	simm.s32 $0x7400  }
0xe0: {  	[tilespmem:s28], [sflag:$0x1] =	stream.indirect_vreg.gather [hbm4b:s2+s3], $0x80, v4, vm0, $0xb8;
	[tilespmem:$0x10400] =	vst v63  }
0xe1: {  	s0 =	simm.s32 $0x7C00  }
0xe2: {  	[tilespmem:s0], [sflag:$0x1] =	stream.indirect_vreg.gather [hbm4b:s6+s3], $0x80, v4, vm0, $0xb8;
	[tilespmem:$0x10400] =	vst v63  }
0xe3: {  	_ =	swait.ge [sflag:s1], $0x8000  }
0xe4: {  	[sflag:s1] =	ssyncset.done $0x0  }
0xe5: {  	s8 =	rddreg [dreg:$0x6];
	[sflag:s1] =	ssyncadd.s32 $0xFFFF8000  }
0xe6: {  	[hbm4b:s8+s3] =	stream.linear.scatter [tilespmem:s13], [sflag:$0x3], $0x8000, $0x38;
	[tilespmem:$0x10400] =	vst v63  }
0xe7: {  	_ =	swait.ge [sflag:s23], $0x8000  }
0xe8: {  	[sflag:s23] =	ssyncset.done $0x0  }
0xe9: {  	[sflag:s23] =	ssyncadd.s32 $0xFFFF8000  }
0xea: {  	v4 =	vld [tilespmem:$0xC0];
	_ =	sdelay $0x4  }
0xeb: {  	v5 =	vshll.u32 v4, $0x2  }
0xec: {  	v4 =	vand.u32 $0x7, v4;
	v5 =	vand.u32 $0xFFFFFFE0, v5  }
0xed: {  	v4 =	vor.u32 v4, v5  }
0xee: {  	v5 =	vperm.xlane v4, v1;
	_ =	sdelay $0x1  }
0xef: {  	v5 =	vadd.s32 v2, v5;
	_ =	sdelay $0x1  }
0xf0: {  	v4 =	vperm.xlane v4, v3;
	_ =	sdelay $0x1  }
0xf1: {  	v4 =	vadd.s32 v2, v4  }
0xf2: {  	[tilespmem:s13], [sflag:$0x2] =	stream.indirect_vreg.gather [hbm4b:s2+s3], $0x80, v5, vm0, $0xb8;
	[tilespmem:$0x10400] =	vst v63  }
0xf3: {  	s0 =	simm.s32 $0x8C00  }
0xf4: {  	[tilespmem:s0], [sflag:$0x2] =	stream.indirect_vreg.gather [hbm4b:s6+s3], $0x80, v5, vm0, $0xb8;
	[tilespmem:$0x10400] =	vst v63  }
0xf5: {  	s4 =	simm.s32 $0x9400  }
0xf6: {  	[tilespmem:s4], [sflag:$0x2] =	stream.indirect_vreg.gather [hbm4b:s2+s3], $0x80, v4, vm0, $0xb8;
	[tilespmem:$0x10400] =	vst v63  }
0xf7: {  	s7 =	simm.s32 $0x9C00  }
0xf8: {  	[tilespmem:s7], [sflag:$0x2] =	stream.indirect_vreg.gather [hbm4b:s6+s3], $0x80, v4, vm0, $0xb8;
	[tilespmem:$0x10400] =	vst v63  }
0xf9: {  	v4 =	vld [tilespmem:$0xD0];
	_ =	sdelay $0x4  }
0xfa: {  	v5 =	vshll.u32 v4, $0x2  }
0xfb: {  	v4 =	vand.u32 $0x7, v4;
	v5 =	vand.u32 $0xFFFFFFE0, v5  }
0xfc: {  	v4 =	vor.u32 v4, v5  }
0xfd: {  	v5 =	vperm.xlane v4, v1;
	_ =	sdelay $0x1  }
0xfe: {  	v5 =	vadd.s32 v2, v5;
	_ =	sdelay $0x1  }
0xff: {  	v4 =	vperm.xlane v4, v3;
	_ =	sdelay $0x1  }
0x100: {  	s7 =	simm.s32 $0xA400;
	v4 =	vadd.s32 v2, v4  }
0x101: {  	[tilespmem:s7], [sflag:$0x2] =	stream.indirect_vreg.gather [hbm4b:s2+s3], $0x80, v5, vm0, $0xb8;
	[tilespmem:$0x10400] =	vst v63  }
0x102: {  	s8 =	simm.s32 $0xAC00  }
0x103: {  	[tilespmem:s8], [sflag:$0x2] =	stream.indirect_vreg.gather [hbm4b:s6+s3], $0x80, v5, vm0, $0xb8;
	[tilespmem:$0x10400] =	vst v63  }
0x104: {  	s17 =	simm.s32 $0xB400  }
0x105: {  	[tilespmem:s17], [sflag:$0x2] =	stream.indirect_vreg.gather [hbm4b:s2+s3], $0x80, v4, vm0, $0xb8;
	[tilespmem:$0x10400] =	vst v63  }
0x106: {  	s14 =	simm.s32 $0xBC00  }
0x107: {  	[tilespmem:s14], [sflag:$0x2] =	stream.indirect_vreg.gather [hbm4b:s6+s3], $0x80, v4, vm0, $0xb8;
	[tilespmem:$0x10400] =	vst v63  }
0x108: {  	v4 =	vld [tilespmem:$0xE0];
	_ =	sdelay $0x4  }
0x109: {  	v5 =	vshll.u32 v4, $0x2  }
0x10a: {  	v4 =	vand.u32 $0x7, v4;
	v5 =	vand.u32 $0xFFFFFFE0, v5  }
0x10b: {  	v4 =	vor.u32 v4, v5  }
0x10c: {  	v5 =	vperm.xlane v4, v1;
	_ =	sdelay $0x1  }
0x10d: {  	v5 =	vadd.s32 v2, v5;
	_ =	sdelay $0x1  }
0x10e: {  	v4 =	vperm.xlane v4, v3;
	_ =	sdelay $0x1  }
0x10f: {  	s21 =	simm.s32 $0xC400;
	v4 =	vadd.s32 v2, v4  }
0x110: {  	[tilespmem:s21], [sflag:$0x2] =	stream.indirect_vreg.gather [hbm4b:s2+s3], $0x80, v5, vm0, $0xb8;
	[tilespmem:$0x10400] =	vst v63  }
0x111: {  	s22 =	simm.s32 $0xCC00  }
0x112: {  	[tilespmem:s22], [sflag:$0x2] =	stream.indirect_vreg.gather [hbm4b:s6+s3], $0x80, v5, vm0, $0xb8;
	[tilespmem:$0x10400] =	vst v63  }
0x113: {  	s25 =	simm.s32 $0xD400  }
0x114: {  	[tilespmem:s25], [sflag:$0x2] =	stream.indirect_vreg.gather [hbm4b:s2+s3], $0x80, v4, vm0, $0xb8;
	[tilespmem:$0x10400] =	vst v63  }
0x115: {  	s15 =	simm.s32 $0xDC00  }
0x116: {  	[tilespmem:s15], [sflag:$0x2] =	stream.indirect_vreg.gather [hbm4b:s6+s3], $0x80, v4, vm0, $0xb8;
	[tilespmem:$0x10400] =	vst v63  }
0x117: {  	v4 =	vld [tilespmem:$0xF0];
	_ =	sdelay $0x4  }
0x118: {  	v5 =	vshll.u32 v4, $0x2  }
0x119: {  	v4 =	vand.u32 $0x7, v4;
	v5 =	vand.u32 $0xFFFFFFE0, v5  }
0x11a: {  	v4 =	vor.u32 v4, v5  }
0x11b: {  	v5 =	vperm.xlane v4, v1;
	_ =	sdelay $0x1  }
0x11c: {  	v5 =	vadd.s32 v2, v5;
	_ =	sdelay $0x1  }
0x11d: {  	v4 =	vperm.xlane v4, v3;
	_ =	sdelay $0x1  }
0x11e: {  	s18 =	simm.s32 $0xE400;
	v4 =	vadd.s32 v2, v4  }
0x11f: {  	[tilespmem:s18], [sflag:$0x2] =	stream.indirect_vreg.gather [hbm4b:s2+s3], $0x80, v5, vm0, $0xb8;
	[tilespmem:$0x10400] =	vst v63  }
0x120: {  	s15 =	simm.s32 $0xEC00  }
0x121: {  	[tilespmem:s15], [sflag:$0x2] =	stream.indirect_vreg.gather [hbm4b:s6+s3], $0x80, v5, vm0, $0xb8;
	[tilespmem:$0x10400] =	vst v63  }
0x122: {  	s25 =	simm.s32 $0xF400  }
0x123: {  	[tilespmem:s25], [sflag:$0x2] =	stream.indirect_vreg.gather [hbm4b:s2+s3], $0x80, v4, vm0, $0xb8;
	[tilespmem:$0x10400] =	vst v63  }
0x124: {  	s16 =	simm.s32 $0xFC00  }
0x125: {  	[tilespmem:s16], [sflag:$0x2] =	stream.indirect_vreg.gather [hbm4b:s6+s3], $0x80, v4, vm0, $0xb8;
	[tilespmem:$0x10400] =	vst v63  }
0x126: {  	_ =	swait.ge [sflag:s31], $0x8000  }
0x127: {  	[sflag:s31] =	ssyncset.done $0x0  }
0x128: {  	s5 =	rddreg [dreg:$0x7];
	[sflag:s31] =	ssyncadd.s32 $0xFFFF8000  }
0x129: {  	[hbm4b:s5+s3] =	stream.linear.scatter [tilespmem:s24], [sflag:$0x3], $0x8000, $0x38;
	[tilespmem:$0x10400] =	vst v63  }
0x12a: {  	_ =	swait.ge [sflag:s23], $0x8000  }
0x12b: {  	[sflag:s23] =	ssyncset.done $0x0  }
0x12c: {  	[sflag:s23] =	ssyncadd.s32 $0xFFFF8000  }
0x12d: {  	v4 =	vld [tilespmem:$0x100];
	_ =	sdelay $0x4  }
0x12e: {  	v5 =	vshll.u32 v4, $0x2  }
0x12f: {  	v4 =	vand.u32 $0x7, v4;
	v5 =	vand.u32 $0xFFFFFFE0, v5  }
0x130: {  	v4 =	vor.u32 v4, v5  }
0x131: {  	v5 =	vperm.xlane v4, v1;
	_ =	sdelay $0x1  }
0x132: {  	v5 =	vadd.s32 v2, v5;
	_ =	sdelay $0x1  }
0x133: {  	v4 =	vperm.xlane v4, v3;
	_ =	sdelay $0x1  }
0x134: {  	v4 =	vadd.s32 v2, v4  }
0x135: {  	[tilespmem:s24], [sflag:$0x1] =	stream.indirect_vreg.gather [hbm4b:s2+s3], $0x80, v5, vm0, $0xb8;
	[tilespmem:$0x10400] =	vst v63  }
0x136: {  	s5 =	simm.s32 $0xC00  }
0x137: {  	[tilespmem:s5], [sflag:$0x1] =	stream.indirect_vreg.gather [hbm4b:s6+s3], $0x80, v5, vm0, $0xb8;
	[tilespmem:$0x10400] =	vst v63  }
0x138: {  	s5 =	simm.s32 $0x1400  }
0x139: {  	[tilespmem:s5], [sflag:$0x1] =	stream.indirect_vreg.gather [hbm4b:s2+s3], $0x80, v4, vm0, $0xb8;
	[tilespmem:$0x10400] =	vst v63  }
0x13a: {  	s5 =	simm.s32 $0x1C00  }
0x13b: {  	[tilespmem:s5], [sflag:$0x1] =	stream.indirect_vreg.gather [hbm4b:s6+s3], $0x80, v4, vm0, $0xb8;
	[tilespmem:$0x10400] =	vst v63  }
0x13c: {  	v4 =	vld [tilespmem:$0x110];
	_ =	sdelay $0x4  }
0x13d: {  	v5 =	vshll.u32 v4, $0x2  }
0x13e: {  	v4 =	vand.u32 $0x7, v4;
	v5 =	vand.u32 $0xFFFFFFE0, v5  }
0x13f: {  	v4 =	vor.u32 v4, v5  }
0x140: {  	v5 =	vperm.xlane v4, v1;
	_ =	sdelay $0x1  }
0x141: {  	v5 =	vadd.s32 v2, v5;
	_ =	sdelay $0x1  }
0x142: {  	v4 =	vperm.xlane v4, v3;
	_ =	sdelay $0x1  }
0x143: {  	s5 =	simm.s32 $0x2400;
	v4 =	vadd.s32 v2, v4  }
0x144: {  	[tilespmem:s5], [sflag:$0x1] =	stream.indirect_vreg.gather [hbm4b:s2+s3], $0x80, v5, vm0, $0xb8;
	[tilespmem:$0x10400] =	vst v63  }
0x145: {  	s5 =	simm.s32 $0x2C00  }
0x146: {  	[tilespmem:s5], [sflag:$0x1] =	stream.indirect_vreg.gather [hbm4b:s6+s3], $0x80, v5, vm0, $0xb8;
	[tilespmem:$0x10400] =	vst v63  }
0x147: {  	s5 =	simm.s32 $0x3400  }
0x148: {  	[tilespmem:s5], [sflag:$0x1] =	stream.indirect_vreg.gather [hbm4b:s2+s3], $0x80, v4, vm0, $0xb8;
	[tilespmem:$0x10400] =	vst v63  }
0x149: {  	s5 =	simm.s32 $0x3C00  }
0x14a: {  	[tilespmem:s5], [sflag:$0x1] =	stream.indirect_vreg.gather [hbm4b:s6+s3], $0x80, v4, vm0, $0xb8;
	[tilespmem:$0x10400] =	vst v63  }
0x14b: {  	v4 =	vld [tilespmem:$0x120];
	_ =	sdelay $0x4  }
0x14c: {  	v5 =	vshll.u32 v4, $0x2  }
0x14d: {  	v4 =	vand.u32 $0x7, v4;
	v5 =	vand.u32 $0xFFFFFFE0, v5  }
0x14e: {  	v4 =	vor.u32 v4, v5  }
0x14f: {  	v5 =	vperm.xlane v4, v1;
	_ =	sdelay $0x1  }
0x150: {  	v5 =	vadd.s32 v2, v5;
	_ =	sdelay $0x1  }
0x151: {  	v4 =	vperm.xlane v4, v3;
	_ =	sdelay $0x1  }
0x152: {  	v4 =	vadd.s32 v2, v4  }
0x153: {  	[tilespmem:s9], [sflag:$0x1] =	stream.indirect_vreg.gather [hbm4b:s2+s3], $0x80, v5, vm0, $0xb8;
	[tilespmem:$0x10400] =	vst v63  }
0x154: {  	_ = 	snop  }
0x155: {  	[tilespmem:s10], [sflag:$0x1] =	stream.indirect_vreg.gather [hbm4b:s6+s3], $0x80, v5, vm0, $0xb8;
	[tilespmem:$0x10400] =	vst v63  }
0x156: {  	_ = 	snop  }
0x157: {  	[tilespmem:s11], [sflag:$0x1] =	stream.indirect_vreg.gather [hbm4b:s2+s3], $0x80, v4, vm0, $0xb8;
	[tilespmem:$0x10400] =	vst v63  }
0x158: {  	s5 =	simm.s32 $0x5C00  }
0x159: {  	[tilespmem:s5], [sflag:$0x1] =	stream.indirect_vreg.gather [hbm4b:s6+s3], $0x80, v4, vm0, $0xb8;
	[tilespmem:$0x10400] =	vst v63  }
0x15a: {  	v4 =	vld [tilespmem:$0x130];
	_ =	sdelay $0x4  }
0x15b: {  	v5 =	vshll.u32 v4, $0x2  }
0x15c: {  	v4 =	vand.u32 $0x7, v4;
	v5 =	vand.u32 $0xFFFFFFE0, v5  }
0x15d: {  	v4 =	vor.u32 v4, v5  }
0x15e: {  	v5 =	vperm.xlane v4, v1;
	_ =	sdelay $0x1  }
0x15f: {  	v5 =	vadd.s32 v2, v5;
	_ =	sdelay $0x1  }
0x160: {  	v4 =	vperm.xlane v4, v3;
	_ =	sdelay $0x1  }
0x161: {  	v4 =	vadd.s32 v2, v4  }
0x162: {  	[tilespmem:s12], [sflag:$0x1] =	stream.indirect_vreg.gather [hbm4b:s2+s3], $0x80, v5, vm0, $0xb8;
	[tilespmem:$0x10400] =	vst v63  }
0x163: {  	_ = 	snop  }
0x164: {  	[tilespmem:s26], [sflag:$0x1] =	stream.indirect_vreg.gather [hbm4b:s6+s3], $0x80, v5, vm0, $0xb8;
	[tilespmem:$0x10400] =	vst v63  }
0x165: {  	_ = 	snop  }
0x166: {  	[tilespmem:s28], [sflag:$0x1] =	stream.indirect_vreg.gather [hbm4b:s2+s3], $0x80, v4, vm0, $0xb8;
	[tilespmem:$0x10400] =	vst v63  }
0x167: {  	s5 =	simm.s32 $0x7C00  }
0x168: {  	[tilespmem:s5], [sflag:$0x1] =	stream.indirect_vreg.gather [hbm4b:s6+s3], $0x80, v4, vm0, $0xb8;
	[tilespmem:$0x10400] =	vst v63  }
0x169: {  	_ =	swait.ge [sflag:s1], $0x8000  }
0x16a: {  	[sflag:s1] =	ssyncset.done $0x0  }
0x16b: {  	s5 =	rddreg [dreg:$0x8];
	[sflag:s1] =	ssyncadd.s32 $0xFFFF8000  }
0x16c: {  	[hbm4b:s5+s3] =	stream.linear.scatter [tilespmem:s13], [sflag:$0x3], $0x8000, $0x38;
	[tilespmem:$0x10400] =	vst v63  }
0x16d: {  	_ =	swait.ge [sflag:s23], $0x8000  }
0x16e: {  	[sflag:s23] =	ssyncset.done $0x0  }
0x16f: {  	[sflag:s23] =	ssyncadd.s32 $0xFFFF8000  }
0x170: {  	v4 =	vld [tilespmem:$0x140];
	_ =	sdelay $0x4  }
0x171: {  	v5 =	vshll.u32 v4, $0x2  }
0x172: {  	v4 =	vand.u32 $0x7, v4;
	v5 =	vand.u32 $0xFFFFFFE0, v5  }
0x173: {  	v4 =	vor.u32 v4, v5  }
0x174: {  	v5 =	vperm.xlane v4, v1;
	_ =	sdelay $0x1  }
0x175: {  	v5 =	vadd.s32 v2, v5;
	_ =	sdelay $0x1  }
0x176: {  	v4 =	vperm.xlane v4, v3;
	_ =	sdelay $0x1  }
0x177: {  	v4 =	vadd.s32 v2, v4  }
0x178: {  	[tilespmem:s13], [sflag:$0x2] =	stream.indirect_vreg.gather [hbm4b:s2+s3], $0x80, v5, vm0, $0xb8;
	[tilespmem:$0x10400] =	vst v63  }
0x179: {  	_ = 	snop  }
0x17a: {  	[tilespmem:s0], [sflag:$0x2] =	stream.indirect_vreg.gather [hbm4b:s6+s3], $0x80, v5, vm0, $0xb8;
	[tilespmem:$0x10400] =	vst v63  }
0x17b: {  	_ = 	snop  }
0x17c: {  	[tilespmem:s4], [sflag:$0x2] =	stream.indirect_vreg.gather [hbm4b:s2+s3], $0x80, v4, vm0, $0xb8;
	[tilespmem:$0x10400] =	vst v63  }
0x17d: {  	s30 =	simm.s32 $0x9C00  }
0x17e: {  	[tilespmem:s30], [sflag:$0x2] =	stream.indirect_vreg.gather [hbm4b:s6+s3], $0x80, v4, vm0, $0xb8;
	[tilespmem:$0x10400] =	vst v63  }
0x17f: {  	v4 =	vld [tilespmem:$0x150];
	_ =	sdelay $0x4  }
0x180: {  	v5 =	vshll.u32 v4, $0x2  }
0x181: {  	v4 =	vand.u32 $0x7, v4;
	v5 =	vand.u32 $0xFFFFFFE0, v5  }
0x182: {  	v4 =	vor.u32 v4, v5  }
0x183: {  	v5 =	vperm.xlane v4, v1;
	_ =	sdelay $0x1  }
0x184: {  	v5 =	vadd.s32 v2, v5;
	_ =	sdelay $0x1  }
0x185: {  	v4 =	vperm.xlane v4, v3;
	_ =	sdelay $0x1  }
0x186: {  	v4 =	vadd.s32 v2, v4  }
0x187: {  	[tilespmem:s7], [sflag:$0x2] =	stream.indirect_vreg.gather [hbm4b:s2+s3], $0x80, v5, vm0, $0xb8;
	[tilespmem:$0x10400] =	vst v63  }
0x188: {  	_ = 	snop  }
0x189: {  	[tilespmem:s8], [sflag:$0x2] =	stream.indirect_vreg.gather [hbm4b:s6+s3], $0x80, v5, vm0, $0xb8;
	[tilespmem:$0x10400] =	vst v63  }
0x18a: {  	s19 =	simm.s32 $0xB400  }
0x18b: {  	[tilespmem:s19], [sflag:$0x2] =	stream.indirect_vreg.gather [hbm4b:s2+s3], $0x80, v4, vm0, $0xb8;
	[tilespmem:$0x10400] =	vst v63  }
0x18c: {  	s20 =	simm.s32 $0xBC00  }
0x18d: {  	[tilespmem:s20], [sflag:$0x2] =	stream.indirect_vreg.gather [hbm4b:s6+s3], $0x80, v4, vm0, $0xb8;
	[tilespmem:$0x10400] =	vst v63  }
0x18e: {  	v4 =	vld [tilespmem:$0x160];
	_ =	sdelay $0x4  }
0x18f: {  	v5 =	vshll.u32 v4, $0x2  }
0x190: {  	v4 =	vand.u32 $0x7, v4;
	v5 =	vand.u32 $0xFFFFFFE0, v5  }
0x191: {  	v4 =	vor.u32 v4, v5  }
0x192: {  	v5 =	vperm.xlane v4, v1;
	_ =	sdelay $0x1  }
0x193: {  	v5 =	vadd.s32 v2, v5;
	_ =	sdelay $0x1  }
0x194: {  	v4 =	vperm.xlane v4, v3;
	_ =	sdelay $0x1  }
0x195: {  	s14 =	simm.s32 $0xC400;
	v4 =	vadd.s32 v2, v4  }
0x196: {  	[tilespmem:s14], [sflag:$0x2] =	stream.indirect_vreg.gather [hbm4b:s2+s3], $0x80, v5, vm0, $0xb8;
	[tilespmem:$0x10400] =	vst v63  }
0x197: {  	s17 =	simm.s32 $0xCC00  }
0x198: {  	[tilespmem:s17], [sflag:$0x2] =	stream.indirect_vreg.gather [hbm4b:s6+s3], $0x80, v5, vm0, $0xb8;
	[tilespmem:$0x10400] =	vst v63  }
0x199: {  	s22 =	simm.s32 $0xD400  }
0x19a: {  	[tilespmem:s22], [sflag:$0x2] =	stream.indirect_vreg.gather [hbm4b:s2+s3], $0x80, v4, vm0, $0xb8;
	[tilespmem:$0x10400] =	vst v63  }
0x19b: {  	s21 =	simm.s32 $0xDC00  }
0x19c: {  	[tilespmem:s21], [sflag:$0x2] =	stream.indirect_vreg.gather [hbm4b:s6+s3], $0x80, v4, vm0, $0xb8;
	[tilespmem:$0x10400] =	vst v63  }
0x19d: {  	v4 =	vld [tilespmem:$0x170];
	_ =	sdelay $0x4  }
0x19e: {  	v5 =	vshll.u32 v4, $0x2  }
0x19f: {  	v4 =	vand.u32 $0x7, v4;
	v5 =	vand.u32 $0xFFFFFFE0, v5  }
0x1a0: {  	v4 =	vor.u32 v4, v5  }
0x1a1: {  	v5 =	vperm.xlane v4, v1;
	_ =	sdelay $0x1  }
0x1a2: {  	v5 =	vadd.s32 v2, v5;
	_ =	sdelay $0x1  }
0x1a3: {  	v4 =	vperm.xlane v4, v3;
	_ =	sdelay $0x1  }
0x1a4: {  	s18 =	simm.s32 $0xE400;
	v4 =	vadd.s32 v2, v4  }
0x1a5: {  	[tilespmem:s18], [sflag:$0x2] =	stream.indirect_vreg.gather [hbm4b:s2+s3], $0x80, v5, vm0, $0xb8;
	[tilespmem:$0x10400] =	vst v63  }
0x1a6: {  	s15 =	simm.s32 $0xEC00  }
0x1a7: {  	[tilespmem:s15], [sflag:$0x2] =	stream.indirect_vreg.gather [hbm4b:s6+s3], $0x80, v5, vm0, $0xb8;
	[tilespmem:$0x10400] =	vst v63  }
0x1a8: {  	s25 =	simm.s32 $0xF400  }
0x1a9: {  	[tilespmem:s25], [sflag:$0x2] =	stream.indirect_vreg.gather [hbm4b:s2+s3], $0x80, v4, vm0, $0xb8;
	[tilespmem:$0x10400] =	vst v63  }
0x1aa: {  	s16 =	simm.s32 $0xFC00  }
0x1ab: {  	[tilespmem:s16], [sflag:$0x2] =	stream.indirect_vreg.gather [hbm4b:s6+s3], $0x80, v4, vm0, $0xb8;
	[tilespmem:$0x10400] =	vst v63  }
0x1ac: {  	_ =	swait.ge [sflag:s31], $0x8000  }
0x1ad: {  	[sflag:s31] =	ssyncset.done $0x0  }
0x1ae: {  	s25 =	rddreg [dreg:$0x9];
	[sflag:s31] =	ssyncadd.s32 $0xFFFF8000  }
0x1af: {  	[hbm4b:s25+s3] =	stream.linear.scatter [tilespmem:s24], [sflag:$0x3], $0x8000, $0x38;
	[tilespmem:$0x10400] =	vst v63  }
0x1b0: {  	_ =	swait.ge [sflag:s23], $0x8000  }
0x1b1: {  	[sflag:s23] =	ssyncset.done $0x0  }
0x1b2: {  	[sflag:s23] =	ssyncadd.s32 $0xFFFF8000  }
0x1b3: {  	v4 =	vld [tilespmem:$0x180];
	_ =	sdelay $0x4  }
0x1b4: {  	v5 =	vshll.u32 v4, $0x2  }
0x1b5: {  	v4 =	vand.u32 $0x7, v4;
	v5 =	vand.u32 $0xFFFFFFE0, v5  }
0x1b6: {  	v4 =	vor.u32 v4, v5  }
0x1b7: {  	v5 =	vperm.xlane v4, v1;
	_ =	sdelay $0x1  }
0x1b8: {  	v5 =	vadd.s32 v2, v5;
	_ =	sdelay $0x1  }
0x1b9: {  	v4 =	vperm.xlane v4, v3;
	_ =	sdelay $0x1  }
0x1ba: {  	v4 =	vadd.s32 v2, v4  }
0x1bb: {  	[tilespmem:s24], [sflag:$0x1] =	stream.indirect_vreg.gather [hbm4b:s2+s3], $0x80, v5, vm0, $0xb8;
	[tilespmem:$0x10400] =	vst v63  }
0x1bc: {  	s25 =	simm.s32 $0xC00  }
0x1bd: {  	[tilespmem:s25], [sflag:$0x1] =	stream.indirect_vreg.gather [hbm4b:s6+s3], $0x80, v5, vm0, $0xb8;
	[tilespmem:$0x10400] =	vst v63  }
0x1be: {  	s25 =	simm.s32 $0x1400  }
0x1bf: {  	[tilespmem:s25], [sflag:$0x1] =	stream.indirect_vreg.gather [hbm4b:s2+s3], $0x80, v4, vm0, $0xb8;
	[tilespmem:$0x10400] =	vst v63  }
0x1c0: {  	s25 =	simm.s32 $0x1C00  }
0x1c1: {  	[tilespmem:s25], [sflag:$0x1] =	stream.indirect_vreg.gather [hbm4b:s6+s3], $0x80, v4, vm0, $0xb8;
	[tilespmem:$0x10400] =	vst v63  }
0x1c2: {  	v4 =	vld [tilespmem:$0x190];
	_ =	sdelay $0x4  }
0x1c3: {  	v5 =	vshll.u32 v4, $0x2  }
0x1c4: {  	v4 =	vand.u32 $0x7, v4;
	v5 =	vand.u32 $0xFFFFFFE0, v5  }
0x1c5: {  	v4 =	vor.u32 v4, v5  }
0x1c6: {  	v5 =	vperm.xlane v4, v1;
	_ =	sdelay $0x1  }
0x1c7: {  	v5 =	vadd.s32 v2, v5;
	_ =	sdelay $0x1  }
0x1c8: {  	v4 =	vperm.xlane v4, v3;
	_ =	sdelay $0x1  }
0x1c9: {  	s25 =	simm.s32 $0x2400;
	v4 =	vadd.s32 v2, v4  }
0x1ca: {  	[tilespmem:s25], [sflag:$0x1] =	stream.indirect_vreg.gather [hbm4b:s2+s3], $0x80, v5, vm0, $0xb8;
	[tilespmem:$0x10400] =	vst v63  }
0x1cb: {  	s25 =	simm.s32 $0x2C00  }
0x1cc: {  	[tilespmem:s25], [sflag:$0x1] =	stream.indirect_vreg.gather [hbm4b:s6+s3], $0x80, v5, vm0, $0xb8;
	[tilespmem:$0x10400] =	vst v63  }
0x1cd: {  	s25 =	simm.s32 $0x3400  }
0x1ce: {  	[tilespmem:s25], [sflag:$0x1] =	stream.indirect_vreg.gather [hbm4b:s2+s3], $0x80, v4, vm0, $0xb8;
	[tilespmem:$0x10400] =	vst v63  }
0x1cf: {  	s25 =	simm.s32 $0x3C00  }
0x1d0: {  	[tilespmem:s25], [sflag:$0x1] =	stream.indirect_vreg.gather [hbm4b:s6+s3], $0x80, v4, vm0, $0xb8;
	[tilespmem:$0x10400] =	vst v63  }
0x1d1: {  	v4 =	vld [tilespmem:$0x1A0];
	_ =	sdelay $0x4  }
0x1d2: {  	v5 =	vshll.u32 v4, $0x2  }
0x1d3: {  	v4 =	vand.u32 $0x7, v4;
	v5 =	vand.u32 $0xFFFFFFE0, v5  }
0x1d4: {  	v4 =	vor.u32 v4, v5  }
0x1d5: {  	v5 =	vperm.xlane v4, v1;
	_ =	sdelay $0x1  }
0x1d6: {  	v5 =	vadd.s32 v2, v5;
	_ =	sdelay $0x1  }
0x1d7: {  	v4 =	vperm.xlane v4, v3;
	_ =	sdelay $0x1  }
0x1d8: {  	s9 =	simm.s32 $0x4400;
	v4 =	vadd.s32 v2, v4  }
0x1d9: {  	[tilespmem:s9], [sflag:$0x1] =	stream.indirect_vreg.gather [hbm4b:s2+s3], $0x80, v5, vm0, $0xb8;
	[tilespmem:$0x10400] =	vst v63  }
0x1da: {  	s10 =	simm.s32 $0x4C00  }
0x1db: {  	[tilespmem:s10], [sflag:$0x1] =	stream.indirect_vreg.gather [hbm4b:s6+s3], $0x80, v5, vm0, $0xb8;
	[tilespmem:$0x10400] =	vst v63  }
0x1dc: {  	s11 =	simm.s32 $0x5400  }
0x1dd: {  	[tilespmem:s11], [sflag:$0x1] =	stream.indirect_vreg.gather [hbm4b:s2+s3], $0x80, v4, vm0, $0xb8;
	[tilespmem:$0x10400] =	vst v63  }
0x1de: {  	s25 =	simm.s32 $0x5C00  }
0x1df: {  	[tilespmem:s25], [sflag:$0x1] =	stream.indirect_vreg.gather [hbm4b:s6+s3], $0x80, v4, vm0, $0xb8;
	[tilespmem:$0x10400] =	vst v63  }
0x1e0: {  	v4 =	vld [tilespmem:$0x1B0];
	_ =	sdelay $0x4  }
0x1e1: {  	v5 =	vshll.u32 v4, $0x2  }
0x1e2: {  	v4 =	vand.u32 $0x7, v4;
	v5 =	vand.u32 $0xFFFFFFE0, v5  }
0x1e3: {  	v4 =	vor.u32 v4, v5  }
0x1e4: {  	v5 =	vperm.xlane v4, v1;
	_ =	sdelay $0x1  }
0x1e5: {  	v5 =	vadd.s32 v2, v5;
	_ =	sdelay $0x1  }
0x1e6: {  	v4 =	vperm.xlane v4, v3;
	_ =	sdelay $0x1  }
0x1e7: {  	s12 =	simm.s32 $0x6400;
	v4 =	vadd.s32 v2, v4  }
0x1e8: {  	[tilespmem:s12], [sflag:$0x1] =	stream.indirect_vreg.gather [hbm4b:s2+s3], $0x80, v5, vm0, $0xb8;
	[tilespmem:$0x10400] =	vst v63  }
0x1e9: {  	s26 =	simm.s32 $0x6C00  }
0x1ea: {  	[tilespmem:s26], [sflag:$0x1] =	stream.indirect_vreg.gather [hbm4b:s6+s3], $0x80, v5, vm0, $0xb8;
	[tilespmem:$0x10400] =	vst v63  }
0x1eb: {  	s28 =	simm.s32 $0x7400  }
0x1ec: {  	[tilespmem:s28], [sflag:$0x1] =	stream.indirect_vreg.gather [hbm4b:s2+s3], $0x80, v4, vm0, $0xb8;
	[tilespmem:$0x10400] =	vst v63  }
0x1ed: {  	s28 =	simm.s32 $0x7C00  }
0x1ee: {  	[tilespmem:s28], [sflag:$0x1] =	stream.indirect_vreg.gather [hbm4b:s6+s3], $0x80, v4, vm0, $0xb8;
	[tilespmem:$0x10400] =	vst v63  }
0x1ef: {  	_ =	swait.ge [sflag:s1], $0x8000  }
0x1f0: {  	[sflag:s1] =	ssyncset.done $0x0  }
0x1f1: {  	s28 =	rddreg [dreg:$0xa];
	[sflag:s1] =	ssyncadd.s32 $0xFFFF8000  }
0x1f2: {  	[hbm4b:s28+s3] =	stream.linear.scatter [tilespmem:s13], [sflag:$0x3], $0x8000, $0x38;
	[tilespmem:$0x10400] =	vst v63  }
0x1f3: {  	_ =	swait.ge [sflag:s23], $0x8000  }
0x1f4: {  	[sflag:s23] =	ssyncset.done $0x0  }
0x1f5: {  	[sflag:s23] =	ssyncadd.s32 $0xFFFF8000  }
0x1f6: {  	v4 =	vld [tilespmem:$0x1C0];
	_ =	sdelay $0x4  }
0x1f7: {  	v5 =	vshll.u32 v4, $0x2  }
0x1f8: {  	v4 =	vand.u32 $0x7, v4;
	v5 =	vand.u32 $0xFFFFFFE0, v5  }
0x1f9: {  	v4 =	vor.u32 v4, v5  }
0x1fa: {  	v5 =	vperm.xlane v4, v1;
	_ =	sdelay $0x1  }
0x1fb: {  	v5 =	vadd.s32 v2, v5;
	_ =	sdelay $0x1  }
0x1fc: {  	v4 =	vperm.xlane v4, v3;
	_ =	sdelay $0x1  }
0x1fd: {  	v4 =	vadd.s32 v2, v4  }
0x1fe: {  	[tilespmem:s13], [sflag:$0x2] =	stream.indirect_vreg.gather [hbm4b:s2+s3], $0x80, v5, vm0, $0xb8;
	[tilespmem:$0x10400] =	vst v63  }
0x1ff: {  	s0 =	simm.s32 $0x8C00  }
0x200: {  	[tilespmem:s0], [sflag:$0x2] =	stream.indirect_vreg.gather [hbm4b:s6+s3], $0x80, v5, vm0, $0xb8;
	[tilespmem:$0x10400] =	vst v63  }
0x201: {  	s4 =	simm.s32 $0x9400  }
0x202: {  	[tilespmem:s4], [sflag:$0x2] =	stream.indirect_vreg.gather [hbm4b:s2+s3], $0x80, v4, vm0, $0xb8;
	[tilespmem:$0x10400] =	vst v63  }
0x203: {  	s28 =	simm.s32 $0x9C00  }
0x204: {  	[tilespmem:s28], [sflag:$0x2] =	stream.indirect_vreg.gather [hbm4b:s6+s3], $0x80, v4, vm0, $0xb8;
	[tilespmem:$0x10400] =	vst v63  }
0x205: {  	v4 =	vld [tilespmem:$0x1D0];
	_ =	sdelay $0x4  }
0x206: {  	v5 =	vshll.u32 v4, $0x2  }
0x207: {  	v4 =	vand.u32 $0x7, v4;
	v5 =	vand.u32 $0xFFFFFFE0, v5  }
0x208: {  	v4 =	vor.u32 v4, v5  }
0x209: {  	v5 =	vperm.xlane v4, v1;
	_ =	sdelay $0x1  }
0x20a: {  	v5 =	vadd.s32 v2, v5;
	_ =	sdelay $0x1  }
0x20b: {  	v4 =	vperm.xlane v4, v3;
	_ =	sdelay $0x1  }
0x20c: {  	s7 =	simm.s32 $0xA400;
	v4 =	vadd.s32 v2, v4  }
0x20d: {  	[tilespmem:s7], [sflag:$0x2] =	stream.indirect_vreg.gather [hbm4b:s2+s3], $0x80, v5, vm0, $0xb8;
	[tilespmem:$0x10400] =	vst v63  }
0x20e: {  	s8 =	simm.s32 $0xAC00  }
0x20f: {  	[tilespmem:s8], [sflag:$0x2] =	stream.indirect_vreg.gather [hbm4b:s6+s3], $0x80, v5, vm0, $0xb8;
	[tilespmem:$0x10400] =	vst v63  }
0x210: {  	s19 =	simm.s32 $0xB400  }
0x211: {  	[tilespmem:s19], [sflag:$0x2] =	stream.indirect_vreg.gather [hbm4b:s2+s3], $0x80, v4, vm0, $0xb8;
	[tilespmem:$0x10400] =	vst v63  }
0x212: {  	s20 =	simm.s32 $0xBC00  }
0x213: {  	[tilespmem:s20], [sflag:$0x2] =	stream.indirect_vreg.gather [hbm4b:s6+s3], $0x80, v4, vm0, $0xb8;
	[tilespmem:$0x10400] =	vst v63  }
0x214: {  	v4 =	vld [tilespmem:$0x1E0];
	_ =	sdelay $0x4  }
0x215: {  	v5 =	vshll.u32 v4, $0x2  }
0x216: {  	v4 =	vand.u32 $0x7, v4;
	v5 =	vand.u32 $0xFFFFFFE0, v5  }
0x217: {  	v4 =	vor.u32 v4, v5  }
0x218: {  	v5 =	vperm.xlane v4, v1;
	_ =	sdelay $0x1  }
0x219: {  	v5 =	vadd.s32 v2, v5;
	_ =	sdelay $0x1  }
0x21a: {  	v4 =	vperm.xlane v4, v3;
	_ =	sdelay $0x1  }
0x21b: {  	s14 =	simm.s32 $0xC400;
	v4 =	vadd.s32 v2, v4  }
0x21c: {  	[tilespmem:s14], [sflag:$0x2] =	stream.indirect_vreg.gather [hbm4b:s2+s3], $0x80, v5, vm0, $0xb8;
	[tilespmem:$0x10400] =	vst v63  }
0x21d: {  	s17 =	simm.s32 $0xCC00  }
0x21e: {  	[tilespmem:s17], [sflag:$0x2] =	stream.indirect_vreg.gather [hbm4b:s6+s3], $0x80, v5, vm0, $0xb8;
	[tilespmem:$0x10400] =	vst v63  }
0x21f: {  	s30 =	simm.s32 $0xD400  }
0x220: {  	[tilespmem:s30], [sflag:$0x2] =	stream.indirect_vreg.gather [hbm4b:s2+s3], $0x80, v4, vm0, $0xb8;
	[tilespmem:$0x10400] =	vst v63  }
0x221: {  	s21 =	simm.s32 $0xDC00  }
0x222: {  	[tilespmem:s21], [sflag:$0x2] =	stream.indirect_vreg.gather [hbm4b:s6+s3], $0x80, v4, vm0, $0xb8;
	[tilespmem:$0x10400] =	vst v63  }
0x223: {  	v4 =	vld [tilespmem:$0x1F0];
	_ =	sdelay $0x4  }
0x224: {  	v5 =	vshll.u32 v4, $0x2  }
0x225: {  	v4 =	vand.u32 $0x7, v4;
	v5 =	vand.u32 $0xFFFFFFE0, v5  }
0x226: {  	v4 =	vor.u32 v4, v5  }
0x227: {  	v5 =	vperm.xlane v4, v1;
	_ =	sdelay $0x1  }
0x228: {  	v5 =	vadd.s32 v2, v5;
	_ =	sdelay $0x1  }
0x229: {  	v4 =	vperm.xlane v4, v3;
	_ =	sdelay $0x1  }
0x22a: {  	s22 =	simm.s32 $0xE400;
	v4 =	vadd.s32 v2, v4  }
0x22b: {  	[tilespmem:s22], [sflag:$0x2] =	stream.indirect_vreg.gather [hbm4b:s2+s3], $0x80, v5, vm0, $0xb8;
	[tilespmem:$0x10400] =	vst v63  }
0x22c: {  	s15 =	simm.s32 $0xEC00  }
0x22d: {  	[tilespmem:s15], [sflag:$0x2] =	stream.indirect_vreg.gather [hbm4b:s6+s3], $0x80, v5, vm0, $0xb8;
	[tilespmem:$0x10400] =	vst v63  }
0x22e: {  	s18 =	simm.s32 $0xF400  }
0x22f: {  	[tilespmem:s18], [sflag:$0x2] =	stream.indirect_vreg.gather [hbm4b:s2+s3], $0x80, v4, vm0, $0xb8;
	[tilespmem:$0x10400] =	vst v63  }
0x230: {  	s16 =	simm.s32 $0xFC00  }
0x231: {  	[tilespmem:s16], [sflag:$0x2] =	stream.indirect_vreg.gather [hbm4b:s6+s3], $0x80, v4, vm0, $0xb8;
	[tilespmem:$0x10400] =	vst v63  }
0x232: {  	_ =	swait.ge [sflag:s31], $0x8000  }
0x233: {  	[sflag:s31] =	ssyncset.done $0x0  }
0x234: {  	s18 =	rddreg [dreg:$0xb];
	[sflag:s31] =	ssyncadd.s32 $0xFFFF8000  }
0x235: {  	[hbm4b:s18+s3] =	stream.linear.scatter [tilespmem:s24], [sflag:$0x3], $0x8000, $0x38;
	[tilespmem:$0x10400] =	vst v63  }
0x236: {  	_ =	swait.ge [sflag:s23], $0x8000  }
0x237: {  	[sflag:s23] =	ssyncset.done $0x0  }
0x238: {  	[sflag:s23] =	ssyncadd.s32 $0xFFFF8000  }
0x239: {  	v4 =	vld [tilespmem:$0x200];
	_ =	sdelay $0x4  }
0x23a: {  	v5 =	vshll.u32 v4, $0x2  }
0x23b: {  	v4 =	vand.u32 $0x7, v4;
	v5 =	vand.u32 $0xFFFFFFE0, v5  }
0x23c: {  	v4 =	vor.u32 v4, v5  }
0x23d: {  	v5 =	vperm.xlane v4, v1;
	_ =	sdelay $0x1  }
0x23e: {  	v5 =	vadd.s32 v2, v5;
	_ =	sdelay $0x1  }
0x23f: {  	v4 =	vperm.xlane v4, v3;
	_ =	sdelay $0x1  }
0x240: {  	v4 =	vadd.s32 v2, v4  }
0x241: {  	[tilespmem:s24], [sflag:$0x1] =	stream.indirect_vreg.gather [hbm4b:s2+s3], $0x80, v5, vm0, $0xb8;
	[tilespmem:$0x10400] =	vst v63  }
0x242: {  	s18 =	simm.s32 $0xC00  }
0x243: {  	[tilespmem:s18], [sflag:$0x1] =	stream.indirect_vreg.gather [hbm4b:s6+s3], $0x80, v5, vm0, $0xb8;
	[tilespmem:$0x10400] =	vst v63  }
0x244: {  	s18 =	simm.s32 $0x1400  }
0x245: {  	[tilespmem:s18], [sflag:$0x1] =	stream.indirect_vreg.gather [hbm4b:s2+s3], $0x80, v4, vm0, $0xb8;
	[tilespmem:$0x10400] =	vst v63  }
0x246: {  	s18 =	simm.s32 $0x1C00  }
0x247: {  	[tilespmem:s18], [sflag:$0x1] =	stream.indirect_vreg.gather [hbm4b:s6+s3], $0x80, v4, vm0, $0xb8;
	[tilespmem:$0x10400] =	vst v63  }
0x248: {  	v4 =	vld [tilespmem:$0x210];
	_ =	sdelay $0x4  }
0x249: {  	v5 =	vshll.u32 v4, $0x2  }
0x24a: {  	v4 =	vand.u32 $0x7, v4;
	v5 =	vand.u32 $0xFFFFFFE0, v5  }
0x24b: {  	v4 =	vor.u32 v4, v5  }
0x24c: {  	v5 =	vperm.xlane v4, v1;
	_ =	sdelay $0x1  }
0x24d: {  	v5 =	vadd.s32 v2, v5;
	_ =	sdelay $0x1  }
0x24e: {  	v4 =	vperm.xlane v4, v3;
	_ =	sdelay $0x1  }
0x24f: {  	s18 =	simm.s32 $0x2400;
	v4 =	vadd.s32 v2, v4  }
0x250: {  	[tilespmem:s18], [sflag:$0x1] =	stream.indirect_vreg.gather [hbm4b:s2+s3], $0x80, v5, vm0, $0xb8;
	[tilespmem:$0x10400] =	vst v63  }
0x251: {  	s18 =	simm.s32 $0x2C00  }
0x252: {  	[tilespmem:s18], [sflag:$0x1] =	stream.indirect_vreg.gather [hbm4b:s6+s3], $0x80, v5, vm0, $0xb8;
	[tilespmem:$0x10400] =	vst v63  }
0x253: {  	s18 =	simm.s32 $0x3400  }
0x254: {  	[tilespmem:s18], [sflag:$0x1] =	stream.indirect_vreg.gather [hbm4b:s2+s3], $0x80, v4, vm0, $0xb8;
	[tilespmem:$0x10400] =	vst v63  }
0x255: {  	s18 =	simm.s32 $0x3C00  }
0x256: {  	[tilespmem:s18], [sflag:$0x1] =	stream.indirect_vreg.gather [hbm4b:s6+s3], $0x80, v4, vm0, $0xb8;
	[tilespmem:$0x10400] =	vst v63  }
0x257: {  	v4 =	vld [tilespmem:$0x220];
	_ =	sdelay $0x4  }
0x258: {  	v5 =	vshll.u32 v4, $0x2  }
0x259: {  	v4 =	vand.u32 $0x7, v4;
	v5 =	vand.u32 $0xFFFFFFE0, v5  }
0x25a: {  	v4 =	vor.u32 v4, v5  }
0x25b: {  	v5 =	vperm.xlane v4, v1;
	_ =	sdelay $0x1  }
0x25c: {  	v5 =	vadd.s32 v2, v5;
	_ =	sdelay $0x1  }
0x25d: {  	v4 =	vperm.xlane v4, v3;
	_ =	sdelay $0x1  }
0x25e: {  	s9 =	simm.s32 $0x4400;
	v4 =	vadd.s32 v2, v4  }
0x25f: {  	[tilespmem:s9], [sflag:$0x1] =	stream.indirect_vreg.gather [hbm4b:s2+s3], $0x80, v5, vm0, $0xb8;
	[tilespmem:$0x10400] =	vst v63  }
0x260: {  	s10 =	simm.s32 $0x4C00  }
0x261: {  	[tilespmem:s10], [sflag:$0x1] =	stream.indirect_vreg.gather [hbm4b:s6+s3], $0x80, v5, vm0, $0xb8;
	[tilespmem:$0x10400] =	vst v63  }
0x262: {  	s11 =	simm.s32 $0x5400  }
0x263: {  	[tilespmem:s11], [sflag:$0x1] =	stream.indirect_vreg.gather [hbm4b:s2+s3], $0x80, v4, vm0, $0xb8;
	[tilespmem:$0x10400] =	vst v63  }
0x264: {  	s18 =	simm.s32 $0x5C00  }
0x265: {  	[tilespmem:s18], [sflag:$0x1] =	stream.indirect_vreg.gather [hbm4b:s6+s3], $0x80, v4, vm0, $0xb8;
	[tilespmem:$0x10400] =	vst v63  }
0x266: {  	v4 =	vld [tilespmem:$0x230];
	_ =	sdelay $0x4  }
0x267: {  	v5 =	vshll.u32 v4, $0x2  }
0x268: {  	v4 =	vand.u32 $0x7, v4;
	v5 =	vand.u32 $0xFFFFFFE0, v5  }
0x269: {  	v4 =	vor.u32 v4, v5  }
0x26a: {  	v5 =	vperm.xlane v4, v1;
	_ =	sdelay $0x1  }
0x26b: {  	v5 =	vadd.s32 v2, v5;
	_ =	sdelay $0x1  }
0x26c: {  	v4 =	vperm.xlane v4, v3;
	_ =	sdelay $0x1  }
0x26d: {  	s12 =	simm.s32 $0x6400;
	v4 =	vadd.s32 v2, v4  }
0x26e: {  	[tilespmem:s12], [sflag:$0x1] =	stream.indirect_vreg.gather [hbm4b:s2+s3], $0x80, v5, vm0, $0xb8;
	[tilespmem:$0x10400] =	vst v63  }
0x26f: {  	s25 =	simm.s32 $0x6C00  }
0x270: {  	[tilespmem:s25], [sflag:$0x1] =	stream.indirect_vreg.gather [hbm4b:s6+s3], $0x80, v5, vm0, $0xb8;
	[tilespmem:$0x10400] =	vst v63  }
0x271: {  	s26 =	simm.s32 $0x7400  }
0x272: {  	[tilespmem:s26], [sflag:$0x1] =	stream.indirect_vreg.gather [hbm4b:s2+s3], $0x80, v4, vm0, $0xb8;
	[tilespmem:$0x10400] =	vst v63  }
0x273: {  	s12 =	simm.s32 $0x7C00  }
0x274: {  	[tilespmem:s12], [sflag:$0x1] =	stream.indirect_vreg.gather [hbm4b:s6+s3], $0x80, v4, vm0, $0xb8;
	[tilespmem:$0x10400] =	vst v63  }
0x275: {  	_ =	swait.ge [sflag:s1], $0x8000  }
0x276: {  	[sflag:s1] =	ssyncset.done $0x0  }
0x277: {  	s25 =	rddreg [dreg:$0xc];
	[sflag:s1] =	ssyncadd.s32 $0xFFFF8000  }
0x278: {  	[hbm4b:s25+s3] =	stream.linear.scatter [tilespmem:s13], [sflag:$0x3], $0x8000, $0x38;
	[tilespmem:$0x10400] =	vst v63  }
0x279: {  	_ =	swait.ge [sflag:s23], $0x8000  }
0x27a: {  	[sflag:s23] =	ssyncset.done $0x0  }
0x27b: {  	[sflag:s23] =	ssyncadd.s32 $0xFFFF8000  }
0x27c: {  	v4 =	vld [tilespmem:$0x240];
	_ =	sdelay $0x4  }
0x27d: {  	v5 =	vshll.u32 v4, $0x2  }
0x27e: {  	v4 =	vand.u32 $0x7, v4;
	v5 =	vand.u32 $0xFFFFFFE0, v5  }
0x27f: {  	v4 =	vor.u32 v4, v5  }
0x280: {  	v5 =	vperm.xlane v4, v1;
	_ =	sdelay $0x1  }
0x281: {  	v5 =	vadd.s32 v2, v5;
	_ =	sdelay $0x1  }
0x282: {  	v4 =	vperm.xlane v4, v3;
	_ =	sdelay $0x1  }
0x283: {  	v4 =	vadd.s32 v2, v4  }
0x284: {  	[tilespmem:s13], [sflag:$0x2] =	stream.indirect_vreg.gather [hbm4b:s2+s3], $0x80, v5, vm0, $0xb8;
	[tilespmem:$0x10400] =	vst v63  }
0x285: {  	s0 =	simm.s32 $0x8C00  }
0x286: {  	[tilespmem:s0], [sflag:$0x2] =	stream.indirect_vreg.gather [hbm4b:s6+s3], $0x80, v5, vm0, $0xb8;
	[tilespmem:$0x10400] =	vst v63  }
0x287: {  	s4 =	simm.s32 $0x9400  }
0x288: {  	[tilespmem:s4], [sflag:$0x2] =	stream.indirect_vreg.gather [hbm4b:s2+s3], $0x80, v4, vm0, $0xb8;
	[tilespmem:$0x10400] =	vst v63  }
0x289: {  	s12 =	simm.s32 $0x9C00  }
0x28a: {  	[tilespmem:s12], [sflag:$0x2] =	stream.indirect_vreg.gather [hbm4b:s6+s3], $0x80, v4, vm0, $0xb8;
	[tilespmem:$0x10400] =	vst v63  }
0x28b: {  	v4 =	vld [tilespmem:$0x250];
	_ =	sdelay $0x4  }
0x28c: {  	v5 =	vshll.u32 v4, $0x2  }
0x28d: {  	v4 =	vand.u32 $0x7, v4;
	v5 =	vand.u32 $0xFFFFFFE0, v5  }
0x28e: {  	v4 =	vor.u32 v4, v5  }
0x28f: {  	v5 =	vperm.xlane v4, v1;
	_ =	sdelay $0x1  }
0x290: {  	v5 =	vadd.s32 v2, v5;
	_ =	sdelay $0x1  }
0x291: {  	v4 =	vperm.xlane v4, v3;
	_ =	sdelay $0x1  }
0x292: {  	s7 =	simm.s32 $0xA400;
	v4 =	vadd.s32 v2, v4  }
0x293: {  	[tilespmem:s7], [sflag:$0x2] =	stream.indirect_vreg.gather [hbm4b:s2+s3], $0x80, v5, vm0, $0xb8;
	[tilespmem:$0x10400] =	vst v63  }
0x294: {  	s8 =	simm.s32 $0xAC00  }
0x295: {  	[tilespmem:s8], [sflag:$0x2] =	stream.indirect_vreg.gather [hbm4b:s6+s3], $0x80, v5, vm0, $0xb8;
	[tilespmem:$0x10400] =	vst v63  }
0x296: {  	s19 =	simm.s32 $0xB400  }
0x297: {  	[tilespmem:s19], [sflag:$0x2] =	stream.indirect_vreg.gather [hbm4b:s2+s3], $0x80, v4, vm0, $0xb8;
	[tilespmem:$0x10400] =	vst v63  }
0x298: {  	s20 =	simm.s32 $0xBC00  }
0x299: {  	[tilespmem:s20], [sflag:$0x2] =	stream.indirect_vreg.gather [hbm4b:s6+s3], $0x80, v4, vm0, $0xb8;
	[tilespmem:$0x10400] =	vst v63  }
0x29a: {  	v4 =	vld [tilespmem:$0x260];
	_ =	sdelay $0x4  }
0x29b: {  	v5 =	vshll.u32 v4, $0x2  }
0x29c: {  	v4 =	vand.u32 $0x7, v4;
	v5 =	vand.u32 $0xFFFFFFE0, v5  }
0x29d: {  	v4 =	vor.u32 v4, v5  }
0x29e: {  	v5 =	vperm.xlane v4, v1;
	_ =	sdelay $0x1  }
0x29f: {  	v5 =	vadd.s32 v2, v5;
	_ =	sdelay $0x1  }
0x2a0: {  	v4 =	vperm.xlane v4, v3;
	_ =	sdelay $0x1  }
0x2a1: {  	s14 =	simm.s32 $0xC400;
	v4 =	vadd.s32 v2, v4  }
0x2a2: {  	[tilespmem:s14], [sflag:$0x2] =	stream.indirect_vreg.gather [hbm4b:s2+s3], $0x80, v5, vm0, $0xb8;
	[tilespmem:$0x10400] =	vst v63  }
0x2a3: {  	s17 =	simm.s32 $0xCC00  }
0x2a4: {  	[tilespmem:s17], [sflag:$0x2] =	stream.indirect_vreg.gather [hbm4b:s6+s3], $0x80, v5, vm0, $0xb8;
	[tilespmem:$0x10400] =	vst v63  }
0x2a5: {  	s30 =	simm.s32 $0xD400  }
0x2a6: {  	[tilespmem:s30], [sflag:$0x2] =	stream.indirect_vreg.gather [hbm4b:s2+s3], $0x80, v4, vm0, $0xb8;
	[tilespmem:$0x10400] =	vst v63  }
0x2a7: {  	s21 =	simm.s32 $0xDC00  }
0x2a8: {  	[tilespmem:s21], [sflag:$0x2] =	stream.indirect_vreg.gather [hbm4b:s6+s3], $0x80, v4, vm0, $0xb8;
	[tilespmem:$0x10400] =	vst v63  }
0x2a9: {  	v4 =	vld [tilespmem:$0x270];
	_ =	sdelay $0x4  }
0x2aa: {  	v5 =	vshll.u32 v4, $0x2  }
0x2ab: {  	v4 =	vand.u32 $0x7, v4;
	v5 =	vand.u32 $0xFFFFFFE0, v5  }
0x2ac: {  	v4 =	vor.u32 v4, v5  }
0x2ad: {  	v5 =	vperm.xlane v4, v1;
	_ =	sdelay $0x1  }
0x2ae: {  	v5 =	vadd.s32 v2, v5;
	_ =	sdelay $0x1  }
0x2af: {  	v4 =	vperm.xlane v4, v3;
	_ =	sdelay $0x1  }
0x2b0: {  	s22 =	simm.s32 $0xE400;
	v4 =	vadd.s32 v2, v4  }
0x2b1: {  	[tilespmem:s22], [sflag:$0x2] =	stream.indirect_vreg.gather [hbm4b:s2+s3], $0x80, v5, vm0, $0xb8;
	[tilespmem:$0x10400] =	vst v63  }
0x2b2: {  	s28 =	simm.s32 $0xEC00  }
0x2b3: {  	[tilespmem:s28], [sflag:$0x2] =	stream.indirect_vreg.gather [hbm4b:s6+s3], $0x80, v5, vm0, $0xb8;
	[tilespmem:$0x10400] =	vst v63  }
0x2b4: {  	s15 =	simm.s32 $0xF400  }
0x2b5: {  	[tilespmem:s15], [sflag:$0x2] =	stream.indirect_vreg.gather [hbm4b:s2+s3], $0x80, v4, vm0, $0xb8;
	[tilespmem:$0x10400] =	vst v63  }
0x2b6: {  	s16 =	simm.s32 $0xFC00  }
0x2b7: {  	[tilespmem:s16], [sflag:$0x2] =	stream.indirect_vreg.gather [hbm4b:s6+s3], $0x80, v4, vm0, $0xb8;
	[tilespmem:$0x10400] =	vst v63  }
0x2b8: {  	_ =	swait.ge [sflag:s31], $0x8000  }
0x2b9: {  	[sflag:s31] =	ssyncset.done $0x0  }
0x2ba: {  	s16 =	rddreg [dreg:$0xd];
	[sflag:s31] =	ssyncadd.s32 $0xFFFF8000  }
0x2bb: {  	[hbm4b:s16+s3] =	stream.linear.scatter [tilespmem:s24], [sflag:$0x3], $0x8000, $0x38;
	[tilespmem:$0x10400] =	vst v63  }
0x2bc: {  	_ =	swait.ge [sflag:s23], $0x8000  }
0x2bd: {  	[sflag:s23] =	ssyncset.done $0x0  }
0x2be: {  	[sflag:s23] =	ssyncadd.s32 $0xFFFF8000  }
0x2bf: {  	v4 =	vld [tilespmem:$0x280];
	_ =	sdelay $0x4  }
0x2c0: {  	v5 =	vshll.u32 v4, $0x2  }
0x2c1: {  	v4 =	vand.u32 $0x7, v4;
	v5 =	vand.u32 $0xFFFFFFE0, v5  }
0x2c2: {  	v4 =	vor.u32 v4, v5  }
0x2c3: {  	v5 =	vperm.xlane v4, v1;
	_ =	sdelay $0x1  }
0x2c4: {  	v5 =	vadd.s32 v2, v5;
	_ =	sdelay $0x1  }
0x2c5: {  	v4 =	vperm.xlane v4, v3;
	_ =	sdelay $0x1  }
0x2c6: {  	v4 =	vadd.s32 v2, v4  }
0x2c7: {  	[tilespmem:s24], [sflag:$0x1] =	stream.indirect_vreg.gather [hbm4b:s2+s3], $0x80, v5, vm0, $0xb8;
	[tilespmem:$0x10400] =	vst v63  }
0x2c8: {  	s22 =	simm.s32 $0xC00  }
0x2c9: {  	[tilespmem:s22], [sflag:$0x1] =	stream.indirect_vreg.gather [hbm4b:s6+s3], $0x80, v5, vm0, $0xb8;
	[tilespmem:$0x10400] =	vst v63  }
0x2ca: {  	s28 =	simm.s32 $0x1400  }
0x2cb: {  	[tilespmem:s28], [sflag:$0x1] =	stream.indirect_vreg.gather [hbm4b:s2+s3], $0x80, v4, vm0, $0xb8;
	[tilespmem:$0x10400] =	vst v63  }
0x2cc: {  	s16 =	simm.s32 $0x1C00  }
0x2cd: {  	[tilespmem:s16], [sflag:$0x1] =	stream.indirect_vreg.gather [hbm4b:s6+s3], $0x80, v4, vm0, $0xb8;
	[tilespmem:$0x10400] =	vst v63  }
0x2ce: {  	v4 =	vld [tilespmem:$0x290];
	_ =	sdelay $0x4  }
0x2cf: {  	v5 =	vshll.u32 v4, $0x2  }
0x2d0: {  	v4 =	vand.u32 $0x7, v4;
	v5 =	vand.u32 $0xFFFFFFE0, v5  }
0x2d1: {  	v4 =	vor.u32 v4, v5  }
0x2d2: {  	v5 =	vperm.xlane v4, v1;
	_ =	sdelay $0x1  }
0x2d3: {  	v5 =	vadd.s32 v2, v5;
	_ =	sdelay $0x1  }
0x2d4: {  	v4 =	vperm.xlane v4, v3;
	_ =	sdelay $0x1  }
0x2d5: {  	s22 =	simm.s32 $0x2400;
	v4 =	vadd.s32 v2, v4  }
0x2d6: {  	[tilespmem:s22], [sflag:$0x1] =	stream.indirect_vreg.gather [hbm4b:s2+s3], $0x80, v5, vm0, $0xb8;
	[tilespmem:$0x10400] =	vst v63  }
0x2d7: {  	s28 =	simm.s32 $0x2C00  }
0x2d8: {  	[tilespmem:s28], [sflag:$0x1] =	stream.indirect_vreg.gather [hbm4b:s6+s3], $0x80, v5, vm0, $0xb8;
	[tilespmem:$0x10400] =	vst v63  }
0x2d9: {  	s16 =	simm.s32 $0x3400  }
0x2da: {  	[tilespmem:s16], [sflag:$0x1] =	stream.indirect_vreg.gather [hbm4b:s2+s3], $0x80, v4, vm0, $0xb8;
	[tilespmem:$0x10400] =	vst v63  }
0x2db: {  	s22 =	simm.s32 $0x3C00  }
0x2dc: {  	[tilespmem:s22], [sflag:$0x1] =	stream.indirect_vreg.gather [hbm4b:s6+s3], $0x80, v4, vm0, $0xb8;
	[tilespmem:$0x10400] =	vst v63  }
0x2dd: {  	v4 =	vld [tilespmem:$0x2A0];
	_ =	sdelay $0x4  }
0x2de: {  	v5 =	vshll.u32 v4, $0x2  }
0x2df: {  	v4 =	vand.u32 $0x7, v4;
	v5 =	vand.u32 $0xFFFFFFE0, v5  }
0x2e0: {  	v4 =	vor.u32 v4, v5  }
0x2e1: {  	v5 =	vperm.xlane v4, v1;
	_ =	sdelay $0x1  }
0x2e2: {  	v5 =	vadd.s32 v2, v5;
	_ =	sdelay $0x1  }
0x2e3: {  	v4 =	vperm.xlane v4, v3;
	_ =	sdelay $0x1  }
0x2e4: {  	s9 =	simm.s32 $0x4400;
	v4 =	vadd.s32 v2, v4  }
0x2e5: {  	[tilespmem:s9], [sflag:$0x1] =	stream.indirect_vreg.gather [hbm4b:s2+s3], $0x80, v5, vm0, $0xb8;
	[tilespmem:$0x10400] =	vst v63  }
0x2e6: {  	s10 =	simm.s32 $0x4C00  }
0x2e7: {  	[tilespmem:s10], [sflag:$0x1] =	stream.indirect_vreg.gather [hbm4b:s6+s3], $0x80, v5, vm0, $0xb8;
	[tilespmem:$0x10400] =	vst v63  }
0x2e8: {  	s11 =	simm.s32 $0x5400  }
0x2e9: {  	[tilespmem:s11], [sflag:$0x1] =	stream.indirect_vreg.gather [hbm4b:s2+s3], $0x80, v4, vm0, $0xb8;
	[tilespmem:$0x10400] =	vst v63  }
0x2ea: {  	s28 =	simm.s32 $0x5C00  }
0x2eb: {  	[tilespmem:s28], [sflag:$0x1] =	stream.indirect_vreg.gather [hbm4b:s6+s3], $0x80, v4, vm0, $0xb8;
	[tilespmem:$0x10400] =	vst v63  }
0x2ec: {  	v4 =	vld [tilespmem:$0x2B0];
	_ =	sdelay $0x4  }
0x2ed: {  	v5 =	vshll.u32 v4, $0x2  }
0x2ee: {  	v4 =	vand.u32 $0x7, v4;
	v5 =	vand.u32 $0xFFFFFFE0, v5  }
0x2ef: {  	v4 =	vor.u32 v4, v5  }
0x2f0: {  	v5 =	vperm.xlane v4, v1;
	_ =	sdelay $0x1  }
0x2f1: {  	v5 =	vadd.s32 v2, v5;
	_ =	sdelay $0x1  }
0x2f2: {  	v4 =	vperm.xlane v4, v3;
	_ =	sdelay $0x1  }
0x2f3: {  	s9 =	simm.s32 $0x6400;
	v4 =	vadd.s32 v2, v4  }
0x2f4: {  	[tilespmem:s9], [sflag:$0x1] =	stream.indirect_vreg.gather [hbm4b:s2+s3], $0x80, v5, vm0, $0xb8;
	[tilespmem:$0x10400] =	vst v63  }
0x2f5: {  	s18 =	simm.s32 $0x6C00  }
0x2f6: {  	[tilespmem:s18], [sflag:$0x1] =	stream.indirect_vreg.gather [hbm4b:s6+s3], $0x80, v5, vm0, $0xb8;
	[tilespmem:$0x10400] =	vst v63  }
0x2f7: {  	s26 =	simm.s32 $0x7400  }
0x2f8: {  	[tilespmem:s26], [sflag:$0x1] =	stream.indirect_vreg.gather [hbm4b:s2+s3], $0x80, v4, vm0, $0xb8;
	[tilespmem:$0x10400] =	vst v63  }
0x2f9: {  	s16 =	simm.s32 $0x7C00  }
0x2fa: {  	[tilespmem:s16], [sflag:$0x1] =	stream.indirect_vreg.gather [hbm4b:s6+s3], $0x80, v4, vm0, $0xb8;
	[tilespmem:$0x10400] =	vst v63  }
0x2fb: {  	_ =	swait.ge [sflag:s1], $0x8000  }
0x2fc: {  	[sflag:s1] =	ssyncset.done $0x0  }
0x2fd: {  	s26 =	rddreg [dreg:$0xe];
	[sflag:s1] =	ssyncadd.s32 $0xFFFF8000  }
0x2fe: {  	[hbm4b:s26+s3] =	stream.linear.scatter [tilespmem:s13], [sflag:$0x3], $0x8000, $0x38;
	[tilespmem:$0x10400] =	vst v63  }
0x2ff: {  	_ =	swait.ge [sflag:s23], $0x8000  }
0x300: {  	[sflag:s23] =	ssyncset.done $0x0  }
0x301: {  	[sflag:s23] =	ssyncadd.s32 $0xFFFF8000  }
0x302: {  	v4 =	vld [tilespmem:$0x2C0];
	_ =	sdelay $0x4  }
0x303: {  	v5 =	vshll.u32 v4, $0x2  }
0x304: {  	v4 =	vand.u32 $0x7, v4;
	v5 =	vand.u32 $0xFFFFFFE0, v5  }
0x305: {  	v4 =	vor.u32 v4, v5  }
0x306: {  	v5 =	vperm.xlane v4, v1;
	_ =	sdelay $0x1  }
0x307: {  	v5 =	vadd.s32 v2, v5;
	_ =	sdelay $0x1  }
0x308: {  	v4 =	vperm.xlane v4, v3;
	_ =	sdelay $0x1  }
0x309: {  	v4 =	vadd.s32 v2, v4  }
0x30a: {  	[tilespmem:s13], [sflag:$0x2] =	stream.indirect_vreg.gather [hbm4b:s2+s3], $0x80, v5, vm0, $0xb8;
	[tilespmem:$0x10400] =	vst v63  }
0x30b: {  	s0 =	simm.s32 $0x8C00  }
0x30c: {  	[tilespmem:s0], [sflag:$0x2] =	stream.indirect_vreg.gather [hbm4b:s6+s3], $0x80, v5, vm0, $0xb8;
	[tilespmem:$0x10400] =	vst v63  }
0x30d: {  	s4 =	simm.s32 $0x9400  }
0x30e: {  	[tilespmem:s4], [sflag:$0x2] =	stream.indirect_vreg.gather [hbm4b:s2+s3], $0x80, v4, vm0, $0xb8;
	[tilespmem:$0x10400] =	vst v63  }
0x30f: {  	s5 =	simm.s32 $0x9C00  }
0x310: {  	[tilespmem:s5], [sflag:$0x2] =	stream.indirect_vreg.gather [hbm4b:s6+s3], $0x80, v4, vm0, $0xb8;
	[tilespmem:$0x10400] =	vst v63  }
0x311: {  	v4 =	vld [tilespmem:$0x2D0];
	_ =	sdelay $0x4  }
0x312: {  	v5 =	vshll.u32 v4, $0x2  }
0x313: {  	v4 =	vand.u32 $0x7, v4;
	v5 =	vand.u32 $0xFFFFFFE0, v5  }
0x314: {  	v4 =	vor.u32 v4, v5  }
0x315: {  	v5 =	vperm.xlane v4, v1;
	_ =	sdelay $0x1  }
0x316: {  	v5 =	vadd.s32 v2, v5;
	_ =	sdelay $0x1  }
0x317: {  	v4 =	vperm.xlane v4, v3;
	_ =	sdelay $0x1  }
0x318: {  	s7 =	simm.s32 $0xA400;
	v4 =	vadd.s32 v2, v4  }
0x319: {  	[tilespmem:s7], [sflag:$0x2] =	stream.indirect_vreg.gather [hbm4b:s2+s3], $0x80, v5, vm0, $0xb8;
	[tilespmem:$0x10400] =	vst v63  }
0x31a: {  	s8 =	simm.s32 $0xAC00  }
0x31b: {  	[tilespmem:s8], [sflag:$0x2] =	stream.indirect_vreg.gather [hbm4b:s6+s3], $0x80, v5, vm0, $0xb8;
	[tilespmem:$0x10400] =	vst v63  }
0x31c: {  	s9 =	simm.s32 $0xB400  }
0x31d: {  	[tilespmem:s9], [sflag:$0x2] =	stream.indirect_vreg.gather [hbm4b:s2+s3], $0x80, v4, vm0, $0xb8;
	[tilespmem:$0x10400] =	vst v63  }
0x31e: {  	s20 =	simm.s32 $0xBC00  }
0x31f: {  	[tilespmem:s20], [sflag:$0x2] =	stream.indirect_vreg.gather [hbm4b:s6+s3], $0x80, v4, vm0, $0xb8;
	[tilespmem:$0x10400] =	vst v63  }
0x320: {  	v4 =	vld [tilespmem:$0x2E0];
	_ =	sdelay $0x4  }
0x321: {  	v5 =	vshll.u32 v4, $0x2  }
0x322: {  	v4 =	vand.u32 $0x7, v4;
	v5 =	vand.u32 $0xFFFFFFE0, v5  }
0x323: {  	v4 =	vor.u32 v4, v5  }
0x324: {  	v5 =	vperm.xlane v4, v1;
	_ =	sdelay $0x1  }
0x325: {  	v5 =	vadd.s32 v2, v5;
	_ =	sdelay $0x1  }
0x326: {  	v4 =	vperm.xlane v4, v3;
	_ =	sdelay $0x1  }
0x327: {  	s12 =	simm.s32 $0xC400;
	v4 =	vadd.s32 v2, v4  }
0x328: {  	[tilespmem:s12], [sflag:$0x2] =	stream.indirect_vreg.gather [hbm4b:s2+s3], $0x80, v5, vm0, $0xb8;
	[tilespmem:$0x10400] =	vst v63  }
0x329: {  	s14 =	simm.s32 $0xCC00  }
0x32a: {  	[tilespmem:s14], [sflag:$0x2] =	stream.indirect_vreg.gather [hbm4b:s6+s3], $0x80, v5, vm0, $0xb8;
	[tilespmem:$0x10400] =	vst v63  }
0x32b: {  	s30 =	simm.s32 $0xD400  }
0x32c: {  	[tilespmem:s30], [sflag:$0x2] =	stream.indirect_vreg.gather [hbm4b:s2+s3], $0x80, v4, vm0, $0xb8;
	[tilespmem:$0x10400] =	vst v63  }
0x32d: {  	s17 =	simm.s32 $0xDC00  }
0x32e: {  	[tilespmem:s17], [sflag:$0x2] =	stream.indirect_vreg.gather [hbm4b:s6+s3], $0x80, v4, vm0, $0xb8;
	[tilespmem:$0x10400] =	vst v63  }
0x32f: {  	v4 =	vld [tilespmem:$0x2F0];
	_ =	sdelay $0x4  }
0x330: {  	v5 =	vshll.u32 v4, $0x2  }
0x331: {  	v4 =	vand.u32 $0x7, v4;
	v5 =	vand.u32 $0xFFFFFFE0, v5  }
0x332: {  	v4 =	vor.u32 v4, v5  }
0x333: {  	v5 =	vperm.xlane v4, v1;
	_ =	sdelay $0x1  }
0x334: {  	v5 =	vadd.s32 v2, v5;
	_ =	sdelay $0x1  }
0x335: {  	v4 =	vperm.xlane v4, v3;
	_ =	sdelay $0x1  }
0x336: {  	s19 =	simm.s32 $0xE400;
	v4 =	vadd.s32 v2, v4  }
0x337: {  	[tilespmem:s19], [sflag:$0x2] =	stream.indirect_vreg.gather [hbm4b:s2+s3], $0x80, v5, vm0, $0xb8;
	[tilespmem:$0x10400] =	vst v63  }
0x338: {  	s25 =	simm.s32 $0xEC00  }
0x339: {  	[tilespmem:s25], [sflag:$0x2] =	stream.indirect_vreg.gather [hbm4b:s6+s3], $0x80, v5, vm0, $0xb8;
	[tilespmem:$0x10400] =	vst v63  }
0x33a: {  	s21 =	simm.s32 $0xF400  }
0x33b: {  	[tilespmem:s21], [sflag:$0x2] =	stream.indirect_vreg.gather [hbm4b:s2+s3], $0x80, v4, vm0, $0xb8;
	[tilespmem:$0x10400] =	vst v63  }
0x33c: {  	s15 =	simm.s32 $0xFC00  }
0x33d: {  	[tilespmem:s15], [sflag:$0x2] =	stream.indirect_vreg.gather [hbm4b:s6+s3], $0x80, v4, vm0, $0xb8;
	[tilespmem:$0x10400] =	vst v63  }
0x33e: {  	_ =	swait.ge [sflag:s31], $0x8000  }
0x33f: {  	[sflag:s31] =	ssyncset.done $0x0  }
0x340: {  	s15 =	rddreg [dreg:$0xf];
	[sflag:s31] =	ssyncadd.s32 $0xFFFF8000  }
0x341: {  	[hbm4b:s15+s3] =	stream.linear.scatter [tilespmem:s24], [sflag:$0x3], $0x8000, $0x38;
	[tilespmem:$0x10400] =	vst v63  }
0x342: {  	_ =	swait.ge [sflag:s23], $0x8000  }
0x343: {  	[sflag:s23] =	ssyncset.done $0x0  }
0x344: {  	[sflag:s23] =	ssyncadd.s32 $0xFFFF8000  }
0x345: {  	v4 =	vld [tilespmem:$0x300];
	_ =	sdelay $0x4  }
0x346: {  	v5 =	vshll.u32 v4, $0x2  }
0x347: {  	v4 =	vand.u32 $0x7, v4;
	v5 =	vand.u32 $0xFFFFFFE0, v5  }
0x348: {  	v4 =	vor.u32 v4, v5  }
0x349: {  	v5 =	vperm.xlane v4, v1;
	_ =	sdelay $0x1  }
0x34a: {  	v5 =	vadd.s32 v2, v5;
	_ =	sdelay $0x1  }
0x34b: {  	v4 =	vperm.xlane v4, v3;
	_ =	sdelay $0x1  }
0x34c: {  	v4 =	vadd.s32 v2, v4  }
0x34d: {  	[tilespmem:s24], [sflag:$0x1] =	stream.indirect_vreg.gather [hbm4b:s2+s3], $0x80, v5, vm0, $0xb8;
	[tilespmem:$0x10400] =	vst v63  }
0x34e: {  	s21 =	simm.s32 $0xC00  }
0x34f: {  	[tilespmem:s21], [sflag:$0x1] =	stream.indirect_vreg.gather [hbm4b:s6+s3], $0x80, v5, vm0, $0xb8;
	[tilespmem:$0x10400] =	vst v63  }
0x350: {  	s30 =	simm.s32 $0x1400  }
0x351: {  	[tilespmem:s30], [sflag:$0x1] =	stream.indirect_vreg.gather [hbm4b:s2+s3], $0x80, v4, vm0, $0xb8;
	[tilespmem:$0x10400] =	vst v63  }
0x352: {  	s12 =	simm.s32 $0x1C00  }
0x353: {  	[tilespmem:s12], [sflag:$0x1] =	stream.indirect_vreg.gather [hbm4b:s6+s3], $0x80, v4, vm0, $0xb8;
	[tilespmem:$0x10400] =	vst v63  }
0x354: {  	v4 =	vld [tilespmem:$0x310];
	_ =	sdelay $0x4  }
0x355: {  	v5 =	vshll.u32 v4, $0x2  }
0x356: {  	v4 =	vand.u32 $0x7, v4;
	v5 =	vand.u32 $0xFFFFFFE0, v5  }
0x357: {  	v4 =	vor.u32 v4, v5  }
0x358: {  	v5 =	vperm.xlane v4, v1;
	_ =	sdelay $0x1  }
0x359: {  	v5 =	vadd.s32 v2, v5;
	_ =	sdelay $0x1  }
0x35a: {  	v4 =	vperm.xlane v4, v3;
	_ =	sdelay $0x1  }
0x35b: {  	s15 =	simm.s32 $0x2400;
	v4 =	vadd.s32 v2, v4  }
0x35c: {  	[tilespmem:s15], [sflag:$0x1] =	stream.indirect_vreg.gather [hbm4b:s2+s3], $0x80, v5, vm0, $0xb8;
	[tilespmem:$0x10400] =	vst v63  }
0x35d: {  	s21 =	simm.s32 $0x2C00  }
0x35e: {  	[tilespmem:s21], [sflag:$0x1] =	stream.indirect_vreg.gather [hbm4b:s6+s3], $0x80, v5, vm0, $0xb8;
	[tilespmem:$0x10400] =	vst v63  }
0x35f: {  	s30 =	simm.s32 $0x3400  }
0x360: {  	[tilespmem:s30], [sflag:$0x1] =	stream.indirect_vreg.gather [hbm4b:s2+s3], $0x80, v4, vm0, $0xb8;
	[tilespmem:$0x10400] =	vst v63  }
0x361: {  	s12 =	simm.s32 $0x3C00  }
0x362: {  	[tilespmem:s12], [sflag:$0x1] =	stream.indirect_vreg.gather [hbm4b:s6+s3], $0x80, v4, vm0, $0xb8;
	[tilespmem:$0x10400] =	vst v63  }
0x363: {  	v4 =	vld [tilespmem:$0x320];
	_ =	sdelay $0x4  }
0x364: {  	v5 =	vshll.u32 v4, $0x2  }
0x365: {  	v4 =	vand.u32 $0x7, v4;
	v5 =	vand.u32 $0xFFFFFFE0, v5  }
0x366: {  	v4 =	vor.u32 v4, v5  }
0x367: {  	v5 =	vperm.xlane v4, v1;
	_ =	sdelay $0x1  }
0x368: {  	v5 =	vadd.s32 v2, v5;
	_ =	sdelay $0x1  }
0x369: {  	v4 =	vperm.xlane v4, v3;
	_ =	sdelay $0x1  }
0x36a: {  	s22 =	simm.s32 $0x4400;
	v4 =	vadd.s32 v2, v4  }
0x36b: {  	[tilespmem:s22], [sflag:$0x1] =	stream.indirect_vreg.gather [hbm4b:s2+s3], $0x80, v5, vm0, $0xb8;
	[tilespmem:$0x10400] =	vst v63  }
0x36c: {  	s10 =	simm.s32 $0x4C00  }
0x36d: {  	[tilespmem:s10], [sflag:$0x1] =	stream.indirect_vreg.gather [hbm4b:s6+s3], $0x80, v5, vm0, $0xb8;
	[tilespmem:$0x10400] =	vst v63  }
0x36e: {  	s11 =	simm.s32 $0x5400  }
0x36f: {  	[tilespmem:s11], [sflag:$0x1] =	stream.indirect_vreg.gather [hbm4b:s2+s3], $0x80, v4, vm0, $0xb8;
	[tilespmem:$0x10400] =	vst v63  }
0x370: {  	s15 =	simm.s32 $0x5C00  }
0x371: {  	[tilespmem:s15], [sflag:$0x1] =	stream.indirect_vreg.gather [hbm4b:s6+s3], $0x80, v4, vm0, $0xb8;
	[tilespmem:$0x10400] =	vst v63  }
0x372: {  	v4 =	vld [tilespmem:$0x330];
	_ =	sdelay $0x4  }
0x373: {  	v5 =	vshll.u32 v4, $0x2  }
0x374: {  	v4 =	vand.u32 $0x7, v4;
	v5 =	vand.u32 $0xFFFFFFE0, v5  }
0x375: {  	v4 =	vor.u32 v4, v5  }
0x376: {  	v5 =	vperm.xlane v4, v1;
	_ =	sdelay $0x1  }
0x377: {  	v5 =	vadd.s32 v2, v5;
	_ =	sdelay $0x1  }
0x378: {  	v4 =	vperm.xlane v4, v3;
	_ =	sdelay $0x1  }
0x379: {  	s28 =	simm.s32 $0x6400;
	v4 =	vadd.s32 v2, v4  }
0x37a: {  	[tilespmem:s28], [sflag:$0x1] =	stream.indirect_vreg.gather [hbm4b:s2+s3], $0x80, v5, vm0, $0xb8;
	[tilespmem:$0x10400] =	vst v63  }
0x37b: {  	s18 =	simm.s32 $0x6C00  }
0x37c: {  	[tilespmem:s18], [sflag:$0x1] =	stream.indirect_vreg.gather [hbm4b:s6+s3], $0x80, v5, vm0, $0xb8;
	[tilespmem:$0x10400] =	vst v63  }
0x37d: {  	s21 =	simm.s32 $0x7400  }
0x37e: {  	[tilespmem:s21], [sflag:$0x1] =	stream.indirect_vreg.gather [hbm4b:s2+s3], $0x80, v4, vm0, $0xb8;
	[tilespmem:$0x10400] =	vst v63  }
0x37f: {  	s11 =	simm.s32 $0x7C00  }
0x380: {  	[tilespmem:s11], [sflag:$0x1] =	stream.indirect_vreg.gather [hbm4b:s6+s3], $0x80, v4, vm0, $0xb8;
	[tilespmem:$0x10400] =	vst v63  }
0x381: {  	_ =	swait.ge [sflag:s1], $0x8000  }
0x382: {  	[sflag:s1] =	ssyncset.done $0x0  }
0x383: {  	s15 =	rddreg [dreg:$0x10];
	[sflag:s1] =	ssyncadd.s32 $0xFFFF8000  }
0x384: {  	[hbm4b:s15+s3] =	stream.linear.scatter [tilespmem:s13], [sflag:$0x3], $0x8000, $0x38;
	[tilespmem:$0x10400] =	vst v63  }
0x385: {  	_ =	swait.ge [sflag:s23], $0x8000  }
0x386: {  	[sflag:s23] =	ssyncset.done $0x0  }
0x387: {  	[sflag:s23] =	ssyncadd.s32 $0xFFFF8000  }
0x388: {  	v4 =	vld [tilespmem:$0x340];
	_ =	sdelay $0x4  }
0x389: {  	v5 =	vshll.u32 v4, $0x2  }
0x38a: {  	v4 =	vand.u32 $0x7, v4;
	v5 =	vand.u32 $0xFFFFFFE0, v5  }
0x38b: {  	v4 =	vor.u32 v4, v5  }
0x38c: {  	v5 =	vperm.xlane v4, v1;
	_ =	sdelay $0x1  }
0x38d: {  	v5 =	vadd.s32 v2, v5;
	_ =	sdelay $0x1  }
0x38e: {  	v4 =	vperm.xlane v4, v3;
	_ =	sdelay $0x1  }
0x38f: {  	v4 =	vadd.s32 v2, v4  }
0x390: {  	[tilespmem:s13], [sflag:$0x2] =	stream.indirect_vreg.gather [hbm4b:s2+s3], $0x80, v5, vm0, $0xb8;
	[tilespmem:$0x10400] =	vst v63  }
0x391: {  	s16 =	simm.s32 $0x8C00  }
0x392: {  	[tilespmem:s16], [sflag:$0x2] =	stream.indirect_vreg.gather [hbm4b:s6+s3], $0x80, v5, vm0, $0xb8;
	[tilespmem:$0x10400] =	vst v63  }
0x393: {  	s4 =	simm.s32 $0x9400  }
0x394: {  	[tilespmem:s4], [sflag:$0x2] =	stream.indirect_vreg.gather [hbm4b:s2+s3], $0x80, v4, vm0, $0xb8;
	[tilespmem:$0x10400] =	vst v63  }
0x395: {  	s18 =	simm.s32 $0x9C00  }
0x396: {  	[tilespmem:s18], [sflag:$0x2] =	stream.indirect_vreg.gather [hbm4b:s6+s3], $0x80, v4, vm0, $0xb8;
	[tilespmem:$0x10400] =	vst v63  }
0x397: {  	v4 =	vld [tilespmem:$0x350];
	_ =	sdelay $0x4  }
0x398: {  	v5 =	vshll.u32 v4, $0x2  }
0x399: {  	v4 =	vand.u32 $0x7, v4;
	v5 =	vand.u32 $0xFFFFFFE0, v5  }
0x39a: {  	v4 =	vor.u32 v4, v5  }
0x39b: {  	v5 =	vperm.xlane v4, v1;
	_ =	sdelay $0x1  }
0x39c: {  	v5 =	vadd.s32 v2, v5;
	_ =	sdelay $0x1  }
0x39d: {  	v4 =	vperm.xlane v4, v3;
	_ =	sdelay $0x1  }
0x39e: {  	s7 =	simm.s32 $0xA400;
	v4 =	vadd.s32 v2, v4  }
0x39f: {  	[tilespmem:s7], [sflag:$0x2] =	stream.indirect_vreg.gather [hbm4b:s2+s3], $0x80, v5, vm0, $0xb8;
	[tilespmem:$0x10400] =	vst v63  }
0x3a0: {  	s8 =	simm.s32 $0xAC00  }
0x3a1: {  	[tilespmem:s8], [sflag:$0x2] =	stream.indirect_vreg.gather [hbm4b:s6+s3], $0x80, v5, vm0, $0xb8;
	[tilespmem:$0x10400] =	vst v63  }
0x3a2: {  	s0 =	simm.s32 $0xB400  }
0x3a3: {  	[tilespmem:s0], [sflag:$0x2] =	stream.indirect_vreg.gather [hbm4b:s2+s3], $0x80, v4, vm0, $0xb8;
	[tilespmem:$0x10400] =	vst v63  }
0x3a4: {  	s26 =	simm.s32 $0xBC00  }
0x3a5: {  	[tilespmem:s26], [sflag:$0x2] =	stream.indirect_vreg.gather [hbm4b:s6+s3], $0x80, v4, vm0, $0xb8;
	[tilespmem:$0x10400] =	vst v63  }
0x3a6: {  	v4 =	vld [tilespmem:$0x360];
	_ =	sdelay $0x4  }
0x3a7: {  	v5 =	vshll.u32 v4, $0x2  }
0x3a8: {  	v4 =	vand.u32 $0x7, v4;
	v5 =	vand.u32 $0xFFFFFFE0, v5  }
0x3a9: {  	v4 =	vor.u32 v4, v5  }
0x3aa: {  	v5 =	vperm.xlane v4, v1;
	_ =	sdelay $0x1  }
0x3ab: {  	v5 =	vadd.s32 v2, v5;
	_ =	sdelay $0x1  }
0x3ac: {  	v4 =	vperm.xlane v4, v3;
	_ =	sdelay $0x1  }
0x3ad: {  	s9 =	simm.s32 $0xC400;
	v4 =	vadd.s32 v2, v4  }
0x3ae: {  	[tilespmem:s9], [sflag:$0x2] =	stream.indirect_vreg.gather [hbm4b:s2+s3], $0x80, v5, vm0, $0xb8;
	[tilespmem:$0x10400] =	vst v63  }
0x3af: {  	s14 =	simm.s32 $0xCC00  }
0x3b0: {  	[tilespmem:s14], [sflag:$0x2] =	stream.indirect_vreg.gather [hbm4b:s6+s3], $0x80, v5, vm0, $0xb8;
	[tilespmem:$0x10400] =	vst v63  }
0x3b1: {  	s26 =	simm.s32 $0xD400  }
0x3b2: {  	[tilespmem:s26], [sflag:$0x2] =	stream.indirect_vreg.gather [hbm4b:s2+s3], $0x80, v4, vm0, $0xb8;
	[tilespmem:$0x10400] =	vst v63  }
0x3b3: {  	s20 =	simm.s32 $0xDC00  }
0x3b4: {  	[tilespmem:s20], [sflag:$0x2] =	stream.indirect_vreg.gather [hbm4b:s6+s3], $0x80, v4, vm0, $0xb8;
	[tilespmem:$0x10400] =	vst v63  }
0x3b5: {  	v4 =	vld [tilespmem:$0x370];
	_ =	sdelay $0x4  }
0x3b6: {  	v5 =	vshll.u32 v4, $0x2  }
0x3b7: {  	v4 =	vand.u32 $0x7, v4;
	v5 =	vand.u32 $0xFFFFFFE0, v5  }
0x3b8: {  	v4 =	vor.u32 v4, v5  }
0x3b9: {  	v5 =	vperm.xlane v4, v1;
	_ =	sdelay $0x1  }
0x3ba: {  	v5 =	vadd.s32 v2, v5;
	_ =	sdelay $0x1  }
0x3bb: {  	v4 =	vperm.xlane v4, v3;
	_ =	sdelay $0x1  }
0x3bc: {  	s19 =	simm.s32 $0xE400;
	v4 =	vadd.s32 v2, v4  }
0x3bd: {  	[tilespmem:s19], [sflag:$0x2] =	stream.indirect_vreg.gather [hbm4b:s2+s3], $0x80, v5, vm0, $0xb8;
	[tilespmem:$0x10400] =	vst v63  }
0x3be: {  	s9 =	simm.s32 $0xEC00  }
0x3bf: {  	[tilespmem:s9], [sflag:$0x2] =	stream.indirect_vreg.gather [hbm4b:s6+s3], $0x80, v5, vm0, $0xb8;
	[tilespmem:$0x10400] =	vst v63  }
0x3c0: {  	s25 =	simm.s32 $0xF400  }
0x3c1: {  	[tilespmem:s25], [sflag:$0x2] =	stream.indirect_vreg.gather [hbm4b:s2+s3], $0x80, v4, vm0, $0xb8;
	[tilespmem:$0x10400] =	vst v63  }
0x3c2: {  	s17 =	simm.s32 $0xFC00  }
0x3c3: {  	[tilespmem:s17], [sflag:$0x2] =	stream.indirect_vreg.gather [hbm4b:s6+s3], $0x80, v4, vm0, $0xb8;
	[tilespmem:$0x10400] =	vst v63  }
0x3c4: {  	_ =	swait.ge [sflag:s31], $0x8000  }
0x3c5: {  	[sflag:s31] =	ssyncset.done $0x0  }
0x3c6: {  	s17 =	rddreg [dreg:$0x11];
	[sflag:s31] =	ssyncadd.s32 $0xFFFF8000  }
0x3c7: {  	[hbm4b:s17+s3] =	stream.linear.scatter [tilespmem:s24], [sflag:$0x3], $0x8000, $0x38;
	[tilespmem:$0x10400] =	vst v63  }
0x3c8: {  	_ =	swait.ge [sflag:s23], $0x8000  }
0x3c9: {  	[sflag:s23] =	ssyncset.done $0x0  }
0x3ca: {  	[sflag:s23] =	ssyncadd.s32 $0xFFFF8000  }
0x3cb: {  	v4 =	vld [tilespmem:$0x380];
	_ =	sdelay $0x4  }
0x3cc: {  	v5 =	vshll.u32 v4, $0x2  }
0x3cd: {  	v4 =	vand.u32 $0x7, v4;
	v5 =	vand.u32 $0xFFFFFFE0, v5  }
0x3ce: {  	v4 =	vor.u32 v4, v5  }
0x3cf: {  	v5 =	vperm.xlane v4, v1;
	_ =	sdelay $0x1  }
0x3d0: {  	v5 =	vadd.s32 v2, v5;
	_ =	sdelay $0x1  }
0x3d1: {  	v4 =	vperm.xlane v4, v3;
	_ =	sdelay $0x1  }
0x3d2: {  	v4 =	vadd.s32 v2, v4  }
0x3d3: {  	[tilespmem:s24], [sflag:$0x1] =	stream.indirect_vreg.gather [hbm4b:s2+s3], $0x80, v5, vm0, $0xb8;
	[tilespmem:$0x10400] =	vst v63  }
0x3d4: {  	s25 =	simm.s32 $0xC00  }
0x3d5: {  	[tilespmem:s25], [sflag:$0x1] =	stream.indirect_vreg.gather [hbm4b:s6+s3], $0x80, v5, vm0, $0xb8;
	[tilespmem:$0x10400] =	vst v63  }
0x3d6: {  	s17 =	simm.s32 $0x1400  }
0x3d7: {  	[tilespmem:s17], [sflag:$0x1] =	stream.indirect_vreg.gather [hbm4b:s2+s3], $0x80, v4, vm0, $0xb8;
	[tilespmem:$0x10400] =	vst v63  }
0x3d8: {  	s25 =	simm.s32 $0x1C00  }
0x3d9: {  	[tilespmem:s25], [sflag:$0x1] =	stream.indirect_vreg.gather [hbm4b:s6+s3], $0x80, v4, vm0, $0xb8;
	[tilespmem:$0x10400] =	vst v63  }
0x3da: {  	v4 =	vld [tilespmem:$0x390];
	_ =	sdelay $0x4  }
0x3db: {  	v5 =	vshll.u32 v4, $0x2  }
0x3dc: {  	v4 =	vand.u32 $0x7, v4;
	v5 =	vand.u32 $0xFFFFFFE0, v5  }
0x3dd: {  	v4 =	vor.u32 v4, v5  }
0x3de: {  	v5 =	vperm.xlane v4, v1;
	_ =	sdelay $0x1  }
0x3df: {  	v5 =	vadd.s32 v2, v5;
	_ =	sdelay $0x1  }
0x3e0: {  	v4 =	vperm.xlane v4, v3;
	_ =	sdelay $0x1  }
0x3e1: {  	s17 =	simm.s32 $0x2400;
	v4 =	vadd.s32 v2, v4  }
0x3e2: {  	[tilespmem:s17], [sflag:$0x1] =	stream.indirect_vreg.gather [hbm4b:s2+s3], $0x80, v5, vm0, $0xb8;
	[tilespmem:$0x10400] =	vst v63  }
0x3e3: {  	s25 =	simm.s32 $0x2C00  }
0x3e4: {  	[tilespmem:s25], [sflag:$0x1] =	stream.indirect_vreg.gather [hbm4b:s6+s3], $0x80, v5, vm0, $0xb8;
	[tilespmem:$0x10400] =	vst v63  }
0x3e5: {  	s17 =	simm.s32 $0x3400  }
0x3e6: {  	[tilespmem:s17], [sflag:$0x1] =	stream.indirect_vreg.gather [hbm4b:s2+s3], $0x80, v4, vm0, $0xb8;
	[tilespmem:$0x10400] =	vst v63  }
0x3e7: {  	s25 =	simm.s32 $0x3C00  }
0x3e8: {  	[tilespmem:s25], [sflag:$0x1] =	stream.indirect_vreg.gather [hbm4b:s6+s3], $0x80, v4, vm0, $0xb8;
	[tilespmem:$0x10400] =	vst v63  }
0x3e9: {  	v4 =	vld [tilespmem:$0x3A0];
	_ =	sdelay $0x4  }
0x3ea: {  	v5 =	vshll.u32 v4, $0x2  }
0x3eb: {  	v4 =	vand.u32 $0x7, v4;
	v5 =	vand.u32 $0xFFFFFFE0, v5  }
0x3ec: {  	v4 =	vor.u32 v4, v5  }
0x3ed: {  	v5 =	vperm.xlane v4, v1;
	_ =	sdelay $0x1  }
0x3ee: {  	v5 =	vadd.s32 v2, v5;
	_ =	sdelay $0x1  }
0x3ef: {  	v4 =	vperm.xlane v4, v3;
	_ =	sdelay $0x1  }
0x3f0: {  	s12 =	simm.s32 $0x4400;
	v4 =	vadd.s32 v2, v4  }
0x3f1: {  	[tilespmem:s12], [sflag:$0x1] =	stream.indirect_vreg.gather [hbm4b:s2+s3], $0x80, v5, vm0, $0xb8;
	[tilespmem:$0x10400] =	vst v63  }
0x3f2: {  	s30 =	simm.s32 $0x4C00  }
0x3f3: {  	[tilespmem:s30], [sflag:$0x1] =	stream.indirect_vreg.gather [hbm4b:s6+s3], $0x80, v5, vm0, $0xb8;
	[tilespmem:$0x10400] =	vst v63  }
0x3f4: {  	s10 =	simm.s32 $0x5400  }
0x3f5: {  	[tilespmem:s10], [sflag:$0x1] =	stream.indirect_vreg.gather [hbm4b:s2+s3], $0x80, v4, vm0, $0xb8;
	[tilespmem:$0x10400] =	vst v63  }
0x3f6: {  	s10 =	simm.s32 $0x5C00  }
0x3f7: {  	[tilespmem:s10], [sflag:$0x1] =	stream.indirect_vreg.gather [hbm4b:s6+s3], $0x80, v4, vm0, $0xb8;
	[tilespmem:$0x10400] =	vst v63  }
0x3f8: {  	v4 =	vld [tilespmem:$0x3B0];
	_ =	sdelay $0x4  }
0x3f9: {  	v5 =	vshll.u32 v4, $0x2  }
0x3fa: {  	v4 =	vand.u32 $0x7, v4;
	v5 =	vand.u32 $0xFFFFFFE0, v5  }
0x3fb: {  	v4 =	vor.u32 v4, v5  }
0x3fc: {  	v5 =	vperm.xlane v4, v1;
	_ =	sdelay $0x1  }
0x3fd: {  	v5 =	vadd.s32 v2, v5;
	_ =	sdelay $0x1  }
0x3fe: {  	v4 =	vperm.xlane v4, v3;
	_ =	sdelay $0x1  }
0x3ff: {  	s22 =	simm.s32 $0x6400;
	v4 =	vadd.s32 v2, v4  }
0x400: {  	[tilespmem:s22], [sflag:$0x1] =	stream.indirect_vreg.gather [hbm4b:s2+s3], $0x80, v5, vm0, $0xb8;
	[tilespmem:$0x10400] =	vst v63  }
0x401: {  	s28 =	simm.s32 $0x6C00  }
0x402: {  	[tilespmem:s28], [sflag:$0x1] =	stream.indirect_vreg.gather [hbm4b:s6+s3], $0x80, v5, vm0, $0xb8;
	[tilespmem:$0x10400] =	vst v63  }
0x403: {  	s12 =	simm.s32 $0x7400  }
0x404: {  	[tilespmem:s12], [sflag:$0x1] =	stream.indirect_vreg.gather [hbm4b:s2+s3], $0x80, v4, vm0, $0xb8;
	[tilespmem:$0x10400] =	vst v63  }
0x405: {  	s17 =	simm.s32 $0x7C00  }
0x406: {  	[tilespmem:s17], [sflag:$0x1] =	stream.indirect_vreg.gather [hbm4b:s6+s3], $0x80, v4, vm0, $0xb8;
	[tilespmem:$0x10400] =	vst v63  }
0x407: {  	_ =	swait.ge [sflag:s1], $0x8000  }
0x408: {  	[sflag:s1] =	ssyncset.done $0x0  }
0x409: {  	s22 =	rddreg [dreg:$0x12];
	[sflag:s1] =	ssyncadd.s32 $0xFFFF8000  }
0x40a: {  	[hbm4b:s22+s3] =	stream.linear.scatter [tilespmem:s13], [sflag:$0x3], $0x8000, $0x38;
	[tilespmem:$0x10400] =	vst v63  }
0x40b: {  	_ =	swait.ge [sflag:s23], $0x8000  }
0x40c: {  	[sflag:s23] =	ssyncset.done $0x0  }
0x40d: {  	[sflag:s23] =	ssyncadd.s32 $0xFFFF8000  }
0x40e: {  	v4 =	vld [tilespmem:$0x3C0];
	_ =	sdelay $0x4  }
0x40f: {  	v5 =	vshll.u32 v4, $0x2  }
0x410: {  	v4 =	vand.u32 $0x7, v4;
	v5 =	vand.u32 $0xFFFFFFE0, v5  }
0x411: {  	v4 =	vor.u32 v4, v5  }
0x412: {  	v5 =	vperm.xlane v4, v1;
	_ =	sdelay $0x1  }
0x413: {  	v5 =	vadd.s32 v2, v5;
	_ =	sdelay $0x1  }
0x414: {  	v4 =	vperm.xlane v4, v3;
	_ =	sdelay $0x1  }
0x415: {  	v4 =	vadd.s32 v2, v4  }
0x416: {  	[tilespmem:s13], [sflag:$0x2] =	stream.indirect_vreg.gather [hbm4b:s2+s3], $0x80, v5, vm0, $0xb8;
	[tilespmem:$0x10400] =	vst v63  }
0x417: {  	s11 =	simm.s32 $0x8C00  }
0x418: {  	[tilespmem:s11], [sflag:$0x2] =	stream.indirect_vreg.gather [hbm4b:s6+s3], $0x80, v5, vm0, $0xb8;
	[tilespmem:$0x10400] =	vst v63  }
0x419: {  	s21 =	simm.s32 $0x9400  }
0x41a: {  	[tilespmem:s21], [sflag:$0x2] =	stream.indirect_vreg.gather [hbm4b:s2+s3], $0x80, v4, vm0, $0xb8;
	[tilespmem:$0x10400] =	vst v63  }
0x41b: {  	s25 =	simm.s32 $0x9C00  }
0x41c: {  	[tilespmem:s25], [sflag:$0x2] =	stream.indirect_vreg.gather [hbm4b:s6+s3], $0x80, v4, vm0, $0xb8;
	[tilespmem:$0x10400] =	vst v63  }
0x41d: {  	v4 =	vld [tilespmem:$0x3D0];
	_ =	sdelay $0x4  }
0x41e: {  	v5 =	vshll.u32 v4, $0x2  }
0x41f: {  	v4 =	vand.u32 $0x7, v4;
	v5 =	vand.u32 $0xFFFFFFE0, v5  }
0x420: {  	v4 =	vor.u32 v4, v5  }
0x421: {  	v5 =	vperm.xlane v4, v1;
	_ =	sdelay $0x1  }
0x422: {  	v5 =	vadd.s32 v2, v5;
	_ =	sdelay $0x1  }
0x423: {  	v4 =	vperm.xlane v4, v3;
	_ =	sdelay $0x1  }
0x424: {  	s4 =	simm.s32 $0xA400;
	v4 =	vadd.s32 v2, v4  }
0x425: {  	[tilespmem:s4], [sflag:$0x2] =	stream.indirect_vreg.gather [hbm4b:s2+s3], $0x80, v5, vm0, $0xb8;
	[tilespmem:$0x10400] =	vst v63  }
0x426: {  	s7 =	simm.s32 $0xAC00  }
0x427: {  	[tilespmem:s7], [sflag:$0x2] =	stream.indirect_vreg.gather [hbm4b:s6+s3], $0x80, v5, vm0, $0xb8;
	[tilespmem:$0x10400] =	vst v63  }
0x428: {  	s15 =	simm.s32 $0xB400  }
0x429: {  	[tilespmem:s15], [sflag:$0x2] =	stream.indirect_vreg.gather [hbm4b:s2+s3], $0x80, v4, vm0, $0xb8;
	[tilespmem:$0x10400] =	vst v63  }
0x42a: {  	s16 =	simm.s32 $0xBC00  }
0x42b: {  	[tilespmem:s16], [sflag:$0x2] =	stream.indirect_vreg.gather [hbm4b:s6+s3], $0x80, v4, vm0, $0xb8;
	[tilespmem:$0x10400] =	vst v63  }
0x42c: {  	v4 =	vld [tilespmem:$0x3E0];
	_ =	sdelay $0x4  }
0x42d: {  	v5 =	vshll.u32 v4, $0x2  }
0x42e: {  	v4 =	vand.u32 $0x7, v4;
	v5 =	vand.u32 $0xFFFFFFE0, v5  }
0x42f: {  	v4 =	vor.u32 v4, v5  }
0x430: {  	v5 =	vperm.xlane v4, v1;
	_ =	sdelay $0x1  }
0x431: {  	v5 =	vadd.s32 v2, v5;
	_ =	sdelay $0x1  }
0x432: {  	v4 =	vperm.xlane v4, v3;
	_ =	sdelay $0x1  }
0x433: {  	s0 =	simm.s32 $0xC400;
	v4 =	vadd.s32 v2, v4  }
0x434: {  	[tilespmem:s0], [sflag:$0x2] =	stream.indirect_vreg.gather [hbm4b:s2+s3], $0x80, v5, vm0, $0xb8;
	[tilespmem:$0x10400] =	vst v63  }
0x435: {  	s8 =	simm.s32 $0xCC00  }
0x436: {  	[tilespmem:s8], [sflag:$0x2] =	stream.indirect_vreg.gather [hbm4b:s6+s3], $0x80, v5, vm0, $0xb8;
	[tilespmem:$0x10400] =	vst v63  }
0x437: {  	s26 =	simm.s32 $0xD400  }
0x438: {  	[tilespmem:s26], [sflag:$0x2] =	stream.indirect_vreg.gather [hbm4b:s2+s3], $0x80, v4, vm0, $0xb8;
	[tilespmem:$0x10400] =	vst v63  }
0x439: {  	s14 =	simm.s32 $0xDC00  }
0x43a: {  	[tilespmem:s14], [sflag:$0x2] =	stream.indirect_vreg.gather [hbm4b:s6+s3], $0x80, v4, vm0, $0xb8;
	[tilespmem:$0x10400] =	vst v63  }
0x43b: {  	v4 =	vld [tilespmem:$0x3F0];
	_ =	sdelay $0x4  }
0x43c: {  	v5 =	vshll.u32 v4, $0x2  }
0x43d: {  	v4 =	vand.u32 $0x7, v4;
	v5 =	vand.u32 $0xFFFFFFE0, v5  }
0x43e: {  	v4 =	vor.u32 v4, v5  }
0x43f: {  	v5 =	vperm.xlane v4, v1;
	_ =	sdelay $0x1  }
0x440: {  	v5 =	vadd.s32 v2, v5;
	_ =	sdelay $0x1  }
0x441: {  	v4 =	vperm.xlane v4, v3;
	_ =	sdelay $0x1  }
0x442: {  	s18 =	simm.s32 $0xE400;
	v4 =	vadd.s32 v2, v4  }
0x443: {  	[tilespmem:s18], [sflag:$0x2] =	stream.indirect_vreg.gather [hbm4b:s2+s3], $0x80, v5, vm0, $0xb8;
	[tilespmem:$0x10400] =	vst v63  }
0x444: {  	s20 =	simm.s32 $0xEC00  }
0x445: {  	[tilespmem:s20], [sflag:$0x2] =	stream.indirect_vreg.gather [hbm4b:s6+s3], $0x80, v5, vm0, $0xb8;
	[tilespmem:$0x10400] =	vst v63  }
0x446: {  	s19 =	simm.s32 $0xF400  }
0x447: {  	[tilespmem:s19], [sflag:$0x2] =	stream.indirect_vreg.gather [hbm4b:s2+s3], $0x80, v4, vm0, $0xb8;
	[tilespmem:$0x10400] =	vst v63  }
0x448: {  	s9 =	simm.s32 $0xFC00  }
0x449: {  	[tilespmem:s9], [sflag:$0x2] =	stream.indirect_vreg.gather [hbm4b:s6+s3], $0x80, v4, vm0, $0xb8;
	[tilespmem:$0x10400] =	vst v63  }
0x44a: {  	_ =	swait.ge [sflag:s31], $0x8000  }
0x44b: {  	[sflag:s31] =	ssyncset.done $0x0  }
0x44c: {  	s26 =	rddreg [dreg:$0x13];
	[sflag:s31] =	ssyncadd.s32 $0xFFFF8000  }
0x44d: {  	[hbm4b:s26+s3] =	stream.linear.scatter [tilespmem:s24], [sflag:$0x3], $0x8000, $0x38;
	[tilespmem:$0x10400] =	vst v63  }
0x44e: {  	_ =	swait.ge [sflag:s23], $0x8000  }
0x44f: {  	[sflag:s23] =	ssyncset.done $0x0  }
0x450: {  	[sflag:s23] =	ssyncadd.s32 $0xFFFF8000  }
0x451: {  	_ =	swait.ge [sflag:s1], $0x8000  }
0x452: {  	[sflag:s1] =	ssyncset.done $0x0  }
0x453: {  	s28 =	rddreg [dreg:$0x14];
	[sflag:s1] =	ssyncadd.s32 $0xFFFF8000  }
0x454: {  	[hbm4b:s28+s3] =	stream.linear.scatter [tilespmem:s13], [sflag:$0x3], $0x8000, $0x38;
	[tilespmem:$0x10400] =	vst v63  }
0x455: {  	_ =	swait.ge [sflag:s23], $0x8000  }
0x456: {  	s29 =	sadd.s32 $0x1, s29;
	s30 =	rddreg [dreg:$0x15]  }
0x457: {  	p0 =	sne.s32 s29, s30  }
.Ltmp1:
0x458: {  	_ = 	snop;
	(pc) =	sbr.rel @p0 .LBB2_1-.Ltmp1, $3  }
0x459: {  	_ =	sdelay $0x1  }
0x45a: {  	[sflag:s23] =	ssyncset.done $0x0  }
0x45b: {  	[sflag:s23] =	ssyncadd.s32 $0xFFFF8000  }
0x45c: {  	_ =	sfence.sel $0x180000  }
0x45d: {  	[bflag:$0x0] =	sbarrier.arrive $0xFFFF  }
0x45e: {  	_ =	strace $0x9000004A  }
0x45f: {  	s0 =	stileid.u32;
	[bflag:$0x2] =	sbarrier.arrive $0xFFFF  }
0x460: {  	p0 =	sne.s32 s0, $0x0;
	s0 =	rddreg [dreg:$0x3]  }
0x461: {  	s0 =	sadd.s32 @!p0 $0x100000, s0  }
0x462: {  	[sflag:s0] =	ssyncadd.tile.s32 @!p0 $0x1;
	_ =	shalt  }
.Lfunc_end2:
_tile_overlayer_lowered:
.L_overlay_start_2:
0x463: {  	(tag) =	ssettag $0x2  }
0x464: {  	s0 =	rddreg [dreg:$0x0];
	s2 =	stileid.u32  }
0x465: {  	s1 =	rddreg [dreg:$0x1];
	p0 =	sne.s32 s2, $0x0  }
0x466: {  	s3 =	rddreg [dreg:$0x2];
	[bflag:$0x3] =	sbarrier.arrive $0xFFFF;
	s2 =	simm.s32 @!p0 $0x1C03  }
0x467: {  	[timem:s3], [sflag:s2] =	dma.local @!p0 [hbm:s0], s1  }
0x468: {  	s0 =	simm.s32 @!p0 $0x3  }
0x469: {  	_ =	swait.ge @!p0 [sflag:s0], s1  }
0x46a: {  	s1 =	ssub.s32 @!p0 $0x0, s1;
	[sflag:s0] =	ssyncset.done @!p0 $0x0  }
0x46b: {  	[sflag:s0] =	ssyncadd.s32 @!p0 s1  }
0x46c: {  	[bflag:$0x3] =	sbarrier.arrive $0xFFFF  }
0x46d: {  	_ =	shalt  }

// kernel: kernel.8.cloned.1.call-start
scs
__scs_entry_jumppad:
0x0: {  	(pc) =	sbr.rel $0x88, $3  }
0x1: {  	(tag) =	ssettag $0x0;
	lr =	simm.s32 $0x1  }
0x2: {  	[smem:$0x3F99] =	sst lr;
	_ =	strace $0xD0000000  }
0x3: {  	_ = 	snop  }
0x4: {  	_ = 	snop  }
0x5: {  	_ = 	snop  }
0x6: {  	_ = 	snop  }
0x7: {  	_ = 	snop  }
__scs_overlays_trampoline_lowered:
0x8: {  	[smem:$0x3FA8] =	sst s0  }
0x9: {  	[smem:$0x3FA9] =	sst s1  }
0xa: {  	[smem:$0x3FAA] =	sst s2  }
0xb: {  	[smem:$0x3FAB] =	sst s3  }
0xc: {  	[smem:$0x3FAC] =	sst s4  }
0xd: {  	[smem:$0x3FAD] =	sst s5  }
0xe: {  	[smem:$0x3FAE] =	sst s6  }
0xf: {  	[smem:$0x3FAF] =	sst s7  }
0x10: {  	[smem:$0x3FB0] =	sst s8  }
0x11: {  	[smem:$0x3FB1] =	sst s9;
	s0 =	simm.s32 @!p0 $0x0  }
0x12: {  	s1 =	sld [smem:$0x3F97];
	s0 =	simm.s32 @p0 $0x1  }
0x13: {  	[smem:$0x3FB2] =	sst s0;
	s0 =	simm.s32 @!p1 $0x0  }
0x14: {  	s2 =	sld [smem:$0x3F96];
	s0 =	simm.s32 @p1 $0x1  }
0x15: {  	[smem:$0x3FB3] =	sst s0;
	s0 =	simm.s32 @!p2 $0x0  }
0x16: {  	s3 =	sld [smem:$0x3FDB];
	s0 =	simm.s32 @p2 $0x1  }
0x17: {  	s4 =	simm.s32 $0x1BF5;
	[smem:$0x3FB5] =	sst s0  }
0x18: {  	s0 =	sld [smem:$0x3F98];
	_ =	swait.ge [sflag:s4], $0x0  }
0x19: {  	s7 =	sld [smem:$0x3F99]  }
0x1a: {  	s8 =	sadd.s32 $0xFFFFE003, lr  }
0x1b: {  	s9 =	sadd.s32 $0xFFFFFEF7, lr;
	s5 =	simm.s32 $0xFFFFFFFF;
	p2 =	slt.u32 s8, $0xFFFFF086  }
0x1c: {  	p1 =	slt.u32 s9, $0xF7A;
	s5 =	simm.s32 @!p2 $0x0  }
0x1d: {  	s5 =	simm.s32 @p1 $0x1;
	p0 =	seq.s32 s7, s2  }
0x1e: {  	s7 =	smul.u32 @!p0 $0xF7A, s2;
	p2 =	seq.s32 @!p0 s5, $0x0  }
0x1f: {  	s9 =	smul.u32 $0xF7A, s1;
	s8 =	simm.s32 @!p0 $0x1BF5;
	p2 =	por !p2, p0  }
0x20: {  	[sflag:s8] =	ssyncset.s32 @!p0 $0xFFFFF086;
	s6 =	sadd.s32 @!p0 s3, s7;
	s7 =	simm.s32 @!p0 $0x108  }
0x21: {  	s3 =	sadd.s32 s3, s9;
	s6 =	sadd.s32 @!p0 $0x88, s6;
	s7 =	simm.s32 @p2 $0x1082  }
0x22: {  	[simem:s7], [sflag:s8] =	dma.local @!p0 [hbm:s6], $0xF7A  }
0x23: {  	s9 =	sor.u32 $0xD0000000, s2;
	s6 =	simm.s32 $0x108;
	_ =	swait.ge @!p0 [sflag:s8], $0x0  }
0x24: {  	s3 =	sadd.s32 $0x88, s3;
	s6 =	simm.s32 @!p1 $0x1082;
	[sflag:s4] =	ssyncset.s32 $0xFFFFF086  }
0x25: {  	[simem:s6], [sflag:s4] =	dma.local [hbm:s3], $0xF7A  }
0x26: {  	[smem:$0x3F99] =	sst s1;
	(tag) =	ssettag s2;
	_ =	strace s9  }
0x27: {  	s1 =	sld [smem:$0x3FA9]  }
0x28: {  	s2 =	sld [smem:$0x3FAA]  }
0x29: {  	s4 =	sld [smem:$0x3FAC]  }
0x2a: {  	p0 =	seq.s32 s5, $0x0;
	s5 =	sld [smem:$0x3FAD]  }
0x2b: {  	s6 =	sld [smem:$0x3FAE]  }
0x2c: {  	s7 =	sld [smem:$0x3FAF]  }
0x2d: {  	s3 =	simm.s32 $0x108;
	s8 =	sld [smem:$0x3FB0]  }
0x2e: {  	s3 =	simm.s32 @!p0 $0x1082;
	s9 =	sld [smem:$0x3FB1]  }
0x2f: {  	lr =	sadd.s32 s0, s3;
	s0 =	sld [smem:$0x3FA8]  }
0x30: {  	s3 =	sld [smem:$0x3FAB]  }
0x31: {  	[smem:$0x3FB4] =	sst s10  }
0x32: {  	s10 =	sld [smem:$0x3FB2];
	_ =	sdelay $0x3  }
0x33: {  	p0 =	seq.s32 s10, $0x1;
	s10 =	sld [smem:$0x3FB4];
	_ =	sdelay $0x3  }
0x34: {  	[smem:$0x3FB4] =	sst s10  }
0x35: {  	s10 =	sld [smem:$0x3FB3];
	_ =	sdelay $0x3  }
0x36: {  	p1 =	seq.s32 s10, $0x1;
	s10 =	sld [smem:$0x3FB4];
	_ =	sdelay $0x3  }
0x37: {  	[smem:$0x3FB4] =	sst s10  }
0x38: {  	s10 =	sld [smem:$0x3FB5]  }
0x39: {  	_ = 	snop;
	(pc) =	sbr.ind lr, $3  }
0x3a: {  	_ = 	snop  }
0x3b: {  	_ = 	snop  }
0x3c: {  	p2 =	seq.s32 s10, $0x1;
	s10 =	sld [smem:$0x3FB4]  }
0x3d: {  	_ =	shalt  }
0x3e: {  	_ =	shalt  }
0x3f: {  	_ =	shalt  }
0x40: {  	_ =	shalt  }
0x41: {  	_ =	shalt  }
0x42: {  	_ =	shalt  }
0x43: {  	_ =	shalt  }
0x44: {  	_ =	shalt  }
0x45: {  	_ =	shalt  }
0x46: {  	_ =	shalt  }
0x47: {  	_ =	shalt  }
0x48: {  	_ =	shalt  }
0x49: {  	_ =	shalt  }
0x4a: {  	_ =	shalt  }
0x4b: {  	_ =	shalt  }
0x4c: {  	_ =	shalt  }
0x4d: {  	_ =	shalt  }
0x4e: {  	_ =	shalt  }
0x4f: {  	_ =	shalt  }
0x50: {  	_ =	shalt  }
0x51: {  	_ =	shalt  }
0x52: {  	_ =	shalt  }
0x53: {  	_ =	shalt  }
0x54: {  	_ =	shalt  }
0x55: {  	_ =	shalt  }
0x56: {  	_ =	shalt  }
0x57: {  	_ =	shalt  }
0x58: {  	_ =	shalt  }
0x59: {  	_ =	shalt  }
0x5a: {  	_ =	shalt  }
0x5b: {  	_ =	shalt  }
0x5c: {  	_ =	shalt  }
0x5d: {  	_ =	shalt  }
0x5e: {  	_ =	shalt  }
0x5f: {  	_ =	shalt  }
0x60: {  	_ =	shalt  }
0x61: {  	_ =	shalt  }
0x62: {  	_ =	shalt  }
0x63: {  	_ =	shalt  }
0x64: {  	_ =	shalt  }
0x65: {  	_ =	shalt  }
0x66: {  	_ =	shalt  }
0x67: {  	_ =	shalt  }
0x68: {  	_ =	shalt  }
0x69: {  	_ =	shalt  }
0x6a: {  	_ =	shalt  }
0x6b: {  	_ =	shalt  }
0x6c: {  	_ =	shalt  }
0x6d: {  	_ =	shalt  }
0x6e: {  	_ =	shalt  }
0x6f: {  	_ =	shalt  }
0x70: {  	_ =	shalt  }
0x71: {  	_ =	shalt  }
0x72: {  	_ =	shalt  }
0x73: {  	_ =	shalt  }
0x74: {  	_ =	shalt  }
0x75: {  	_ =	shalt  }
0x76: {  	_ =	shalt  }
0x77: {  	_ =	shalt  }
0x78: {  	_ =	shalt  }
0x79: {  	_ =	shalt  }
0x7a: {  	_ =	shalt  }
0x7b: {  	_ =	shalt  }
0x7c: {  	_ =	shalt  }
0x7d: {  	_ =	shalt  }
0x7e: {  	_ =	shalt  }
0x7f: {  	_ =	shalt  }
0x80: {  	_ =	shalt  }
0x81: {  	_ =	shalt  }
0x82: {  	_ =	shalt  }
0x83: {  	_ =	shalt  }
0x84: {  	_ =	shalt  }
0x85: {  	_ =	shalt  }
0x86: {  	_ =	shalt  }
0x87: {  	_ =	shalt  }
.Lfunc_end0:
.L_simem_size_0:
called_computation_lowered:
.L_overlay_start_0:
0x88: {  	s2 =	sld [smem:$0x3FD9]  }
0x89: {  	s3 =	sld [smem:$0x3FFE];
	_ =	sdelay $0x1  }
0x8a: {  	s1 =	srdreg.scid  }
0x8b: {  	s0 =	sand.u32 $0x1, s1  }
0x8c: {  	s14 =	sshll.u32 s0, $0xA;
	s2 =	sadd.s32 s3, s2  }
0x8d: {  	s2 =	sadd.s32 s2, s14  }
0x8e: {  	[smem:$0x3FC0] =	sst s2  }
0x8f: {  	_ = 	snop  }
0x90: {  	s2 =	sld [smem:$0x3FD0];
	_ =	sdelay $0x2  }
0x91: {  	s15 =	simm.s32 $0xA;
	s4 =	simm.s32 $0x10  }
0x92: {  	[smem:s4], [sflag:s15] =	dma.local [hbm:s2], $0x1  }
0x93: {  	_ =	swait.eq [sflag:s15], $0x1  }
0x94: {  	[sflag:s15] =	ssyncset.done $0x0  }
0x95: {  	[sflag:s15] =	ssyncadd.s32 $0xFFFFFFFF  }
0x96: {  	s16 =	sld [smem:$0x12];
	(tm) =	ssettm $0x1  }
0x97: {  	s17 =	sld [smem:$0x3FFB];
	_ =	sdelay $0x3  }
0x98: {  	_ =	strace s17  }
0x99: {  	s3 =	sld [smem:$0x3FFC];
	_ =	sdelay $0x3  }
0x9a: {  	_ =	strace s3  }
0x9b: {  	s3 =	sld [smem:$0x3FFD];
	_ =	sdelay $0x3  }
0x9c: {  	_ =	strace s3  }
0x9d: {  	_ =	strace $0x8FFFFFFF  }
0x9e: {  	s18 =	sld [smem:$0x3FDB];
	_ =	sdelay $0x1  }
0x9f: {  	s19 =	simm.s32 $_scs_section_size  }
0xa0: {  	s5 =	simm.s32 $_size__tile_overlayer_lowered;
	s6 =	simm.s32 $_tile_overlayer_lowered  }
0xa1: {  	s22 =	simm.s32 $0x1BFF;
	s21 =	sshll.u32 s6, $0x1;
	s3 =	sadd.s32 s19, s18  }
0xa2: {  	s7 =	simm.s32 $0x0;
	s20 =	sshll.u32 s5, $0x1;
	s5 =	sadd.s32 s21, s3  }
0xa3: {  	[timem:s7], [sflag:s22] =	dma.local [hbm:s5], s20  }
0xa4: {  	_ =	swait.ge [sflag:s22], s20  }
0xa5: {  	s4 =	ssub.s32 $0x0, s20;
	[sflag:s22] =	ssyncset.done $0x0  }
0xa6: {  	[sflag:s22] =	ssyncadd.s32 s4;
	_ =	sdelay $0x1  }
0xa7: {  	s23 =	simm.s32 $0x1B8B  }
0xa8: {  	_ =	swait.ge [sflag:s23], $0x1  }
0xa9: {  	[sflag:s23] =	ssyncset.done $0x0  }
0xaa: {  	s25 =	simm.s32 $0x1B8E;
	s24 =	sld [smem:$0x3FFE];
	[sflag:s23] =	ssyncadd.s32 $0xFFFFFFFF  }
0xab: {  	s26 =	simm.s32 $execute0_lowered;
	[smem:$0x3FD2] =	sst s25  }
0xac: {  	s5 =	sshll.u32 s26, $0x1;
	_ =	strace $0x80000046;
	[dreg:$0x1] =	wrdreg $0xFFFFFFFF  }
0xad: {  	s28 =	simm.s32 $_size_execute0_lowered;
	s3 =	sadd.s32 s3, s5;
	[dreg:$0x0] =	wrdreg $0x0  }
0xae: {  	s5 =	sshll.u32 s28, $0x1;
	[dreg:$0x2] =	wrdreg s3  }
0xaf: {  	[dreg:$0x3] =	wrdreg s5  }
0xb0: {  	[dreg:$0x4] =	wrdreg $0xC0  }
0xb1: {  	_ =	task [dreg:s7], $0x5FFFF  }
0xb2: {  	[dreg:$0x1] =	wrdreg $0xFFFFFFFF  }
0xb3: {  	[dreg:$0x0] =	wrdreg $0x60  }
0xb4: {  	[dreg:$0x2] =	wrdreg s24  }
0xb5: {  	[dreg:$0x3] =	wrdreg s16  }
0xb6: {  	[dreg:$0x4] =	wrdreg $0x9  }
0xb7: {  	_ =	task.clear_ibuf [dreg:s7], $0x5FFFF;
	_ =	strace $0x90000046  }
0xb8: {  	s29 =	simm.s32 $0x9;
	_ =	strace $0x80000048  }
0xb9: {  	_ =	swait.ge [sflag:s29], $0x1  }
0xba: {  	[sflag:s29] =	ssyncadd.s32 $0xFFFFFFFF  }
0xbb: {  	_ =	strace $0x90000048  }
0xbc: {  	_ =	sfence  }
0xbd: {  	s30 =	sld [smem:$0x0];
	_ =	sdelay $0x2  }
0xbe: {  	s31 =	sshll.u32 s1, $0xD;
	s1 =	sshrl.u32 s1, $0x2  }
0xbf: {  	s3 =	sand.u32 $0x4000, s31;
	s1 =	sadd.s32 s1, s30  }
0xc0: {  	s0 =	sor.u32 s3, s0;
	s1 =	sshll.u32 s1, $0x11  }
0xc1: {  	s0 =	sor.u32 s1, s0  }
0xc2: {  	s0 =	sadd.s32 $0x8F2B, s0  }
0xc3: {  	[sflag:s0] =	ssyncadd.remote.s32 $0x1  }
0xc4: {  	_ =	sfence.sel $0xFFFF  }
0xc5: {  	[dreg:$0x0] =	wrdreg $0xFFFFFFFF;
	(pc) =	sbr.abs _section_cstart, $3  }
0xc6: {  	[dreg:$0x1] =	wrdreg $0xFFFFFFFF  }
0xc7: {  	_ =	task.clear_ibuf [dreg:s7], $0x2FFFF;
	_ =	strace $0x9FFFFFFF  }
0xc8: {  	(tm) =	ssettm $0x7FFFFFFF  }
0xc9: {  	_ =	shalt  }
tec
execute0_lowered:
.L_overlay_start_1:
0x0: {  	(tag) =	ssettag $0x1  }
0x1: {  	s1 =	stileid.u32  }
0x2: {  	p0 =	sgt.u32 s1, $0x3  }
.Ltmp0:
0x3: {  	_ = 	snop;
	(pc) =	sbr.rel @p0 .LBB2_58-.Ltmp0, $4  }
0x4: {  	s3 =	rddreg [dreg:$0x0]  }
0x5: {  	s5 =	rddreg [dreg:$0x1];
	s2 =	simm.s32 $0x0  }
0x6: {  	[smem:$0x7FF] =	sst s2  }
0x7: {  	s0 =	rddreg [dreg:$0x2];
	_ =	strace $0x80000047  }
0x8: {  	s4 =	srdreg.scid;
	s6 =	sshll.u32 s1, $0x5;
	s8 =	sadd.s32 $0x1A00, s3  }
0x9: {  	s10 =	simm.s32 $0x2000;
	s11 =	simm.s32 $0x1;
	s12 =	simm.s32 $0xA000  }
0xa: {  	s13 =	simm.s32 $0xB000;
	s14 =	simm.s32 $0xC000;
	s15 =	simm.s32 $0x4000  }
0xb: {  	s16 =	simm.s32 $0x8000;
	s17 =	simm.s32 $0xD000;
	s4 =	sand.u32 $0x1, s4  }
0xc: {  	s18 =	simm.s32 $0x6000;
	s7 =	sshll.u32 s4, $0x4;
	s30 =	ssub.s32 $0x2, s4  }
0xd: {  	s19 =	simm.s32 $0x0;
	s6 =	sor.u32 s7, s6;
	s9 =	sshrl.u32 s30, $0x1  }
0xe: {  	v2 =	vlaneseq.u32;
	s31 =	sadd.s32 s6, s3;
	s7 =	ssub.s32 s30, s9;
	s5 =	sadd.s32 s5, s6  }
0xf: {  	v0 =	vimm.s32 $0x0;
	v3 =	vimm.s32 $0x1;
	v1 =	vmul.u32 $0x200, v2;
	s6 =	sadd.s32 s8, s6;
	s8 =	simm.s32 $0x80;
	s9 =	simm.s32 $0x400  }
0x10: {  	v4 =	vimm.f32 $0.0e+00;
	v5 =	vimm.f32 $1.000000000e+00;
	v2 =	vmul.u32 $0x100, v2;
	s3 =	sadd.s32 $0x3A00, s31;
	s4 =	sadd.s32 $0x5A00, s31;
	s7 =	smax.u32 s7, $0x1  }
.LBB2_2:
0x11: {  	[tilespmem:s10], [sflag:$0x1] =	stream.strided.gather [hbm4b:s6+s8], $0x2000, s9, s8, $0x38;
	[tilespmem:$0xE100] =	vst v63  }
0x12: {  	_ =	swait.ge [sflag:s11], $0x2000  }
0x13: {  	[sflag:s11] =	ssyncset.done $0x0  }
0x14: {  	s20 =	simm.s32 $0xA020;
	[sflag:s11] =	ssyncadd.s32 $0xFFFFE000  }
0x15: {  	[tilespmem:s20+$0xFFFFFFF0] =	vst v0  }
0x16: {  	[tilespmem:s20+$0x0] =	vst v0  }
0x17: {  	[tilespmem:s20+$0x10] =	vst v0  }
0x18: {  	s21 =	simm.s32 $0xB020;
	[tilespmem:s20+$0xFFFFFFE0] =	vst v0  }
0x19: {  	[tilespmem:s21+$0xFFFFFFF0] =	vst v0  }
0x1a: {  	[tilespmem:s21+$0x0] =	vst v0  }
0x1b: {  	[tilespmem:s21+$0x10] =	vst v0  }
0x1c: {  	s22 =	simm.s32 $0x0;
	s23 =	simm.s32 $0xA060;
	[tilespmem:s21+$0xFFFFFFE0] =	vst v0  }
.LBB2_3:
0x1d: {  	[tilespmem:s23+$0xFFFFFFF0] =	vst v0;
	s21 =	sadd.s32 $0x40, s21  }
0x1e: {  	s22 =	sadd.s32 $0x4, s22;
	[tilespmem:s21+$0xFFFFFFF0] =	vst v0  }
0x1f: {  	p0 =	slt.u32 s22, $0xFC;
	[tilespmem:s23+$0x0] =	vst v0  }
.Ltmp1:
0x20: {  	[tilespmem:s21+$0x0] =	vst v0;
	(pc) =	sbr.rel @p0 .LBB2_3-.Ltmp1, $4  }
0x21: {  	[tilespmem:s23+$0x10] =	vst v0  }
0x22: {  	[tilespmem:s21+$0x10] =	vst v0  }
0x23: {  	[tilespmem:s23+$0xFFFFFFE0] =	vst v0  }
0x24: {  	s20 =	simm.s32 $0x0;
	s23 =	sadd.s32 $0x40, s23;
	[tilespmem:s21+$0xFFFFFFE0] =	vst v0  }
0x25: {  	v6 =	vor.u32 s20, v1  }
0x26: {  	s21 =	simm.s32 $0x3  }
0x27: {  	v7 =	vor.u32 s21, v1;
	_ =	sdelay $0x2  }
0x28: {  	s24 =	simm.s32 $0x1;
	v6 =	vld.idx.msk [tilespmem:v6+s10+$0x0], $0xffff  }
0x29: {  	s25 =	simm.s32 $0x2;
	v8 =	vor.u32 s24, v1  }
0x2a: {  	v9 =	vor.u32 s25, v1;
	v7 =	vld.idx.msk [tilespmem:v7+s10+$0x0], $0xffff;
	_ =	sdelay $0x1  }
0x2b: {  	s28 =	simm.s32 $0x4  }
0x2c: {  	v12 =	vor.u32 s28, v1;
	v6 =	vand.u32 $0xFF, v6  }
0x2d: {  	s26 =	simm.s32 $0x100;
	v8 =	vld.idx.msk [tilespmem:v8+s10+$0x0], $0xffff;
	v6 =	vor.u32 v2, v6  }
0x2e: {  	v10 =	vor.u32 s26, v1;
	v9 =	vld.idx.msk [tilespmem:v9+s10+$0x0], $0xffff;
	v7 =	vand.u32 $0xFF, v7  }
0x2f: {  	s22 =	simm.s32 $0x7;
	v7 =	vor.u32 v2, v7  }
0x30: {  	v11 =	vor.u32 s22, v1;
	s24 =	simm.s32 $0x6  }
0x31: {  	s29 =	simm.s32 $0x5;
	v15 =	vor.u32 s24, v1;
	v12 =	vld.idx.msk [tilespmem:v12+s10+$0x0], $0xffff  }
0x32: {  	v13 =	vor.u32 s29, v1;
	v8 =	vand.u32 $0xFF, v8;
	[tilespmem:v6+s12+$0x0] =	vst.idx.add.s32.msk $0xffff, v3  }
0x33: {  	v9 =	vand.u32 $0xFF, v9;
	v6 =	vor.u32 v2, v8;
	v8 =	vld.idx.msk [tilespmem:v10+s10+$0x0], $0xffff  }
0x34: {  	s30 =	simm.s32 $0x103;
	[tilespmem:v7+s12+$0x0] =	vst.idx.add.s32.msk $0xffff, v3;
	v7 =	vor.u32 v2, v9  }
0x35: {  	s21 =	simm.s32 $0x8;
	v11 =	vld.idx.msk [tilespmem:v11+s10+$0x0], $0xffff;
	v10 =	vor.u32 s30, v1  }
0x36: {  	s23 =	simm.s32 $0x102;
	v17 =	vor.u32 s21, v1;
	v15 =	vld.idx.msk [tilespmem:v15+s10+$0x0], $0xffff  }
0x37: {  	s31 =	simm.s32 $0x101;
	v9 =	vld.idx.msk [tilespmem:v13+s10+$0x0], $0xffff;
	v13 =	vor.u32 s23, v1  }
0x38: {  	v14 =	vor.u32 s31, v1;
	v12 =	vand.u32 $0xFF, v12;
	[tilespmem:v6+s12+$0x0] =	vst.idx.add.s32.msk $0xffff, v3  }
0x39: {  	v6 =	vand.u32 $0xFF, v8;
	[tilespmem:v7+s12+$0x0] =	vst.idx.add.s32.msk $0xffff, v3;
	v7 =	vor.u32 v2, v12  }
0x3a: {  	v8 =	vld.idx.msk [tilespmem:v10+s10+$0x0], $0xffff;
	v10 =	vand.u32 $0xFF, v11;
	v6 =	vor.u32 v2, v6  }
0x3b: {  	s25 =	simm.s32 $0x104;
	v62 =	vld.idx.msk [tilespmem:v17+s10+$0x0], $0xffff;
	v10 =	vor.u32 v2, v10  }
0x3c: {  	s26 =	simm.s32 $0x9;
	v12 =	vld.idx.msk [tilespmem:v13+s10+$0x0], $0xffff;
	v13 =	vor.u32 s25, v1  }
0x3d: {  	s23 =	simm.s32 $0xB;
	v11 =	vld.idx.msk [tilespmem:v14+s10+$0x0], $0xffff;
	v14 =	vor.u32 s26, v1  }
0x3e: {  	v15 =	vand.u32 $0xFF, v15;
	v16 =	vor.u32 s23, v1;
	[tilespmem:v7+s12+$0x0] =	vst.idx.add.s32.msk $0xffff, v3  }
0x3f: {  	s28 =	simm.s32 $0x107;
	v15 =	vor.u32 v2, v15;
	[tilespmem:v6+s13+$0x0] =	vst.idx.add.s32.msk $0xffff, v3  }
0x40: {  	v6 =	vand.u32 $0xFF, v8;
	[tilespmem:v10+s12+$0x0] =	vst.idx.add.s32.msk $0xffff, v3;
	v8 =	vand.u32 $0xFF, v9;
	v10 =	vor.u32 s28, v1  }
0x41: {  	v9 =	vor.u32 v2, v6;
	v7 =	vor.u32 v2, v8;
	v8 =	vld.idx.msk [tilespmem:v13+s10+$0x0], $0xffff  }
0x42: {  	s29 =	simm.s32 $0x105;
	v6 =	vld.idx.msk [tilespmem:v14+s10+$0x0], $0xffff  }
0x43: {  	v11 =	vand.u32 $0xFF, v11;
	v13 =	vld.idx.msk [tilespmem:v16+s10+$0x0], $0xffff;
	v14 =	vor.u32 s29, v1  }
0x44: {  	s30 =	simm.s32 $0x106;
	[tilespmem:v15+s12+$0x0] =	vst.idx.add.s32.msk $0xffff, v3;
	v63 =	vor.u32 v2, v11  }
0x45: {  	v18 =	vor.u32 s30, v1;
	v11 =	vand.u32 $0xFF, v12;
	v10 =	vld.idx.msk [tilespmem:v10+s10+$0x0], $0xffff  }
0x46: {  	s31 =	simm.s32 $0xA;
	v11 =	vor.u32 v2, v11;
	[tilespmem:v9+s13+$0x0] =	vst.idx.add.s32.msk $0xffff, v3  }
0x47: {  	[tilespmem:v7+s12+$0x0] =	vst.idx.add.s32.msk $0xffff, v3;
	v7 =	vor.u32 s31, v1;
	v8 =	vand.u32 $0xFF, v8  }
0x48: {  	v12 =	vand.u32 $0xFF, v13;
	v9 =	vld.idx.msk [tilespmem:v14+s10+$0x0], $0xffff;
	v8 =	vor.u32 v2, v8  }
0x49: {  	[tilespmem:v63+s13+$0x0] =	vst.idx.add.s32.msk $0xffff, v3;
	v13 =	vand.u32 $0xFF, v62;
	v14 =	vor.u32 v2, v12  }
0x4a: {  	s22 =	simm.s32 $0xC;
	s23 =	simm.s32 $0x108;
	v13 =	vor.u32 v2, v13;
	v12 =	vld.idx.msk [tilespmem:v18+s10+$0x0], $0xffff  }
.LBB2_5:
0x4b: {  	v15 =	vor.u32 s22, v1;
	s24 =	sadd.s32 $0x1, s22;
	s25 =	sadd.s32 $0x2, s22;
	s26 =	sadd.s32 $0x3, s22;
	v16 =	vor.u32 s23, v1;
	[tilespmem:v11+s13+$0x0] =	vst.idx.add.s32.msk $0xffff, v3  }
0x4c: {  	p0 =	slt.u32 s22, $0xFC;
	v10 =	vand.u32 $0xFF, v10;
	s23 =	smov.u32 s22;
	s22 =	sadd.s32 $0x4, s22;
	v11 =	vor.u32 s24, v1;
	v17 =	vor.u32 s26, v1;
	v18 =	vld.idx.msk [tilespmem:v7+s10+$0x0], $0xffff  }
0x4d: {  	v6 =	vand.u32 $0xFF, v6;
	[tilespmem:v8+s13+$0x0] =	vst.idx.add.s32.msk $0xffff, v3;
	v8 =	vand.u32 $0xFF, v9  }
0x4e: {  	v7 =	vor.u32 s25, v1;
	v10 =	vor.u32 v2, v10;
	v9 =	vor.u32 v2, v6;
	[tilespmem:v14+s12+$0x0] =	vst.idx.add.s32.msk $0xffff, v3  }
0x4f: {  	[tilespmem:v13+s12+$0x0] =	vst.idx.add.s32.msk $0xffff, v3  }
0x50: {  	s24 =	sadd.s32 $0x103, s21;
	v12 =	vand.u32 $0xFF, v12;
	v13 =	vld.idx.msk [tilespmem:v16+s10+$0x0], $0xffff  }
0x51: {  	s25 =	sadd.s32 $0x101, s21;
	v6 =	vld.idx.msk [tilespmem:v11+s10+$0x0], $0xffff;
	v11 =	vor.u32 s24, v1  }
0x52: {  	v16 =	vor.u32 s25, v1;
	v14 =	vld.idx.msk [tilespmem:v17+s10+$0x0], $0xffff;
	v17 =	vand.u32 $0xFF, v18  }
0x53: {  	v15 =	vld.idx.msk [tilespmem:v15+s10+$0x0], $0xffff;
	v17 =	vor.u32 v2, v17  }
0x54: {  	s24 =	sadd.s32 $0x102, s21;
	s21 =	smov.u32 s23;
	v18 =	vor.u32 v2, v8;
	[tilespmem:v10+s13+$0x0] =	vst.idx.add.s32.msk $0xffff, v3  }
0x55: {  	v19 =	vor.u32 s24, v1;
	[tilespmem:v9+s12+$0x0] =	vst.idx.add.s32.msk $0xffff, v3  }
.Ltmp2:
0x56: {  	v8 =	vand.u32 $0xFF, v13;
	v10 =	vld.idx.msk [tilespmem:v11+s10+$0x0], $0xffff;
	v11 =	vor.u32 v2, v12;
	(pc) =	sbr.rel @p0 .LBB2_5-.Ltmp2, $4  }
0x57: {  	v8 =	vor.u32 v2, v8;
	v9 =	vld.idx.msk [tilespmem:v16+s10+$0x0], $0xffff  }
0x58: {  	v12 =	vand.u32 $0xFF, v14;
	[tilespmem:v17+s12+$0x0] =	vst.idx.add.s32.msk $0xffff, v3  }
0x59: {  	v13 =	vand.u32 $0xFF, v15;
	v14 =	vor.u32 v2, v12;
	[tilespmem:v18+s13+$0x0] =	vst.idx.add.s32.msk $0xffff, v3  }
0x5a: {  	s23 =	sadd.s32 $0x100, s21;
	v13 =	vor.u32 v2, v13;
	v12 =	vld.idx.msk [tilespmem:v19+s10+$0x0], $0xffff  }
0x5b: {  	_ =	sdelay $0x3  }
0x5c: {  	v7 =	vld.idx.msk [tilespmem:v7+s10+$0x0], $0xffff  }
0x5d: {  	v6 =	vand.u32 $0xFF, v6;
	v15 =	vor.u32 s23, v1  }
0x5e: {  	v6 =	vor.u32 v2, v6  }
0x5f: {  	s22 =	sadd.s32 $0x103, s21  }
0x60: {  	s30 =	sadd.s32 $0x101, s21;
	v16 =	vor.u32 s22, v1  }
0x61: {  	[tilespmem:v13+s12+$0x0] =	vst.idx.add.s32.msk $0xffff, v3;
	v59 =	vor.u32 s30, v1;
	v7 =	vand.u32 $0xFF, v7  }
0x62: {  	s31 =	sadd.s32 $0x102, s21;
	v13 =	vld.idx.msk [tilespmem:v15+s10+$0x0], $0xffff;
	v7 =	vor.u32 v2, v7  }
0x63: {  	[tilespmem:v6+s12+$0x0] =	vst.idx.add.s32.msk $0xffff, v3;
	v6 =	vor.u32 s31, v1  }
0x64: {  	[tilespmem:v14+s12+$0x0] =	vst.idx.add.s32.msk $0xffff, v3  }
0x65: {  	v60 =	vld.idx.msk [tilespmem:v16+s10+$0x0], $0xffff  }
0x66: {  	v14 =	vld.idx.msk [tilespmem:v59+s10+$0x0], $0xffff  }
0x67: {  	v10 =	vand.u32 $0xFF, v10;
	[tilespmem:v7+s12+$0x0] =	vst.idx.add.s32.msk $0xffff, v3  }
0x68: {  	v61 =	vand.u32 $0xFF, v13;
	v7 =	vand.u32 $0xFF, v9;
	v9 =	vor.u32 v2, v10;
	v6 =	vld.idx.msk [tilespmem:v6+s10+$0x0], $0xffff  }
0x69: {  	[tilespmem:v11+s13+$0x0] =	vst.idx.add.s32.msk $0xffff, v3;
	v11 =	vor.u32 v2, v61  }
0x6a: {  	v10 =	vand.u32 $0xFF, v12;
	v7 =	vor.u32 v2, v7  }
0x6b: {  	v62 =	vand.u32 $0xFF, v60;
	v10 =	vor.u32 v2, v10  }
0x6c: {  	[tilespmem:v8+s13+$0x0] =	vst.idx.add.s32.msk $0xffff, v3;
	v8 =	vand.u32 $0xFF, v14;
	v12 =	vor.u32 v2, v62  }
0x6d: {  	v8 =	vor.u32 v2, v8;
	[tilespmem:v9+s13+$0x0] =	vst.idx.add.s32.msk $0xffff, v3;
	v6 =	vand.u32 $0xFF, v6  }
0x6e: {  	[tilespmem:v11+s13+$0x0] =	vst.idx.add.s32.msk $0xffff, v3;
	v6 =	vor.u32 v2, v6  }
0x6f: {  	[tilespmem:v7+s13+$0x0] =	vst.idx.add.s32.msk $0xffff, v3  }
0x70: {  	[tilespmem:v10+s13+$0x0] =	vst.idx.add.s32.msk $0xffff, v3  }
0x71: {  	[tilespmem:v12+s13+$0x0] =	vst.idx.add.s32.msk $0xffff, v3  }
0x72: {  	[tilespmem:v8+s13+$0x0] =	vst.idx.add.s32.msk $0xffff, v3  }
0x73: {  	s21 =	simm.s32 $0x0;
	[tilespmem:v6+s13+$0x0] =	vst.idx.add.s32.msk $0xffff, v3  }
0x74: {  	v6 =	vld [tilespmem:s21+$0xA000]  }
0x75: {  	v7 =	vld [tilespmem:s21+$0xB000]  }
0x76: {  	v8 =	vld [tilespmem:s21+$0xA100]  }
0x77: {  	v9 =	vld [tilespmem:s21+$0xB100]  }
0x78: {  	v10 =	vld [tilespmem:s21+$0xA200]  }
0x79: {  	v11 =	vld [tilespmem:s21+$0xB200]  }
0x7a: {  	v6 =	vadd.s32 v7, v6;
	v7 =	vld [tilespmem:s21+$0xA300]  }
0x7b: {  	v6 =	vadd.s32 v6, v8;
	v8 =	vld [tilespmem:s21+$0xB300]  }
0x7c: {  	v6 =	vadd.s32 v9, v6;
	v9 =	vld [tilespmem:s21+$0xA400]  }
0x7d: {  	v6 =	vadd.s32 v6, v10;
	v10 =	vld [tilespmem:s21+$0xB400]  }
0x7e: {  	v6 =	vadd.s32 v11, v6;
	v11 =	vld [tilespmem:s21+$0xA500]  }
0x7f: {  	v6 =	vadd.s32 v6, v7;
	v7 =	vld [tilespmem:s21+$0xB500]  }
0x80: {  	v6 =	vadd.s32 v8, v6;
	v8 =	vld [tilespmem:s21+$0xA600]  }
0x81: {  	v6 =	vadd.s32 v6, v9;
	v9 =	vld [tilespmem:s21+$0xB600]  }
0x82: {  	v6 =	vadd.s32 v10, v6;
	v10 =	vld [tilespmem:s21+$0xA700]  }
0x83: {  	v6 =	vadd.s32 v6, v11;
	v11 =	vld [tilespmem:s21+$0xB700]  }
0x84: {  	v6 =	vadd.s32 v7, v6;
	v7 =	vld [tilespmem:s21+$0xA800]  }
0x85: {  	v6 =	vadd.s32 v6, v8;
	v8 =	vld [tilespmem:s21+$0xB800]  }
0x86: {  	v6 =	vadd.s32 v9, v6;
	v9 =	vld [tilespmem:s21+$0xA900]  }
0x87: {  	v6 =	vadd.s32 v6, v10;
	v10 =	vld [tilespmem:s21+$0xB900]  }
0x88: {  	v6 =	vadd.s32 v11, v6;
	v11 =	vld [tilespmem:s21+$0xAA00]  }
0x89: {  	v6 =	vadd.s32 v6, v7;
	v7 =	vld [tilespmem:s21+$0xBA00]  }
0x8a: {  	v6 =	vadd.s32 v8, v6;
	v8 =	vld [tilespmem:s21+$0xAB00]  }
0x8b: {  	v6 =	vadd.s32 v6, v9;
	v9 =	vld [tilespmem:s21+$0xBB00]  }
0x8c: {  	v6 =	vadd.s32 v10, v6;
	v10 =	vld [tilespmem:s21+$0xAC00]  }
0x8d: {  	v6 =	vadd.s32 v6, v11;
	v11 =	vld [tilespmem:s21+$0xBC00]  }
0x8e: {  	v12 =	vld [tilespmem:s21+$0xAD00];
	v6 =	vadd.s32 v7, v6  }
0x8f: {  	v63 =	vld [tilespmem:s21+$0xBD00];
	v6 =	vadd.s32 v6, v8  }
0x90: {  	v7 =	vld [tilespmem:s21+$0xAE00];
	v6 =	vadd.s32 v9, v6  }
0x91: {  	v8 =	vld [tilespmem:s21+$0xBE00];
	v6 =	vadd.s32 v6, v10  }
0x92: {  	v9 =	vld [tilespmem:s21+$0xAF00];
	v6 =	vadd.s32 v11, v6  }
0x93: {  	s22 =	simm.s32 $0x10;
	v10 =	vld [tilespmem:s21+$0xBF00];
	v11 =	vadd.s32 v6, v12  }
0x94: {  	s23 =	simm.s32 $0x80;
	v6 =	vld [tilespmem:s22+$0xA000];
	v11 =	vadd.s32 v63, v11  }
.LBB2_7:
0x95: {  	p0 =	sne.s32 s23, $0x3C0;
	v12 =	vld [tilespmem:s22+$0xB000];
	v7 =	vadd.s32 v11, v7  }
0x96: {  	v11 =	vld [tilespmem:s22+$0xA100];
	v7 =	vadd.s32 v8, v7  }
0x97: {  	v8 =	vld [tilespmem:s22+$0xB100];
	v7 =	vadd.s32 v7, v9  }
0x98: {  	v9 =	vld [tilespmem:s22+$0xA200];
	v7 =	vadd.s32 v10, v7  }
0x99: {  	v10 =	vld [tilespmem:s22+$0xB200];
	v13 =	vsub.s32 s20, v7;
	(xrf0) =	vadd.scan.msk.s32 $0xffff, v7  }
0x9a: {  	v6 =	vadd.s32 v12, v6;
	v7 =	vld [tilespmem:s22+$0xA300]  }
0x9b: {  	v6 =	vadd.s32 v6, v11;
	v11 =	vld [tilespmem:s22+$0xB300]  }
0x9c: {  	v6 =	vadd.s32 v8, v6;
	v8 =	vld [tilespmem:s22+$0xA400]  }
0x9d: {  	v6 =	vadd.s32 v6, v9;
	v9 =	vld [tilespmem:s22+$0xB400]  }
0x9e: {  	v6 =	vadd.s32 v10, v6;
	v10 =	vld [tilespmem:s22+$0xA500]  }
0x9f: {  	v6 =	vadd.s32 v6, v7;
	v7 =	vld [tilespmem:s22+$0xB500];
	v12, _, _ =	vpop (xrf0)  }
0xa0: {  	v6 =	vadd.s32 v11, v6;
	v11 =	vld [tilespmem:s22+$0xA600];
	v13 =	vadd.s32 v12, v13;
	(v2sf) =	vpush v12, $0xF  }
0xa1: {  	v6 =	vadd.s32 v6, v8;
	v8 =	vld [tilespmem:s22+$0xB600];
	[tilespmem:s21+$0xE000] =	vst v13;
	s21 =	smov.u32 s22  }
0xa2: {  	v6 =	vadd.s32 v9, v6;
	v9 =	vld [tilespmem:s21+$0xA700]  }
0xa3: {  	v6 =	vadd.s32 v6, v10;
	v10 =	vld [tilespmem:s21+$0xB700]  }
0xa4: {  	v6 =	vadd.s32 v7, v6;
	v7 =	vld [tilespmem:s21+$0xA800]  }
0xa5: {  	v6 =	vadd.s32 v6, v11;
	v11 =	vld [tilespmem:s21+$0xB800]  }
0xa6: {  	v6 =	vadd.s32 v8, v6;
	v8 =	vld [tilespmem:s21+$0xA900]  }
0xa7: {  	v6 =	vadd.s32 v6, v9;
	v9 =	vld [tilespmem:s21+$0xB900]  }
0xa8: {  	v6 =	vadd.s32 v10, v6;
	v10 =	vld [tilespmem:s21+$0xAA00]  }
0xa9: {  	v6 =	vadd.s32 v6, v7;
	v7 =	vld [tilespmem:s21+$0xBA00]  }
0xaa: {  	v6 =	vadd.s32 v11, v6;
	v11 =	vld [tilespmem:s21+$0xAB00]  }
0xab: {  	v6 =	vadd.s32 v6, v8;
	v8 =	vld [tilespmem:s21+$0xBB00]  }
0xac: {  	v6 =	vadd.s32 v9, v6;
	v9 =	vld [tilespmem:s21+$0xAC00]  }
0xad: {  	v6 =	vadd.s32 v6, v10;
	v10 =	vld [tilespmem:s21+$0xBC00]  }
0xae: {  	v6 =	vadd.s32 v7, v6;
	v12 =	vld [tilespmem:s21+$0xAD00]  }
0xaf: {  	v6 =	vadd.s32 v6, v11;
	v11 =	vld [tilespmem:s21+$0xBD00];
	s22 =	spop (v2sf)  }
.Ltmp3:
0xb0: {  	v6 =	vadd.s32 v8, v6;
	v7 =	vld [tilespmem:s21+$0xAE00];
	s20 =	sadd.s32 s20, s22;
	(pc) =	sbr.rel @p0 .LBB2_7-.Ltmp3, $4  }
0xb1: {  	v6 =	vadd.s32 v6, v9;
	v8 =	vld [tilespmem:s21+$0xBE00]  }
0xb2: {  	v6 =	vadd.s32 v10, v6;
	v9 =	vld [tilespmem:s21+$0xAF00]  }
0xb3: {  	s22 =	sshra.s32 s23, $0x2;
	v12 =	vadd.s32 v6, v12;
	v10 =	vld [tilespmem:s21+$0xBF00]  }
0xb4: {  	s23 =	sadd.s32 $0x40, s23;
	v6 =	vld [tilespmem:s22+$0xA000];
	v11 =	vadd.s32 v11, v12  }
0xb5: {  	v12 =	vld [tilespmem:s22+$0xB000];
	v7 =	vadd.s32 v11, v7  }
0xb6: {  	v39 =	vld [tilespmem:s22+$0xA100];
	v7 =	vadd.s32 v8, v7  }
0xb7: {  	v40 =	vld [tilespmem:s22+$0xB100];
	v7 =	vadd.s32 v7, v9  }
0xb8: {  	v41 =	vld [tilespmem:s22+$0xA200];
	v7 =	vadd.s32 v10, v7  }
0xb9: {  	v42 =	vld [tilespmem:s22+$0xB200];
	(xrf0) =	vadd.scan.msk.s32 $0xffff, v7  }
0xba: {  	v13 =	vld [tilespmem:s22+$0xA300];
	v6 =	vadd.s32 v12, v6  }
0xbb: {  	v43 =	vld [tilespmem:s22+$0xB300];
	v6 =	vadd.s32 v6, v39  }
0xbc: {  	v44 =	vld [tilespmem:s22+$0xA400];
	v6 =	vadd.s32 v40, v6  }
0xbd: {  	v45 =	vld [tilespmem:s22+$0xB400];
	v6 =	vadd.s32 v6, v41  }
0xbe: {  	v46 =	vld [tilespmem:s22+$0xA500];
	v6 =	vadd.s32 v42, v6  }
0xbf: {  	v47 =	vld [tilespmem:s22+$0xB500];
	v7 =	vsub.s32 s20, v7;
	v6 =	vadd.s32 v6, v13;
	v48, _, _ =	vpop (xrf0)  }
0xc0: {  	v14 =	vld [tilespmem:s22+$0xA600];
	v6 =	vadd.s32 v43, v6;
	v7 =	vadd.s32 v48, v7  }
0xc1: {  	v49 =	vld [tilespmem:s22+$0xB600];
	v6 =	vadd.s32 v6, v44;
	[tilespmem:s21+$0xE000] =	vst v7  }
0xc2: {  	v6 =	vadd.s32 v45, v6;
	v7 =	vld [tilespmem:s22+$0xA700]  }
0xc3: {  	v50 =	vld [tilespmem:s22+$0xB700];
	v6 =	vadd.s32 v6, v46  }
0xc4: {  	v51 =	vld [tilespmem:s22+$0xA800];
	v6 =	vadd.s32 v47, v6  }
0xc5: {  	v52 =	vld [tilespmem:s22+$0xB800];
	v6 =	vadd.s32 v6, v14  }
0xc6: {  	v53 =	vld [tilespmem:s22+$0xA900];
	v6 =	vadd.s32 v49, v6  }
0xc7: {  	v6 =	vadd.s32 v6, v7;
	v7 =	vld [tilespmem:s22+$0xB900]  }
0xc8: {  	v54 =	vld [tilespmem:s22+$0xAA00];
	v6 =	vadd.s32 v50, v6  }
0xc9: {  	v55 =	vld [tilespmem:s22+$0xBA00];
	v6 =	vadd.s32 v6, v51  }
0xca: {  	v56 =	vld [tilespmem:s22+$0xAB00];
	v6 =	vadd.s32 v52, v6  }
0xcb: {  	v57 =	vld [tilespmem:s22+$0xBB00];
	v6 =	vadd.s32 v6, v53  }
0xcc: {  	v6 =	vadd.s32 v7, v6;
	v7 =	vld [tilespmem:s22+$0xAC00]  }
0xcd: {  	v58 =	vld [tilespmem:s22+$0xBC00];
	v6 =	vadd.s32 v6, v54  }
0xce: {  	v59 =	vld [tilespmem:s22+$0xAD00];
	v6 =	vadd.s32 v55, v6  }
0xcf: {  	v60 =	vld [tilespmem:s22+$0xBD00];
	v6 =	vadd.s32 v6, v56  }
0xd0: {  	v61 =	vld [tilespmem:s22+$0xAE00];
	v6 =	vadd.s32 v57, v6  }
0xd1: {  	v6 =	vadd.s32 v6, v7;
	v7 =	vld [tilespmem:s22+$0xBE00]  }
0xd2: {  	v62 =	vld [tilespmem:s22+$0xAF00];
	v6 =	vadd.s32 v58, v6  }
0xd3: {  	v63 =	vld [tilespmem:s22+$0xBF00];
	v6 =	vadd.s32 v6, v59  }
0xd4: {  	v6 =	vadd.s32 v60, v6  }
0xd5: {  	v6 =	vadd.s32 v6, v61  }
0xd6: {  	v6 =	vadd.s32 v7, v6  }
0xd7: {  	v6 =	vadd.s32 v6, v62  }
0xd8: {  	v6 =	vadd.s32 v63, v6  }
0xd9: {  	(xrf0) =	vadd.scan.msk.s32 $0xffff, v6;
	_ =	sdelay $0x2  }
0xda: {  	(v2sf) =	vpush v48, $0xF;
	_ =	sdelay $0x2  }
0xdb: {  	v7, _, _ =	vpop (xrf0)  }
0xdc: {  	(v2sf) =	vpush v7, $0xF;
	_ =	sdelay $0xa  }
0xdd: {  	s29 =	spop (v2sf)  }
0xde: {  	s30 =	sadd.s32 s20, s29  }
0xdf: {  	v6 =	vsub.s32 s30, v6  }
0xe0: {  	s23 =	simm.s32 $0xD000;
	s24 =	simm.s32 $0xB000;
	s21 =	simm.s32 $0xC000;
	v6 =	vadd.s32 v7, v6  }
0xe1: {  	s20 =	simm.s32 $0x0;
	[tilespmem:s22+$0xE000] =	vst v6;
	s22 =	simm.s32 $0xA000;
	s31 =	spop (v2sf)  }
.LBB2_9:
0xe2: {  	s25 =	sshll.u32 s20, $0x4  }
0xe3: {  	v8 =	vmov s21;
	v10 =	vld [tilespmem:s25+$0xE000]  }
0xe4: {  	v7 =	vmov s22;
	_ =	sdelay $0x2  }
0xe5: {  	s28 =	simm.s32 $0x0  }
0xe6: {  	[tilespmem:v8+s28+$0x0 ss:$0x1] =	vst.idx.msk $0xffff, v10  }
0xe7: {  	v11 =	vld.idx.msk [tilespmem:v7+s28+$0x0 ss:$0x1], $0xffff  }
0xe8: {  	v9 =	vmov s23  }
0xe9: {  	v6 =	vmov s24;
	_ =	sdelay $0x2  }
0xea: {  	[tilespmem:v7+s28+$0x0 ss:$0x1] =	vst.idx.msk $0xffff, v0;
	v10 =	vadd.s32 v10, v11  }
0xeb: {  	[tilespmem:v9+s28+$0x0 ss:$0x1] =	vst.idx.msk $0xffff, v10  }
0xec: {  	v11 =	vld.idx.msk [tilespmem:v6+s28+$0x0 ss:$0x1], $0xffff  }
0xed: {  	s26 =	simm.s32 $0x800;
	s25 =	simm.s32 $0x400;
	[tilespmem:v6+s28+$0x0 ss:$0x1] =	vst.idx.msk $0xffff, v0  }
.LBB2_10:
0xee: {  	_ =	sdelay $0x1  }
0xef: {  	p0 =	sne.s32 s26, $0x3C00  }
0xf0: {  	s28 =	sshra.s32 s25, $0x2;
	s25 =	smov.u32 s26;
	s26 =	sadd.s32 $0x400, s26;
	v10 =	vadd.s32 v10, v11  }
0xf1: {  	[tilespmem:v8+s28+$0x0 ss:$0x1] =	vst.idx.msk $0xffff, v10  }
0xf2: {  	v11 =	vld.idx.msk [tilespmem:v7+s28+$0x0 ss:$0x1], $0xffff  }
0xf3: {  	[tilespmem:v7+s28+$0x0 ss:$0x1] =	vst.idx.msk $0xffff, v0;
	_ =	sdelay $0x3  }
.Ltmp4:
0xf4: {  	(pc) =	sbr.rel @p0 .LBB2_10-.Ltmp4, $4  }
0xf5: {  	v10 =	vadd.s32 v10, v11  }
0xf6: {  	[tilespmem:v9+s28+$0x0 ss:$0x1] =	vst.idx.msk $0xffff, v10  }
0xf7: {  	v11 =	vld.idx.msk [tilespmem:v6+s28+$0x0 ss:$0x1], $0xffff  }
0xf8: {  	[tilespmem:v6+s28+$0x0 ss:$0x1] =	vst.idx.msk $0xffff, v0  }
0xf9: {  	_ =	sdelay $0x2  }
0xfa: {  	s25 =	sshra.s32 s25, $0x2;
	v10 =	vadd.s32 v10, v11  }
0xfb: {  	[tilespmem:v8+s25+$0x0 ss:$0x1] =	vst.idx.msk $0xffff, v10  }
0xfc: {  	v8 =	vld.idx.msk [tilespmem:v7+s25+$0x0 ss:$0x1], $0xffff  }
0xfd: {  	s20 =	sadd.s32 $0x1, s20  }
0xfe: {  	p0 =	sne.s32 s20, $0x10  }
.Ltmp5:
0xff: {  	_ = 	snop;
	(pc) =	sbr.rel @p0 .LBB2_9-.Ltmp5, $4  }
0x100: {  	_ = 	snop  }
0x101: {  	[tilespmem:v7+s25+$0x0 ss:$0x1] =	vst.idx.msk $0xffff, v0;
	v7 =	vadd.s32 v10, v8  }
0x102: {  	s21 =	sadd.s32 $0x10, s21;
	s22 =	sadd.s32 $0x10, s22;
	[tilespmem:v9+s25+$0x0 ss:$0x1] =	vst.idx.msk $0xffff, v7  }
0x103: {  	s23 =	sadd.s32 $0x10, s23;
	s24 =	sadd.s32 $0x10, s24;
	[tilespmem:v6+s25+$0x0 ss:$0x1] =	vst.idx.msk $0xffff, v0;
	s25 =	simm.s32 $0x0  }
0x104: {  	s20 =	simm.s32 $0x0  }
.LBB2_13:
0x105: {  	v6 =	vor.u32 s20, v1;
	_ =	sdelay $0x4  }
0x106: {  	v7 =	vld.idx.msk [tilespmem:v6+s10+$0x0], $0xffff;
	_ =	sdelay $0x4  }
0x107: {  	v8 =	vand.u32 $0xFF, v7  }
0x108: {  	v8 =	vor.u32 v2, v8;
	_ =	sdelay $0x4  }
0x109: {  	v9 =	vld.idx.msk [tilespmem:v8+s14+$0x0], $0xffff;
	_ =	sdelay $0x3  }
0x10a: {  	s21 =	sadd.s32 $0x100, s20  }
0x10b: {  	v10 =	vor.u32 s21, v1  }
0x10c: {  	v11 =	vadd.s32 $0x1, v9  }
0x10d: {  	[tilespmem:v8+s14+$0x0] =	vst.idx.msk $0xffff, v11  }
0x10e: {  	[tilespmem:v9+s15+$0x0] =	vst.idx.msk $0xffff, v7  }
0x10f: {  	[tilespmem:v9+s16+$0x0] =	vst.idx.msk $0xffff, v6  }
0x110: {  	v6 =	vld.idx.msk [tilespmem:v10+s10+$0x0], $0xffff;
	_ =	sdelay $0x4  }
0x111: {  	v7 =	vand.u32 $0xFF, v6  }
0x112: {  	v7 =	vor.u32 v2, v7;
	_ =	sdelay $0x4  }
0x113: {  	v8 =	vld.idx.msk [tilespmem:v7+s17+$0x0], $0xffff;
	_ =	sdelay $0x3  }
0x114: {  	s30 =	sadd.s32 $0x1, s20  }
0x115: {  	v59 =	vor.u32 s30, v1  }
0x116: {  	v60 =	vadd.s32 $0x1, v8  }
0x117: {  	[tilespmem:v7+s17+$0x0] =	vst.idx.msk $0xffff, v60  }
0x118: {  	[tilespmem:v8+s15+$0x0] =	vst.idx.msk $0xffff, v6  }
0x119: {  	[tilespmem:v8+s16+$0x0] =	vst.idx.msk $0xffff, v10  }
0x11a: {  	v6 =	vld.idx.msk [tilespmem:v59+s10+$0x0], $0xffff;
	_ =	sdelay $0x4  }
0x11b: {  	v7 =	vand.u32 $0xFF, v6  }
0x11c: {  	v7 =	vor.u32 v2, v7;
	_ =	sdelay $0x4  }
0x11d: {  	v8 =	vld.idx.msk [tilespmem:v7+s14+$0x0], $0xffff;
	_ =	sdelay $0x3  }
0x11e: {  	s31 =	sadd.s32 $0x101, s20  }
0x11f: {  	v61 =	vor.u32 s31, v1  }
0x120: {  	v62 =	vadd.s32 $0x1, v8  }
0x121: {  	[tilespmem:v7+s14+$0x0] =	vst.idx.msk $0xffff, v62  }
0x122: {  	[tilespmem:v8+s15+$0x0] =	vst.idx.msk $0xffff, v6  }
0x123: {  	[tilespmem:v8+s16+$0x0] =	vst.idx.msk $0xffff, v59  }
0x124: {  	v6 =	vld.idx.msk [tilespmem:v61+s10+$0x0], $0xffff;
	_ =	sdelay $0x4  }
0x125: {  	v7 =	vand.u32 $0xFF, v6  }
0x126: {  	v7 =	vor.u32 v2, v7;
	_ =	sdelay $0x4  }
0x127: {  	v8 =	vld.idx.msk [tilespmem:v7+s17+$0x0], $0xffff;
	_ =	sdelay $0x3  }
0x128: {  	p0 =	slt.u32 s20, $0xFE  }
.Ltmp6:
0x129: {  	_ = 	snop;
	(pc) =	sbr.rel @p0 .LBB2_13-.Ltmp6, $4  }
0x12a: {  	v63 =	vadd.s32 $0x1, v8  }
0x12b: {  	[tilespmem:v7+s17+$0x0] =	vst.idx.msk $0xffff, v63  }
0x12c: {  	[tilespmem:v8+s15+$0x0] =	vst.idx.msk $0xffff, v6  }
0x12d: {  	s20 =	sadd.s32 $0x2, s20;
	[tilespmem:v8+s16+$0x0] =	vst.idx.msk $0xffff, v61  }
0x12e: {  	s20 =	simm.s32 $0x2  }
0x12f: {  	s26 =	simm.s32 $0x3;
	v6 =	vor.u32 s20, v1  }
0x130: {  	v7 =	vor.u32 s26, v1;
	_ =	sdelay $0x3  }
0x131: {  	s28 =	simm.s32 $0x1;
	v6 =	vld.idx.msk [tilespmem:v6+s15+$0x0], $0xffff  }
0x132: {  	v8 =	vor.u32 s28, v1;
	v7 =	vld.idx.msk [tilespmem:v7+s15+$0x0], $0xffff  }
0x133: {  	v9 =	vor.u32 s25, v1;
	s29 =	simm.s32 $0x6  }
0x134: {  	v10 =	vor.u32 s29, v1  }
0x135: {  	s30 =	simm.s32 $0x7;
	s21 =	simm.s32 $0x102  }
0x136: {  	v11 =	vor.u32 s30, v1;
	v13 =	vor.u32 s21, v1;
	s21 =	simm.s32 $0x4;
	v6 =	vshrl.u32 v6, $0x8  }
0x137: {  	v15 =	vor.u32 s21, v1;
	v8 =	vld.idx.msk [tilespmem:v8+s15+$0x0], $0xffff;
	v7 =	vshrl.u32 v7, $0x8;
	v6 =	vand.u32 $0xFF, v6  }
0x138: {  	v9 =	vld.idx.msk [tilespmem:v9+s15+$0x0], $0xffff;
	v7 =	vand.u32 $0xFF, v7;
	v6 =	vor.u32 v2, v6  }
0x139: {  	s28 =	simm.s32 $0xB;
	v10 =	vld.idx.msk [tilespmem:v10+s15+$0x0], $0xffff;
	v7 =	vor.u32 v2, v7  }
0x13a: {  	s31 =	simm.s32 $0x5;
	v16 =	vor.u32 s28, v1  }
0x13b: {  	v12 =	vor.u32 s31, v1;
	v11 =	vld.idx.msk [tilespmem:v11+s15+$0x0], $0xffff  }
0x13c: {  	s22 =	simm.s32 $0x103;
	v15 =	vld.idx.msk [tilespmem:v15+s15+$0x0], $0xffff;
	v8 =	vshrl.u32 v8, $0x8  }
0x13d: {  	v14 =	vor.u32 s22, v1;
	v9 =	vshrl.u32 v9, $0x8;
	[tilespmem:v6+s12+$0x0] =	vst.idx.add.s32.msk $0xffff, v3;
	v6 =	vand.u32 $0xFF, v8  }
0x13e: {  	v10 =	vshrl.u32 v10, $0x8;
	[tilespmem:v7+s12+$0x0] =	vst.idx.add.s32.msk $0xffff, v3;
	v7 =	vand.u32 $0xFF, v9;
	v6 =	vor.u32 v2, v6  }
0x13f: {  	v16 =	vld.idx.msk [tilespmem:v16+s15+$0x0], $0xffff;
	v10 =	vand.u32 $0xFF, v10;
	v7 =	vor.u32 v2, v7  }
0x140: {  	s23 =	simm.s32 $0x100;
	v10 =	vor.u32 v2, v10;
	v8 =	vld.idx.msk [tilespmem:v12+s15+$0x0], $0xffff  }
0x141: {  	s24 =	simm.s32 $0x101;
	v11 =	vshrl.u32 v11, $0x8;
	v12 =	vor.u32 s23, v1;
	v9 =	vld.idx.msk [tilespmem:v13+s15+$0x0], $0xffff  }
0x142: {  	v11 =	vand.u32 $0xFF, v11;
	v13 =	vld.idx.msk [tilespmem:v14+s15+$0x0], $0xffff;
	v14 =	vor.u32 s24, v1  }
0x143: {  	s25 =	simm.s32 $0xA;
	[tilespmem:v6+s12+$0x0] =	vst.idx.add.s32.msk $0xffff, v3;
	v6 =	vor.u32 v2, v11  }
0x144: {  	s26 =	simm.s32 $0x9;
	[tilespmem:v7+s12+$0x0] =	vst.idx.add.s32.msk $0xffff, v3;
	v7 =	vor.u32 s25, v1  }
0x145: {  	[tilespmem:v10+s12+$0x0] =	vst.idx.add.s32.msk $0xffff, v3;
	v11 =	vor.u32 s26, v1  }
0x146: {  	s29 =	simm.s32 $0x106;
	v9 =	vshrl.u32 v9, $0x8;
	v12 =	vld.idx.msk [tilespmem:v12+s15+$0x0], $0xffff  }
0x147: {  	v10 =	vor.u32 s29, v1;
	v14 =	vld.idx.msk [tilespmem:v14+s15+$0x0], $0xffff;
	v9 =	vand.u32 $0xFF, v9  }
0x148: {  	s30 =	simm.s32 $0x107;
	v13 =	vshrl.u32 v13, $0x8;
	v9 =	vor.u32 v2, v9;
	[tilespmem:v6+s12+$0x0] =	vst.idx.add.s32.msk $0xffff, v3  }
0x149: {  	v17 =	vld.idx.msk [tilespmem:v7+s15+$0x0], $0xffff;
	v7 =	vor.u32 s30, v1;
	v6 =	vand.u32 $0xFF, v13  }
0x14a: {  	s20 =	simm.s32 $0x8;
	v8 =	vshrl.u32 v8, $0x8;
	v18 =	vld.idx.msk [tilespmem:v11+s15+$0x0], $0xffff;
	v11 =	vor.u32 v2, v6  }
0x14b: {  	v19 =	vor.u32 s20, v1;
	v6 =	vand.u32 $0xFF, v8  }
0x14c: {  	v8 =	vshrl.u32 v15, $0x8;
	v20 =	vor.u32 v2, v6;
	v6 =	vld.idx.msk [tilespmem:v10+s15+$0x0], $0xffff  }
0x14d: {  	v10 =	vshrl.u32 v12, $0x8;
	v12 =	vshrl.u32 v14, $0x8;
	[tilespmem:v9+s13+$0x0] =	vst.idx.add.s32.msk $0xffff, v3;
	v8 =	vand.u32 $0xFF, v8  }
0x14e: {  	v12 =	vand.u32 $0xFF, v12;
	v13 =	vor.u32 v2, v8;
	v9 =	vld.idx.msk [tilespmem:v7+s15+$0x0], $0xffff  }
0x14f: {  	s31 =	simm.s32 $0x104;
	v16 =	vshrl.u32 v16, $0x8;
	v10 =	vand.u32 $0xFF, v10;
	v8 =	vor.u32 v2, v12;
	[tilespmem:v11+s13+$0x0] =	vst.idx.add.s32.msk $0xffff, v3  }
0x150: {  	s22 =	simm.s32 $0x105;
	v12 =	vor.u32 s31, v1;
	v7 =	vor.u32 v2, v10;
	v14 =	vshrl.u32 v17, $0x8;
	v11 =	vld.idx.msk [tilespmem:v19+s15+$0x0], $0xffff  }
0x151: {  	s21 =	simm.s32 $0xC;
	v10 =	vshrl.u32 v18, $0x8;
	v15 =	vand.u32 $0xFF, v14;
	v14 =	vor.u32 s22, v1;
	[tilespmem:v20+s12+$0x0] =	vst.idx.add.s32.msk $0xffff, v3  }
.LBB2_15:
0x152: {  	s22 =	sadd.s32 $0x1, s21  }
0x153: {  	v17 =	vor.u32 s21, v1;
	p0 =	slt.u32 s21, $0xFC;
	v15 =	vor.u32 v2, v15;
	v16 =	vand.u32 $0xFF, v16;
	[tilespmem:v13+s12+$0x0] =	vst.idx.add.s32.msk $0xffff, v3;
	s23 =	smov.u32 s21;
	s21 =	sadd.s32 $0x4, s21  }
0x154: {  	v13 =	vor.u32 s22, v1;
	s22 =	sadd.s32 $0x2, s23;
	v16 =	vor.u32 v2, v16;
	[tilespmem:v8+s13+$0x0] =	vst.idx.add.s32.msk $0xffff, v3  }
0x155: {  	v9 =	vshrl.u32 v9, $0x8;
	v8 =	vor.u32 s22, v1;
	s22 =	sadd.s32 $0x3, s23;
	v12 =	vld.idx.msk [tilespmem:v12+s15+$0x0], $0xffff  }
0x156: {  	v18 =	vor.u32 s22, v1;
	[tilespmem:v7+s13+$0x0] =	vst.idx.add.s32.msk $0xffff, v3  }
0x157: {  	v6 =	vshrl.u32 v6, $0x8;
	s22 =	sadd.s32 $0x102, s20;
	v7 =	vld.idx.msk [tilespmem:v14+s15+$0x0], $0xffff  }
0x158: {  	v6 =	vand.u32 $0xFF, v6;
	v11 =	vshrl.u32 v11, $0x8;
	v14 =	vor.u32 s22, v1;
	[tilespmem:v15+s12+$0x0] =	vst.idx.add.s32.msk $0xffff, v3  }
0x159: {  	s22 =	sadd.s32 $0x103, s20;
	v15 =	vor.u32 v2, v6;
	[tilespmem:v16+s12+$0x0] =	vst.idx.add.s32.msk $0xffff, v3  }
0x15a: {  	v6 =	vand.u32 $0xFF, v9;
	v16 =	vld.idx.msk [tilespmem:v8+s15+$0x0], $0xffff;
	v8 =	vor.u32 s22, v1  }
0x15b: {  	v20 =	vor.u32 v2, v6;
	v9 =	vshrl.u32 v12, $0x8;
	v19 =	vld.idx.msk [tilespmem:v13+s15+$0x0], $0xffff  }
0x15c: {  	v6 =	vand.u32 $0xFF, v10;
	v10 =	vand.u32 $0xFF, v9;
	v18 =	vld.idx.msk [tilespmem:v18+s15+$0x0], $0xffff  }
0x15d: {  	v21 =	vor.u32 v2, v6;
	v9 =	vand.u32 $0xFF, v11;
	v7 =	vshrl.u32 v7, $0x8;
	v6 =	vld.idx.msk [tilespmem:v14+s15+$0x0], $0xffff  }
.Ltmp7:
0x15e: {  	v13 =	vor.u32 v2, v9;
	v7 =	vand.u32 $0xFF, v7;
	[tilespmem:v15+s13+$0x0] =	vst.idx.add.s32.msk $0xffff, v3;
	(pc) =	sbr.rel @p0 .LBB2_15-.Ltmp7, $4  }
0x15f: {  	s22 =	sadd.s32 $0x100, s20;
	v9 =	vld.idx.msk [tilespmem:v8+s15+$0x0], $0xffff;
	v8 =	vor.u32 v2, v7  }
0x160: {  	v12 =	vor.u32 s22, v1;
	v7 =	vor.u32 v2, v10;
	[tilespmem:v20+s13+$0x0] =	vst.idx.add.s32.msk $0xffff, v3  }
0x161: {  	s22 =	sadd.s32 $0x101, s20;
	s20 =	smov.u32 s23;
	v14 =	vshrl.u32 v16, $0x8;
	v10 =	vshrl.u32 v19, $0x8;
	v11 =	vld.idx.msk [tilespmem:v17+s15+$0x0], $0xffff  }
0x162: {  	v15 =	vand.u32 $0xFF, v14;
	v14 =	vor.u32 s22, v1;
	v16 =	vshrl.u32 v18, $0x8;
	[tilespmem:v21+s12+$0x0] =	vst.idx.add.s32.msk $0xffff, v3  }
0x163: {  	_ =	sdelay $0x1  }
0x164: {  	v15 =	vor.u32 v2, v15;
	v16 =	vand.u32 $0xFF, v16  }
0x165: {  	v10 =	vand.u32 $0xFF, v10;
	v16 =	vor.u32 v2, v16  }
0x166: {  	[tilespmem:v13+s12+$0x0] =	vst.idx.add.s32.msk $0xffff, v3;
	s21 =	sadd.s32 $0x102, s20;
	v10 =	vor.u32 v2, v10  }
0x167: {  	s29 =	sadd.s32 $0x103, s20;
	v14 =	vld.idx.msk [tilespmem:v14+s15+$0x0], $0xffff;
	v56 =	vor.u32 s21, v1  }
0x168: {  	s30 =	sadd.s32 $0x101, s20;
	v12 =	vld.idx.msk [tilespmem:v12+s15+$0x0], $0xffff;
	v57 =	vor.u32 s29, v1;
	v11 =	vshrl.u32 v11, $0x8  }
0x169: {  	v58 =	vor.u32 s30, v1;
	v11 =	vand.u32 $0xFF, v11;
	[tilespmem:v15+s12+$0x0] =	vst.idx.add.s32.msk $0xffff, v3  }
0x16a: {  	s31 =	sadd.s32 $0x100, s20;
	v11 =	vor.u32 v2, v11;
	[tilespmem:v16+s12+$0x0] =	vst.idx.add.s32.msk $0xffff, v3  }
0x16b: {  	v59 =	vor.u32 s31, v1;
	[tilespmem:v10+s12+$0x0] =	vst.idx.add.s32.msk $0xffff, v3  }
0x16c: {  	v13 =	vld.idx.msk [tilespmem:v56+s15+$0x0], $0xffff  }
0x16d: {  	v15 =	vld.idx.msk [tilespmem:v57+s15+$0x0], $0xffff  }
0x16e: {  	v6 =	vshrl.u32 v6, $0x8;
	v60 =	vld.idx.msk [tilespmem:v58+s15+$0x0], $0xffff  }
0x16f: {  	v9 =	vshrl.u32 v9, $0x8;
	v6 =	vand.u32 $0xFF, v6;
	[tilespmem:v11+s12+$0x0] =	vst.idx.add.s32.msk $0xffff, v3  }
0x170: {  	v6 =	vor.u32 v2, v6;
	v9 =	vand.u32 $0xFF, v9;
	v14 =	vshrl.u32 v14, $0x8;
	v10 =	vld.idx.msk [tilespmem:v59+s15+$0x0], $0xffff  }
0x171: {  	v9 =	vor.u32 v2, v9;
	v12 =	vshrl.u32 v12, $0x8;
	v14 =	vand.u32 $0xFF, v14  }
0x172: {  	v12 =	vand.u32 $0xFF, v12;
	v14 =	vor.u32 v2, v14;
	v13 =	vshrl.u32 v13, $0x8  }
0x173: {  	[tilespmem:v8+s13+$0x0] =	vst.idx.add.s32.msk $0xffff, v3;
	v8 =	vor.u32 v2, v12;
	v61 =	vshrl.u32 v15, $0x8;
	v13 =	vand.u32 $0xFF, v13  }
0x174: {  	[tilespmem:v7+s13+$0x0] =	vst.idx.add.s32.msk $0xffff, v3;
	v11 =	vshrl.u32 v60, $0x8;
	v7 =	vor.u32 v2, v13;
	v12 =	vand.u32 $0xFF, v61  }
0x175: {  	[tilespmem:v6+s13+$0x0] =	vst.idx.add.s32.msk $0xffff, v3;
	v11 =	vand.u32 $0xFF, v11;
	v62 =	vor.u32 v2, v12;
	v6 =	vshrl.u32 v10, $0x8  }
0x176: {  	[tilespmem:v9+s13+$0x0] =	vst.idx.add.s32.msk $0xffff, v3;
	v63 =	vor.u32 v2, v11;
	v6 =	vand.u32 $0xFF, v6  }
0x177: {  	[tilespmem:v14+s13+$0x0] =	vst.idx.add.s32.msk $0xffff, v3;
	v6 =	vor.u32 v2, v6  }
0x178: {  	p1 =	por $0x1, $0x1;
	[tilespmem:v8+s13+$0x0] =	vst.idx.add.s32.msk $0xffff, v3  }
.Ltmp8:
0x179: {  	[tilespmem:v7+s13+$0x0] =	vst.idx.add.s32.msk $0xffff, v3;
	(pc) =	sbr.rel @!p1 .LBB2_17-.Ltmp8, $4  }
0x17a: {  	[tilespmem:v62+s13+$0x0] =	vst.idx.add.s32.msk $0xffff, v3  }
0x17b: {  	[tilespmem:v63+s13+$0x0] =	vst.idx.add.s32.msk $0xffff, v3  }
0x17c: {  	s21 =	simm.s32 $0x0;
	[tilespmem:v6+s13+$0x0] =	vst.idx.add.s32.msk $0xffff, v3  }
0x17d: {  	s20 =	simm.s32 $0x0;
	p0 =	por $0x0, $0x0;
	v6 =	vld [tilespmem:s21+$0xA000]  }
0x17e: {  	v7 =	vld [tilespmem:s21+$0xB000]  }
0x17f: {  	v8 =	vld [tilespmem:s21+$0xA100]  }
0x180: {  	v9 =	vld [tilespmem:s21+$0xB100]  }
0x181: {  	v10 =	vld [tilespmem:s21+$0xA200]  }
0x182: {  	v11 =	vld [tilespmem:s21+$0xB200]  }
0x183: {  	v6 =	vadd.s32 v7, v6;
	v7 =	vld [tilespmem:s21+$0xA300]  }
0x184: {  	v6 =	vadd.s32 v6, v8;
	v8 =	vld [tilespmem:s21+$0xB300]  }
0x185: {  	v6 =	vadd.s32 v9, v6;
	v9 =	vld [tilespmem:s21+$0xA400]  }
0x186: {  	v6 =	vadd.s32 v6, v10;
	v10 =	vld [tilespmem:s21+$0xB400]  }
0x187: {  	v6 =	vadd.s32 v11, v6;
	v11 =	vld [tilespmem:s21+$0xA500]  }
0x188: {  	v6 =	vadd.s32 v6, v7;
	v7 =	vld [tilespmem:s21+$0xB500]  }
0x189: {  	v6 =	vadd.s32 v8, v6;
	v8 =	vld [tilespmem:s21+$0xA600]  }
0x18a: {  	v6 =	vadd.s32 v6, v9;
	v9 =	vld [tilespmem:s21+$0xB600]  }
0x18b: {  	v6 =	vadd.s32 v10, v6;
	v10 =	vld [tilespmem:s21+$0xA700]  }
0x18c: {  	v6 =	vadd.s32 v6, v11;
	v11 =	vld [tilespmem:s21+$0xB700]  }
0x18d: {  	v6 =	vadd.s32 v7, v6;
	v7 =	vld [tilespmem:s21+$0xA800]  }
0x18e: {  	v6 =	vadd.s32 v6, v8;
	v8 =	vld [tilespmem:s21+$0xB800]  }
0x18f: {  	v6 =	vadd.s32 v9, v6;
	v9 =	vld [tilespmem:s21+$0xA900]  }
0x190: {  	v6 =	vadd.s32 v6, v10;
	v10 =	vld [tilespmem:s21+$0xB900]  }
0x191: {  	v6 =	vadd.s32 v11, v6;
	v11 =	vld [tilespmem:s21+$0xAA00]  }
0x192: {  	v6 =	vadd.s32 v6, v7;
	v7 =	vld [tilespmem:s21+$0xBA00]  }
0x193: {  	v6 =	vadd.s32 v8, v6;
	v8 =	vld [tilespmem:s21+$0xAB00]  }
0x194: {  	v6 =	vadd.s32 v6, v9;
	v9 =	vld [tilespmem:s21+$0xBB00]  }
0x195: {  	v6 =	vadd.s32 v10, v6;
	v10 =	vld [tilespmem:s21+$0xAC00]  }
0x196: {  	v6 =	vadd.s32 v6, v11;
	v11 =	vld [tilespmem:s21+$0xBC00]  }
0x197: {  	v12 =	vld [tilespmem:s21+$0xAD00];
	v6 =	vadd.s32 v7, v6  }
0x198: {  	v13 =	vld [tilespmem:s21+$0xBD00];
	p1 =	por $0x1, $0x1;
	v6 =	vadd.s32 v6, v8  }
.Ltmp9:
0x199: {  	v7 =	vld [tilespmem:s21+$0xAE00];
	v6 =	vadd.s32 v9, v6;
	(pc) =	sbr.rel @!p1 .LBB2_19-.Ltmp9, $4  }
0x19a: {  	v8 =	vld [tilespmem:s21+$0xBE00];
	v6 =	vadd.s32 v6, v10  }
0x19b: {  	v9 =	vld [tilespmem:s21+$0xAF00];
	v6 =	vadd.s32 v11, v6  }
0x19c: {  	s23 =	simm.s32 $0x10;
	v10 =	vld [tilespmem:s21+$0xBF00];
	v11 =	vadd.s32 v6, v12  }
0x19d: {  	s24 =	simm.s32 $0x80;
	p0 =	por $0x1, $0x1;
	s22 =	simm.s32 $0x0;
	v6 =	vld [tilespmem:s23+$0xA000];
	v11 =	vadd.s32 v13, v11  }
.LBB2_20:
0x19e: {  	p1 =	sne.s32 s24, $0x3C0;
	v12 =	vld [tilespmem:s23+$0xB000];
	v7 =	vadd.s32 v11, v7  }
0x19f: {  	v11 =	vld [tilespmem:s23+$0xA100];
	v7 =	vadd.s32 v8, v7  }
0x1a0: {  	v8 =	vld [tilespmem:s23+$0xB100];
	v7 =	vadd.s32 v7, v9  }
0x1a1: {  	v9 =	vld [tilespmem:s23+$0xA200];
	v7 =	vadd.s32 v10, v7  }
0x1a2: {  	v10 =	vld [tilespmem:s23+$0xB200];
	v13 =	vsub.s32 s22, v7;
	(xrf0) =	vadd.scan.msk.s32 $0xffff, v7  }
0x1a3: {  	v6 =	vadd.s32 v12, v6;
	v7 =	vld [tilespmem:s23+$0xA300]  }
0x1a4: {  	v6 =	vadd.s32 v6, v11;
	v11 =	vld [tilespmem:s23+$0xB300]  }
0x1a5: {  	v6 =	vadd.s32 v8, v6;
	v8 =	vld [tilespmem:s23+$0xA400]  }
0x1a6: {  	v6 =	vadd.s32 v6, v9;
	v9 =	vld [tilespmem:s23+$0xB400]  }
0x1a7: {  	v6 =	vadd.s32 v10, v6;
	v10 =	vld [tilespmem:s23+$0xA500]  }
0x1a8: {  	v6 =	vadd.s32 v6, v7;
	v7 =	vld [tilespmem:s23+$0xB500];
	v12, _, _ =	vpop (xrf0)  }
0x1a9: {  	v6 =	vadd.s32 v11, v6;
	v11 =	vld [tilespmem:s23+$0xA600];
	v13 =	vadd.s32 v12, v13;
	(v2sf) =	vpush v12, $0xF  }
0x1aa: {  	v6 =	vadd.s32 v6, v8;
	v8 =	vld [tilespmem:s23+$0xB600];
	[tilespmem:s21+$0xE000] =	vst v13;
	s21 =	smov.u32 s23  }
0x1ab: {  	v6 =	vadd.s32 v9, v6;
	v9 =	vld [tilespmem:s21+$0xA700]  }
0x1ac: {  	v6 =	vadd.s32 v6, v10;
	v10 =	vld [tilespmem:s21+$0xB700]  }
0x1ad: {  	v6 =	vadd.s32 v7, v6;
	v7 =	vld [tilespmem:s21+$0xA800]  }
0x1ae: {  	v6 =	vadd.s32 v6, v11;
	v11 =	vld [tilespmem:s21+$0xB800]  }
0x1af: {  	v6 =	vadd.s32 v8, v6;
	v8 =	vld [tilespmem:s21+$0xA900]  }
0x1b0: {  	v6 =	vadd.s32 v6, v9;
	v9 =	vld [tilespmem:s21+$0xB900]  }
0x1b1: {  	v6 =	vadd.s32 v10, v6;
	v10 =	vld [tilespmem:s21+$0xAA00]  }
0x1b2: {  	v6 =	vadd.s32 v6, v7;
	v7 =	vld [tilespmem:s21+$0xBA00]  }
0x1b3: {  	v6 =	vadd.s32 v11, v6;
	v11 =	vld [tilespmem:s21+$0xAB00]  }
0x1b4: {  	v6 =	vadd.s32 v6, v8;
	v8 =	vld [tilespmem:s21+$0xBB00]  }
0x1b5: {  	v6 =	vadd.s32 v9, v6;
	v9 =	vld [tilespmem:s21+$0xAC00]  }
0x1b6: {  	v6 =	vadd.s32 v6, v10;
	v10 =	vld [tilespmem:s21+$0xBC00]  }
0x1b7: {  	v6 =	vadd.s32 v7, v6;
	v12 =	vld [tilespmem:s21+$0xAD00]  }
0x1b8: {  	v6 =	vadd.s32 v6, v11;
	v11 =	vld [tilespmem:s21+$0xBD00];
	s23 =	spop (v2sf)  }
.Ltmp10:
0x1b9: {  	v6 =	vadd.s32 v8, v6;
	v7 =	vld [tilespmem:s21+$0xAE00];
	s22 =	sadd.s32 s22, s23;
	(pc) =	sbr.rel @p1 .LBB2_20-.Ltmp10, $4  }
0x1ba: {  	v6 =	vadd.s32 v6, v9;
	v8 =	vld [tilespmem:s21+$0xBE00]  }
0x1bb: {  	v6 =	vadd.s32 v10, v6;
	v9 =	vld [tilespmem:s21+$0xAF00]  }
0x1bc: {  	s23 =	sshra.s32 s24, $0x2;
	v12 =	vadd.s32 v6, v12;
	v10 =	vld [tilespmem:s21+$0xBF00]  }
0x1bd: {  	s24 =	sadd.s32 $0x40, s24;
	v6 =	vld [tilespmem:s23+$0xA000];
	v11 =	vadd.s32 v11, v12  }
.LBB2_21:
0x1be: {  	v12 =	vld [tilespmem:s23+$0xB000];
	v7 =	vadd.s32 @p0 v11, v7  }
0x1bf: {  	v40 =	vld [tilespmem:s23+$0xA100];
	v7 =	vadd.s32 @p0 v8, v7  }
0x1c0: {  	v41 =	vld [tilespmem:s23+$0xB100];
	v7 =	vadd.s32 @p0 v7, v9  }
0x1c1: {  	v42 =	vld [tilespmem:s23+$0xA200];
	v7 =	vadd.s32 @p0 v10, v7  }
0x1c2: {  	v43 =	vld [tilespmem:s23+$0xB200];
	(xrf0) =	vadd.scan.msk.s32 @p0 $0xffff, v7  }
0x1c3: {  	v13 =	vld [tilespmem:s23+$0xA300];
	v6 =	vadd.s32 v12, v6  }
0x1c4: {  	v44 =	vld [tilespmem:s23+$0xB300];
	v6 =	vadd.s32 v6, v40  }
0x1c5: {  	v45 =	vld [tilespmem:s23+$0xA400];
	v6 =	vadd.s32 v41, v6  }
0x1c6: {  	v46 =	vld [tilespmem:s23+$0xB400];
	v6 =	vadd.s32 v6, v42  }
0x1c7: {  	v47 =	vld [tilespmem:s23+$0xA500];
	v6 =	vadd.s32 v43, v6  }
0x1c8: {  	v48 =	vld [tilespmem:s23+$0xB500];
	v7 =	vsub.s32 @p0 s22, v7;
	v6 =	vadd.s32 v6, v13;
	v13, _, _ =	vpop @p0 (xrf0)  }
0x1c9: {  	v14 =	vld [tilespmem:s23+$0xA600];
	v6 =	vadd.s32 v44, v6;
	v7 =	vadd.s32 @p0 v13, v7  }
0x1ca: {  	v49 =	vld [tilespmem:s23+$0xB600];
	v6 =	vadd.s32 v6, v45;
	[tilespmem:s21+$0xE000] =	vst @p0 v7  }
0x1cb: {  	v6 =	vadd.s32 v46, v6;
	v7 =	vld [tilespmem:s23+$0xA700]  }
0x1cc: {  	v50 =	vld [tilespmem:s23+$0xB700];
	v6 =	vadd.s32 v6, v47  }
0x1cd: {  	v51 =	vld [tilespmem:s23+$0xA800];
	v6 =	vadd.s32 v48, v6  }
0x1ce: {  	v52 =	vld [tilespmem:s23+$0xB800];
	v6 =	vadd.s32 v6, v14  }
0x1cf: {  	v53 =	vld [tilespmem:s23+$0xA900];
	v6 =	vadd.s32 v49, v6  }
0x1d0: {  	v6 =	vadd.s32 v6, v7;
	v7 =	vld [tilespmem:s23+$0xB900]  }
0x1d1: {  	v54 =	vld [tilespmem:s23+$0xAA00];
	v6 =	vadd.s32 v50, v6  }
0x1d2: {  	v55 =	vld [tilespmem:s23+$0xBA00];
	v6 =	vadd.s32 v6, v51  }
0x1d3: {  	v56 =	vld [tilespmem:s23+$0xAB00];
	v6 =	vadd.s32 v52, v6  }
0x1d4: {  	v57 =	vld [tilespmem:s23+$0xBB00];
	v6 =	vadd.s32 v6, v53  }
0x1d5: {  	v6 =	vadd.s32 v7, v6;
	v7 =	vld [tilespmem:s23+$0xAC00]  }
0x1d6: {  	v58 =	vld [tilespmem:s23+$0xBC00];
	v6 =	vadd.s32 v6, v54  }
0x1d7: {  	v59 =	vld [tilespmem:s23+$0xAD00];
	v6 =	vadd.s32 v55, v6  }
0x1d8: {  	v60 =	vld [tilespmem:s23+$0xBD00];
	v6 =	vadd.s32 v6, v56  }
0x1d9: {  	v61 =	vld [tilespmem:s23+$0xAE00];
	v6 =	vadd.s32 v57, v6  }
0x1da: {  	v6 =	vadd.s32 v6, v7;
	v7 =	vld [tilespmem:s23+$0xBE00]  }
0x1db: {  	v62 =	vld [tilespmem:s23+$0xAF00];
	v6 =	vadd.s32 v58, v6  }
0x1dc: {  	v63 =	vld [tilespmem:s23+$0xBF00];
	v6 =	vadd.s32 v6, v59  }
0x1dd: {  	v6 =	vadd.s32 v60, v6  }
0x1de: {  	v6 =	vadd.s32 v6, v61  }
0x1df: {  	v6 =	vadd.s32 v7, v6  }
0x1e0: {  	v6 =	vadd.s32 v6, v62  }
0x1e1: {  	v6 =	vadd.s32 v63, v6  }
0x1e2: {  	(xrf0) =	vadd.scan.msk.s32 $0xffff, v6;
	_ =	sdelay $0x1  }
0x1e3: {  	(v2sf) =	vpush @p0 v13, $0xF;
	_ =	sdelay $0x3  }
0x1e4: {  	v7, _, _ =	vpop (xrf0)  }
0x1e5: {  	(v2sf) =	vpush v7, $0xF;
	_ =	sdelay $0x9  }
0x1e6: {  	s21 =	spop @p0 (v2sf)  }
0x1e7: {  	s21 =	sadd.s32 @p0 s22, s21;
	s22 =	simm.s32 $0x0  }
0x1e8: {  	s22 =	smov.u32 @p0 s21  }
0x1e9: {  	v6 =	vsub.s32 s22, v6  }
0x1ea: {  	s24 =	simm.s32 $0xD000;
	s25 =	simm.s32 $0xB000;
	v6 =	vadd.s32 v7, v6  }
0x1eb: {  	s21 =	simm.s32 $0xC000;
	[tilespmem:s23+$0xE000] =	vst v6;
	s23 =	simm.s32 $0xA000;
	s31 =	spop (v2sf)  }
.LBB2_22:
0x1ec: {  	s22 =	sshll.u32 s20, $0x4  }
0x1ed: {  	v8 =	vmov s21;
	v10 =	vld [tilespmem:s22+$0xE000]  }
0x1ee: {  	v7 =	vmov s23;
	_ =	sdelay $0x2  }
0x1ef: {  	s28 =	simm.s32 $0x0  }
0x1f0: {  	[tilespmem:v8+s28+$0x0 ss:$0x1] =	vst.idx.msk $0xffff, v10  }
0x1f1: {  	v11 =	vld.idx.msk [tilespmem:v7+s28+$0x0 ss:$0x1], $0xffff  }
0x1f2: {  	v9 =	vmov s24  }
0x1f3: {  	v6 =	vmov s25;
	_ =	sdelay $0x2  }
0x1f4: {  	[tilespmem:v7+s28+$0x0 ss:$0x1] =	vst.idx.msk $0xffff, v0;
	v10 =	vadd.s32 v10, v11  }
0x1f5: {  	[tilespmem:v9+s28+$0x0 ss:$0x1] =	vst.idx.msk $0xffff, v10  }
0x1f6: {  	v11 =	vld.idx.msk [tilespmem:v6+s28+$0x0 ss:$0x1], $0xffff  }
0x1f7: {  	s26 =	simm.s32 $0x800;
	s22 =	simm.s32 $0x400;
	[tilespmem:v6+s28+$0x0 ss:$0x1] =	vst.idx.msk $0xffff, v0  }
.LBB2_23:
0x1f8: {  	_ =	sdelay $0x1  }
0x1f9: {  	p0 =	sne.s32 s26, $0x3C00  }
0x1fa: {  	s28 =	sshra.s32 s22, $0x2;
	s22 =	smov.u32 s26;
	s26 =	sadd.s32 $0x400, s26;
	v10 =	vadd.s32 v10, v11  }
0x1fb: {  	[tilespmem:v8+s28+$0x0 ss:$0x1] =	vst.idx.msk $0xffff, v10  }
0x1fc: {  	v11 =	vld.idx.msk [tilespmem:v7+s28+$0x0 ss:$0x1], $0xffff  }
0x1fd: {  	[tilespmem:v7+s28+$0x0 ss:$0x1] =	vst.idx.msk $0xffff, v0;
	_ =	sdelay $0x3  }
.Ltmp11:
0x1fe: {  	(pc) =	sbr.rel @p0 .LBB2_23-.Ltmp11, $4  }
0x1ff: {  	v10 =	vadd.s32 v10, v11  }
0x200: {  	[tilespmem:v9+s28+$0x0 ss:$0x1] =	vst.idx.msk $0xffff, v10  }
0x201: {  	v11 =	vld.idx.msk [tilespmem:v6+s28+$0x0 ss:$0x1], $0xffff  }
0x202: {  	[tilespmem:v6+s28+$0x0 ss:$0x1] =	vst.idx.msk $0xffff, v0  }
0x203: {  	_ =	sdelay $0x2  }
0x204: {  	s22 =	sshra.s32 s22, $0x2;
	v10 =	vadd.s32 v10, v11  }
0x205: {  	[tilespmem:v8+s22+$0x0 ss:$0x1] =	vst.idx.msk $0xffff, v10  }
0x206: {  	v8 =	vld.idx.msk [tilespmem:v7+s22+$0x0 ss:$0x1], $0xffff  }
0x207: {  	s20 =	sadd.s32 $0x1, s20  }
0x208: {  	p0 =	sne.s32 s20, $0x10  }
.Ltmp12:
0x209: {  	_ = 	snop;
	(pc) =	sbr.rel @p0 .LBB2_22-.Ltmp12, $4  }
0x20a: {  	_ = 	snop  }
0x20b: {  	[tilespmem:v7+s22+$0x0 ss:$0x1] =	vst.idx.msk $0xffff, v0;
	v7 =	vadd.s32 v10, v8  }
0x20c: {  	s21 =	sadd.s32 $0x10, s21;
	s23 =	sadd.s32 $0x10, s23;
	[tilespmem:v9+s22+$0x0 ss:$0x1] =	vst.idx.msk $0xffff, v7  }
0x20d: {  	s24 =	sadd.s32 $0x10, s24;
	s25 =	sadd.s32 $0x10, s25;
	[tilespmem:v6+s22+$0x0 ss:$0x1] =	vst.idx.msk $0xffff, v0;
	s22 =	simm.s32 $0x0  }
0x20e: {  	s20 =	simm.s32 $0x0  }
.LBB2_26:
0x20f: {  	v6 =	vor.u32 s20, v1;
	_ =	sdelay $0x4  }
0x210: {  	v7 =	vld.idx.msk [tilespmem:v6+s15+$0x0], $0xffff;
	_ =	sdelay $0x4  }
0x211: {  	v8 =	vshrl.u32 v7, $0x8  }
0x212: {  	v8 =	vand.u32 $0xFF, v8  }
0x213: {  	v8 =	vor.u32 v2, v8;
	_ =	sdelay $0x4  }
0x214: {  	v9 =	vld.idx.msk [tilespmem:v8+s14+$0x0], $0xffff;
	_ =	sdelay $0x3  }
0x215: {  	s21 =	sadd.s32 $0x100, s20;
	v6 =	vld.idx.msk [tilespmem:v6+s16+$0x0], $0xffff  }
0x216: {  	v10 =	vor.u32 s21, v1  }
0x217: {  	v11 =	vadd.s32 $0x1, v9  }
0x218: {  	[tilespmem:v8+s14+$0x0] =	vst.idx.msk $0xffff, v11  }
0x219: {  	[tilespmem:v9+s10+$0x0] =	vst.idx.msk $0xffff, v7  }
0x21a: {  	[tilespmem:v9+s18+$0x0] =	vst.idx.msk $0xffff, v6  }
0x21b: {  	v6 =	vld.idx.msk [tilespmem:v10+s15+$0x0], $0xffff;
	_ =	sdelay $0x4  }
0x21c: {  	v7 =	vshrl.u32 v6, $0x8  }
0x21d: {  	v7 =	vand.u32 $0xFF, v7  }
0x21e: {  	v7 =	vor.u32 v2, v7;
	_ =	sdelay $0x4  }
0x21f: {  	v8 =	vld.idx.msk [tilespmem:v7+s17+$0x0], $0xffff;
	_ =	sdelay $0x3  }
0x220: {  	s30 =	sadd.s32 $0x1, s20;
	v9 =	vld.idx.msk [tilespmem:v10+s16+$0x0], $0xffff  }
0x221: {  	v59 =	vor.u32 s30, v1  }
0x222: {  	v60 =	vadd.s32 $0x1, v8  }
0x223: {  	[tilespmem:v7+s17+$0x0] =	vst.idx.msk $0xffff, v60  }
0x224: {  	[tilespmem:v8+s10+$0x0] =	vst.idx.msk $0xffff, v6  }
0x225: {  	[tilespmem:v8+s18+$0x0] =	vst.idx.msk $0xffff, v9  }
0x226: {  	v6 =	vld.idx.msk [tilespmem:v59+s15+$0x0], $0xffff;
	_ =	sdelay $0x4  }
0x227: {  	v7 =	vshrl.u32 v6, $0x8  }
0x228: {  	v7 =	vand.u32 $0xFF, v7  }
0x229: {  	v7 =	vor.u32 v2, v7;
	_ =	sdelay $0x4  }
0x22a: {  	v8 =	vld.idx.msk [tilespmem:v7+s14+$0x0], $0xffff;
	_ =	sdelay $0x3  }
0x22b: {  	s31 =	sadd.s32 $0x101, s20;
	v9 =	vld.idx.msk [tilespmem:v59+s16+$0x0], $0xffff  }
0x22c: {  	v61 =	vor.u32 s31, v1  }
0x22d: {  	v62 =	vadd.s32 $0x1, v8  }
0x22e: {  	[tilespmem:v7+s14+$0x0] =	vst.idx.msk $0xffff, v62  }
0x22f: {  	[tilespmem:v8+s10+$0x0] =	vst.idx.msk $0xffff, v6  }
0x230: {  	[tilespmem:v8+s18+$0x0] =	vst.idx.msk $0xffff, v9  }
0x231: {  	v6 =	vld.idx.msk [tilespmem:v61+s15+$0x0], $0xffff;
	_ =	sdelay $0x4  }
0x232: {  	v7 =	vshrl.u32 v6, $0x8  }
0x233: {  	v7 =	vand.u32 $0xFF, v7  }
0x234: {  	v7 =	vor.u32 v2, v7;
	_ =	sdelay $0x4  }
0x235: {  	v8 =	vld.idx.msk [tilespmem:v7+s17+$0x0], $0xffff;
	_ =	sdelay $0x3  }
0x236: {  	p0 =	slt.u32 s20, $0xFE;
	v9 =	vld.idx.msk [tilespmem:v61+s16+$0x0], $0xffff  }
.Ltmp13:
0x237: {  	_ = 	snop;
	(pc) =	sbr.rel @p0 .LBB2_26-.Ltmp13, $4  }
0x238: {  	v63 =	vadd.s32 $0x1, v8  }
0x239: {  	[tilespmem:v7+s17+$0x0] =	vst.idx.msk $0xffff, v63  }
0x23a: {  	[tilespmem:v8+s10+$0x0] =	vst.idx.msk $0xffff, v6  }
0x23b: {  	s20 =	sadd.s32 $0x2, s20;
	[tilespmem:v8+s18+$0x0] =	vst.idx.msk $0xffff, v9  }
0x23c: {  	s20 =	simm.s32 $0x2  }
0x23d: {  	s24 =	simm.s32 $0x3;
	v6 =	vor.u32 s20, v1  }
0x23e: {  	v7 =	vor.u32 s24, v1;
	_ =	sdelay $0x3  }
0x23f: {  	s25 =	simm.s32 $0x1;
	v6 =	vld.idx.msk [tilespmem:v6+s10+$0x0], $0xffff  }
0x240: {  	v8 =	vor.u32 s25, v1;
	v7 =	vld.idx.msk [tilespmem:v7+s10+$0x0], $0xffff  }
0x241: {  	v9 =	vor.u32 s22, v1;
	s26 =	simm.s32 $0x6  }
0x242: {  	v10 =	vor.u32 s26, v1  }
0x243: {  	s28 =	simm.s32 $0x7  }
0x244: {  	s21 =	simm.s32 $0x4;
	v11 =	vor.u32 s28, v1;
	v6 =	vshrl.u32 v6, $0x10  }
0x245: {  	v15 =	vor.u32 s21, v1;
	v8 =	vld.idx.msk [tilespmem:v8+s10+$0x0], $0xffff;
	v7 =	vshrl.u32 v7, $0x10;
	v6 =	vand.u32 $0xFF, v6  }
0x246: {  	v9 =	vld.idx.msk [tilespmem:v9+s10+$0x0], $0xffff;
	v7 =	vand.u32 $0xFF, v7;
	v6 =	vor.u32 v2, v6  }
0x247: {  	s26 =	simm.s32 $0xB;
	v10 =	vld.idx.msk [tilespmem:v10+s10+$0x0], $0xffff;
	v7 =	vor.u32 v2, v7  }
0x248: {  	s29 =	simm.s32 $0x5;
	v16 =	vor.u32 s26, v1  }
0x249: {  	s30 =	simm.s32 $0x102;
	v12 =	vor.u32 s29, v1;
	v11 =	vld.idx.msk [tilespmem:v11+s10+$0x0], $0xffff  }
0x24a: {  	s31 =	simm.s32 $0x103;
	v13 =	vor.u32 s30, v1;
	v15 =	vld.idx.msk [tilespmem:v15+s10+$0x0], $0xffff;
	v8 =	vshrl.u32 v8, $0x10  }
0x24b: {  	v14 =	vor.u32 s31, v1;
	v9 =	vshrl.u32 v9, $0x10;
	[tilespmem:v6+s12+$0x0] =	vst.idx.add.s32.msk $0xffff, v3;
	v6 =	vand.u32 $0xFF, v8  }
0x24c: {  	v10 =	vshrl.u32 v10, $0x10;
	[tilespmem:v7+s12+$0x0] =	vst.idx.add.s32.msk $0xffff, v3;
	v7 =	vand.u32 $0xFF, v9;
	v6 =	vor.u32 v2, v6  }
0x24d: {  	v16 =	vld.idx.msk [tilespmem:v16+s10+$0x0], $0xffff;
	v10 =	vand.u32 $0xFF, v10;
	v7 =	vor.u32 v2, v7  }
0x24e: {  	s22 =	simm.s32 $0x100;
	v10 =	vor.u32 v2, v10;
	v8 =	vld.idx.msk [tilespmem:v12+s10+$0x0], $0xffff  }
0x24f: {  	s23 =	simm.s32 $0x101;
	v11 =	vshrl.u32 v11, $0x10;
	v12 =	vor.u32 s22, v1;
	v9 =	vld.idx.msk [tilespmem:v13+s10+$0x0], $0xffff  }
0x250: {  	v11 =	vand.u32 $0xFF, v11;
	v13 =	vld.idx.msk [tilespmem:v14+s10+$0x0], $0xffff;
	v14 =	vor.u32 s23, v1  }
0x251: {  	s24 =	simm.s32 $0xA;
	[tilespmem:v6+s12+$0x0] =	vst.idx.add.s32.msk $0xffff, v3;
	v6 =	vor.u32 v2, v11  }
0x252: {  	s25 =	simm.s32 $0x9;
	[tilespmem:v7+s12+$0x0] =	vst.idx.add.s32.msk $0xffff, v3;
	v7 =	vor.u32 s24, v1  }
0x253: {  	[tilespmem:v10+s12+$0x0] =	vst.idx.add.s32.msk $0xffff, v3;
	v11 =	vor.u32 s25, v1  }
0x254: {  	s28 =	simm.s32 $0x106;
	v9 =	vshrl.u32 v9, $0x10;
	v12 =	vld.idx.msk [tilespmem:v12+s10+$0x0], $0xffff  }
0x255: {  	v10 =	vor.u32 s28, v1;
	v14 =	vld.idx.msk [tilespmem:v14+s10+$0x0], $0xffff;
	v9 =	vand.u32 $0xFF, v9  }
0x256: {  	s29 =	simm.s32 $0x107;
	v13 =	vshrl.u32 v13, $0x10;
	v9 =	vor.u32 v2, v9;
	[tilespmem:v6+s12+$0x0] =	vst.idx.add.s32.msk $0xffff, v3  }
0x257: {  	v17 =	vld.idx.msk [tilespmem:v7+s10+$0x0], $0xffff;
	v7 =	vor.u32 s29, v1;
	v6 =	vand.u32 $0xFF, v13  }
0x258: {  	s20 =	simm.s32 $0x8;
	v8 =	vshrl.u32 v8, $0x10;
	v18 =	vld.idx.msk [tilespmem:v11+s10+$0x0], $0xffff;
	v11 =	vor.u32 v2, v6  }
0x259: {  	v19 =	vor.u32 s20, v1;
	v6 =	vand.u32 $0xFF, v8  }
0x25a: {  	v8 =	vshrl.u32 v15, $0x10;
	v20 =	vor.u32 v2, v6;
	v6 =	vld.idx.msk [tilespmem:v10+s10+$0x0], $0xffff  }
0x25b: {  	v10 =	vshrl.u32 v12, $0x10;
	v12 =	vshrl.u32 v14, $0x10;
	[tilespmem:v9+s13+$0x0] =	vst.idx.add.s32.msk $0xffff, v3;
	v8 =	vand.u32 $0xFF, v8  }
0x25c: {  	v12 =	vand.u32 $0xFF, v12;
	v13 =	vor.u32 v2, v8;
	v9 =	vld.idx.msk [tilespmem:v7+s10+$0x0], $0xffff  }
0x25d: {  	s30 =	simm.s32 $0x104;
	v16 =	vshrl.u32 v16, $0x10;
	v10 =	vand.u32 $0xFF, v10;
	v8 =	vor.u32 v2, v12;
	[tilespmem:v11+s13+$0x0] =	vst.idx.add.s32.msk $0xffff, v3  }
0x25e: {  	s31 =	simm.s32 $0x105;
	v12 =	vor.u32 s30, v1;
	v7 =	vor.u32 v2, v10;
	v14 =	vshrl.u32 v17, $0x10;
	v11 =	vld.idx.msk [tilespmem:v19+s10+$0x0], $0xffff  }
0x25f: {  	s21 =	simm.s32 $0xC;
	v10 =	vshrl.u32 v18, $0x10;
	v15 =	vand.u32 $0xFF, v14;
	v14 =	vor.u32 s31, v1;
	[tilespmem:v20+s12+$0x0] =	vst.idx.add.s32.msk $0xffff, v3  }
.LBB2_28:
0x260: {  	s22 =	sadd.s32 $0x1, s21  }
0x261: {  	v17 =	vor.u32 s21, v1;
	p0 =	slt.u32 s21, $0xFC;
	v15 =	vor.u32 v2, v15;
	v16 =	vand.u32 $0xFF, v16;
	[tilespmem:v13+s12+$0x0] =	vst.idx.add.s32.msk $0xffff, v3;
	s23 =	smov.u32 s21;
	s21 =	sadd.s32 $0x4, s21  }
0x262: {  	v13 =	vor.u32 s22, v1;
	s22 =	sadd.s32 $0x2, s23;
	v16 =	vor.u32 v2, v16;
	[tilespmem:v8+s13+$0x0] =	vst.idx.add.s32.msk $0xffff, v3  }
0x263: {  	v9 =	vshrl.u32 v9, $0x10;
	v8 =	vor.u32 s22, v1;
	s22 =	sadd.s32 $0x3, s23;
	v12 =	vld.idx.msk [tilespmem:v12+s10+$0x0], $0xffff  }
0x264: {  	v18 =	vor.u32 s22, v1;
	[tilespmem:v7+s13+$0x0] =	vst.idx.add.s32.msk $0xffff, v3  }
0x265: {  	v6 =	vshrl.u32 v6, $0x10;
	s22 =	sadd.s32 $0x102, s20;
	v7 =	vld.idx.msk [tilespmem:v14+s10+$0x0], $0xffff  }
0x266: {  	v6 =	vand.u32 $0xFF, v6;
	v11 =	vshrl.u32 v11, $0x10;
	v14 =	vor.u32 s22, v1;
	[tilespmem:v15+s12+$0x0] =	vst.idx.add.s32.msk $0xffff, v3  }
0x267: {  	s22 =	sadd.s32 $0x103, s20;
	v15 =	vor.u32 v2, v6;
	[tilespmem:v16+s12+$0x0] =	vst.idx.add.s32.msk $0xffff, v3  }
0x268: {  	v6 =	vand.u32 $0xFF, v9;
	v16 =	vld.idx.msk [tilespmem:v8+s10+$0x0], $0xffff;
	v8 =	vor.u32 s22, v1  }
0x269: {  	v20 =	vor.u32 v2, v6;
	v9 =	vshrl.u32 v12, $0x10;
	v19 =	vld.idx.msk [tilespmem:v13+s10+$0x0], $0xffff  }
0x26a: {  	v6 =	vand.u32 $0xFF, v10;
	v10 =	vand.u32 $0xFF, v9;
	v18 =	vld.idx.msk [tilespmem:v18+s10+$0x0], $0xffff  }
0x26b: {  	v21 =	vor.u32 v2, v6;
	v9 =	vand.u32 $0xFF, v11;
	v7 =	vshrl.u32 v7, $0x10;
	v6 =	vld.idx.msk [tilespmem:v14+s10+$0x0], $0xffff  }
.Ltmp14:
0x26c: {  	v13 =	vor.u32 v2, v9;
	v7 =	vand.u32 $0xFF, v7;
	[tilespmem:v15+s13+$0x0] =	vst.idx.add.s32.msk $0xffff, v3;
	(pc) =	sbr.rel @p0 .LBB2_28-.Ltmp14, $4  }
0x26d: {  	s22 =	sadd.s32 $0x100, s20;
	v9 =	vld.idx.msk [tilespmem:v8+s10+$0x0], $0xffff;
	v8 =	vor.u32 v2, v7  }
0x26e: {  	v12 =	vor.u32 s22, v1;
	v7 =	vor.u32 v2, v10;
	[tilespmem:v20+s13+$0x0] =	vst.idx.add.s32.msk $0xffff, v3  }
0x26f: {  	s22 =	sadd.s32 $0x101, s20;
	s20 =	smov.u32 s23;
	v14 =	vshrl.u32 v16, $0x10;
	v10 =	vshrl.u32 v19, $0x10;
	v11 =	vld.idx.msk [tilespmem:v17+s10+$0x0], $0xffff  }
0x270: {  	v15 =	vand.u32 $0xFF, v14;
	v14 =	vor.u32 s22, v1;
	v16 =	vshrl.u32 v18, $0x10;
	[tilespmem:v21+s12+$0x0] =	vst.idx.add.s32.msk $0xffff, v3  }
0x271: {  	_ =	sdelay $0x1  }
0x272: {  	v15 =	vor.u32 v2, v15;
	v16 =	vand.u32 $0xFF, v16  }
0x273: {  	v10 =	vand.u32 $0xFF, v10;
	v16 =	vor.u32 v2, v16  }
0x274: {  	[tilespmem:v13+s12+$0x0] =	vst.idx.add.s32.msk $0xffff, v3;
	s21 =	sadd.s32 $0x102, s20;
	v10 =	vor.u32 v2, v10  }
0x275: {  	s29 =	sadd.s32 $0x103, s20;
	v14 =	vld.idx.msk [tilespmem:v14+s10+$0x0], $0xffff;
	v56 =	vor.u32 s21, v1  }
0x276: {  	s30 =	sadd.s32 $0x101, s20;
	v12 =	vld.idx.msk [tilespmem:v12+s10+$0x0], $0xffff;
	v57 =	vor.u32 s29, v1;
	v11 =	vshrl.u32 v11, $0x10  }
0x277: {  	v58 =	vor.u32 s30, v1;
	v11 =	vand.u32 $0xFF, v11;
	[tilespmem:v15+s12+$0x0] =	vst.idx.add.s32.msk $0xffff, v3  }
0x278: {  	s31 =	sadd.s32 $0x100, s20;
	v11 =	vor.u32 v2, v11;
	[tilespmem:v16+s12+$0x0] =	vst.idx.add.s32.msk $0xffff, v3  }
0x279: {  	v59 =	vor.u32 s31, v1;
	[tilespmem:v10+s12+$0x0] =	vst.idx.add.s32.msk $0xffff, v3  }
0x27a: {  	v13 =	vld.idx.msk [tilespmem:v56+s10+$0x0], $0xffff  }
0x27b: {  	v15 =	vld.idx.msk [tilespmem:v57+s10+$0x0], $0xffff  }
0x27c: {  	v6 =	vshrl.u32 v6, $0x10;
	v60 =	vld.idx.msk [tilespmem:v58+s10+$0x0], $0xffff  }
0x27d: {  	v9 =	vshrl.u32 v9, $0x10;
	v6 =	vand.u32 $0xFF, v6;
	[tilespmem:v11+s12+$0x0] =	vst.idx.add.s32.msk $0xffff, v3  }
0x27e: {  	v6 =	vor.u32 v2, v6;
	v9 =	vand.u32 $0xFF, v9;
	v14 =	vshrl.u32 v14, $0x10;
	v10 =	vld.idx.msk [tilespmem:v59+s10+$0x0], $0xffff  }
0x27f: {  	v9 =	vor.u32 v2, v9;
	v12 =	vshrl.u32 v12, $0x10;
	v14 =	vand.u32 $0xFF, v14  }
0x280: {  	v12 =	vand.u32 $0xFF, v12;
	v14 =	vor.u32 v2, v14;
	v13 =	vshrl.u32 v13, $0x10  }
0x281: {  	[tilespmem:v8+s13+$0x0] =	vst.idx.add.s32.msk $0xffff, v3;
	v8 =	vor.u32 v2, v12;
	v61 =	vshrl.u32 v15, $0x10;
	v13 =	vand.u32 $0xFF, v13  }
0x282: {  	[tilespmem:v7+s13+$0x0] =	vst.idx.add.s32.msk $0xffff, v3;
	v11 =	vshrl.u32 v60, $0x10;
	v7 =	vor.u32 v2, v13;
	v12 =	vand.u32 $0xFF, v61  }
0x283: {  	[tilespmem:v6+s13+$0x0] =	vst.idx.add.s32.msk $0xffff, v3;
	v11 =	vand.u32 $0xFF, v11;
	v62 =	vor.u32 v2, v12;
	v6 =	vshrl.u32 v10, $0x10  }
0x284: {  	[tilespmem:v9+s13+$0x0] =	vst.idx.add.s32.msk $0xffff, v3;
	v63 =	vor.u32 v2, v11;
	v6 =	vand.u32 $0xFF, v6  }
0x285: {  	[tilespmem:v14+s13+$0x0] =	vst.idx.add.s32.msk $0xffff, v3;
	v6 =	vor.u32 v2, v6  }
0x286: {  	p1 =	por $0x1, $0x1;
	[tilespmem:v8+s13+$0x0] =	vst.idx.add.s32.msk $0xffff, v3  }
.Ltmp15:
0x287: {  	[tilespmem:v7+s13+$0x0] =	vst.idx.add.s32.msk $0xffff, v3;
	(pc) =	sbr.rel @!p1 .LBB2_30-.Ltmp15, $4  }
0x288: {  	[tilespmem:v62+s13+$0x0] =	vst.idx.add.s32.msk $0xffff, v3  }
0x289: {  	[tilespmem:v63+s13+$0x0] =	vst.idx.add.s32.msk $0xffff, v3  }
0x28a: {  	s21 =	simm.s32 $0x0;
	[tilespmem:v6+s13+$0x0] =	vst.idx.add.s32.msk $0xffff, v3  }
0x28b: {  	s20 =	simm.s32 $0x0;
	p0 =	por $0x0, $0x0;
	v6 =	vld [tilespmem:s21+$0xA000]  }
0x28c: {  	v7 =	vld [tilespmem:s21+$0xB000]  }
0x28d: {  	v8 =	vld [tilespmem:s21+$0xA100]  }
0x28e: {  	v9 =	vld [tilespmem:s21+$0xB100]  }
0x28f: {  	v10 =	vld [tilespmem:s21+$0xA200]  }
0x290: {  	v11 =	vld [tilespmem:s21+$0xB200]  }
0x291: {  	v6 =	vadd.s32 v7, v6;
	v7 =	vld [tilespmem:s21+$0xA300]  }
0x292: {  	v6 =	vadd.s32 v6, v8;
	v8 =	vld [tilespmem:s21+$0xB300]  }
0x293: {  	v6 =	vadd.s32 v9, v6;
	v9 =	vld [tilespmem:s21+$0xA400]  }
0x294: {  	v6 =	vadd.s32 v6, v10;
	v10 =	vld [tilespmem:s21+$0xB400]  }
0x295: {  	v6 =	vadd.s32 v11, v6;
	v11 =	vld [tilespmem:s21+$0xA500]  }
0x296: {  	v6 =	vadd.s32 v6, v7;
	v7 =	vld [tilespmem:s21+$0xB500]  }
0x297: {  	v6 =	vadd.s32 v8, v6;
	v8 =	vld [tilespmem:s21+$0xA600]  }
0x298: {  	v6 =	vadd.s32 v6, v9;
	v9 =	vld [tilespmem:s21+$0xB600]  }
0x299: {  	v6 =	vadd.s32 v10, v6;
	v10 =	vld [tilespmem:s21+$0xA700]  }
0x29a: {  	v6 =	vadd.s32 v6, v11;
	v11 =	vld [tilespmem:s21+$0xB700]  }
0x29b: {  	v6 =	vadd.s32 v7, v6;
	v7 =	vld [tilespmem:s21+$0xA800]  }
0x29c: {  	v6 =	vadd.s32 v6, v8;
	v8 =	vld [tilespmem:s21+$0xB800]  }
0x29d: {  	v6 =	vadd.s32 v9, v6;
	v9 =	vld [tilespmem:s21+$0xA900]  }
0x29e: {  	v6 =	vadd.s32 v6, v10;
	v10 =	vld [tilespmem:s21+$0xB900]  }
0x29f: {  	v6 =	vadd.s32 v11, v6;
	v11 =	vld [tilespmem:s21+$0xAA00]  }
0x2a0: {  	v6 =	vadd.s32 v6, v7;
	v7 =	vld [tilespmem:s21+$0xBA00]  }
0x2a1: {  	v6 =	vadd.s32 v8, v6;
	v8 =	vld [tilespmem:s21+$0xAB00]  }
0x2a2: {  	v6 =	vadd.s32 v6, v9;
	v9 =	vld [tilespmem:s21+$0xBB00]  }
0x2a3: {  	v6 =	vadd.s32 v10, v6;
	v10 =	vld [tilespmem:s21+$0xAC00]  }
0x2a4: {  	v6 =	vadd.s32 v6, v11;
	v11 =	vld [tilespmem:s21+$0xBC00]  }
0x2a5: {  	v12 =	vld [tilespmem:s21+$0xAD00];
	v6 =	vadd.s32 v7, v6  }
0x2a6: {  	v13 =	vld [tilespmem:s21+$0xBD00];
	p1 =	por $0x1, $0x1;
	v6 =	vadd.s32 v6, v8  }
.Ltmp16:
0x2a7: {  	v7 =	vld [tilespmem:s21+$0xAE00];
	v6 =	vadd.s32 v9, v6;
	(pc) =	sbr.rel @!p1 .LBB2_32-.Ltmp16, $4  }
0x2a8: {  	v8 =	vld [tilespmem:s21+$0xBE00];
	v6 =	vadd.s32 v6, v10  }
0x2a9: {  	v9 =	vld [tilespmem:s21+$0xAF00];
	v6 =	vadd.s32 v11, v6  }
0x2aa: {  	s23 =	simm.s32 $0x10;
	v10 =	vld [tilespmem:s21+$0xBF00];
	v11 =	vadd.s32 v6, v12  }
0x2ab: {  	s24 =	simm.s32 $0x80;
	p0 =	por $0x1, $0x1;
	s22 =	simm.s32 $0x0;
	v6 =	vld [tilespmem:s23+$0xA000];
	v11 =	vadd.s32 v13, v11  }
.LBB2_33:
0x2ac: {  	p1 =	sne.s32 s24, $0x3C0;
	v12 =	vld [tilespmem:s23+$0xB000];
	v7 =	vadd.s32 v11, v7  }
0x2ad: {  	v11 =	vld [tilespmem:s23+$0xA100];
	v7 =	vadd.s32 v8, v7  }
0x2ae: {  	v8 =	vld [tilespmem:s23+$0xB100];
	v7 =	vadd.s32 v7, v9  }
0x2af: {  	v9 =	vld [tilespmem:s23+$0xA200];
	v7 =	vadd.s32 v10, v7  }
0x2b0: {  	v10 =	vld [tilespmem:s23+$0xB200];
	v13 =	vsub.s32 s22, v7;
	(xrf0) =	vadd.scan.msk.s32 $0xffff, v7  }
0x2b1: {  	v6 =	vadd.s32 v12, v6;
	v7 =	vld [tilespmem:s23+$0xA300]  }
0x2b2: {  	v6 =	vadd.s32 v6, v11;
	v11 =	vld [tilespmem:s23+$0xB300]  }
0x2b3: {  	v6 =	vadd.s32 v8, v6;
	v8 =	vld [tilespmem:s23+$0xA400]  }
0x2b4: {  	v6 =	vadd.s32 v6, v9;
	v9 =	vld [tilespmem:s23+$0xB400]  }
0x2b5: {  	v6 =	vadd.s32 v10, v6;
	v10 =	vld [tilespmem:s23+$0xA500]  }
0x2b6: {  	v6 =	vadd.s32 v6, v7;
	v7 =	vld [tilespmem:s23+$0xB500];
	v12, _, _ =	vpop (xrf0)  }
0x2b7: {  	v6 =	vadd.s32 v11, v6;
	v11 =	vld [tilespmem:s23+$0xA600];
	v13 =	vadd.s32 v12, v13;
	(v2sf) =	vpush v12, $0xF  }
0x2b8: {  	v6 =	vadd.s32 v6, v8;
	v8 =	vld [tilespmem:s23+$0xB600];
	[tilespmem:s21+$0xE000] =	vst v13;
	s21 =	smov.u32 s23  }
0x2b9: {  	v6 =	vadd.s32 v9, v6;
	v9 =	vld [tilespmem:s21+$0xA700]  }
0x2ba: {  	v6 =	vadd.s32 v6, v10;
	v10 =	vld [tilespmem:s21+$0xB700]  }
0x2bb: {  	v6 =	vadd.s32 v7, v6;
	v7 =	vld [tilespmem:s21+$0xA800]  }
0x2bc: {  	v6 =	vadd.s32 v6, v11;
	v11 =	vld [tilespmem:s21+$0xB800]  }
0x2bd: {  	v6 =	vadd.s32 v8, v6;
	v8 =	vld [tilespmem:s21+$0xA900]  }
0x2be: {  	v6 =	vadd.s32 v6, v9;
	v9 =	vld [tilespmem:s21+$0xB900]  }
0x2bf: {  	v6 =	vadd.s32 v10, v6;
	v10 =	vld [tilespmem:s21+$0xAA00]  }
0x2c0: {  	v6 =	vadd.s32 v6, v7;
	v7 =	vld [tilespmem:s21+$0xBA00]  }
0x2c1: {  	v6 =	vadd.s32 v11, v6;
	v11 =	vld [tilespmem:s21+$0xAB00]  }
0x2c2: {  	v6 =	vadd.s32 v6, v8;
	v8 =	vld [tilespmem:s21+$0xBB00]  }
0x2c3: {  	v6 =	vadd.s32 v9, v6;
	v9 =	vld [tilespmem:s21+$0xAC00]  }
0x2c4: {  	v6 =	vadd.s32 v6, v10;
	v10 =	vld [tilespmem:s21+$0xBC00]  }
0x2c5: {  	v6 =	vadd.s32 v7, v6;
	v12 =	vld [tilespmem:s21+$0xAD00]  }
0x2c6: {  	v6 =	vadd.s32 v6, v11;
	v11 =	vld [tilespmem:s21+$0xBD00];
	s23 =	spop (v2sf)  }
.Ltmp17:
0x2c7: {  	v6 =	vadd.s32 v8, v6;
	v7 =	vld [tilespmem:s21+$0xAE00];
	s22 =	sadd.s32 s22, s23;
	(pc) =	sbr.rel @p1 .LBB2_33-.Ltmp17, $4  }
0x2c8: {  	v6 =	vadd.s32 v6, v9;
	v8 =	vld [tilespmem:s21+$0xBE00]  }
0x2c9: {  	v6 =	vadd.s32 v10, v6;
	v9 =	vld [tilespmem:s21+$0xAF00]  }
0x2ca: {  	s23 =	sshra.s32 s24, $0x2;
	v12 =	vadd.s32 v6, v12;
	v10 =	vld [tilespmem:s21+$0xBF00]  }
0x2cb: {  	s24 =	sadd.s32 $0x40, s24;
	v6 =	vld [tilespmem:s23+$0xA000];
	v11 =	vadd.s32 v11, v12  }
.LBB2_34:
0x2cc: {  	v12 =	vld [tilespmem:s23+$0xB000];
	v7 =	vadd.s32 @p0 v11, v7  }
0x2cd: {  	v40 =	vld [tilespmem:s23+$0xA100];
	v7 =	vadd.s32 @p0 v8, v7  }
0x2ce: {  	v41 =	vld [tilespmem:s23+$0xB100];
	v7 =	vadd.s32 @p0 v7, v9  }
0x2cf: {  	v42 =	vld [tilespmem:s23+$0xA200];
	v7 =	vadd.s32 @p0 v10, v7  }
0x2d0: {  	v43 =	vld [tilespmem:s23+$0xB200];
	(xrf0) =	vadd.scan.msk.s32 @p0 $0xffff, v7  }
0x2d1: {  	v13 =	vld [tilespmem:s23+$0xA300];
	v6 =	vadd.s32 v12, v6  }
0x2d2: {  	v44 =	vld [tilespmem:s23+$0xB300];
	v6 =	vadd.s32 v6, v40  }
0x2d3: {  	v45 =	vld [tilespmem:s23+$0xA400];
	v6 =	vadd.s32 v41, v6  }
0x2d4: {  	v46 =	vld [tilespmem:s23+$0xB400];
	v6 =	vadd.s32 v6, v42  }
0x2d5: {  	v47 =	vld [tilespmem:s23+$0xA500];
	v6 =	vadd.s32 v43, v6  }
0x2d6: {  	v48 =	vld [tilespmem:s23+$0xB500];
	v7 =	vsub.s32 @p0 s22, v7;
	v6 =	vadd.s32 v6, v13;
	v13, _, _ =	vpop @p0 (xrf0)  }
0x2d7: {  	v14 =	vld [tilespmem:s23+$0xA600];
	v6 =	vadd.s32 v44, v6;
	v7 =	vadd.s32 @p0 v13, v7  }
0x2d8: {  	v49 =	vld [tilespmem:s23+$0xB600];
	v6 =	vadd.s32 v6, v45;
	[tilespmem:s21+$0xE000] =	vst @p0 v7  }
0x2d9: {  	v6 =	vadd.s32 v46, v6;
	v7 =	vld [tilespmem:s23+$0xA700]  }
0x2da: {  	v50 =	vld [tilespmem:s23+$0xB700];
	v6 =	vadd.s32 v6, v47  }
0x2db: {  	v51 =	vld [tilespmem:s23+$0xA800];
	v6 =	vadd.s32 v48, v6  }
0x2dc: {  	v52 =	vld [tilespmem:s23+$0xB800];
	v6 =	vadd.s32 v6, v14  }
0x2dd: {  	v53 =	vld [tilespmem:s23+$0xA900];
	v6 =	vadd.s32 v49, v6  }
0x2de: {  	v6 =	vadd.s32 v6, v7;
	v7 =	vld [tilespmem:s23+$0xB900]  }
0x2df: {  	v54 =	vld [tilespmem:s23+$0xAA00];
	v6 =	vadd.s32 v50, v6  }
0x2e0: {  	v55 =	vld [tilespmem:s23+$0xBA00];
	v6 =	vadd.s32 v6, v51  }
0x2e1: {  	v56 =	vld [tilespmem:s23+$0xAB00];
	v6 =	vadd.s32 v52, v6  }
0x2e2: {  	v57 =	vld [tilespmem:s23+$0xBB00];
	v6 =	vadd.s32 v6, v53  }
0x2e3: {  	v6 =	vadd.s32 v7, v6;
	v7 =	vld [tilespmem:s23+$0xAC00]  }
0x2e4: {  	v58 =	vld [tilespmem:s23+$0xBC00];
	v6 =	vadd.s32 v6, v54  }
0x2e5: {  	v59 =	vld [tilespmem:s23+$0xAD00];
	v6 =	vadd.s32 v55, v6  }
0x2e6: {  	v60 =	vld [tilespmem:s23+$0xBD00];
	v6 =	vadd.s32 v6, v56  }
0x2e7: {  	v61 =	vld [tilespmem:s23+$0xAE00];
	v6 =	vadd.s32 v57, v6  }
0x2e8: {  	v6 =	vadd.s32 v6, v7;
	v7 =	vld [tilespmem:s23+$0xBE00]  }
0x2e9: {  	v62 =	vld [tilespmem:s23+$0xAF00];
	v6 =	vadd.s32 v58, v6  }
0x2ea: {  	v63 =	vld [tilespmem:s23+$0xBF00];
	v6 =	vadd.s32 v6, v59  }
0x2eb: {  	v6 =	vadd.s32 v60, v6  }
0x2ec: {  	v6 =	vadd.s32 v6, v61  }
0x2ed: {  	v6 =	vadd.s32 v7, v6  }
0x2ee: {  	v6 =	vadd.s32 v6, v62  }
0x2ef: {  	v6 =	vadd.s32 v63, v6  }
0x2f0: {  	(xrf0) =	vadd.scan.msk.s32 $0xffff, v6;
	_ =	sdelay $0x1  }
0x2f1: {  	(v2sf) =	vpush @p0 v13, $0xF;
	_ =	sdelay $0x3  }
0x2f2: {  	v7, _, _ =	vpop (xrf0)  }
0x2f3: {  	(v2sf) =	vpush v7, $0xF;
	_ =	sdelay $0x9  }
0x2f4: {  	s21 =	spop @p0 (v2sf)  }
0x2f5: {  	s21 =	sadd.s32 @p0 s22, s21;
	s22 =	simm.s32 $0x0  }
0x2f6: {  	s22 =	smov.u32 @p0 s21  }
0x2f7: {  	v6 =	vsub.s32 s22, v6  }
0x2f8: {  	s24 =	simm.s32 $0xB000;
	s21 =	simm.s32 $0xC000;
	v6 =	vadd.s32 v7, v6  }
0x2f9: {  	s22 =	simm.s32 $0xA000;
	[tilespmem:s23+$0xE000] =	vst v6;
	s23 =	simm.s32 $0xD000;
	s31 =	spop (v2sf)  }
.LBB2_35:
0x2fa: {  	s25 =	sshll.u32 s20, $0x4  }
0x2fb: {  	v8 =	vmov s21;
	v10 =	vld [tilespmem:s25+$0xE000]  }
0x2fc: {  	v7 =	vmov s22;
	_ =	sdelay $0x2  }
0x2fd: {  	s28 =	simm.s32 $0x0  }
0x2fe: {  	[tilespmem:v8+s28+$0x0 ss:$0x1] =	vst.idx.msk $0xffff, v10  }
0x2ff: {  	v11 =	vld.idx.msk [tilespmem:v7+s28+$0x0 ss:$0x1], $0xffff  }
0x300: {  	v9 =	vmov s23  }
0x301: {  	v6 =	vmov s24;
	_ =	sdelay $0x2  }
0x302: {  	[tilespmem:v7+s28+$0x0 ss:$0x1] =	vst.idx.msk $0xffff, v0;
	v10 =	vadd.s32 v10, v11  }
0x303: {  	[tilespmem:v9+s28+$0x0 ss:$0x1] =	vst.idx.msk $0xffff, v10  }
0x304: {  	v11 =	vld.idx.msk [tilespmem:v6+s28+$0x0 ss:$0x1], $0xffff  }
0x305: {  	s26 =	simm.s32 $0x800;
	s25 =	simm.s32 $0x400;
	[tilespmem:v6+s28+$0x0 ss:$0x1] =	vst.idx.msk $0xffff, v0  }
.LBB2_36:
0x306: {  	_ =	sdelay $0x1  }
0x307: {  	p0 =	sne.s32 s26, $0x3C00  }
0x308: {  	s28 =	sshra.s32 s25, $0x2;
	s25 =	smov.u32 s26;
	s26 =	sadd.s32 $0x400, s26;
	v10 =	vadd.s32 v10, v11  }
0x309: {  	[tilespmem:v8+s28+$0x0 ss:$0x1] =	vst.idx.msk $0xffff, v10  }
0x30a: {  	v11 =	vld.idx.msk [tilespmem:v7+s28+$0x0 ss:$0x1], $0xffff  }
0x30b: {  	[tilespmem:v7+s28+$0x0 ss:$0x1] =	vst.idx.msk $0xffff, v0;
	_ =	sdelay $0x3  }
.Ltmp18:
0x30c: {  	(pc) =	sbr.rel @p0 .LBB2_36-.Ltmp18, $4  }
0x30d: {  	v10 =	vadd.s32 v10, v11  }
0x30e: {  	[tilespmem:v9+s28+$0x0 ss:$0x1] =	vst.idx.msk $0xffff, v10  }
0x30f: {  	v11 =	vld.idx.msk [tilespmem:v6+s28+$0x0 ss:$0x1], $0xffff  }
0x310: {  	[tilespmem:v6+s28+$0x0 ss:$0x1] =	vst.idx.msk $0xffff, v0  }
0x311: {  	_ =	sdelay $0x2  }
0x312: {  	s25 =	sshra.s32 s25, $0x2;
	v10 =	vadd.s32 v10, v11  }
0x313: {  	[tilespmem:v8+s25+$0x0 ss:$0x1] =	vst.idx.msk $0xffff, v10  }
0x314: {  	v8 =	vld.idx.msk [tilespmem:v7+s25+$0x0 ss:$0x1], $0xffff  }
0x315: {  	s20 =	sadd.s32 $0x1, s20  }
0x316: {  	p0 =	sne.s32 s20, $0x10  }
.Ltmp19:
0x317: {  	_ = 	snop;
	(pc) =	sbr.rel @p0 .LBB2_35-.Ltmp19, $4  }
0x318: {  	_ = 	snop  }
0x319: {  	[tilespmem:v7+s25+$0x0 ss:$0x1] =	vst.idx.msk $0xffff, v0;
	v7 =	vadd.s32 v10, v8  }
0x31a: {  	s21 =	sadd.s32 $0x10, s21;
	s22 =	sadd.s32 $0x10, s22;
	[tilespmem:v9+s25+$0x0 ss:$0x1] =	vst.idx.msk $0xffff, v7  }
0x31b: {  	s23 =	sadd.s32 $0x10, s23;
	s24 =	sadd.s32 $0x10, s24;
	[tilespmem:v6+s25+$0x0 ss:$0x1] =	vst.idx.msk $0xffff, v0;
	s25 =	simm.s32 $0x0  }
0x31c: {  	s20 =	simm.s32 $0x0  }
.LBB2_39:
0x31d: {  	v6 =	vor.u32 s20, v1;
	_ =	sdelay $0x4  }
0x31e: {  	v7 =	vld.idx.msk [tilespmem:v6+s10+$0x0], $0xffff;
	_ =	sdelay $0x4  }
0x31f: {  	v8 =	vshrl.u32 v7, $0x10  }
0x320: {  	v8 =	vand.u32 $0xFF, v8  }
0x321: {  	v8 =	vor.u32 v2, v8;
	_ =	sdelay $0x4  }
0x322: {  	v9 =	vld.idx.msk [tilespmem:v8+s14+$0x0], $0xffff;
	_ =	sdelay $0x3  }
0x323: {  	s21 =	sadd.s32 $0x100, s20;
	v6 =	vld.idx.msk [tilespmem:v6+s18+$0x0], $0xffff  }
0x324: {  	v10 =	vor.u32 s21, v1  }
0x325: {  	v11 =	vadd.s32 $0x1, v9  }
0x326: {  	[tilespmem:v8+s14+$0x0] =	vst.idx.msk $0xffff, v11  }
0x327: {  	[tilespmem:v9+s15+$0x0] =	vst.idx.msk $0xffff, v7  }
0x328: {  	[tilespmem:v9+s16+$0x0] =	vst.idx.msk $0xffff, v6  }
0x329: {  	v6 =	vld.idx.msk [tilespmem:v10+s10+$0x0], $0xffff;
	_ =	sdelay $0x4  }
0x32a: {  	v7 =	vshrl.u32 v6, $0x10  }
0x32b: {  	v7 =	vand.u32 $0xFF, v7  }
0x32c: {  	v7 =	vor.u32 v2, v7;
	_ =	sdelay $0x4  }
0x32d: {  	v8 =	vld.idx.msk [tilespmem:v7+s17+$0x0], $0xffff;
	_ =	sdelay $0x3  }
0x32e: {  	s30 =	sadd.s32 $0x1, s20;
	v9 =	vld.idx.msk [tilespmem:v10+s18+$0x0], $0xffff  }
0x32f: {  	v59 =	vor.u32 s30, v1  }
0x330: {  	v60 =	vadd.s32 $0x1, v8  }
0x331: {  	[tilespmem:v7+s17+$0x0] =	vst.idx.msk $0xffff, v60  }
0x332: {  	[tilespmem:v8+s15+$0x0] =	vst.idx.msk $0xffff, v6  }
0x333: {  	[tilespmem:v8+s16+$0x0] =	vst.idx.msk $0xffff, v9  }
0x334: {  	v6 =	vld.idx.msk [tilespmem:v59+s10+$0x0], $0xffff;
	_ =	sdelay $0x4  }
0x335: {  	v7 =	vshrl.u32 v6, $0x10  }
0x336: {  	v7 =	vand.u32 $0xFF, v7  }
0x337: {  	v7 =	vor.u32 v2, v7;
	_ =	sdelay $0x4  }
0x338: {  	v8 =	vld.idx.msk [tilespmem:v7+s14+$0x0], $0xffff;
	_ =	sdelay $0x3  }
0x339: {  	s31 =	sadd.s32 $0x101, s20;
	v9 =	vld.idx.msk [tilespmem:v59+s18+$0x0], $0xffff  }
0x33a: {  	v61 =	vor.u32 s31, v1  }
0x33b: {  	v62 =	vadd.s32 $0x1, v8  }
0x33c: {  	[tilespmem:v7+s14+$0x0] =	vst.idx.msk $0xffff, v62  }
0x33d: {  	[tilespmem:v8+s15+$0x0] =	vst.idx.msk $0xffff, v6  }
0x33e: {  	[tilespmem:v8+s16+$0x0] =	vst.idx.msk $0xffff, v9  }
0x33f: {  	v6 =	vld.idx.msk [tilespmem:v61+s10+$0x0], $0xffff;
	_ =	sdelay $0x4  }
0x340: {  	v7 =	vshrl.u32 v6, $0x10  }
0x341: {  	v7 =	vand.u32 $0xFF, v7  }
0x342: {  	v7 =	vor.u32 v2, v7;
	_ =	sdelay $0x4  }
0x343: {  	v8 =	vld.idx.msk [tilespmem:v7+s17+$0x0], $0xffff;
	_ =	sdelay $0x3  }
0x344: {  	p0 =	slt.u32 s20, $0xFE;
	v9 =	vld.idx.msk [tilespmem:v61+s18+$0x0], $0xffff  }
.Ltmp20:
0x345: {  	_ = 	snop;
	(pc) =	sbr.rel @p0 .LBB2_39-.Ltmp20, $4  }
0x346: {  	v63 =	vadd.s32 $0x1, v8  }
0x347: {  	[tilespmem:v7+s17+$0x0] =	vst.idx.msk $0xffff, v63  }
0x348: {  	[tilespmem:v8+s15+$0x0] =	vst.idx.msk $0xffff, v6  }
0x349: {  	s20 =	sadd.s32 $0x2, s20;
	[tilespmem:v8+s16+$0x0] =	vst.idx.msk $0xffff, v9  }
0x34a: {  	v6 =	vor.u32 s25, v1;
	s20 =	simm.s32 $0x3  }
0x34b: {  	s21 =	simm.s32 $0x1;
	v7 =	vor.u32 s20, v1  }
0x34c: {  	s22 =	simm.s32 $0x2;
	v8 =	vor.u32 s21, v1  }
0x34d: {  	s23 =	simm.s32 $0x7;
	v9 =	vor.u32 s22, v1  }
0x34e: {  	s24 =	simm.s32 $0x5;
	v10 =	vor.u32 s23, v1  }
0x34f: {  	v11 =	vor.u32 s24, v1;
	v6 =	vld.idx.msk [tilespmem:v6+s15+$0x0], $0xffff  }
0x350: {  	v7 =	vld.idx.msk [tilespmem:v7+s15+$0x0], $0xffff  }
0x351: {  	v8 =	vld.idx.msk [tilespmem:v8+s15+$0x0], $0xffff  }
0x352: {  	v9 =	vld.idx.msk [tilespmem:v9+s15+$0x0], $0xffff  }
0x353: {  	s25 =	simm.s32 $0x6;
	s26 =	simm.s32 $0x4;
	v10 =	vld.idx.msk [tilespmem:v10+s15+$0x0], $0xffff  }
0x354: {  	s28 =	simm.s32 $0x100;
	s29 =	simm.s32 $0xB;
	s30 =	simm.s32 $0x9;
	v12 =	vor.u32 s25, v1;
	v14 =	vor.u32 s26, v1;
	v11 =	vld.idx.msk [tilespmem:v11+s15+$0x0], $0xffff  }
0x355: {  	v15 =	vor.u32 s28, v1;
	v17 =	vor.u32 s29, v1;
	v18 =	vor.u32 s30, v1;
	s25 =	simm.s32 $0x104;
	s20 =	simm.s32 $0x8  }
0x356: {  	v23 =	vor.u32 s25, v1;
	v25 =	vor.u32 s20, v1;
	v6 =	vshrl.u32 v6, $0x18  }
0x357: {  	v13 =	vand.u32 $0x80, v6;
	v6 =	vand.u32 $0x7F, v6;
	v7 =	vshrl.u32 v7, $0x18  }
0x358: {  	v8 =	vshrl.u32 v8, $0x18;
	v9 =	vshrl.u32 v9, $0x18;
	v13 =	vor.u32 v2, v13  }
0x359: {  	s31 =	simm.s32 $0xA;
	v14 =	vld.idx.msk [tilespmem:v14+s15+$0x0], $0xffff;
	v19 =	vshrl.u32 v10, $0x18;
	v10 =	vshrl.u32 v11, $0x18;
	v6 =	vor.u32 v6, v13  }
0x35a: {  	v12 =	vld.idx.msk [tilespmem:v12+s15+$0x0], $0xffff;
	v11 =	vor.u32 s31, v1;
	v16 =	vand.u32 $0x80, v8;
	v22 =	vand.u32 $0x80, v9  }
0x35b: {  	v17 =	vld.idx.msk [tilespmem:v17+s15+$0x0], $0xffff;
	v9 =	vand.u32 $0x7F, v9;
	v13 =	vand.u32 $0x80, v7;
	v22 =	vor.u32 v2, v22  }
0x35c: {  	s29 =	simm.s32 $0x107;
	v18 =	vld.idx.msk [tilespmem:v18+s15+$0x0], $0xffff;
	v7 =	vand.u32 $0x7F, v7;
	v13 =	vor.u32 v2, v13;
	v22 =	vor.u32 v9, v22  }
0x35d: {  	s24 =	simm.s32 $0x103;
	v28 =	vor.u32 s29, v1;
	v25 =	vld.idx.msk [tilespmem:v25+s15+$0x0], $0xffff;
	v16 =	vor.u32 v2, v16;
	v7 =	vor.u32 v7, v13  }
0x35e: {  	v13 =	vshrl.u32 v14, $0x18;
	v14 =	vor.u32 s24, v1;
	[tilespmem:v6+s12+$0x0] =	vst.idx.add.s32.msk $0xffff, v3;
	v6 =	vand.u32 $0x7F, v8  }
0x35f: {  	s23 =	simm.s32 $0x101;
	v12 =	vshrl.u32 v12, $0x18;
	v11 =	vld.idx.msk [tilespmem:v11+s15+$0x0], $0xffff;
	v9 =	vand.u32 $0x80, v13;
	v6 =	vor.u32 v6, v16  }
0x360: {  	v13 =	vand.u32 $0x7F, v13;
	v24 =	vor.u32 v2, v9;
	v8 =	vld.idx.msk [tilespmem:v15+s15+$0x0], $0xffff;
	v16 =	vor.u32 s23, v1  }
0x361: {  	v20 =	vand.u32 $0x80, v19;
	v21 =	vand.u32 $0x80, v10;
	v13 =	vor.u32 v13, v24;
	[tilespmem:v22+s12+$0x0] =	vst.idx.add.s32.msk $0xffff, v3  }
0x362: {  	v10 =	vand.u32 $0x7F, v10;
	v19 =	vand.u32 $0x7F, v19;
	v20 =	vor.u32 v2, v20;
	[tilespmem:v7+s12+$0x0] =	vst.idx.add.s32.msk $0xffff, v3  }
0x363: {  	s22 =	simm.s32 $0x102;
	v21 =	vor.u32 v2, v21;
	v19 =	vor.u32 v19, v20;
	v9 =	vshrl.u32 v18, $0x18;
	v14 =	vld.idx.msk [tilespmem:v14+s15+$0x0], $0xffff  }
0x364: {  	v20 =	vshrl.u32 v25, $0x18;
	v18 =	vand.u32 $0x80, v9;
	v15 =	vor.u32 s22, v1;
	s22 =	simm.s32 $0xE;
	s23 =	simm.s32 $0xF;
	[tilespmem:v6+s12+$0x0] =	vst.idx.add.s32.msk $0xffff, v3  }
0x365: {  	s30 =	simm.s32 $0x105;
	v27 =	vor.u32 s22, v1;
	v22 =	vor.u32 s23, v1;
	v7 =	vshrl.u32 v11, $0x18;
	v16 =	vld.idx.msk [tilespmem:v16+s15+$0x0], $0xffff  }
0x366: {  	[tilespmem:v13+s12+$0x0] =	vst.idx.add.s32.msk $0xffff, v3;
	v13 =	vor.u32 s30, v1;
	v6 =	vshrl.u32 v17, $0x18;
	v8 =	vshrl.u32 v8, $0x18  }
0x367: {  	s26 =	simm.s32 $0xD;
	v29 =	vld.idx.msk [tilespmem:v23+s15+$0x0], $0xffff;
	v23 =	vand.u32 $0x7F, v20;
	v17 =	vand.u32 $0x80, v6;
	v26 =	vand.u32 $0x80, v8  }
0x368: {  	v8 =	vand.u32 $0x7F, v8;
	v11 =	vor.u32 v2, v26;
	v26 =	vor.u32 s26, v1  }
0x369: {  	v14 =	vshrl.u32 v14, $0x18;
	v24 =	vor.u32 v8, v11;
	v11 =	vor.u32 v2, v18  }
0x36a: {  	s28 =	simm.s32 $0x106;
	v8 =	vor.u32 v2, v17;
	v18 =	vor.u32 v10, v21;
	v21 =	vld.idx.msk [tilespmem:v15+s15+$0x0], $0xffff;
	v16 =	vshrl.u32 v16, $0x18  }
0x36b: {  	v10 =	vor.u32 s28, v1;
	v17 =	vand.u32 $0x80, v12;
	v15 =	vand.u32 $0x80, v16  }
0x36c: {  	v22 =	vld.idx.msk [tilespmem:v22+s15+$0x0], $0xffff;
	v12 =	vand.u32 $0x7F, v12;
	v16 =	vand.u32 $0x7F, v16;
	v15 =	vor.u32 v2, v15  }
0x36d: {  	v27 =	vld.idx.msk [tilespmem:v27+s15+$0x0], $0xffff;
	v17 =	vor.u32 v2, v17;
	v15 =	vor.u32 v16, v15;
	v16 =	vand.u32 $0x80, v14  }
0x36e: {  	v17 =	vor.u32 v12, v17;
	v26 =	vld.idx.msk [tilespmem:v26+s15+$0x0], $0xffff;
	v14 =	vand.u32 $0x7F, v14;
	v16 =	vor.u32 v2, v16  }
0x36f: {  	v12 =	vshrl.u32 v21, $0x18;
	[tilespmem:v24+s13+$0x0] =	vst.idx.add.s32.msk $0xffff, v3;
	v24 =	vand.u32 $0x80, v20;
	v14 =	vor.u32 v14, v16  }
0x370: {  	[tilespmem:v18+s12+$0x0] =	vst.idx.add.s32.msk $0xffff, v3;
	v20 =	vshrl.u32 v29, $0x18;
	v21 =	vand.u32 $0x80, v12;
	v12 =	vand.u32 $0x7F, v12  }
0x371: {  	v24 =	vor.u32 v2, v24;
	v18 =	vld.idx.msk [tilespmem:v13+s15+$0x0], $0xffff;
	v13 =	vshrl.u32 v22, $0x18;
	v21 =	vor.u32 v2, v21  }
0x372: {  	s21 =	simm.s32 $0xC;
	s31 =	simm.s32 $0x108;
	[tilespmem:v19+s12+$0x0] =	vst.idx.add.s32.msk $0xffff, v3;
	v29 =	vand.u32 $0x80, v20;
	v25 =	vand.u32 $0x7F, v20;
	v12 =	vor.u32 v12, v21  }
0x373: {  	v20 =	vld.idx.msk [tilespmem:v28+s15+$0x0], $0xffff;
	v22 =	vand.u32 $0x80, v13;
	v16 =	vor.u32 s31, v1;
	v21 =	vor.u32 s21, v1  }
0x374: {  	s22 =	simm.s32 $0x10;
	v19 =	vshrl.u32 v26, $0x18;
	v26 =	vor.u32 v2, v29;
	[tilespmem:v14+s13+$0x0] =	vst.idx.add.s32.msk $0xffff, v3;
	v14 =	vshrl.u32 v27, $0x18  }
.LBB2_41:
0x375: {  	s23 =	sadd.s32 $0x1, s22;
	s24 =	sadd.s32 $0x2, s22;
	s25 =	sadd.s32 $0x3, s22;
	v27 =	vand.u32 $0x80, v19;
	v23 =	vor.u32 v23, v24;
	v24 =	vor.u32 v25, v26;
	[tilespmem:v17+s12+$0x0] =	vst.idx.add.s32.msk $0xffff, v3  }
0x376: {  	p0 =	slt.u32 s22, $0xFC;
	v26 =	vand.u32 $0x7F, v9;
	v9 =	vmovc v19;
	v17 =	vor.u32 s23, v1;
	v25 =	vor.u32 s24, v1;
	[tilespmem:v15+s13+$0x0] =	vst.idx.add.s32.msk $0xffff, v3;
	s23 =	smov.u32 s22;
	s22 =	sadd.s32 $0x4, s22  }
0x377: {  	v22 =	vor.u32 v2, v22;
	v19 =	vor.u32 s25, v1;
	v15 =	vor.u32 v2, v27;
	s24 =	sadd.s32 $0x102, s20;
	[tilespmem:v12+s13+$0x0] =	vst.idx.add.s32.msk $0xffff, v3  }
0x378: {  	s25 =	sadd.s32 $0x103, s20;
	v18 =	vshrl.u32 v18, $0x18;
	v12 =	vor.u32 v26, v11;
	v11 =	vmovc v15;
	v26 =	vld.idx.msk [tilespmem:v10+s15+$0x0], $0xffff;
	v10 =	vor.u32 s24, v1  }
0x379: {  	v27 =	vor.u32 s25, v1;
	v15 =	vand.u32 $0x80, v18;
	v18 =	vand.u32 $0x7F, v18;
	s24 =	sadd.s32 $0x101, s20;
	s20 =	smov.u32 s21;
	s21 =	smov.u32 s23;
	v21 =	vld.idx.msk [tilespmem:v21+s15+$0x0], $0xffff  }
0x37a: {  	v15 =	vor.u32 v2, v15;
	v28 =	vor.u32 s24, v1;
	v20 =	vshrl.u32 v20, $0x18;
	[tilespmem:v23+s12+$0x0] =	vst.idx.add.s32.msk $0xffff, v3  }
0x37b: {  	v15 =	vor.u32 v18, v15;
	v18 =	vand.u32 $0x7F, v20;
	v29 =	vld.idx.msk [tilespmem:v16+s15+$0x0], $0xffff;
	v16 =	vand.u32 $0x80, v20  }
0x37c: {  	v23 =	vand.u32 $0x7F, v6;
	v6 =	vmovc v13;
	v20 =	vand.u32 $0x80, v7;
	v19 =	vld.idx.msk [tilespmem:v19+s15+$0x0], $0xffff;
	v16 =	vor.u32 v2, v16  }
0x37d: {  	v13 =	vand.u32 $0x7F, v7;
	v7 =	vmovc v14;
	v30 =	vld.idx.msk [tilespmem:v17+s15+$0x0], $0xffff;
	v17 =	vor.u32 v2, v20;
	v20 =	vor.u32 v18, v16  }
0x37e: {  	v31 =	vor.u32 v23, v8;
	v8 =	vmovc v22;
	v14 =	vld.idx.msk [tilespmem:v25+s15+$0x0], $0xffff;
	v17 =	vor.u32 v13, v17;
	v13 =	vshrl.u32 v26, $0x18  }
0x37f: {  	s23 =	sadd.s32 $0x100, s20;
	v18 =	vshrl.u32 v21, $0x18;
	[tilespmem:v24+s13+$0x0] =	vst.idx.add.s32.msk $0xffff, v3;
	v21 =	vand.u32 $0x80, v13;
	v13 =	vand.u32 $0x7F, v13  }
.Ltmp21:
0x380: {  	v16 =	vor.u32 s23, v1;
	v22 =	vand.u32 $0x80, v18;
	[tilespmem:v12+s12+$0x0] =	vst.idx.add.s32.msk $0xffff, v3;
	v12 =	vor.u32 v2, v21;
	(pc) =	sbr.rel @p0 .LBB2_41-.Ltmp21, $4  }
0x381: {  	v23 =	vand.u32 $0x7F, v18;
	v24 =	vor.u32 v2, v22;
	v18 =	vld.idx.msk [tilespmem:v28+s15+$0x0], $0xffff;
	v12 =	vor.u32 v13, v12  }
0x382: {  	v21 =	vor.u32 s21, v1;
	v13 =	vshrl.u32 v19, $0x18;
	v19 =	vshrl.u32 v29, $0x18;
	[tilespmem:v20+s13+$0x0] =	vst.idx.add.s32.msk $0xffff, v3  }
0x383: {  	v22 =	vand.u32 $0x80, v13;
	v20 =	vand.u32 $0x80, v19;
	v25 =	vand.u32 $0x7F, v19;
	[tilespmem:v31+s12+$0x0] =	vst.idx.add.s32.msk $0xffff, v3  }
0x384: {  	v19 =	vshrl.u32 v30, $0x18;
	v14 =	vshrl.u32 v14, $0x18;
	v26 =	vor.u32 v2, v20;
	v20 =	vld.idx.msk [tilespmem:v27+s15+$0x0], $0xffff  }
0x385: {  	_ =	sdelay $0x2  }
0x386: {  	v23 =	vor.u32 v23, v24  }
0x387: {  	v27 =	vand.u32 $0x80, v19;
	v9 =	vand.u32 $0x7F, v9;
	v21 =	vld.idx.msk [tilespmem:v21+s15+$0x0], $0xffff  }
0x388: {  	v63 =	vor.u32 v25, v26;
	[tilespmem:v17+s12+$0x0] =	vst.idx.add.s32.msk $0xffff, v3;
	v6 =	vand.u32 $0x7F, v6;
	v9 =	vor.u32 v9, v11  }
0x389: {  	v22 =	vor.u32 v2, v22;
	[tilespmem:v15+s13+$0x0] =	vst.idx.add.s32.msk $0xffff, v3;
	v13 =	vand.u32 $0x7F, v13;
	v6 =	vor.u32 v6, v8  }
0x38a: {  	s26 =	sadd.s32 $0x101, s20;
	v35 =	vand.u32 $0x80, v7;
	v7 =	vand.u32 $0x7F, v7;
	v10 =	vld.idx.msk [tilespmem:v10+s15+$0x0], $0xffff;
	v13 =	vor.u32 v13, v22  }
0x38b: {  	s22 =	sadd.s32 $0x102, s20;
	s25 =	sadd.s32 $0x103, s20;
	v43 =	vand.u32 $0x80, v14;
	v30 =	vor.u32 v2, v27;
	v34 =	vor.u32 s26, v1;
	[tilespmem:v23+s12+$0x0] =	vst.idx.add.s32.msk $0xffff, v3  }
0x38c: {  	v31 =	vor.u32 s22, v1;
	v32 =	vor.u32 s25, v1;
	v8 =	vor.u32 v2, v35;
	v16 =	vld.idx.msk [tilespmem:v16+s15+$0x0], $0xffff  }
0x38d: {  	s28 =	sadd.s32 $0x100, s21;
	s30 =	sadd.s32 $0x103, s21;
	v18 =	vshrl.u32 v18, $0x18;
	v7 =	vor.u32 v7, v8;
	v21 =	vshrl.u32 v21, $0x18;
	[tilespmem:v9+s12+$0x0] =	vst.idx.add.s32.msk $0xffff, v3  }
0x38e: {  	v40 =	vor.u32 s28, v1;
	v44 =	vor.u32 s30, v1;
	v8 =	vand.u32 $0x80, v21;
	[tilespmem:v6+s12+$0x0] =	vst.idx.add.s32.msk $0xffff, v3  }
0x38f: {  	s31 =	sadd.s32 $0x102, s21;
	v45 =	vor.u32 v2, v43;
	v37 =	vand.u32 $0x7F, v21;
	[tilespmem:v13+s12+$0x0] =	vst.idx.add.s32.msk $0xffff, v3;
	v8 =	vor.u32 v2, v8  }
0x390: {  	v47 =	vor.u32 s31, v1;
	v33 =	vand.u32 $0x80, v18;
	v15 =	vld.idx.msk [tilespmem:v34+s15+$0x0], $0xffff;
	v8 =	vor.u32 v37, v8  }
0x391: {  	v18 =	vand.u32 $0x7F, v18;
	v26 =	vor.u32 v2, v33;
	v20 =	vshrl.u32 v20, $0x18;
	v17 =	vld.idx.msk [tilespmem:v32+s15+$0x0], $0xffff  }
0x392: {  	v18 =	vor.u32 v18, v26;
	v36 =	vand.u32 $0x80, v20;
	v6 =	vand.u32 $0x7F, v19;
	[tilespmem:v7+s12+$0x0] =	vst.idx.add.s32.msk $0xffff, v3  }
0x393: {  	s29 =	sadd.s32 $0x101, s21;
	v20 =	vand.u32 $0x7F, v20;
	v38 =	vor.u32 v2, v36;
	v6 =	vor.u32 v6, v30;
	v51 =	vld.idx.msk [tilespmem:v44+s15+$0x0], $0xffff  }
0x394: {  	v39 =	vshrl.u32 v10, $0x18;
	v41 =	vor.u32 v20, v38;
	v7 =	vor.u32 s29, v1;
	v11 =	vld.idx.msk [tilespmem:v31+s15+$0x0], $0xffff  }
0x395: {  	v42 =	vand.u32 $0x80, v39;
	v9 =	vand.u32 $0x7F, v39;
	[tilespmem:v8+s12+$0x0] =	vst.idx.add.s32.msk $0xffff, v3;
	v8 =	vand.u32 $0x7F, v14  }
0x396: {  	v20 =	vor.u32 v2, v42;
	v16 =	vshrl.u32 v16, $0x18;
	v8 =	vor.u32 v8, v45  }
0x397: {  	[tilespmem:v12+s13+$0x0] =	vst.idx.add.s32.msk $0xffff, v3;
	v9 =	vor.u32 v9, v20;
	v46 =	vand.u32 $0x80, v16;
	v15 =	vshrl.u32 v15, $0x18  }
0x398: {  	[tilespmem:v6+s12+$0x0] =	vst.idx.add.s32.msk $0xffff, v3;
	v6 =	vand.u32 $0x7F, v16;
	v17 =	vshrl.u32 v17, $0x18;
	v58 =	vshrl.u32 v51, $0x18  }
0x399: {  	v14 =	vor.u32 v2, v46;
	v48 =	vand.u32 $0x80, v15;
	v7 =	vld.idx.msk [tilespmem:v7+s15+$0x0], $0xffff;
	v15 =	vand.u32 $0x7F, v15  }
0x39a: {  	v50 =	vand.u32 $0x80, v17;
	v52 =	vand.u32 $0x7F, v17;
	v11 =	vshrl.u32 v11, $0x18;
	v10 =	vld.idx.msk [tilespmem:v40+s15+$0x0], $0xffff  }
0x39b: {  	v60 =	vand.u32 $0x7F, v58;
	v16 =	vor.u32 v2, v48;
	v6 =	vor.u32 v6, v14;
	[tilespmem:v8+s12+$0x0] =	vst.idx.add.s32.msk $0xffff, v3  }
0x39c: {  	v14 =	vor.u32 v2, v50;
	v53 =	vand.u32 $0x80, v11;
	v11 =	vand.u32 $0x7F, v11;
	v54 =	vld.idx.msk [tilespmem:v47+s15+$0x0], $0xffff  }
0x39d: {  	[tilespmem:v63+s13+$0x0] =	vst.idx.add.s32.msk $0xffff, v3;
	v49 =	vor.u32 v15, v16;
	v55 =	vor.u32 v2, v53;
	v15 =	vand.u32 $0x80, v58  }
0x39e: {  	v11 =	vor.u32 v11, v55;
	v61 =	vor.u32 v2, v15;
	v8 =	vor.u32 v52, v14  }
0x39f: {  	[tilespmem:v9+s13+$0x0] =	vst.idx.add.s32.msk $0xffff, v3;
	v9 =	vor.u32 v60, v61;
	v7 =	vshrl.u32 v7, $0x18;
	v10 =	vshrl.u32 v10, $0x18  }
0x3a0: {  	[tilespmem:v18+s13+$0x0] =	vst.idx.add.s32.msk $0xffff, v3;
	v59 =	vand.u32 $0x80, v7;
	v7 =	vand.u32 $0x7F, v7;
	v56 =	vand.u32 $0x80, v10  }
0x3a1: {  	[tilespmem:v6+s13+$0x0] =	vst.idx.add.s32.msk $0xffff, v3;
	v10 =	vand.u32 $0x7F, v10;
	v6 =	vor.u32 v2, v59;
	v62 =	vshrl.u32 v54, $0x18  }
0x3a2: {  	[tilespmem:v41+s13+$0x0] =	vst.idx.add.s32.msk $0xffff, v3;
	v57 =	vor.u32 v2, v56;
	v6 =	vor.u32 v7, v6;
	v63 =	vand.u32 $0x80, v62  }
0x3a3: {  	v10 =	vor.u32 v10, v57;
	[tilespmem:v8+s13+$0x0] =	vst.idx.add.s32.msk $0xffff, v3;
	v7 =	vand.u32 $0x7F, v62;
	v8 =	vor.u32 v2, v63  }
0x3a4: {  	[tilespmem:v49+s13+$0x0] =	vst.idx.add.s32.msk $0xffff, v3;
	v7 =	vor.u32 v7, v8  }
0x3a5: {  	p1 =	por $0x1, $0x1;
	[tilespmem:v11+s13+$0x0] =	vst.idx.add.s32.msk $0xffff, v3  }
.Ltmp22:
0x3a6: {  	[tilespmem:v9+s13+$0x0] =	vst.idx.add.s32.msk $0xffff, v3;
	(pc) =	sbr.rel @!p1 .LBB2_43-.Ltmp22, $4  }
0x3a7: {  	[tilespmem:v6+s13+$0x0] =	vst.idx.add.s32.msk $0xffff, v3  }
0x3a8: {  	[tilespmem:v10+s13+$0x0] =	vst.idx.add.s32.msk $0xffff, v3  }
0x3a9: {  	s21 =	simm.s32 $0x0;
	[tilespmem:v7+s13+$0x0] =	vst.idx.add.s32.msk $0xffff, v3  }
0x3aa: {  	s20 =	simm.s32 $0x0;
	p0 =	por $0x0, $0x0;
	v6 =	vld [tilespmem:s21+$0xA000]  }
0x3ab: {  	v7 =	vld [tilespmem:s21+$0xB000]  }
0x3ac: {  	v8 =	vld [tilespmem:s21+$0xA100]  }
0x3ad: {  	v9 =	vld [tilespmem:s21+$0xB100]  }
0x3ae: {  	v10 =	vld [tilespmem:s21+$0xA200]  }
0x3af: {  	v11 =	vld [tilespmem:s21+$0xB200]  }
0x3b0: {  	v6 =	vadd.s32 v7, v6;
	v7 =	vld [tilespmem:s21+$0xA300]  }
0x3b1: {  	v6 =	vadd.s32 v6, v8;
	v8 =	vld [tilespmem:s21+$0xB300]  }
0x3b2: {  	v6 =	vadd.s32 v9, v6;
	v9 =	vld [tilespmem:s21+$0xA400]  }
0x3b3: {  	v6 =	vadd.s32 v6, v10;
	v10 =	vld [tilespmem:s21+$0xB400]  }
0x3b4: {  	v6 =	vadd.s32 v11, v6;
	v11 =	vld [tilespmem:s21+$0xA500]  }
0x3b5: {  	v6 =	vadd.s32 v6, v7;
	v7 =	vld [tilespmem:s21+$0xB500]  }
0x3b6: {  	v6 =	vadd.s32 v8, v6;
	v8 =	vld [tilespmem:s21+$0xA600]  }
0x3b7: {  	v6 =	vadd.s32 v6, v9;
	v9 =	vld [tilespmem:s21+$0xB600]  }
0x3b8: {  	v6 =	vadd.s32 v10, v6;
	v10 =	vld [tilespmem:s21+$0xA700]  }
0x3b9: {  	v6 =	vadd.s32 v6, v11;
	v11 =	vld [tilespmem:s21+$0xB700]  }
0x3ba: {  	v6 =	vadd.s32 v7, v6;
	v7 =	vld [tilespmem:s21+$0xA800]  }
0x3bb: {  	v6 =	vadd.s32 v6, v8;
	v8 =	vld [tilespmem:s21+$0xB800]  }
0x3bc: {  	v6 =	vadd.s32 v9, v6;
	v9 =	vld [tilespmem:s21+$0xA900]  }
0x3bd: {  	v6 =	vadd.s32 v6, v10;
	v10 =	vld [tilespmem:s21+$0xB900]  }
0x3be: {  	v6 =	vadd.s32 v11, v6;
	v11 =	vld [tilespmem:s21+$0xAA00]  }
0x3bf: {  	v6 =	vadd.s32 v6, v7;
	v7 =	vld [tilespmem:s21+$0xBA00]  }
0x3c0: {  	v6 =	vadd.s32 v8, v6;
	v8 =	vld [tilespmem:s21+$0xAB00]  }
0x3c1: {  	v6 =	vadd.s32 v6, v9;
	v9 =	vld [tilespmem:s21+$0xBB00]  }
0x3c2: {  	v6 =	vadd.s32 v10, v6;
	v10 =	vld [tilespmem:s21+$0xAC00]  }
0x3c3: {  	v6 =	vadd.s32 v6, v11;
	v11 =	vld [tilespmem:s21+$0xBC00]  }
0x3c4: {  	v12 =	vld [tilespmem:s21+$0xAD00];
	v6 =	vadd.s32 v7, v6  }
0x3c5: {  	v13 =	vld [tilespmem:s21+$0xBD00];
	p1 =	por $0x1, $0x1;
	v6 =	vadd.s32 v6, v8  }
.Ltmp23:
0x3c6: {  	v7 =	vld [tilespmem:s21+$0xAE00];
	v6 =	vadd.s32 v9, v6;
	(pc) =	sbr.rel @!p1 .LBB2_45-.Ltmp23, $4  }
0x3c7: {  	v8 =	vld [tilespmem:s21+$0xBE00];
	v6 =	vadd.s32 v6, v10  }
0x3c8: {  	v9 =	vld [tilespmem:s21+$0xAF00];
	v6 =	vadd.s32 v11, v6  }
0x3c9: {  	s23 =	simm.s32 $0x10;
	v10 =	vld [tilespmem:s21+$0xBF00];
	v11 =	vadd.s32 v6, v12  }
0x3ca: {  	s24 =	simm.s32 $0x80;
	p0 =	por $0x1, $0x1;
	s22 =	simm.s32 $0x0;
	v6 =	vld [tilespmem:s23+$0xA000];
	v11 =	vadd.s32 v13, v11  }
.LBB2_46:
0x3cb: {  	p1 =	sne.s32 s24, $0x3C0;
	v12 =	vld [tilespmem:s23+$0xB000];
	v7 =	vadd.s32 v11, v7  }
0x3cc: {  	v11 =	vld [tilespmem:s23+$0xA100];
	v7 =	vadd.s32 v8, v7  }
0x3cd: {  	v8 =	vld [tilespmem:s23+$0xB100];
	v7 =	vadd.s32 v7, v9  }
0x3ce: {  	v9 =	vld [tilespmem:s23+$0xA200];
	v7 =	vadd.s32 v10, v7  }
0x3cf: {  	v10 =	vld [tilespmem:s23+$0xB200];
	v13 =	vsub.s32 s22, v7;
	(xrf0) =	vadd.scan.msk.s32 $0xffff, v7  }
0x3d0: {  	v6 =	vadd.s32 v12, v6;
	v7 =	vld [tilespmem:s23+$0xA300]  }
0x3d1: {  	v6 =	vadd.s32 v6, v11;
	v11 =	vld [tilespmem:s23+$0xB300]  }
0x3d2: {  	v6 =	vadd.s32 v8, v6;
	v8 =	vld [tilespmem:s23+$0xA400]  }
0x3d3: {  	v6 =	vadd.s32 v6, v9;
	v9 =	vld [tilespmem:s23+$0xB400]  }
0x3d4: {  	v6 =	vadd.s32 v10, v6;
	v10 =	vld [tilespmem:s23+$0xA500]  }
0x3d5: {  	v6 =	vadd.s32 v6, v7;
	v7 =	vld [tilespmem:s23+$0xB500];
	v12, _, _ =	vpop (xrf0)  }
0x3d6: {  	v6 =	vadd.s32 v11, v6;
	v11 =	vld [tilespmem:s23+$0xA600];
	v13 =	vadd.s32 v12, v13;
	(v2sf) =	vpush v12, $0xF  }
0x3d7: {  	v6 =	vadd.s32 v6, v8;
	v8 =	vld [tilespmem:s23+$0xB600];
	[tilespmem:s21+$0xE000] =	vst v13;
	s21 =	smov.u32 s23  }
0x3d8: {  	v6 =	vadd.s32 v9, v6;
	v9 =	vld [tilespmem:s21+$0xA700]  }
0x3d9: {  	v6 =	vadd.s32 v6, v10;
	v10 =	vld [tilespmem:s21+$0xB700]  }
0x3da: {  	v6 =	vadd.s32 v7, v6;
	v7 =	vld [tilespmem:s21+$0xA800]  }
0x3db: {  	v6 =	vadd.s32 v6, v11;
	v11 =	vld [tilespmem:s21+$0xB800]  }
0x3dc: {  	v6 =	vadd.s32 v8, v6;
	v8 =	vld [tilespmem:s21+$0xA900]  }
0x3dd: {  	v6 =	vadd.s32 v6, v9;
	v9 =	vld [tilespmem:s21+$0xB900]  }
0x3de: {  	v6 =	vadd.s32 v10, v6;
	v10 =	vld [tilespmem:s21+$0xAA00]  }
0x3df: {  	v6 =	vadd.s32 v6, v7;
	v7 =	vld [tilespmem:s21+$0xBA00]  }
0x3e0: {  	v6 =	vadd.s32 v11, v6;
	v11 =	vld [tilespmem:s21+$0xAB00]  }
0x3e1: {  	v6 =	vadd.s32 v6, v8;
	v8 =	vld [tilespmem:s21+$0xBB00]  }
0x3e2: {  	v6 =	vadd.s32 v9, v6;
	v9 =	vld [tilespmem:s21+$0xAC00]  }
0x3e3: {  	v6 =	vadd.s32 v6, v10;
	v10 =	vld [tilespmem:s21+$0xBC00]  }
0x3e4: {  	v6 =	vadd.s32 v7, v6;
	v12 =	vld [tilespmem:s21+$0xAD00]  }
0x3e5: {  	v6 =	vadd.s32 v6, v11;
	v11 =	vld [tilespmem:s21+$0xBD00];
	s23 =	spop (v2sf)  }
.Ltmp24:
0x3e6: {  	v6 =	vadd.s32 v8, v6;
	v7 =	vld [tilespmem:s21+$0xAE00];
	s22 =	sadd.s32 s22, s23;
	(pc) =	sbr.rel @p1 .LBB2_46-.Ltmp24, $4  }
0x3e7: {  	v6 =	vadd.s32 v6, v9;
	v8 =	vld [tilespmem:s21+$0xBE00]  }
0x3e8: {  	v6 =	vadd.s32 v10, v6;
	v9 =	vld [tilespmem:s21+$0xAF00]  }
0x3e9: {  	s23 =	sshra.s32 s24, $0x2;
	v12 =	vadd.s32 v6, v12;
	v10 =	vld [tilespmem:s21+$0xBF00]  }
0x3ea: {  	s24 =	sadd.s32 $0x40, s24;
	v6 =	vld [tilespmem:s23+$0xA000];
	v11 =	vadd.s32 v11, v12  }
.LBB2_47:
0x3eb: {  	v12 =	vld [tilespmem:s23+$0xB000];
	v7 =	vadd.s32 @p0 v11, v7  }
0x3ec: {  	v40 =	vld [tilespmem:s23+$0xA100];
	v7 =	vadd.s32 @p0 v8, v7  }
0x3ed: {  	v41 =	vld [tilespmem:s23+$0xB100];
	v7 =	vadd.s32 @p0 v7, v9  }
0x3ee: {  	v42 =	vld [tilespmem:s23+$0xA200];
	v7 =	vadd.s32 @p0 v10, v7  }
0x3ef: {  	v43 =	vld [tilespmem:s23+$0xB200];
	(xrf0) =	vadd.scan.msk.s32 @p0 $0xffff, v7  }
0x3f0: {  	v13 =	vld [tilespmem:s23+$0xA300];
	v6 =	vadd.s32 v12, v6  }
0x3f1: {  	v44 =	vld [tilespmem:s23+$0xB300];
	v6 =	vadd.s32 v6, v40  }
0x3f2: {  	v45 =	vld [tilespmem:s23+$0xA400];
	v6 =	vadd.s32 v41, v6  }
0x3f3: {  	v46 =	vld [tilespmem:s23+$0xB400];
	v6 =	vadd.s32 v6, v42  }
0x3f4: {  	v47 =	vld [tilespmem:s23+$0xA500];
	v6 =	vadd.s32 v43, v6  }
0x3f5: {  	v48 =	vld [tilespmem:s23+$0xB500];
	v7 =	vsub.s32 @p0 s22, v7;
	v6 =	vadd.s32 v6, v13;
	v13, _, _ =	vpop @p0 (xrf0)  }
0x3f6: {  	v14 =	vld [tilespmem:s23+$0xA600];
	v6 =	vadd.s32 v44, v6;
	v7 =	vadd.s32 @p0 v13, v7  }
0x3f7: {  	v49 =	vld [tilespmem:s23+$0xB600];
	v6 =	vadd.s32 v6, v45;
	[tilespmem:s21+$0xE000] =	vst @p0 v7  }
0x3f8: {  	v6 =	vadd.s32 v46, v6;
	v7 =	vld [tilespmem:s23+$0xA700]  }
0x3f9: {  	v50 =	vld [tilespmem:s23+$0xB700];
	v6 =	vadd.s32 v6, v47  }
0x3fa: {  	v51 =	vld [tilespmem:s23+$0xA800];
	v6 =	vadd.s32 v48, v6  }
0x3fb: {  	v52 =	vld [tilespmem:s23+$0xB800];
	v6 =	vadd.s32 v6, v14  }
0x3fc: {  	v53 =	vld [tilespmem:s23+$0xA900];
	v6 =	vadd.s32 v49, v6  }
0x3fd: {  	v6 =	vadd.s32 v6, v7;
	v7 =	vld [tilespmem:s23+$0xB900]  }
0x3fe: {  	v54 =	vld [tilespmem:s23+$0xAA00];
	v6 =	vadd.s32 v50, v6  }
0x3ff: {  	v55 =	vld [tilespmem:s23+$0xBA00];
	v6 =	vadd.s32 v6, v51  }
0x400: {  	v56 =	vld [tilespmem:s23+$0xAB00];
	v6 =	vadd.s32 v52, v6  }
0x401: {  	v57 =	vld [tilespmem:s23+$0xBB00];
	v6 =	vadd.s32 v6, v53  }
0x402: {  	v6 =	vadd.s32 v7, v6;
	v7 =	vld [tilespmem:s23+$0xAC00]  }
0x403: {  	v58 =	vld [tilespmem:s23+$0xBC00];
	v6 =	vadd.s32 v6, v54  }
0x404: {  	v59 =	vld [tilespmem:s23+$0xAD00];
	v6 =	vadd.s32 v55, v6  }
0x405: {  	v60 =	vld [tilespmem:s23+$0xBD00];
	v6 =	vadd.s32 v6, v56  }
0x406: {  	v61 =	vld [tilespmem:s23+$0xAE00];
	v6 =	vadd.s32 v57, v6  }
0x407: {  	v6 =	vadd.s32 v6, v7;
	v7 =	vld [tilespmem:s23+$0xBE00]  }
0x408: {  	v62 =	vld [tilespmem:s23+$0xAF00];
	v6 =	vadd.s32 v58, v6  }
0x409: {  	v63 =	vld [tilespmem:s23+$0xBF00];
	v6 =	vadd.s32 v6, v59  }
0x40a: {  	v6 =	vadd.s32 v60, v6  }
0x40b: {  	v6 =	vadd.s32 v6, v61  }
0x40c: {  	v6 =	vadd.s32 v7, v6  }
0x40d: {  	v6 =	vadd.s32 v6, v62  }
0x40e: {  	v6 =	vadd.s32 v63, v6  }
0x40f: {  	(xrf0) =	vadd.scan.msk.s32 $0xffff, v6;
	_ =	sdelay $0x1  }
0x410: {  	(v2sf) =	vpush @p0 v13, $0xF;
	_ =	sdelay $0x3  }
0x411: {  	v7, _, _ =	vpop (xrf0)  }
0x412: {  	(v2sf) =	vpush v7, $0xF;
	_ =	sdelay $0x9  }
0x413: {  	s21 =	spop @p0 (v2sf)  }
0x414: {  	s21 =	sadd.s32 @p0 s22, s21;
	s22 =	simm.s32 $0x0  }
0x415: {  	s22 =	smov.u32 @p0 s21  }
0x416: {  	v6 =	vsub.s32 s22, v6  }
0x417: {  	s24 =	simm.s32 $0xB000;
	s21 =	simm.s32 $0xC000;
	v6 =	vadd.s32 v7, v6  }
0x418: {  	s22 =	simm.s32 $0xA000;
	[tilespmem:s23+$0xE000] =	vst v6;
	s23 =	simm.s32 $0xD000;
	s31 =	spop (v2sf)  }
.LBB2_48:
0x419: {  	s25 =	sshll.u32 s20, $0x4  }
0x41a: {  	v8 =	vmov s21;
	v10 =	vld [tilespmem:s25+$0xE000]  }
0x41b: {  	v7 =	vmov s22;
	_ =	sdelay $0x2  }
0x41c: {  	s28 =	simm.s32 $0x0  }
0x41d: {  	[tilespmem:v8+s28+$0x0 ss:$0x1] =	vst.idx.msk $0xffff, v10  }
0x41e: {  	v11 =	vld.idx.msk [tilespmem:v7+s28+$0x0 ss:$0x1], $0xffff  }
0x41f: {  	v9 =	vmov s23  }
0x420: {  	v6 =	vmov s24;
	_ =	sdelay $0x2  }
0x421: {  	[tilespmem:v7+s28+$0x0 ss:$0x1] =	vst.idx.msk $0xffff, v0;
	v10 =	vadd.s32 v10, v11  }
0x422: {  	[tilespmem:v9+s28+$0x0 ss:$0x1] =	vst.idx.msk $0xffff, v10  }
0x423: {  	v11 =	vld.idx.msk [tilespmem:v6+s28+$0x0 ss:$0x1], $0xffff  }
0x424: {  	s26 =	simm.s32 $0x800;
	s25 =	simm.s32 $0x400;
	[tilespmem:v6+s28+$0x0 ss:$0x1] =	vst.idx.msk $0xffff, v0  }
.LBB2_49:
0x425: {  	_ =	sdelay $0x1  }
0x426: {  	p0 =	sne.s32 s26, $0x3C00  }
0x427: {  	s28 =	sshra.s32 s25, $0x2;
	s25 =	smov.u32 s26;
	s26 =	sadd.s32 $0x400, s26;
	v10 =	vadd.s32 v10, v11  }
0x428: {  	[tilespmem:v8+s28+$0x0 ss:$0x1] =	vst.idx.msk $0xffff, v10  }
0x429: {  	v11 =	vld.idx.msk [tilespmem:v7+s28+$0x0 ss:$0x1], $0xffff  }
0x42a: {  	[tilespmem:v7+s28+$0x0 ss:$0x1] =	vst.idx.msk $0xffff, v0;
	_ =	sdelay $0x3  }
.Ltmp25:
0x42b: {  	(pc) =	sbr.rel @p0 .LBB2_49-.Ltmp25, $4  }
0x42c: {  	v10 =	vadd.s32 v10, v11  }
0x42d: {  	[tilespmem:v9+s28+$0x0 ss:$0x1] =	vst.idx.msk $0xffff, v10  }
0x42e: {  	v11 =	vld.idx.msk [tilespmem:v6+s28+$0x0 ss:$0x1], $0xffff  }
0x42f: {  	[tilespmem:v6+s28+$0x0 ss:$0x1] =	vst.idx.msk $0xffff, v0  }
0x430: {  	_ =	sdelay $0x2  }
0x431: {  	s25 =	sshra.s32 s25, $0x2;
	v10 =	vadd.s32 v10, v11  }
0x432: {  	[tilespmem:v8+s25+$0x0 ss:$0x1] =	vst.idx.msk $0xffff, v10  }
0x433: {  	v8 =	vld.idx.msk [tilespmem:v7+s25+$0x0 ss:$0x1], $0xffff  }
0x434: {  	s20 =	sadd.s32 $0x1, s20  }
0x435: {  	p0 =	sne.s32 s20, $0x10  }
.Ltmp26:
0x436: {  	_ = 	snop;
	(pc) =	sbr.rel @p0 .LBB2_48-.Ltmp26, $4  }
0x437: {  	_ = 	snop  }
0x438: {  	[tilespmem:v7+s25+$0x0 ss:$0x1] =	vst.idx.msk $0xffff, v0;
	v7 =	vadd.s32 v10, v8  }
0x439: {  	s21 =	sadd.s32 $0x10, s21;
	[tilespmem:v9+s25+$0x0 ss:$0x1] =	vst.idx.msk $0xffff, v7  }
0x43a: {  	s22 =	sadd.s32 $0x10, s22;
	s23 =	sadd.s32 $0x10, s23;
	s24 =	sadd.s32 $0x10, s24;
	[tilespmem:v6+s25+$0x0 ss:$0x1] =	vst.idx.msk $0xffff, v0  }
0x43b: {  	s20 =	simm.s32 $0x0  }
.LBB2_52:
0x43c: {  	v6 =	vor.u32 s20, v1;
	_ =	sdelay $0x4  }
0x43d: {  	v7 =	vld.idx.msk [tilespmem:v6+s15+$0x0], $0xffff;
	_ =	sdelay $0x4  }
0x43e: {  	v8 =	vshrl.u32 v7, $0x18  }
0x43f: {  	v9 =	vand.u32 $0x80, v8  }
0x440: {  	v8 =	vand.u32 $0x7F, v8;
	v9 =	vor.u32 v2, v9  }
0x441: {  	v8 =	vor.u32 v8, v9;
	_ =	sdelay $0x4  }
0x442: {  	v9 =	vld.idx.msk [tilespmem:v8+s14+$0x0], $0xffff;
	_ =	sdelay $0x3  }
0x443: {  	s21 =	sadd.s32 $0x100, s20;
	v6 =	vld.idx.msk [tilespmem:v6+s16+$0x0], $0xffff  }
0x444: {  	v10 =	vor.u32 s21, v1  }
0x445: {  	v11 =	vadd.s32 $0x1, v9  }
0x446: {  	[tilespmem:v8+s14+$0x0] =	vst.idx.msk $0xffff, v11  }
0x447: {  	[tilespmem:v9+s10+$0x0] =	vst.idx.msk $0xffff, v7  }
0x448: {  	[tilespmem:v9+s18+$0x0] =	vst.idx.msk $0xffff, v6  }
0x449: {  	v6 =	vld.idx.msk [tilespmem:v10+s15+$0x0], $0xffff;
	_ =	sdelay $0x4  }
0x44a: {  	v7 =	vshrl.u32 v6, $0x18  }
0x44b: {  	v56 =	vand.u32 $0x80, v7  }
0x44c: {  	v7 =	vand.u32 $0x7F, v7;
	v8 =	vor.u32 v2, v56  }
0x44d: {  	v7 =	vor.u32 v7, v8;
	_ =	sdelay $0x4  }
0x44e: {  	v8 =	vld.idx.msk [tilespmem:v7+s17+$0x0], $0xffff;
	_ =	sdelay $0x3  }
0x44f: {  	s30 =	sadd.s32 $0x1, s20;
	v9 =	vld.idx.msk [tilespmem:v10+s16+$0x0], $0xffff  }
0x450: {  	v57 =	vor.u32 s30, v1  }
0x451: {  	v58 =	vadd.s32 $0x1, v8  }
0x452: {  	[tilespmem:v7+s17+$0x0] =	vst.idx.msk $0xffff, v58  }
0x453: {  	[tilespmem:v8+s10+$0x0] =	vst.idx.msk $0xffff, v6  }
0x454: {  	[tilespmem:v8+s18+$0x0] =	vst.idx.msk $0xffff, v9  }
0x455: {  	v6 =	vld.idx.msk [tilespmem:v57+s15+$0x0], $0xffff;
	_ =	sdelay $0x4  }
0x456: {  	v7 =	vshrl.u32 v6, $0x18  }
0x457: {  	v59 =	vand.u32 $0x80, v7  }
0x458: {  	v7 =	vand.u32 $0x7F, v7;
	v8 =	vor.u32 v2, v59  }
0x459: {  	v7 =	vor.u32 v7, v8;
	_ =	sdelay $0x4  }
0x45a: {  	v8 =	vld.idx.msk [tilespmem:v7+s14+$0x0], $0xffff;
	_ =	sdelay $0x3  }
0x45b: {  	s31 =	sadd.s32 $0x101, s20;
	v9 =	vld.idx.msk [tilespmem:v57+s16+$0x0], $0xffff  }
0x45c: {  	v60 =	vor.u32 s31, v1  }
0x45d: {  	v61 =	vadd.s32 $0x1, v8  }
0x45e: {  	[tilespmem:v7+s14+$0x0] =	vst.idx.msk $0xffff, v61  }
0x45f: {  	[tilespmem:v8+s10+$0x0] =	vst.idx.msk $0xffff, v6  }
0x460: {  	[tilespmem:v8+s18+$0x0] =	vst.idx.msk $0xffff, v9  }
0x461: {  	v6 =	vld.idx.msk [tilespmem:v60+s15+$0x0], $0xffff;
	_ =	sdelay $0x4  }
0x462: {  	v7 =	vshrl.u32 v6, $0x18  }
0x463: {  	v62 =	vand.u32 $0x80, v7  }
0x464: {  	v7 =	vand.u32 $0x7F, v7;
	v8 =	vor.u32 v2, v62  }
0x465: {  	v7 =	vor.u32 v7, v8;
	_ =	sdelay $0x4  }
0x466: {  	v8 =	vld.idx.msk [tilespmem:v7+s17+$0x0], $0xffff;
	_ =	sdelay $0x3  }
0x467: {  	p0 =	slt.u32 s20, $0xFE;
	v9 =	vld.idx.msk [tilespmem:v60+s16+$0x0], $0xffff  }
.Ltmp27:
0x468: {  	_ = 	snop;
	(pc) =	sbr.rel @p0 .LBB2_52-.Ltmp27, $4  }
0x469: {  	v63 =	vadd.s32 $0x1, v8  }
0x46a: {  	[tilespmem:v7+s17+$0x0] =	vst.idx.msk $0xffff, v63  }
0x46b: {  	[tilespmem:v8+s10+$0x0] =	vst.idx.msk $0xffff, v6  }
0x46c: {  	s20 =	sadd.s32 $0x2, s20;
	[tilespmem:v8+s18+$0x0] =	vst.idx.msk $0xffff, v9  }
0x46d: {  	[hbm4b:s3+s8] =	stream.strided.scatter [tilespmem:s18], [sflag:$0x1], $0x2000, s9, s8, $0x38;
	[tilespmem:$0xE100] =	vst v63  }
0x46e: {  	_ =	swait.ge [sflag:s11], $0x2000  }
0x46f: {  	[sflag:s11] =	ssyncset.done $0x0  }
0x470: {  	[sflag:s11] =	ssyncadd.s32 $0xFFFFE000  }
0x471: {  	[hbm4b:s4+s8] =	stream.strided.scatter [tilespmem:s10], [sflag:$0x1], $0x2000, s9, s8, $0x38;
	[tilespmem:$0xE100] =	vst v63  }
0x472: {  	_ =	swait.ge [sflag:s11], $0x2000  }
0x473: {  	[sflag:s11] =	ssyncset.done $0x0  }
0x474: {  	s20 =	simm.s32 $0x40;
	s21 =	simm.s32 $0x0;
	[sflag:s11] =	ssyncadd.s32 $0xFFFFE000  }
.LBB2_54:
0x475: {  	p0 =	sne.s32 s20, $0x7FC0;
	[tilespmem:s21+$0x0] =	vst v4;
	s21 =	smov.u32 s20;
	s20 =	sadd.s32 $0x40, s20  }
.Ltmp28:
0x476: {  	(pc) =	sbr.rel @p0 .LBB2_54-.Ltmp28, $2  }
0x477: {  	_ =	sdelay $0x2  }
0x478: {  	s21 =	sshra.s32 s21, $0x2  }
0x479: {  	[tilespmem:s21+$0x0] =	vst v4;
	s21 =	simm.s32 $0x0;
	s20 =	simm.s32 $0x40  }
.LBB2_56:
0x47a: {  	p0 =	sne.s32 s20, $0x3FC0;
	v6 =	vld [tilespmem:s21+$0x6000];
	_ =	sdelay $0x3  }
.Ltmp29:
0x47b: {  	(pc) =	sbr.rel @p0 .LBB2_56-.Ltmp29, $2  }
0x47c: {  	_ =	sdelay $0x2  }
0x47d: {  	s21 =	sshra.s32 s20, $0x2;
	s20 =	sadd.s32 $0x40, s20;
	[tilespmem:v6+s2+$0x0] =	vst.idx.msk $0xffff, v5  }
0x47e: {  	v6 =	vld [tilespmem:s21+$0x6000];
	_ =	sdelay $0x6  }
0x47f: {  	s19 =	sadd.s32 $0x1, s19  }
0x480: {  	p0 =	sne.s32 s19, s7;
	[tilespmem:v6+s2+$0x0] =	vst.idx.msk $0xffff, v5  }
0x481: {  	[hbm4b:s5+s8] =	stream.strided.scatter [tilespmem:s2], [sflag:$0x1], $0x2000, s9, s8, $0x38;
	[tilespmem:$0xE100] =	vst v63  }
.Ltmp30:
0x482: {  	_ = 	snop;
	(pc) =	sbr.rel @p0 .LBB2_2-.Ltmp30, $4  }
.Ltmp31:
0x483: {  	_ = 	snop;
	(pc) =	sbr.rel @!p0 .LBB2_58-.Ltmp31, $4  }
0x484: {  	_ =	swait.ge [sflag:s11], $0x2000  }
0x485: {  	[sflag:s11] =	ssyncset.done $0x0  }
0x486: {  	[sflag:s11] =	ssyncadd.s32 $0xFFFFE000  }
0x487: {  	_ = 	snop  }
.LBB2_17:
.Ltmp32:
0x488: {  	(pc) =	sbr.rel .LBB2_21-.Ltmp32, $2  }
0x489: {  	_ =	sdelay $0x2  }
0x48a: {  	s23 =	simm.s32 $0x0;
	s22 =	simm.s32 $0x0  }
.LBB2_30:
.Ltmp33:
0x48b: {  	(pc) =	sbr.rel .LBB2_34-.Ltmp33, $2  }
0x48c: {  	_ =	sdelay $0x2  }
0x48d: {  	s23 =	simm.s32 $0x0;
	s22 =	simm.s32 $0x0  }
.LBB2_43:
.Ltmp34:
0x48e: {  	(pc) =	sbr.rel .LBB2_47-.Ltmp34, $2  }
0x48f: {  	_ =	sdelay $0x2  }
0x490: {  	s23 =	simm.s32 $0x0;
	s22 =	simm.s32 $0x0  }
.LBB2_19:
.Ltmp35:
0x491: {  	(pc) =	sbr.rel .LBB2_21-.Ltmp35, $2  }
0x492: {  	_ =	sdelay $0x2  }
0x493: {  	s22 =	simm.s32 $0x0  }
.LBB2_32:
.Ltmp36:
0x494: {  	(pc) =	sbr.rel .LBB2_34-.Ltmp36, $2  }
0x495: {  	_ =	sdelay $0x2  }
0x496: {  	s22 =	simm.s32 $0x0  }
.LBB2_45:
.Ltmp37:
0x497: {  	(pc) =	sbr.rel .LBB2_47-.Ltmp37, $2  }
0x498: {  	_ =	sdelay $0x2  }
0x499: {  	s22 =	simm.s32 $0x0  }
.LBB2_58:
0x49a: {  	_ =	sfence.sel $0x180000  }
0x49b: {  	[bflag:$0x0] =	sbarrier.arrive $0xFFFF  }
0x49c: {  	p0 =	sne.s32 s1, $0x0;
	_ =	strace $0x90000047  }
0x49d: {  	s0 =	sadd.s32 @!p0 $0x100000, s0;
	[bflag:$0x2] =	sbarrier.arrive $0xFFFF  }
0x49e: {  	[sflag:s0] =	ssyncadd.tile.s32 @!p0 $0x1;
	_ =	shalt  }
.Lfunc_end2:
_tile_overlayer_lowered:
.L_overlay_start_2:
0x49f: {  	(tag) =	ssettag $0x2  }
0x4a0: {  	s0 =	rddreg [dreg:$0x0];
	s2 =	stileid.u32  }
0x4a1: {  	s1 =	rddreg [dreg:$0x1];
	p0 =	sne.s32 s2, $0x0  }
0x4a2: {  	s3 =	rddreg [dreg:$0x2];
	[bflag:$0x3] =	sbarrier.arrive $0xFFFF;
	s2 =	simm.s32 @!p0 $0x1C01  }
0x4a3: {  	[timem:s3], [sflag:s2] =	dma.local @!p0 [hbm:s0], s1  }
0x4a4: {  	s0 =	simm.s32 @!p0 $0x1  }
0x4a5: {  	_ =	swait.ge @!p0 [sflag:s0], s1  }
0x4a6: {  	s1 =	ssub.s32 @!p0 $0x0, s1;
	[sflag:s0] =	ssyncset.done @!p0 $0x0  }
0x4a7: {  	[sflag:s0] =	ssyncadd.s32 @!p0 s1  }
0x4a8: {  	[bflag:$0x3] =	sbarrier.arrive $0xFFFF  }
0x4a9: {  	_ =	shalt  }

</sc_bundles>
